<compile_context>
chip_gen: v7x
topology: tpu7x:2x2x1
jax: 0.10.2.dev20260603
libtpu: 0.0.44.dev20260713+nightly
codegen_flags: <defaults>
</compile_context>

<pallas_src>
import functools

import jax
import jax.numpy as jnp
from jax import lax
from jax.experimental import pallas as pl
from jax.experimental.pallas import tpu as pltpu
from jax.experimental.pallas import tpu_sc as plsc

N = 16384
T = 200
B = N * T
D = 32
NC, NS = 2, 16
NW = NC * NS
BPW = B // NW
CN = 512
NCH = BPW // CN
NRB = 4
NGRP = NCH // NRB
CB = CN // 128
L = 16
P = 144

_mesh = plsc.VectorSubcoreMesh(core_axis_name="c", subcore_axis_name="s")


@functools.partial(
    pl.kernel,
    out_type=jax.ShapeDtypeStruct((T, D // 8, N // 128, 8, 128), jnp.float32),
    mesh=_mesh,
    scratch_types=[
        pltpu.VMEM((NRB, CN), jnp.int32),
        pltpu.VMEM((NRB, CN, D), jnp.float32),
        pltpu.VMEM((2, D // 8, CB, 8, P), jnp.float32),
        [pltpu.SemaphoreType.DMA] * NRB,
        [pltpu.SemaphoreType.DMA] * NRB,
        [pltpu.SemaphoreType.DMA] * 2,
    ],
    compiler_params=pltpu.CompilerParams(
        use_tc_tiling_on_sc=False, needs_layout_passes=False
    ),
)
def _gather_t(idx_hbm, table_hbm, out_hbm, idx_v, rows_v, tile_v,
              isems, gsems, wsems):
    wid = lax.axis_index("s") * NC + lax.axis_index("c")
    base = wid * BPW
    lane = lax.iota(jnp.int32, L)
    rb0 = lax.shift_right_logical(lane, 3)
    rb1 = rb0 + 2
    rr = lane & 7

    def coords(k):
        g0 = base + k * CN
        t = g0 >> 14
        cb0 = pl.multiple_of((g0 & (N - 1)) >> 7, CB)
        return g0, t, cb0

    def transpose_chunk(b, tb):
        tp = tile_v.at[tb]

        @plsc.parallel_loop(0, CN, step=8, unroll=2)
        def nblk(n0b):
            n0b = pl.multiple_of(n0b, 8)
            m = lax.shift_right_logical(n0b, 7)
            mv = jnp.full((L,), 0, jnp.int32) + m
            j0 = n0b & 127
            for u in range(8):
                n = n0b + u
                jv = jnp.full((L,), 0, jnp.int32) + (j0 + u)
                v0 = rows_v[b, n, pl.ds(0, L)]
                v1 = rows_v[b, n, pl.ds(L, L)]
                plsc.store_scatter(tp, [rb0, mv, rr, jv], v0)
                plsc.store_scatter(tp, [rb1, mv, rr, jv], v1)

    for b in range(NRB):
        g0, _, _ = coords(b)
        pltpu.sync_copy(idx_hbm.at[pl.ds(g0, CN)], idx_v.at[b])
        pltpu.async_copy(table_hbm.at[idx_v.at[b]], rows_v.at[b], gsems[b])

    def group(g, carry):
        for b in range(NRB):
            k = NRB * g + b
            tb = b % 2
            g0, t, cb0 = coords(k)
            pltpu.make_async_copy(
                table_hbm.at[idx_v.at[b]], rows_v.at[b], gsems[b]
            ).wait()

            @pl.when(g < NGRP - 1)
            def _pfi(b=b, k=k):
                g0n, _, _ = coords(k + NRB)
                pltpu.async_copy(
                    idx_hbm.at[pl.ds(g0n, CN)], idx_v.at[b], isems[b]
                )

            @pl.when(k >= 2)
            def _drain(tb=tb, k=k):
                _, tpp, cb0p = coords(k - 2)
                pltpu.make_async_copy(
                    tile_v.at[tb, :, :, :, pl.ds(0, 128)],
                    out_hbm.at[tpp, :, pl.ds(cb0p, CB)],
                    wsems[tb],
                ).wait()

            transpose_chunk(b, tb)
            pltpu.async_copy(
                tile_v.at[tb, :, :, :, pl.ds(0, 128)],
                out_hbm.at[t, :, pl.ds(cb0, CB)],
                wsems[tb],
            )

            @pl.when(g < NGRP - 1)
            def _pfg(b=b):
                pltpu.make_async_copy(
                    idx_hbm.at[pl.ds(0, CN)], idx_v.at[b], isems[b]
                ).wait()
                pltpu.async_copy(
                    table_hbm.at[idx_v.at[b]], rows_v.at[b], gsems[b]
                )

        return carry

    lax.fori_loop(0, NGRP, group, 0)
    for b in range(2):
        k = NCH - 2 + b
        _, t, cb0 = coords(k)
        pltpu.make_async_copy(
            tile_v.at[k % 2, :, :, :, pl.ds(0, 128)],
            out_hbm.at[t, :, pl.ds(cb0, CB)],
            wsems[k % 2],
        ).wait()


def kernel(round_numbers, embedding_table):
    idx_t = round_numbers.T.reshape(-1).astype(jnp.int32)
    out5 = _gather_t(idx_t, embedding_table)
    out_t = out5.transpose(0, 1, 3, 2, 4).reshape(T, D, N)
    return jnp.transpose(out_t, (2, 0, 1))

# --- scband reference (transcript-rebuilt; emitter-appended) ---
"""Pipeline reference for scband-temporal-embedding-74002286510430 (READ-ONLY COPY).

The authoritative reference and input builder live on the scoring server;
editing this copy changes nothing except your own understanding.
"""

import jax, jax.numpy as jnp
import numpy as np

MAX_ROUNDS = 100000
EMBED_DIM = 32

def setup_inputs(seed: int = 0) -> dict:
    key = jax.random.key(seed)
    k1, k2 = jax.random.split(key)
    round_numbers = jax.random.randint(k1, (16384, 200), 0, MAX_ROUNDS, dtype=jnp.int64 if jax.config.jax_enable_x64 else jnp.int32)
    embedding_table = jax.random.normal(k2, (MAX_ROUNDS, EMBED_DIM), dtype=jnp.float32)
    return {"round_numbers": round_numbers, "embedding_table": embedding_table}

def reference(round_numbers, embedding_table):
    # torch.nn.Embedding forward: gather rows of the table by index
    return jnp.take(embedding_table, round_numbers, axis=0)

if __name__ == "__main__":
    import jax
    _d = setup_inputs()
    print(jax.jit(kernel)(*tuple(_d.values())))

</pallas_src>

<mosaic_0001>
#map = affine_map<(d0, d1) -> (0)>
#map1 = affine_map<(d0, d1) -> (0, 0)>
#map2 = affine_map<(d0, d1) -> (0, 0, 0, 0, 0)>
module attributes {stable_mosaic.version = 14 : i64} {
  func.func @_gather_t(%arg0: i32, %arg1: i32, %arg2: memref<3276800xi32, #tpu.memory_space<hbm>>, %arg3: memref<100000x32xf32, #tpu.memory_space<hbm>>, %arg4: memref<200x4x128x8x128xf32, #tpu.memory_space<hbm>>, %arg5: memref<4x512xi32, #tpu.memory_space<vmem>>, %arg6: memref<4x512x32xf32, #tpu.memory_space<vmem>>, %arg7: memref<2x4x4x8x144xf32, #tpu.memory_space<vmem>>, %arg8: memref<!tpu.dma_semaphore, #tpu.memory_space<semaphore_mem>>, %arg9: memref<!tpu.dma_semaphore, #tpu.memory_space<semaphore_mem>>, %arg10: memref<!tpu.dma_semaphore, #tpu.memory_space<semaphore_mem>>, %arg11: memref<!tpu.dma_semaphore, #tpu.memory_space<semaphore_mem>>, %arg12: memref<!tpu.dma_semaphore, #tpu.memory_space<semaphore_mem>>, %arg13: memref<!tpu.dma_semaphore, #tpu.memory_space<semaphore_mem>>, %arg14: memref<!tpu.dma_semaphore, #tpu.memory_space<semaphore_mem>>, %arg15: memref<!tpu.dma_semaphore, #tpu.memory_space<semaphore_mem>>, %arg16: memref<!tpu.dma_semaphore, #tpu.memory_space<semaphore_mem>>, %arg17: memref<!tpu.dma_semaphore, #tpu.memory_space<semaphore_mem>>) attributes {dimension_semantics = [#tpu.dimension_semantics<core_parallel>, #tpu.dimension_semantics<subcore_parallel>], iteration_bounds = array<i64: 2, 16>, scalar_prefetch = 0 : i64, scratch_operands = 13 : i64, tpu.core_type = #tpu.core_type<sc_vector_subcore>, window_params = [{transform_indices = #map}, {transform_indices = #map1}, {transform_indices = #map2}]} {
    %mul3A = arith.constant 2 : i32
    %mul3A_0 = arith.muli %arg1, %mul3A : i32
    %add3A = arith.addi %mul3A_0, %arg0 : i32
    %mul3A_1 = arith.constant 102400 : i32
    %mul3A_2 = arith.muli %add3A, %mul3A_1 : i32
    %iota3A = tpu.iota {dimensions = array<i32: 0>} : vector<16xi32>
    %shift_right_logical3A = arith.constant 3 : i32
    %shift_right_logical3A_3 = vector.broadcast %shift_right_logical3A : i32 to vector<16xi32>
    %shift_right_logical3A_4 = arith.shrui %iota3A, %shift_right_logical3A_3 : vector<16xi32>
    %add3A_5 = arith.constant 2 : i32
    %add3A_6 = vector.broadcast %add3A_5 : i32 to vector<16xi32>
    %add3A_7 = arith.addi %shift_right_logical3A_4, %add3A_6 : vector<16xi32>
    %and3A = arith.constant 7 : i32
    %and3A_8 = vector.broadcast %and3A : i32 to vector<16xi32>
    %and3A_9 = arith.andi %iota3A, %and3A_8 : vector<16xi32>
    %add3A_10 = arith.constant 0 : i32
    %add3A_11 = arith.addi %mul3A_2, %add3A_10 : i32
    %shift_right_arithmetic3A = arith.constant 14 : i32
    %shift_right_arithmetic3A_12 = arith.shrsi %add3A_11, %shift_right_arithmetic3A : i32
    %and3A_13 = arith.constant 16383 : i32
    %and3A_14 = arith.andi %add3A_11, %and3A_13 : i32
    %shift_right_arithmetic3A_15 = arith.constant 7 : i32
    %shift_right_arithmetic3A_16 = arith.shrsi %and3A_14, %shift_right_arithmetic3A_15 : i32
    %multiple_of3A = tpu.assume_multiple %shift_right_arithmetic3A_16, 4 : i32
    %run_scoped3A = arith.constant 0 : i32
    "tpu.region"() ({
      %run_scoped3A_162 = tpu.sem_alloc : memref<!tpu.dma_semaphore, #tpu.memory_space<semaphore_mem>>
      %dma_start3A_163 = arith.constant 0 : i32
      %dma_start3A_164 = tpu.memref_slice %arg5[%run_scoped3A, %dma_start3A_163] : memref<4x512xi32, #tpu.memory_space<vmem>> -> memref<1x512xi32, #tpu.memory_space<vmem>>
      %dma_start3A_165 = tpu.memref_squeeze %dma_start3A_164 : memref<1x512xi32, #tpu.memory_space<vmem>> -> memref<512xi32, #tpu.memory_space<vmem>>
      %dma_start3A_166 = tpu.memref_slice %arg2[%add3A_11] : memref<3276800xi32, #tpu.memory_space<hbm>> -> memref<512xi32, #tpu.memory_space<hbm>>
      %dma_start3A_167 = arith.constant 0 : i32
      %dma_start3A_168 = tpu.memref_slice %arg5[%run_scoped3A, %dma_start3A_167] : memref<4x512xi32, #tpu.memory_space<vmem>> -> memref<1x512xi32, #tpu.memory_space<vmem>>
      %dma_start3A_169 = tpu.memref_squeeze %dma_start3A_168 : memref<1x512xi32, #tpu.memory_space<vmem>> -> memref<512xi32, #tpu.memory_space<vmem>>
      %dma_start3A_170 = tpu.memref_slice %arg2[%add3A_11] : memref<3276800xi32, #tpu.memory_space<hbm>> -> memref<512xi32, #tpu.memory_space<hbm>>
      tpu.enqueue_dma source(%dma_start3A_170 : memref<512xi32, #tpu.memory_space<hbm>>) target(%dma_start3A_169 : memref<512xi32, #tpu.memory_space<vmem>>) target_semaphore(%run_scoped3A_162 : memref<!tpu.dma_semaphore, #tpu.memory_space<semaphore_mem>>)
      %dma_wait3A_171 = arith.constant 0 : i32
      %dma_wait3A_172 = tpu.memref_slice %arg5[%run_scoped3A, %dma_wait3A_171] : memref<4x512xi32, #tpu.memory_space<vmem>> -> memref<1x512xi32, #tpu.memory_space<vmem>>
      %dma_wait3A_173 = tpu.memref_squeeze %dma_wait3A_172 : memref<1x512xi32, #tpu.memory_space<vmem>> -> memref<512xi32, #tpu.memory_space<vmem>>
      %dma_wait3A_174 = tpu.memref_slice %arg2[%add3A_11] : memref<3276800xi32, #tpu.memory_space<hbm>> -> memref<512xi32, #tpu.memory_space<hbm>>
      %dma_wait3A_175 = arith.constant 0 : i32
      %dma_wait3A_176 = tpu.memref_slice %arg5[%run_scoped3A, %dma_wait3A_175] : memref<4x512xi32, #tpu.memory_space<vmem>> -> memref<1x512xi32, #tpu.memory_space<vmem>>
      %dma_wait3A_177 = tpu.memref_squeeze %dma_wait3A_176 : memref<1x512xi32, #tpu.memory_space<vmem>> -> memref<512xi32, #tpu.memory_space<vmem>>
      %dma_wait3A_178 = tpu.memref_slice %arg2[%add3A_11] : memref<3276800xi32, #tpu.memory_space<hbm>> -> memref<512xi32, #tpu.memory_space<hbm>>
      tpu.wait_dma2 semaphore(%run_scoped3A_162 : memref<!tpu.dma_semaphore, #tpu.memory_space<semaphore_mem>>) src(%dma_wait3A_178 : memref<512xi32, #tpu.memory_space<hbm>>) dst(%dma_wait3A_177 : memref<512xi32, #tpu.memory_space<vmem>>)
      tpu.yield
    }) : () -> ()
    %dma_start3A = arith.constant 0 : i32
    %dma_start3A_17 = arith.constant 0 : i32
    %dma_start3A_18 = arith.constant 0 : i32
    %dma_start3A_19 = arith.constant 0 : i32
    %dma_start3A_20 = tpu.memref_slice %arg6[%dma_start3A_17, %dma_start3A_18, %dma_start3A_19] : memref<4x512x32xf32, #tpu.memory_space<vmem>> -> memref<1x512x32xf32, #tpu.memory_space<vmem>>
    %dma_start3A_21 = tpu.memref_squeeze %dma_start3A_20 : memref<1x512x32xf32, #tpu.memory_space<vmem>> -> memref<512x32xf32, #tpu.memory_space<vmem>>
    %dma_start3A_22 = arith.constant 0 : i32
    %dma_start3A_23 = tpu.memref_slice %arg5[%dma_start3A, %dma_start3A_22] : memref<4x512xi32, #tpu.memory_space<vmem>> -> memref<1x512xi32, #tpu.memory_space<vmem>>
    %dma_start3A_24 = tpu.memref_squeeze %dma_start3A_23 : memref<1x512xi32, #tpu.memory_space<vmem>> -> memref<512xi32, #tpu.memory_space<vmem>>
    %dma_start3A_25 = arith.constant 0 : i32
    %dma_start3A_26 = arith.constant 0 : i32
    %dma_start3A_27 = tpu.memref_slice %arg3[%dma_start3A_25, %dma_start3A_26] : memref<100000x32xf32, #tpu.memory_space<hbm>> -> memref<100000x32xf32, #tpu.memory_space<hbm>>
    tpu.enqueue_indirect_dma source(%dma_start3A_27 : memref<100000x32xf32, #tpu.memory_space<hbm>>) target(%dma_start3A_21 : memref<512x32xf32, #tpu.memory_space<vmem>>) offsets(%dma_start3A_24 : memref<512xi32, #tpu.memory_space<vmem>>) semaphore(%arg12 : memref<!tpu.dma_semaphore, #tpu.memory_space<semaphore_mem>>)
    %add3A_28 = arith.constant 512 : i32
    %add3A_29 = arith.addi %mul3A_2, %add3A_28 : i32
    %shift_right_arithmetic3A_30 = arith.constant 14 : i32
    %shift_right_arithmetic3A_31 = arith.shrsi %add3A_29, %shift_right_arithmetic3A_30 : i32
    %and3A_32 = arith.constant 16383 : i32
    %and3A_33 = arith.andi %add3A_29, %and3A_32 : i32
    %shift_right_arithmetic3A_34 = arith.constant 7 : i32
    %shift_right_arithmetic3A_35 = arith.shrsi %and3A_33, %shift_right_arithmetic3A_34 : i32
    %multiple_of3A_36 = tpu.assume_multiple %shift_right_arithmetic3A_35, 4 : i32
    %run_scoped3A_37 = arith.constant 1 : i32
    "tpu.region"() ({
      %run_scoped3A_162 = tpu.sem_alloc : memref<!tpu.dma_semaphore, #tpu.memory_space<semaphore_mem>>
      %dma_start3A_163 = arith.constant 0 : i32
      %dma_start3A_164 = tpu.memref_slice %arg5[%run_scoped3A_37, %dma_start3A_163] : memref<4x512xi32, #tpu.memory_space<vmem>> -> memref<1x512xi32, #tpu.memory_space<vmem>>
      %dma_start3A_165 = tpu.memref_squeeze %dma_start3A_164 : memref<1x512xi32, #tpu.memory_space<vmem>> -> memref<512xi32, #tpu.memory_space<vmem>>
      %dma_start3A_166 = tpu.memref_slice %arg2[%add3A_29] : memref<3276800xi32, #tpu.memory_space<hbm>> -> memref<512xi32, #tpu.memory_space<hbm>>
      %dma_start3A_167 = arith.constant 0 : i32
      %dma_start3A_168 = tpu.memref_slice %arg5[%run_scoped3A_37, %dma_start3A_167] : memref<4x512xi32, #tpu.memory_space<vmem>> -> memref<1x512xi32, #tpu.memory_space<vmem>>
      %dma_start3A_169 = tpu.memref_squeeze %dma_start3A_168 : memref<1x512xi32, #tpu.memory_space<vmem>> -> memref<512xi32, #tpu.memory_space<vmem>>
      %dma_start3A_170 = tpu.memref_slice %arg2[%add3A_29] : memref<3276800xi32, #tpu.memory_space<hbm>> -> memref<512xi32, #tpu.memory_space<hbm>>
      tpu.enqueue_dma source(%dma_start3A_170 : memref<512xi32, #tpu.memory_space<hbm>>) target(%dma_start3A_169 : memref<512xi32, #tpu.memory_space<vmem>>) target_semaphore(%run_scoped3A_162 : memref<!tpu.dma_semaphore, #tpu.memory_space<semaphore_mem>>)
      %dma_wait3A_171 = arith.constant 0 : i32
      %dma_wait3A_172 = tpu.memref_slice %arg5[%run_scoped3A_37, %dma_wait3A_171] : memref<4x512xi32, #tpu.memory_space<vmem>> -> memref<1x512xi32, #tpu.memory_space<vmem>>
      %dma_wait3A_173 = tpu.memref_squeeze %dma_wait3A_172 : memref<1x512xi32, #tpu.memory_space<vmem>> -> memref<512xi32, #tpu.memory_space<vmem>>
      %dma_wait3A_174 = tpu.memref_slice %arg2[%add3A_29] : memref<3276800xi32, #tpu.memory_space<hbm>> -> memref<512xi32, #tpu.memory_space<hbm>>
      %dma_wait3A_175 = arith.constant 0 : i32
      %dma_wait3A_176 = tpu.memref_slice %arg5[%run_scoped3A_37, %dma_wait3A_175] : memref<4x512xi32, #tpu.memory_space<vmem>> -> memref<1x512xi32, #tpu.memory_space<vmem>>
      %dma_wait3A_177 = tpu.memref_squeeze %dma_wait3A_176 : memref<1x512xi32, #tpu.memory_space<vmem>> -> memref<512xi32, #tpu.memory_space<vmem>>
      %dma_wait3A_178 = tpu.memref_slice %arg2[%add3A_29] : memref<3276800xi32, #tpu.memory_space<hbm>> -> memref<512xi32, #tpu.memory_space<hbm>>
      tpu.wait_dma2 semaphore(%run_scoped3A_162 : memref<!tpu.dma_semaphore, #tpu.memory_space<semaphore_mem>>) src(%dma_wait3A_178 : memref<512xi32, #tpu.memory_space<hbm>>) dst(%dma_wait3A_177 : memref<512xi32, #tpu.memory_space<vmem>>)
      tpu.yield
    }) : () -> ()
    %dma_start3A_38 = arith.constant 1 : i32
    %dma_start3A_39 = arith.constant 1 : i32
    %dma_start3A_40 = arith.constant 0 : i32
    %dma_start3A_41 = arith.constant 0 : i32
    %dma_start3A_42 = tpu.memref_slice %arg6[%dma_start3A_39, %dma_start3A_40, %dma_start3A_41] : memref<4x512x32xf32, #tpu.memory_space<vmem>> -> memref<1x512x32xf32, #tpu.memory_space<vmem>>
    %dma_start3A_43 = tpu.memref_squeeze %dma_start3A_42 : memref<1x512x32xf32, #tpu.memory_space<vmem>> -> memref<512x32xf32, #tpu.memory_space<vmem>>
    %dma_start3A_44 = arith.constant 0 : i32
    %dma_start3A_45 = tpu.memref_slice %arg5[%dma_start3A_38, %dma_start3A_44] : memref<4x512xi32, #tpu.memory_space<vmem>> -> memref<1x512xi32, #tpu.memory_space<vmem>>
    %dma_start3A_46 = tpu.memref_squeeze %dma_start3A_45 : memref<1x512xi32, #tpu.memory_space<vmem>> -> memref<512xi32, #tpu.memory_space<vmem>>
    %dma_start3A_47 = arith.constant 0 : i32
    %dma_start3A_48 = arith.constant 0 : i32
    %dma_start3A_49 = tpu.memref_slice %arg3[%dma_start3A_47, %dma_start3A_48] : memref<100000x32xf32, #tpu.memory_space<hbm>> -> memref<100000x32xf32, #tpu.memory_space<hbm>>
    tpu.enqueue_indirect_dma source(%dma_start3A_49 : memref<100000x32xf32, #tpu.memory_space<hbm>>) target(%dma_start3A_43 : memref<512x32xf32, #tpu.memory_space<vmem>>) offsets(%dma_start3A_46 : memref<512xi32, #tpu.memory_space<vmem>>) semaphore(%arg13 : memref<!tpu.dma_semaphore, #tpu.memory_space<semaphore_mem>>)
    %add3A_50 = arith.constant 1024 : i32
    %add3A_51 = arith.addi %mul3A_2, %add3A_50 : i32
    %shift_right_arithmetic3A_52 = arith.constant 14 : i32
    %shift_right_arithmetic3A_53 = arith.shrsi %add3A_51, %shift_right_arithmetic3A_52 : i32
    %and3A_54 = arith.constant 16383 : i32
    %and3A_55 = arith.andi %add3A_51, %and3A_54 : i32
    %shift_right_arithmetic3A_56 = arith.constant 7 : i32
    %shift_right_arithmetic3A_57 = arith.shrsi %and3A_55, %shift_right_arithmetic3A_56 : i32
    %multiple_of3A_58 = tpu.assume_multiple %shift_right_arithmetic3A_57, 4 : i32
    %run_scoped3A_59 = arith.constant 2 : i32
    "tpu.region"() ({
      %run_scoped3A_162 = tpu.sem_alloc : memref<!tpu.dma_semaphore, #tpu.memory_space<semaphore_mem>>
      %dma_start3A_163 = arith.constant 0 : i32
      %dma_start3A_164 = tpu.memref_slice %arg5[%run_scoped3A_59, %dma_start3A_163] : memref<4x512xi32, #tpu.memory_space<vmem>> -> memref<1x512xi32, #tpu.memory_space<vmem>>
      %dma_start3A_165 = tpu.memref_squeeze %dma_start3A_164 : memref<1x512xi32, #tpu.memory_space<vmem>> -> memref<512xi32, #tpu.memory_space<vmem>>
      %dma_start3A_166 = tpu.memref_slice %arg2[%add3A_51] : memref<3276800xi32, #tpu.memory_space<hbm>> -> memref<512xi32, #tpu.memory_space<hbm>>
      %dma_start3A_167 = arith.constant 0 : i32
      %dma_start3A_168 = tpu.memref_slice %arg5[%run_scoped3A_59, %dma_start3A_167] : memref<4x512xi32, #tpu.memory_space<vmem>> -> memref<1x512xi32, #tpu.memory_space<vmem>>
      %dma_start3A_169 = tpu.memref_squeeze %dma_start3A_168 : memref<1x512xi32, #tpu.memory_space<vmem>> -> memref<512xi32, #tpu.memory_space<vmem>>
      %dma_start3A_170 = tpu.memref_slice %arg2[%add3A_51] : memref<3276800xi32, #tpu.memory_space<hbm>> -> memref<512xi32, #tpu.memory_space<hbm>>
      tpu.enqueue_dma source(%dma_start3A_170 : memref<512xi32, #tpu.memory_space<hbm>>) target(%dma_start3A_169 : memref<512xi32, #tpu.memory_space<vmem>>) target_semaphore(%run_scoped3A_162 : memref<!tpu.dma_semaphore, #tpu.memory_space<semaphore_mem>>)
      %dma_wait3A_171 = arith.constant 0 : i32
      %dma_wait3A_172 = tpu.memref_slice %arg5[%run_scoped3A_59, %dma_wait3A_171] : memref<4x512xi32, #tpu.memory_space<vmem>> -> memref<1x512xi32, #tpu.memory_space<vmem>>
      %dma_wait3A_173 = tpu.memref_squeeze %dma_wait3A_172 : memref<1x512xi32, #tpu.memory_space<vmem>> -> memref<512xi32, #tpu.memory_space<vmem>>
      %dma_wait3A_174 = tpu.memref_slice %arg2[%add3A_51] : memref<3276800xi32, #tpu.memory_space<hbm>> -> memref<512xi32, #tpu.memory_space<hbm>>
      %dma_wait3A_175 = arith.constant 0 : i32
      %dma_wait3A_176 = tpu.memref_slice %arg5[%run_scoped3A_59, %dma_wait3A_175] : memref<4x512xi32, #tpu.memory_space<vmem>> -> memref<1x512xi32, #tpu.memory_space<vmem>>
      %dma_wait3A_177 = tpu.memref_squeeze %dma_wait3A_176 : memref<1x512xi32, #tpu.memory_space<vmem>> -> memref<512xi32, #tpu.memory_space<vmem>>
      %dma_wait3A_178 = tpu.memref_slice %arg2[%add3A_51] : memref<3276800xi32, #tpu.memory_space<hbm>> -> memref<512xi32, #tpu.memory_space<hbm>>
      tpu.wait_dma2 semaphore(%run_scoped3A_162 : memref<!tpu.dma_semaphore, #tpu.memory_space<semaphore_mem>>) src(%dma_wait3A_178 : memref<512xi32, #tpu.memory_space<hbm>>) dst(%dma_wait3A_177 : memref<512xi32, #tpu.memory_space<vmem>>)
      tpu.yield
    }) : () -> ()
    %dma_start3A_60 = arith.constant 2 : i32
    %dma_start3A_61 = arith.constant 2 : i32
    %dma_start3A_62 = arith.constant 0 : i32
    %dma_start3A_63 = arith.constant 0 : i32
    %dma_start3A_64 = tpu.memref_slice %arg6[%dma_start3A_61, %dma_start3A_62, %dma_start3A_63] : memref<4x512x32xf32, #tpu.memory_space<vmem>> -> memref<1x512x32xf32, #tpu.memory_space<vmem>>
    %dma_start3A_65 = tpu.memref_squeeze %dma_start3A_64 : memref<1x512x32xf32, #tpu.memory_space<vmem>> -> memref<512x32xf32, #tpu.memory_space<vmem>>
    %dma_start3A_66 = arith.constant 0 : i32
    %dma_start3A_67 = tpu.memref_slice %arg5[%dma_start3A_60, %dma_start3A_66] : memref<4x512xi32, #tpu.memory_space<vmem>> -> memref<1x512xi32, #tpu.memory_space<vmem>>
    %dma_start3A_68 = tpu.memref_squeeze %dma_start3A_67 : memref<1x512xi32, #tpu.memory_space<vmem>> -> memref<512xi32, #tpu.memory_space<vmem>>
    %dma_start3A_69 = arith.constant 0 : i32
    %dma_start3A_70 = arith.constant 0 : i32
    %dma_start3A_71 = tpu.memref_slice %arg3[%dma_start3A_69, %dma_start3A_70] : memref<100000x32xf32, #tpu.memory_space<hbm>> -> memref<100000x32xf32, #tpu.memory_space<hbm>>
    tpu.enqueue_indirect_dma source(%dma_start3A_71 : memref<100000x32xf32, #tpu.memory_space<hbm>>) target(%dma_start3A_65 : memref<512x32xf32, #tpu.memory_space<vmem>>) offsets(%dma_start3A_68 : memref<512xi32, #tpu.memory_space<vmem>>) semaphore(%arg14 : memref<!tpu.dma_semaphore, #tpu.memory_space<semaphore_mem>>)
    %add3A_72 = arith.constant 1536 : i32
    %add3A_73 = arith.addi %mul3A_2, %add3A_72 : i32
    %shift_right_arithmetic3A_74 = arith.constant 14 : i32
    %shift_right_arithmetic3A_75 = arith.shrsi %add3A_73, %shift_right_arithmetic3A_74 : i32
    %and3A_76 = arith.constant 16383 : i32
    %and3A_77 = arith.andi %add3A_73, %and3A_76 : i32
    %shift_right_arithmetic3A_78 = arith.constant 7 : i32
    %shift_right_arithmetic3A_79 = arith.shrsi %and3A_77, %shift_right_arithmetic3A_78 : i32
    %multiple_of3A_80 = tpu.assume_multiple %shift_right_arithmetic3A_79, 4 : i32
    %run_scoped3A_81 = arith.constant 3 : i32
    "tpu.region"() ({
      %run_scoped3A_162 = tpu.sem_alloc : memref<!tpu.dma_semaphore, #tpu.memory_space<semaphore_mem>>
      %dma_start3A_163 = arith.constant 0 : i32
      %dma_start3A_164 = tpu.memref_slice %arg5[%run_scoped3A_81, %dma_start3A_163] : memref<4x512xi32, #tpu.memory_space<vmem>> -> memref<1x512xi32, #tpu.memory_space<vmem>>
      %dma_start3A_165 = tpu.memref_squeeze %dma_start3A_164 : memref<1x512xi32, #tpu.memory_space<vmem>> -> memref<512xi32, #tpu.memory_space<vmem>>
      %dma_start3A_166 = tpu.memref_slice %arg2[%add3A_73] : memref<3276800xi32, #tpu.memory_space<hbm>> -> memref<512xi32, #tpu.memory_space<hbm>>
      %dma_start3A_167 = arith.constant 0 : i32
      %dma_start3A_168 = tpu.memref_slice %arg5[%run_scoped3A_81, %dma_start3A_167] : memref<4x512xi32, #tpu.memory_space<vmem>> -> memref<1x512xi32, #tpu.memory_space<vmem>>
      %dma_start3A_169 = tpu.memref_squeeze %dma_start3A_168 : memref<1x512xi32, #tpu.memory_space<vmem>> -> memref<512xi32, #tpu.memory_space<vmem>>
      %dma_start3A_170 = tpu.memref_slice %arg2[%add3A_73] : memref<3276800xi32, #tpu.memory_space<hbm>> -> memref<512xi32, #tpu.memory_space<hbm>>
      tpu.enqueue_dma source(%dma_start3A_170 : memref<512xi32, #tpu.memory_space<hbm>>) target(%dma_start3A_169 : memref<512xi32, #tpu.memory_space<vmem>>) target_semaphore(%run_scoped3A_162 : memref<!tpu.dma_semaphore, #tpu.memory_space<semaphore_mem>>)
      %dma_wait3A_171 = arith.constant 0 : i32
      %dma_wait3A_172 = tpu.memref_slice %arg5[%run_scoped3A_81, %dma_wait3A_171] : memref<4x512xi32, #tpu.memory_space<vmem>> -> memref<1x512xi32, #tpu.memory_space<vmem>>
      %dma_wait3A_173 = tpu.memref_squeeze %dma_wait3A_172 : memref<1x512xi32, #tpu.memory_space<vmem>> -> memref<512xi32, #tpu.memory_space<vmem>>
      %dma_wait3A_174 = tpu.memref_slice %arg2[%add3A_73] : memref<3276800xi32, #tpu.memory_space<hbm>> -> memref<512xi32, #tpu.memory_space<hbm>>
      %dma_wait3A_175 = arith.constant 0 : i32
      %dma_wait3A_176 = tpu.memref_slice %arg5[%run_scoped3A_81, %dma_wait3A_175] : memref<4x512xi32, #tpu.memory_space<vmem>> -> memref<1x512xi32, #tpu.memory_space<vmem>>
      %dma_wait3A_177 = tpu.memref_squeeze %dma_wait3A_176 : memref<1x512xi32, #tpu.memory_space<vmem>> -> memref<512xi32, #tpu.memory_space<vmem>>
      %dma_wait3A_178 = tpu.memref_slice %arg2[%add3A_73] : memref<3276800xi32, #tpu.memory_space<hbm>> -> memref<512xi32, #tpu.memory_space<hbm>>
      tpu.wait_dma2 semaphore(%run_scoped3A_162 : memref<!tpu.dma_semaphore, #tpu.memory_space<semaphore_mem>>) src(%dma_wait3A_178 : memref<512xi32, #tpu.memory_space<hbm>>) dst(%dma_wait3A_177 : memref<512xi32, #tpu.memory_space<vmem>>)
      tpu.yield
    }) : () -> ()
    %dma_start3A_82 = arith.constant 3 : i32
    %dma_start3A_83 = arith.constant 3 : i32
    %dma_start3A_84 = arith.constant 0 : i32
    %dma_start3A_85 = arith.constant 0 : i32
    %dma_start3A_86 = tpu.memref_slice %arg6[%dma_start3A_83, %dma_start3A_84, %dma_start3A_85] : memref<4x512x32xf32, #tpu.memory_space<vmem>> -> memref<1x512x32xf32, #tpu.memory_space<vmem>>
    %dma_start3A_87 = tpu.memref_squeeze %dma_start3A_86 : memref<1x512x32xf32, #tpu.memory_space<vmem>> -> memref<512x32xf32, #tpu.memory_space<vmem>>
    %dma_start3A_88 = arith.constant 0 : i32
    %dma_start3A_89 = tpu.memref_slice %arg5[%dma_start3A_82, %dma_start3A_88] : memref<4x512xi32, #tpu.memory_space<vmem>> -> memref<1x512xi32, #tpu.memory_space<vmem>>
    %dma_start3A_90 = tpu.memref_squeeze %dma_start3A_89 : memref<1x512xi32, #tpu.memory_space<vmem>> -> memref<512xi32, #tpu.memory_space<vmem>>
    %dma_start3A_91 = arith.constant 0 : i32
    %dma_start3A_92 = arith.constant 0 : i32
    %dma_start3A_93 = tpu.memref_slice %arg3[%dma_start3A_91, %dma_start3A_92] : memref<100000x32xf32, #tpu.memory_space<hbm>> -> memref<100000x32xf32, #tpu.memory_space<hbm>>
    tpu.enqueue_indirect_dma source(%dma_start3A_93 : memref<100000x32xf32, #tpu.memory_space<hbm>>) target(%dma_start3A_87 : memref<512x32xf32, #tpu.memory_space<vmem>>) offsets(%dma_start3A_90 : memref<512xi32, #tpu.memory_space<vmem>>) semaphore(%arg15 : memref<!tpu.dma_semaphore, #tpu.memory_space<semaphore_mem>>)
    %scan3A = arith.constant 0 : i32
    %scan3A_94 = arith.constant 0 : i32
    %scan3A_95 = arith.constant 50 : i32
    %scan3A_96 = arith.addi %scan3A_94, %scan3A_95 : i32
    %scan3A_97 = arith.constant 1 : i32
    scf.for %scan3A_162 = %scan3A_94 to %scan3A_96 step %scan3A_97  : i32 {
      %mul3A_163 = arith.constant 4 : i32
      %mul3A_164 = arith.muli %mul3A_163, %scan3A_162 : i32
      %add3A_165 = arith.constant 0 : i32
      %add3A_166 = arith.addi %mul3A_164, %add3A_165 : i32
      %mul3A_167 = arith.constant 512 : i32
      %mul3A_168 = arith.muli %add3A_166, %mul3A_167 : i32
      %add3A_169 = arith.addi %mul3A_2, %mul3A_168 : i32
      %shift_right_arithmetic3A_170 = arith.constant 14 : i32
      %shift_right_arithmetic3A_171 = arith.shrsi %add3A_169, %shift_right_arithmetic3A_170 : i32
      %and3A_172 = arith.constant 16383 : i32
      %and3A_173 = arith.andi %add3A_169, %and3A_172 : i32
      %shift_right_arithmetic3A_174 = arith.constant 7 : i32
      %shift_right_arithmetic3A_175 = arith.shrsi %and3A_173, %shift_right_arithmetic3A_174 : i32
      %multiple_of3A_176 = tpu.assume_multiple %shift_right_arithmetic3A_175, 4 : i32
      %dma_wait3A_177 = arith.constant 0 : i32
      %dma_wait3A_178 = arith.constant 0 : i32
      %dma_wait3A_179 = arith.constant 0 : i32
      %dma_wait3A_180 = arith.constant 0 : i32
      %dma_wait3A_181 = tpu.memref_slice %arg6[%dma_wait3A_178, %dma_wait3A_179, %dma_wait3A_180] : memref<4x512x32xf32, #tpu.memory_space<vmem>> -> memref<1x512x32xf32, #tpu.memory_space<vmem>>
      %dma_wait3A_182 = tpu.memref_squeeze %dma_wait3A_181 : memref<1x512x32xf32, #tpu.memory_space<vmem>> -> memref<512x32xf32, #tpu.memory_space<vmem>>
      %dma_wait3A_183 = arith.constant 0 : i32
      %dma_wait3A_184 = tpu.memref_slice %arg5[%dma_wait3A_177, %dma_wait3A_183] : memref<4x512xi32, #tpu.memory_space<vmem>> -> memref<1x512xi32, #tpu.memory_space<vmem>>
      %dma_wait3A_185 = tpu.memref_squeeze %dma_wait3A_184 : memref<1x512xi32, #tpu.memory_space<vmem>> -> memref<512xi32, #tpu.memory_space<vmem>>
      %dma_wait3A_186 = arith.constant 0 : i32
      %dma_wait3A_187 = arith.constant 0 : i32
      %dma_wait3A_188 = tpu.memref_slice %arg3[%dma_wait3A_186, %dma_wait3A_187] : memref<100000x32xf32, #tpu.memory_space<hbm>> -> memref<100000x32xf32, #tpu.memory_space<hbm>>
      tpu.wait_indirect_dma semaphore(%arg12 : memref<!tpu.dma_semaphore, #tpu.memory_space<semaphore_mem>>) src(%dma_wait3A_188 : memref<100000x32xf32, #tpu.memory_space<hbm>>) dst(%dma_wait3A_182 : memref<512x32xf32, #tpu.memory_space<vmem>>)
      %lt3A = arith.constant 49 : i32
      %lt3A_189 = arith.cmpi slt, %scan3A_162, %lt3A : i32
      %convert_element_type3A = arith.extui %lt3A_189 : i1 to i32
      %cond3A = arith.constant 0 : i32
      %cond3A_190 = arith.cmpi ne, %convert_element_type3A, %cond3A : i32
      scf.if %cond3A_190 {
        %add3A_430 = arith.constant 4 : i32
        %add3A_431 = arith.addi %add3A_166, %add3A_430 : i32
        %mul3A_432 = arith.constant 512 : i32
        %mul3A_433 = arith.muli %add3A_431, %mul3A_432 : i32
        %add3A_434 = arith.addi %mul3A_2, %mul3A_433 : i32
        %shift_right_arithmetic3A_435 = arith.constant 14 : i32
        %shift_right_arithmetic3A_436 = arith.shrsi %add3A_434, %shift_right_arithmetic3A_435 : i32
        %and3A_437 = arith.constant 16383 : i32
        %and3A_438 = arith.andi %add3A_434, %and3A_437 : i32
        %shift_right_arithmetic3A_439 = arith.constant 7 : i32
        %shift_right_arithmetic3A_440 = arith.shrsi %and3A_438, %shift_right_arithmetic3A_439 : i32
        %multiple_of3A_441 = tpu.assume_multiple %shift_right_arithmetic3A_440, 4 : i32
        %dma_start3A_442 = arith.constant 0 : i32
        %dma_start3A_443 = arith.constant 0 : i32
        %dma_start3A_444 = tpu.memref_slice %arg5[%dma_start3A_442, %dma_start3A_443] : memref<4x512xi32, #tpu.memory_space<vmem>> -> memref<1x512xi32, #tpu.memory_space<vmem>>
        %dma_start3A_445 = tpu.memref_squeeze %dma_start3A_444 : memref<1x512xi32, #tpu.memory_space<vmem>> -> memref<512xi32, #tpu.memory_space<vmem>>
        %dma_start3A_446 = tpu.memref_slice %arg2[%add3A_434] : memref<3276800xi32, #tpu.memory_space<hbm>> -> memref<512xi32, #tpu.memory_space<hbm>>
        %dma_start3A_447 = arith.constant 0 : i32
        %dma_start3A_448 = tpu.memref_slice %arg5[%dma_start3A_442, %dma_start3A_447] : memref<4x512xi32, #tpu.memory_space<vmem>> -> memref<1x512xi32, #tpu.memory_space<vmem>>
        %dma_start3A_449 = tpu.memref_squeeze %dma_start3A_448 : memref<1x512xi32, #tpu.memory_space<vmem>> -> memref<512xi32, #tpu.memory_space<vmem>>
        %dma_start3A_450 = tpu.memref_slice %arg2[%add3A_434] : memref<3276800xi32, #tpu.memory_space<hbm>> -> memref<512xi32, #tpu.memory_space<hbm>>
        tpu.enqueue_dma source(%dma_start3A_450 : memref<512xi32, #tpu.memory_space<hbm>>) target(%dma_start3A_449 : memref<512xi32, #tpu.memory_space<vmem>>) target_semaphore(%arg8 : memref<!tpu.dma_semaphore, #tpu.memory_space<semaphore_mem>>)
      } else {
      }
      %ge3A = arith.constant 2 : i32
      %ge3A_191 = arith.cmpi sge, %add3A_166, %ge3A : i32
      %convert_element_type3A_192 = arith.extui %ge3A_191 : i1 to i32
      %cond3A_193 = arith.constant 0 : i32
      %cond3A_194 = arith.cmpi ne, %convert_element_type3A_192, %cond3A_193 : i32
      scf.if %cond3A_194 {
        %sub3A = arith.constant 2 : i32
        %sub3A_430 = arith.subi %add3A_166, %sub3A : i32
        %mul3A_431 = arith.constant 512 : i32
        %mul3A_432 = arith.muli %sub3A_430, %mul3A_431 : i32
        %add3A_433 = arith.addi %mul3A_2, %mul3A_432 : i32
        %shift_right_arithmetic3A_434 = arith.constant 14 : i32
        %shift_right_arithmetic3A_435 = arith.shrsi %add3A_433, %shift_right_arithmetic3A_434 : i32
        %and3A_436 = arith.constant 16383 : i32
        %and3A_437 = arith.andi %add3A_433, %and3A_436 : i32
        %shift_right_arithmetic3A_438 = arith.constant 7 : i32
        %shift_right_arithmetic3A_439 = arith.shrsi %and3A_437, %shift_right_arithmetic3A_438 : i32
        %multiple_of3A_440 = tpu.assume_multiple %shift_right_arithmetic3A_439, 4 : i32
        %dma_wait3A_441 = arith.constant 0 : i32
        %dma_wait3A_442 = arith.constant 0 : i32
        %dma_wait3A_443 = arith.constant 0 : i32
        %dma_wait3A_444 = arith.constant 0 : i32
        %dma_wait3A_445 = arith.constant 0 : i32
        %dma_wait3A_446 = tpu.memref_slice %arg7[%dma_wait3A_441, %dma_wait3A_442, %dma_wait3A_443, %dma_wait3A_444, %dma_wait3A_445] : memref<2x4x4x8x144xf32, #tpu.memory_space<vmem>> -> memref<1x4x4x8x128xf32, #tpu.memory_space<vmem>>
        %dma_wait3A_447 = tpu.memref_squeeze %dma_wait3A_446 : memref<1x4x4x8x128xf32, #tpu.memory_space<vmem>> -> memref<4x4x8x128xf32, #tpu.memory_space<vmem>>
        %dma_wait3A_448 = arith.constant 0 : i32
        %dma_wait3A_449 = arith.constant 0 : i32
        %dma_wait3A_450 = arith.constant 0 : i32
        %dma_wait3A_451 = tpu.memref_slice %arg4[%shift_right_arithmetic3A_435, %dma_wait3A_448, %multiple_of3A_440, %dma_wait3A_449, %dma_wait3A_450] : memref<200x4x128x8x128xf32, #tpu.memory_space<hbm>> -> memref<1x4x4x8x128xf32, #tpu.memory_space<hbm>>
        %dma_wait3A_452 = tpu.memref_squeeze %dma_wait3A_451 : memref<1x4x4x8x128xf32, #tpu.memory_space<hbm>> -> memref<4x4x8x128xf32, #tpu.memory_space<hbm>>
        %dma_wait3A_453 = arith.constant 0 : i32
        %dma_wait3A_454 = arith.constant 0 : i32
        %dma_wait3A_455 = arith.constant 0 : i32
        %dma_wait3A_456 = tpu.memref_slice %arg4[%shift_right_arithmetic3A_435, %dma_wait3A_453, %multiple_of3A_440, %dma_wait3A_454, %dma_wait3A_455] : memref<200x4x128x8x128xf32, #tpu.memory_space<hbm>> -> memref<1x4x4x8x128xf32, #tpu.memory_space<hbm>>
        %dma_wait3A_457 = tpu.memref_squeeze %dma_wait3A_456 : memref<1x4x4x8x128xf32, #tpu.memory_space<hbm>> -> memref<4x4x8x128xf32, #tpu.memory_space<hbm>>
        %dma_wait3A_458 = arith.constant 0 : i32
        %dma_wait3A_459 = arith.constant 0 : i32
        %dma_wait3A_460 = arith.constant 0 : i32
        %dma_wait3A_461 = arith.constant 0 : i32
        %dma_wait3A_462 = tpu.memref_slice %arg7[%dma_wait3A_441, %dma_wait3A_458, %dma_wait3A_459, %dma_wait3A_460, %dma_wait3A_461] : memref<2x4x4x8x144xf32, #tpu.memory_space<vmem>> -> memref<1x4x4x8x128xf32, #tpu.memory_space<vmem>>
        %dma_wait3A_463 = tpu.memref_squeeze %dma_wait3A_462 : memref<1x4x4x8x128xf32, #tpu.memory_space<vmem>> -> memref<4x4x8x128xf32, #tpu.memory_space<vmem>>
        tpu.wait_dma2 semaphore(%arg16 : memref<!tpu.dma_semaphore, #tpu.memory_space<semaphore_mem>>) src(%dma_wait3A_463 : memref<4x4x8x128xf32, #tpu.memory_space<vmem>>) dst(%dma_wait3A_457 : memref<4x4x8x128xf32, #tpu.memory_space<hbm>>)
      } else {
      }
      %parallel_loop3A = arith.constant 0 : i32
      %parallel_loop3A_195 = arith.constant 512 : i32
      %parallel_loop3A_196 = arith.constant 8 : i32
      %parallel_loop3A_197 = arith.constant 0 : i32
      scf.for %parallel_loop3A_430 = %parallel_loop3A to %parallel_loop3A_195 step %parallel_loop3A_196  : i32 {
        %parallel_loop3A_431 = tpu.assume_multiple %parallel_loop3A_430, 8 : i32
        %parallel_loop3A_432 = arith.constant 7 : i32
        %parallel_loop3A_433 = arith.shrui %parallel_loop3A_431, %parallel_loop3A_432 : i32
        %parallel_loop3A_434 = arith.constant 0 : i32
        %parallel_loop3A_435 = vector.broadcast %parallel_loop3A_434 : i32 to vector<16xi32>
        %parallel_loop3A_436 = vector.broadcast %parallel_loop3A_433 : i32 to vector<16xi32>
        %parallel_loop3A_437 = arith.addi %parallel_loop3A_435, %parallel_loop3A_436 : vector<16xi32>
        %parallel_loop3A_438 = arith.constant 127 : i32
        %parallel_loop3A_439 = arith.andi %parallel_loop3A_431, %parallel_loop3A_438 : i32
        %parallel_loop3A_440 = arith.constant 0 : i32
        %parallel_loop3A_441 = arith.addi %parallel_loop3A_431, %parallel_loop3A_440 : i32
        %parallel_loop3A_442 = arith.constant 0 : i32
        %parallel_loop3A_443 = vector.broadcast %parallel_loop3A_442 : i32 to vector<16xi32>
        %parallel_loop3A_444 = arith.constant 0 : i32
        %parallel_loop3A_445 = arith.addi %parallel_loop3A_439, %parallel_loop3A_444 : i32
        %parallel_loop3A_446 = vector.broadcast %parallel_loop3A_445 : i32 to vector<16xi32>
        %parallel_loop3A_447 = arith.addi %parallel_loop3A_443, %parallel_loop3A_446 : vector<16xi32>
        %parallel_loop3A_448 = arith.constant 0 : i32
        %parallel_loop3A_449 = arith.index_cast %parallel_loop3A_448 : i32 to index
        %parallel_loop3A_450 = arith.index_cast %parallel_loop3A_441 : i32 to index
        %parallel_loop3A_451 = arith.constant 0 : index
        %parallel_loop3A_452 = tpu.vector_load %arg6[%parallel_loop3A_449, %parallel_loop3A_450, %parallel_loop3A_451] {strides = array<i32>} : memref<4x512x32xf32, #tpu.memory_space<vmem>>, vector<16xf32>,
        %parallel_loop3A_453 = arith.constant 0 : i32
        %parallel_loop3A_454 = arith.index_cast %parallel_loop3A_453 : i32 to index
        %parallel_loop3A_455 = arith.index_cast %parallel_loop3A_441 : i32 to index
        %parallel_loop3A_456 = arith.constant 16 : index
        %parallel_loop3A_457 = tpu.vector_load %arg6[%parallel_loop3A_454, %parallel_loop3A_455, %parallel_loop3A_456] {strides = array<i32>} : memref<4x512x32xf32, #tpu.memory_space<vmem>>, vector<16xf32>,
        %parallel_loop3A_458 = arith.constant 0 : i32
        %parallel_loop3A_459 = arith.constant 0 : i32
        %parallel_loop3A_460 = arith.constant 0 : i32
        %parallel_loop3A_461 = arith.constant 0 : i32
        %parallel_loop3A_462 = tpu.memref_slice %arg7[%parallel_loop3A_197, %parallel_loop3A_458, %parallel_loop3A_459, %parallel_loop3A_460, %parallel_loop3A_461] : memref<2x4x4x8x144xf32, #tpu.memory_space<vmem>> -> memref<1x4x4x8x144xf32, #tpu.memory_space<vmem>>
        %parallel_loop3A_463 = tpu.memref_squeeze %parallel_loop3A_462 : memref<1x4x4x8x144xf32, #tpu.memory_space<vmem>> -> memref<4x4x8x144xf32, #tpu.memory_space<vmem>>
        tpu.vector_store_idx %parallel_loop3A_463[%shift_right_logical3A_4, %parallel_loop3A_437, %and3A_9, %parallel_loop3A_447], %parallel_loop3A_452 : memref<4x4x8x144xf32, #tpu.memory_space<vmem>>[vector<16xi32>, vector<16xi32>, vector<16xi32>, vector<16xi32>], vector<16xf32>,
        %parallel_loop3A_464 = arith.constant 0 : i32
        %parallel_loop3A_465 = arith.constant 0 : i32
        %parallel_loop3A_466 = arith.constant 0 : i32
        %parallel_loop3A_467 = arith.constant 0 : i32
        %parallel_loop3A_468 = tpu.memref_slice %arg7[%parallel_loop3A_197, %parallel_loop3A_464, %parallel_loop3A_465, %parallel_loop3A_466, %parallel_loop3A_467] : memref<2x4x4x8x144xf32, #tpu.memory_space<vmem>> -> memref<1x4x4x8x144xf32, #tpu.memory_space<vmem>>
        %parallel_loop3A_469 = tpu.memref_squeeze %parallel_loop3A_468 : memref<1x4x4x8x144xf32, #tpu.memory_space<vmem>> -> memref<4x4x8x144xf32, #tpu.memory_space<vmem>>
        tpu.vector_store_idx %parallel_loop3A_469[%add3A_7, %parallel_loop3A_437, %and3A_9, %parallel_loop3A_447], %parallel_loop3A_457 : memref<4x4x8x144xf32, #tpu.memory_space<vmem>>[vector<16xi32>, vector<16xi32>, vector<16xi32>, vector<16xi32>], vector<16xf32>,
        %parallel_loop3A_470 = arith.constant 1 : i32
        %parallel_loop3A_471 = arith.addi %parallel_loop3A_431, %parallel_loop3A_470 : i32
        %parallel_loop3A_472 = arith.constant 0 : i32
        %parallel_loop3A_473 = vector.broadcast %parallel_loop3A_472 : i32 to vector<16xi32>
        %parallel_loop3A_474 = arith.constant 1 : i32
        %parallel_loop3A_475 = arith.addi %parallel_loop3A_439, %parallel_loop3A_474 : i32
        %parallel_loop3A_476 = vector.broadcast %parallel_loop3A_475 : i32 to vector<16xi32>
        %parallel_loop3A_477 = arith.addi %parallel_loop3A_473, %parallel_loop3A_476 : vector<16xi32>
        %parallel_loop3A_478 = arith.constant 0 : i32
        %parallel_loop3A_479 = arith.index_cast %parallel_loop3A_478 : i32 to index
        %parallel_loop3A_480 = arith.index_cast %parallel_loop3A_471 : i32 to index
        %parallel_loop3A_481 = arith.constant 0 : index
        %parallel_loop3A_482 = tpu.vector_load %arg6[%parallel_loop3A_479, %parallel_loop3A_480, %parallel_loop3A_481] {strides = array<i32>} : memref<4x512x32xf32, #tpu.memory_space<vmem>>, vector<16xf32>,
        %parallel_loop3A_483 = arith.constant 0 : i32
        %parallel_loop3A_484 = arith.index_cast %parallel_loop3A_483 : i32 to index
        %parallel_loop3A_485 = arith.index_cast %parallel_loop3A_471 : i32 to index
        %parallel_loop3A_486 = arith.constant 16 : index
        %parallel_loop3A_487 = tpu.vector_load %arg6[%parallel_loop3A_484, %parallel_loop3A_485, %parallel_loop3A_486] {strides = array<i32>} : memref<4x512x32xf32, #tpu.memory_space<vmem>>, vector<16xf32>,
        %parallel_loop3A_488 = arith.constant 0 : i32
        %parallel_loop3A_489 = arith.constant 0 : i32
        %parallel_loop3A_490 = arith.constant 0 : i32
        %parallel_loop3A_491 = arith.constant 0 : i32
        %parallel_loop3A_492 = tpu.memref_slice %arg7[%parallel_loop3A_197, %parallel_loop3A_488, %parallel_loop3A_489, %parallel_loop3A_490, %parallel_loop3A_491] : memref<2x4x4x8x144xf32, #tpu.memory_space<vmem>> -> memref<1x4x4x8x144xf32, #tpu.memory_space<vmem>>
        %parallel_loop3A_493 = tpu.memref_squeeze %parallel_loop3A_492 : memref<1x4x4x8x144xf32, #tpu.memory_space<vmem>> -> memref<4x4x8x144xf32, #tpu.memory_space<vmem>>
        tpu.vector_store_idx %parallel_loop3A_493[%shift_right_logical3A_4, %parallel_loop3A_437, %and3A_9, %parallel_loop3A_477], %parallel_loop3A_482 : memref<4x4x8x144xf32, #tpu.memory_space<vmem>>[vector<16xi32>, vector<16xi32>, vector<16xi32>, vector<16xi32>], vector<16xf32>,
        %parallel_loop3A_494 = arith.constant 0 : i32
        %parallel_loop3A_495 = arith.constant 0 : i32
        %parallel_loop3A_496 = arith.constant 0 : i32
        %parallel_loop3A_497 = arith.constant 0 : i32
        %parallel_loop3A_498 = tpu.memref_slice %arg7[%parallel_loop3A_197, %parallel_loop3A_494, %parallel_loop3A_495, %parallel_loop3A_496, %parallel_loop3A_497] : memref<2x4x4x8x144xf32, #tpu.memory_space<vmem>> -> memref<1x4x4x8x144xf32, #tpu.memory_space<vmem>>
        %parallel_loop3A_499 = tpu.memref_squeeze %parallel_loop3A_498 : memref<1x4x4x8x144xf32, #tpu.memory_space<vmem>> -> memref<4x4x8x144xf32, #tpu.memory_space<vmem>>
        tpu.vector_store_idx %parallel_loop3A_499[%add3A_7, %parallel_loop3A_437, %and3A_9, %parallel_loop3A_477], %parallel_loop3A_487 : memref<4x4x8x144xf32, #tpu.memory_space<vmem>>[vector<16xi32>, vector<16xi32>, vector<16xi32>, vector<16xi32>], vector<16xf32>,
        %parallel_loop3A_500 = arith.constant 2 : i32
        %parallel_loop3A_501 = arith.addi %parallel_loop3A_431, %parallel_loop3A_500 : i32
        %parallel_loop3A_502 = arith.constant 0 : i32
        %parallel_loop3A_503 = vector.broadcast %parallel_loop3A_502 : i32 to vector<16xi32>
        %parallel_loop3A_504 = arith.constant 2 : i32
        %parallel_loop3A_505 = arith.addi %parallel_loop3A_439, %parallel_loop3A_504 : i32
        %parallel_loop3A_506 = vector.broadcast %parallel_loop3A_505 : i32 to vector<16xi32>
        %parallel_loop3A_507 = arith.addi %parallel_loop3A_503, %parallel_loop3A_506 : vector<16xi32>
        %parallel_loop3A_508 = arith.constant 0 : i32
        %parallel_loop3A_509 = arith.index_cast %parallel_loop3A_508 : i32 to index
        %parallel_loop3A_510 = arith.index_cast %parallel_loop3A_501 : i32 to index
        %parallel_loop3A_511 = arith.constant 0 : index
        %parallel_loop3A_512 = tpu.vector_load %arg6[%parallel_loop3A_509, %parallel_loop3A_510, %parallel_loop3A_511] {strides = array<i32>} : memref<4x512x32xf32, #tpu.memory_space<vmem>>, vector<16xf32>,
        %parallel_loop3A_513 = arith.constant 0 : i32
        %parallel_loop3A_514 = arith.index_cast %parallel_loop3A_513 : i32 to index
        %parallel_loop3A_515 = arith.index_cast %parallel_loop3A_501 : i32 to index
        %parallel_loop3A_516 = arith.constant 16 : index
        %parallel_loop3A_517 = tpu.vector_load %arg6[%parallel_loop3A_514, %parallel_loop3A_515, %parallel_loop3A_516] {strides = array<i32>} : memref<4x512x32xf32, #tpu.memory_space<vmem>>, vector<16xf32>,
        %parallel_loop3A_518 = arith.constant 0 : i32
        %parallel_loop3A_519 = arith.constant 0 : i32
        %parallel_loop3A_520 = arith.constant 0 : i32
        %parallel_loop3A_521 = arith.constant 0 : i32
        %parallel_loop3A_522 = tpu.memref_slice %arg7[%parallel_loop3A_197, %parallel_loop3A_518, %parallel_loop3A_519, %parallel_loop3A_520, %parallel_loop3A_521] : memref<2x4x4x8x144xf32, #tpu.memory_space<vmem>> -> memref<1x4x4x8x144xf32, #tpu.memory_space<vmem>>
        %parallel_loop3A_523 = tpu.memref_squeeze %parallel_loop3A_522 : memref<1x4x4x8x144xf32, #tpu.memory_space<vmem>> -> memref<4x4x8x144xf32, #tpu.memory_space<vmem>>
        tpu.vector_store_idx %parallel_loop3A_523[%shift_right_logical3A_4, %parallel_loop3A_437, %and3A_9, %parallel_loop3A_507], %parallel_loop3A_512 : memref<4x4x8x144xf32, #tpu.memory_space<vmem>>[vector<16xi32>, vector<16xi32>, vector<16xi32>, vector<16xi32>], vector<16xf32>,
        %parallel_loop3A_524 = arith.constant 0 : i32
        %parallel_loop3A_525 = arith.constant 0 : i32
        %parallel_loop3A_526 = arith.constant 0 : i32
        %parallel_loop3A_527 = arith.constant 0 : i32
        %parallel_loop3A_528 = tpu.memref_slice %arg7[%parallel_loop3A_197, %parallel_loop3A_524, %parallel_loop3A_525, %parallel_loop3A_526, %parallel_loop3A_527] : memref<2x4x4x8x144xf32, #tpu.memory_space<vmem>> -> memref<1x4x4x8x144xf32, #tpu.memory_space<vmem>>
        %parallel_loop3A_529 = tpu.memref_squeeze %parallel_loop3A_528 : memref<1x4x4x8x144xf32, #tpu.memory_space<vmem>> -> memref<4x4x8x144xf32, #tpu.memory_space<vmem>>
        tpu.vector_store_idx %parallel_loop3A_529[%add3A_7, %parallel_loop3A_437, %and3A_9, %parallel_loop3A_507], %parallel_loop3A_517 : memref<4x4x8x144xf32, #tpu.memory_space<vmem>>[vector<16xi32>, vector<16xi32>, vector<16xi32>, vector<16xi32>], vector<16xf32>,
        %parallel_loop3A_530 = arith.constant 3 : i32
        %parallel_loop3A_531 = arith.addi %parallel_loop3A_431, %parallel_loop3A_530 : i32
        %parallel_loop3A_532 = arith.constant 0 : i32
        %parallel_loop3A_533 = vector.broadcast %parallel_loop3A_532 : i32 to vector<16xi32>
        %parallel_loop3A_534 = arith.constant 3 : i32
        %parallel_loop3A_535 = arith.addi %parallel_loop3A_439, %parallel_loop3A_534 : i32
        %parallel_loop3A_536 = vector.broadcast %parallel_loop3A_535 : i32 to vector<16xi32>
        %parallel_loop3A_537 = arith.addi %parallel_loop3A_533, %parallel_loop3A_536 : vector<16xi32>
        %parallel_loop3A_538 = arith.constant 0 : i32
        %parallel_loop3A_539 = arith.index_cast %parallel_loop3A_538 : i32 to index
        %parallel_loop3A_540 = arith.index_cast %parallel_loop3A_531 : i32 to index
        %parallel_loop3A_541 = arith.constant 0 : index
        %parallel_loop3A_542 = tpu.vector_load %arg6[%parallel_loop3A_539, %parallel_loop3A_540, %parallel_loop3A_541] {strides = array<i32>} : memref<4x512x32xf32, #tpu.memory_space<vmem>>, vector<16xf32>,
        %parallel_loop3A_543 = arith.constant 0 : i32
        %parallel_loop3A_544 = arith.index_cast %parallel_loop3A_543 : i32 to index
        %parallel_loop3A_545 = arith.index_cast %parallel_loop3A_531 : i32 to index
        %parallel_loop3A_546 = arith.constant 16 : index
        %parallel_loop3A_547 = tpu.vector_load %arg6[%parallel_loop3A_544, %parallel_loop3A_545, %parallel_loop3A_546] {strides = array<i32>} : memref<4x512x32xf32, #tpu.memory_space<vmem>>, vector<16xf32>,
        %parallel_loop3A_548 = arith.constant 0 : i32
        %parallel_loop3A_549 = arith.constant 0 : i32
        %parallel_loop3A_550 = arith.constant 0 : i32
        %parallel_loop3A_551 = arith.constant 0 : i32
        %parallel_loop3A_552 = tpu.memref_slice %arg7[%parallel_loop3A_197, %parallel_loop3A_548, %parallel_loop3A_549, %parallel_loop3A_550, %parallel_loop3A_551] : memref<2x4x4x8x144xf32, #tpu.memory_space<vmem>> -> memref<1x4x4x8x144xf32, #tpu.memory_space<vmem>>
        %parallel_loop3A_553 = tpu.memref_squeeze %parallel_loop3A_552 : memref<1x4x4x8x144xf32, #tpu.memory_space<vmem>> -> memref<4x4x8x144xf32, #tpu.memory_space<vmem>>
        tpu.vector_store_idx %parallel_loop3A_553[%shift_right_logical3A_4, %parallel_loop3A_437, %and3A_9, %parallel_loop3A_537], %parallel_loop3A_542 : memref<4x4x8x144xf32, #tpu.memory_space<vmem>>[vector<16xi32>, vector<16xi32>, vector<16xi32>, vector<16xi32>], vector<16xf32>,
        %parallel_loop3A_554 = arith.constant 0 : i32
        %parallel_loop3A_555 = arith.constant 0 : i32
        %parallel_loop3A_556 = arith.constant 0 : i32
        %parallel_loop3A_557 = arith.constant 0 : i32
        %parallel_loop3A_558 = tpu.memref_slice %arg7[%parallel_loop3A_197, %parallel_loop3A_554, %parallel_loop3A_555, %parallel_loop3A_556, %parallel_loop3A_557] : memref<2x4x4x8x144xf32, #tpu.memory_space<vmem>> -> memref<1x4x4x8x144xf32, #tpu.memory_space<vmem>>
        %parallel_loop3A_559 = tpu.memref_squeeze %parallel_loop3A_558 : memref<1x4x4x8x144xf32, #tpu.memory_space<vmem>> -> memref<4x4x8x144xf32, #tpu.memory_space<vmem>>
        tpu.vector_store_idx %parallel_loop3A_559[%add3A_7, %parallel_loop3A_437, %and3A_9, %parallel_loop3A_537], %parallel_loop3A_547 : memref<4x4x8x144xf32, #tpu.memory_space<vmem>>[vector<16xi32>, vector<16xi32>, vector<16xi32>, vector<16xi32>], vector<16xf32>,
        %parallel_loop3A_560 = arith.constant 4 : i32
        %parallel_loop3A_561 = arith.addi %parallel_loop3A_431, %parallel_loop3A_560 : i32
        %parallel_loop3A_562 = arith.constant 0 : i32
        %parallel_loop3A_563 = vector.broadcast %parallel_loop3A_562 : i32 to vector<16xi32>
        %parallel_loop3A_564 = arith.constant 4 : i32
        %parallel_loop3A_565 = arith.addi %parallel_loop3A_439, %parallel_loop3A_564 : i32
        %parallel_loop3A_566 = vector.broadcast %parallel_loop3A_565 : i32 to vector<16xi32>
        %parallel_loop3A_567 = arith.addi %parallel_loop3A_563, %parallel_loop3A_566 : vector<16xi32>
        %parallel_loop3A_568 = arith.constant 0 : i32
        %parallel_loop3A_569 = arith.index_cast %parallel_loop3A_568 : i32 to index
        %parallel_loop3A_570 = arith.index_cast %parallel_loop3A_561 : i32 to index
        %parallel_loop3A_571 = arith.constant 0 : index
        %parallel_loop3A_572 = tpu.vector_load %arg6[%parallel_loop3A_569, %parallel_loop3A_570, %parallel_loop3A_571] {strides = array<i32>} : memref<4x512x32xf32, #tpu.memory_space<vmem>>, vector<16xf32>,
        %parallel_loop3A_573 = arith.constant 0 : i32
        %parallel_loop3A_574 = arith.index_cast %parallel_loop3A_573 : i32 to index
        %parallel_loop3A_575 = arith.index_cast %parallel_loop3A_561 : i32 to index
        %parallel_loop3A_576 = arith.constant 16 : index
        %parallel_loop3A_577 = tpu.vector_load %arg6[%parallel_loop3A_574, %parallel_loop3A_575, %parallel_loop3A_576] {strides = array<i32>} : memref<4x512x32xf32, #tpu.memory_space<vmem>>, vector<16xf32>,
        %parallel_loop3A_578 = arith.constant 0 : i32
        %parallel_loop3A_579 = arith.constant 0 : i32
        %parallel_loop3A_580 = arith.constant 0 : i32
        %parallel_loop3A_581 = arith.constant 0 : i32
        %parallel_loop3A_582 = tpu.memref_slice %arg7[%parallel_loop3A_197, %parallel_loop3A_578, %parallel_loop3A_579, %parallel_loop3A_580, %parallel_loop3A_581] : memref<2x4x4x8x144xf32, #tpu.memory_space<vmem>> -> memref<1x4x4x8x144xf32, #tpu.memory_space<vmem>>
        %parallel_loop3A_583 = tpu.memref_squeeze %parallel_loop3A_582 : memref<1x4x4x8x144xf32, #tpu.memory_space<vmem>> -> memref<4x4x8x144xf32, #tpu.memory_space<vmem>>
        tpu.vector_store_idx %parallel_loop3A_583[%shift_right_logical3A_4, %parallel_loop3A_437, %and3A_9, %parallel_loop3A_567], %parallel_loop3A_572 : memref<4x4x8x144xf32, #tpu.memory_space<vmem>>[vector<16xi32>, vector<16xi32>, vector<16xi32>, vector<16xi32>], vector<16xf32>,
        %parallel_loop3A_584 = arith.constant 0 : i32
        %parallel_loop3A_585 = arith.constant 0 : i32
        %parallel_loop3A_586 = arith.constant 0 : i32
        %parallel_loop3A_587 = arith.constant 0 : i32
        %parallel_loop3A_588 = tpu.memref_slice %arg7[%parallel_loop3A_197, %parallel_loop3A_584, %parallel_loop3A_585, %parallel_loop3A_586, %parallel_loop3A_587] : memref<2x4x4x8x144xf32, #tpu.memory_space<vmem>> -> memref<1x4x4x8x144xf32, #tpu.memory_space<vmem>>
        %parallel_loop3A_589 = tpu.memref_squeeze %parallel_loop3A_588 : memref<1x4x4x8x144xf32, #tpu.memory_space<vmem>> -> memref<4x4x8x144xf32, #tpu.memory_space<vmem>>
        tpu.vector_store_idx %parallel_loop3A_589[%add3A_7, %parallel_loop3A_437, %and3A_9, %parallel_loop3A_567], %parallel_loop3A_577 : memref<4x4x8x144xf32, #tpu.memory_space<vmem>>[vector<16xi32>, vector<16xi32>, vector<16xi32>, vector<16xi32>], vector<16xf32>,
        %parallel_loop3A_590 = arith.constant 5 : i32
        %parallel_loop3A_591 = arith.addi %parallel_loop3A_431, %parallel_loop3A_590 : i32
        %parallel_loop3A_592 = arith.constant 0 : i32
        %parallel_loop3A_593 = vector.broadcast %parallel_loop3A_592 : i32 to vector<16xi32>
        %parallel_loop3A_594 = arith.constant 5 : i32
        %parallel_loop3A_595 = arith.addi %parallel_loop3A_439, %parallel_loop3A_594 : i32
        %parallel_loop3A_596 = vector.broadcast %parallel_loop3A_595 : i32 to vector<16xi32>
        %parallel_loop3A_597 = arith.addi %parallel_loop3A_593, %parallel_loop3A_596 : vector<16xi32>
        %parallel_loop3A_598 = arith.constant 0 : i32
        %parallel_loop3A_599 = arith.index_cast %parallel_loop3A_598 : i32 to index
        %parallel_loop3A_600 = arith.index_cast %parallel_loop3A_591 : i32 to index
        %parallel_loop3A_601 = arith.constant 0 : index
        %parallel_loop3A_602 = tpu.vector_load %arg6[%parallel_loop3A_599, %parallel_loop3A_600, %parallel_loop3A_601] {strides = array<i32>} : memref<4x512x32xf32, #tpu.memory_space<vmem>>, vector<16xf32>,
        %parallel_loop3A_603 = arith.constant 0 : i32
        %parallel_loop3A_604 = arith.index_cast %parallel_loop3A_603 : i32 to index
        %parallel_loop3A_605 = arith.index_cast %parallel_loop3A_591 : i32 to index
        %parallel_loop3A_606 = arith.constant 16 : index
        %parallel_loop3A_607 = tpu.vector_load %arg6[%parallel_loop3A_604, %parallel_loop3A_605, %parallel_loop3A_606] {strides = array<i32>} : memref<4x512x32xf32, #tpu.memory_space<vmem>>, vector<16xf32>,
        %parallel_loop3A_608 = arith.constant 0 : i32
        %parallel_loop3A_609 = arith.constant 0 : i32
        %parallel_loop3A_610 = arith.constant 0 : i32
        %parallel_loop3A_611 = arith.constant 0 : i32
        %parallel_loop3A_612 = tpu.memref_slice %arg7[%parallel_loop3A_197, %parallel_loop3A_608, %parallel_loop3A_609, %parallel_loop3A_610, %parallel_loop3A_611] : memref<2x4x4x8x144xf32, #tpu.memory_space<vmem>> -> memref<1x4x4x8x144xf32, #tpu.memory_space<vmem>>
        %parallel_loop3A_613 = tpu.memref_squeeze %parallel_loop3A_612 : memref<1x4x4x8x144xf32, #tpu.memory_space<vmem>> -> memref<4x4x8x144xf32, #tpu.memory_space<vmem>>
        tpu.vector_store_idx %parallel_loop3A_613[%shift_right_logical3A_4, %parallel_loop3A_437, %and3A_9, %parallel_loop3A_597], %parallel_loop3A_602 : memref<4x4x8x144xf32, #tpu.memory_space<vmem>>[vector<16xi32>, vector<16xi32>, vector<16xi32>, vector<16xi32>], vector<16xf32>,
        %parallel_loop3A_614 = arith.constant 0 : i32
        %parallel_loop3A_615 = arith.constant 0 : i32
        %parallel_loop3A_616 = arith.constant 0 : i32
        %parallel_loop3A_617 = arith.constant 0 : i32
        %parallel_loop3A_618 = tpu.memref_slice %arg7[%parallel_loop3A_197, %parallel_loop3A_614, %parallel_loop3A_615, %parallel_loop3A_616, %parallel_loop3A_617] : memref<2x4x4x8x144xf32, #tpu.memory_space<vmem>> -> memref<1x4x4x8x144xf32, #tpu.memory_space<vmem>>
        %parallel_loop3A_619 = tpu.memref_squeeze %parallel_loop3A_618 : memref<1x4x4x8x144xf32, #tpu.memory_space<vmem>> -> memref<4x4x8x144xf32, #tpu.memory_space<vmem>>
        tpu.vector_store_idx %parallel_loop3A_619[%add3A_7, %parallel_loop3A_437, %and3A_9, %parallel_loop3A_597], %parallel_loop3A_607 : memref<4x4x8x144xf32, #tpu.memory_space<vmem>>[vector<16xi32>, vector<16xi32>, vector<16xi32>, vector<16xi32>], vector<16xf32>,
        %parallel_loop3A_620 = arith.constant 6 : i32
        %parallel_loop3A_621 = arith.addi %parallel_loop3A_431, %parallel_loop3A_620 : i32
        %parallel_loop3A_622 = arith.constant 0 : i32
        %parallel_loop3A_623 = vector.broadcast %parallel_loop3A_622 : i32 to vector<16xi32>
        %parallel_loop3A_624 = arith.constant 6 : i32
        %parallel_loop3A_625 = arith.addi %parallel_loop3A_439, %parallel_loop3A_624 : i32
        %parallel_loop3A_626 = vector.broadcast %parallel_loop3A_625 : i32 to vector<16xi32>
        %parallel_loop3A_627 = arith.addi %parallel_loop3A_623, %parallel_loop3A_626 : vector<16xi32>
        %parallel_loop3A_628 = arith.constant 0 : i32
        %parallel_loop3A_629 = arith.index_cast %parallel_loop3A_628 : i32 to index
        %parallel_loop3A_630 = arith.index_cast %parallel_loop3A_621 : i32 to index
        %parallel_loop3A_631 = arith.constant 0 : index
        %parallel_loop3A_632 = tpu.vector_load %arg6[%parallel_loop3A_629, %parallel_loop3A_630, %parallel_loop3A_631] {strides = array<i32>} : memref<4x512x32xf32, #tpu.memory_space<vmem>>, vector<16xf32>,
        %parallel_loop3A_633 = arith.constant 0 : i32
        %parallel_loop3A_634 = arith.index_cast %parallel_loop3A_633 : i32 to index
        %parallel_loop3A_635 = arith.index_cast %parallel_loop3A_621 : i32 to index
        %parallel_loop3A_636 = arith.constant 16 : index
        %parallel_loop3A_637 = tpu.vector_load %arg6[%parallel_loop3A_634, %parallel_loop3A_635, %parallel_loop3A_636] {strides = array<i32>} : memref<4x512x32xf32, #tpu.memory_space<vmem>>, vector<16xf32>,
        %parallel_loop3A_638 = arith.constant 0 : i32
        %parallel_loop3A_639 = arith.constant 0 : i32
        %parallel_loop3A_640 = arith.constant 0 : i32
        %parallel_loop3A_641 = arith.constant 0 : i32
        %parallel_loop3A_642 = tpu.memref_slice %arg7[%parallel_loop3A_197, %parallel_loop3A_638, %parallel_loop3A_639, %parallel_loop3A_640, %parallel_loop3A_641] : memref<2x4x4x8x144xf32, #tpu.memory_space<vmem>> -> memref<1x4x4x8x144xf32, #tpu.memory_space<vmem>>
        %parallel_loop3A_643 = tpu.memref_squeeze %parallel_loop3A_642 : memref<1x4x4x8x144xf32, #tpu.memory_space<vmem>> -> memref<4x4x8x144xf32, #tpu.memory_space<vmem>>
        tpu.vector_store_idx %parallel_loop3A_643[%shift_right_logical3A_4, %parallel_loop3A_437, %and3A_9, %parallel_loop3A_627], %parallel_loop3A_632 : memref<4x4x8x144xf32, #tpu.memory_space<vmem>>[vector<16xi32>, vector<16xi32>, vector<16xi32>, vector<16xi32>], vector<16xf32>,
        %parallel_loop3A_644 = arith.constant 0 : i32
        %parallel_loop3A_645 = arith.constant 0 : i32
        %parallel_loop3A_646 = arith.constant 0 : i32
        %parallel_loop3A_647 = arith.constant 0 : i32
        %parallel_loop3A_648 = tpu.memref_slice %arg7[%parallel_loop3A_197, %parallel_loop3A_644, %parallel_loop3A_645, %parallel_loop3A_646, %parallel_loop3A_647] : memref<2x4x4x8x144xf32, #tpu.memory_space<vmem>> -> memref<1x4x4x8x144xf32, #tpu.memory_space<vmem>>
        %parallel_loop3A_649 = tpu.memref_squeeze %parallel_loop3A_648 : memref<1x4x4x8x144xf32, #tpu.memory_space<vmem>> -> memref<4x4x8x144xf32, #tpu.memory_space<vmem>>
        tpu.vector_store_idx %parallel_loop3A_649[%add3A_7, %parallel_loop3A_437, %and3A_9, %parallel_loop3A_627], %parallel_loop3A_637 : memref<4x4x8x144xf32, #tpu.memory_space<vmem>>[vector<16xi32>, vector<16xi32>, vector<16xi32>, vector<16xi32>], vector<16xf32>,
        %parallel_loop3A_650 = arith.constant 7 : i32
        %parallel_loop3A_651 = arith.addi %parallel_loop3A_431, %parallel_loop3A_650 : i32
        %parallel_loop3A_652 = arith.constant 0 : i32
        %parallel_loop3A_653 = vector.broadcast %parallel_loop3A_652 : i32 to vector<16xi32>
        %parallel_loop3A_654 = arith.constant 7 : i32
        %parallel_loop3A_655 = arith.addi %parallel_loop3A_439, %parallel_loop3A_654 : i32
        %parallel_loop3A_656 = vector.broadcast %parallel_loop3A_655 : i32 to vector<16xi32>
        %parallel_loop3A_657 = arith.addi %parallel_loop3A_653, %parallel_loop3A_656 : vector<16xi32>
        %parallel_loop3A_658 = arith.constant 0 : i32
        %parallel_loop3A_659 = arith.index_cast %parallel_loop3A_658 : i32 to index
        %parallel_loop3A_660 = arith.index_cast %parallel_loop3A_651 : i32 to index
        %parallel_loop3A_661 = arith.constant 0 : index
        %parallel_loop3A_662 = tpu.vector_load %arg6[%parallel_loop3A_659, %parallel_loop3A_660, %parallel_loop3A_661] {strides = array<i32>} : memref<4x512x32xf32, #tpu.memory_space<vmem>>, vector<16xf32>,
        %parallel_loop3A_663 = arith.constant 0 : i32
        %parallel_loop3A_664 = arith.index_cast %parallel_loop3A_663 : i32 to index
        %parallel_loop3A_665 = arith.index_cast %parallel_loop3A_651 : i32 to index
        %parallel_loop3A_666 = arith.constant 16 : index
        %parallel_loop3A_667 = tpu.vector_load %arg6[%parallel_loop3A_664, %parallel_loop3A_665, %parallel_loop3A_666] {strides = array<i32>} : memref<4x512x32xf32, #tpu.memory_space<vmem>>, vector<16xf32>,
        %parallel_loop3A_668 = arith.constant 0 : i32
        %parallel_loop3A_669 = arith.constant 0 : i32
        %parallel_loop3A_670 = arith.constant 0 : i32
        %parallel_loop3A_671 = arith.constant 0 : i32
        %parallel_loop3A_672 = tpu.memref_slice %arg7[%parallel_loop3A_197, %parallel_loop3A_668, %parallel_loop3A_669, %parallel_loop3A_670, %parallel_loop3A_671] : memref<2x4x4x8x144xf32, #tpu.memory_space<vmem>> -> memref<1x4x4x8x144xf32, #tpu.memory_space<vmem>>
        %parallel_loop3A_673 = tpu.memref_squeeze %parallel_loop3A_672 : memref<1x4x4x8x144xf32, #tpu.memory_space<vmem>> -> memref<4x4x8x144xf32, #tpu.memory_space<vmem>>
        tpu.vector_store_idx %parallel_loop3A_673[%shift_right_logical3A_4, %parallel_loop3A_437, %and3A_9, %parallel_loop3A_657], %parallel_loop3A_662 : memref<4x4x8x144xf32, #tpu.memory_space<vmem>>[vector<16xi32>, vector<16xi32>, vector<16xi32>, vector<16xi32>], vector<16xf32>,
        %parallel_loop3A_674 = arith.constant 0 : i32
        %parallel_loop3A_675 = arith.constant 0 : i32
        %parallel_loop3A_676 = arith.constant 0 : i32
        %parallel_loop3A_677 = arith.constant 0 : i32
        %parallel_loop3A_678 = tpu.memref_slice %arg7[%parallel_loop3A_197, %parallel_loop3A_674, %parallel_loop3A_675, %parallel_loop3A_676, %parallel_loop3A_677] : memref<2x4x4x8x144xf32, #tpu.memory_space<vmem>> -> memref<1x4x4x8x144xf32, #tpu.memory_space<vmem>>
        %parallel_loop3A_679 = tpu.memref_squeeze %parallel_loop3A_678 : memref<1x4x4x8x144xf32, #tpu.memory_space<vmem>> -> memref<4x4x8x144xf32, #tpu.memory_space<vmem>>
        tpu.vector_store_idx %parallel_loop3A_679[%add3A_7, %parallel_loop3A_437, %and3A_9, %parallel_loop3A_657], %parallel_loop3A_667 : memref<4x4x8x144xf32, #tpu.memory_space<vmem>>[vector<16xi32>, vector<16xi32>, vector<16xi32>, vector<16xi32>], vector<16xf32>,
      } {sc.loop_unroll_factor = 2 : i64, sc.parallel_access}
      %dma_start3A_198 = arith.constant 0 : i32
      %dma_start3A_199 = arith.constant 0 : i32
      %dma_start3A_200 = arith.constant 0 : i32
      %dma_start3A_201 = arith.constant 0 : i32
      %dma_start3A_202 = arith.constant 0 : i32
      %dma_start3A_203 = tpu.memref_slice %arg7[%dma_start3A_198, %dma_start3A_199, %dma_start3A_200, %dma_start3A_201, %dma_start3A_202] : memref<2x4x4x8x144xf32, #tpu.memory_space<vmem>> -> memref<1x4x4x8x128xf32, #tpu.memory_space<vmem>>
      %dma_start3A_204 = tpu.memref_squeeze %dma_start3A_203 : memref<1x4x4x8x128xf32, #tpu.memory_space<vmem>> -> memref<4x4x8x128xf32, #tpu.memory_space<vmem>>
      %dma_start3A_205 = arith.constant 0 : i32
      %dma_start3A_206 = arith.constant 0 : i32
      %dma_start3A_207 = arith.constant 0 : i32
      %dma_start3A_208 = tpu.memref_slice %arg4[%shift_right_arithmetic3A_171, %dma_start3A_205, %multiple_of3A_176, %dma_start3A_206, %dma_start3A_207] : memref<200x4x128x8x128xf32, #tpu.memory_space<hbm>> -> memref<1x4x4x8x128xf32, #tpu.memory_space<hbm>>
      %dma_start3A_209 = tpu.memref_squeeze %dma_start3A_208 : memref<1x4x4x8x128xf32, #tpu.memory_space<hbm>> -> memref<4x4x8x128xf32, #tpu.memory_space<hbm>>
      %dma_start3A_210 = arith.constant 0 : i32
      %dma_start3A_211 = arith.constant 0 : i32
      %dma_start3A_212 = arith.constant 0 : i32
      %dma_start3A_213 = tpu.memref_slice %arg4[%shift_right_arithmetic3A_171, %dma_start3A_210, %multiple_of3A_176, %dma_start3A_211, %dma_start3A_212] : memref<200x4x128x8x128xf32, #tpu.memory_space<hbm>> -> memref<1x4x4x8x128xf32, #tpu.memory_space<hbm>>
      %dma_start3A_214 = tpu.memref_squeeze %dma_start3A_213 : memref<1x4x4x8x128xf32, #tpu.memory_space<hbm>> -> memref<4x4x8x128xf32, #tpu.memory_space<hbm>>
      %dma_start3A_215 = arith.constant 0 : i32
      %dma_start3A_216 = arith.constant 0 : i32
      %dma_start3A_217 = arith.constant 0 : i32
      %dma_start3A_218 = arith.constant 0 : i32
      %dma_start3A_219 = tpu.memref_slice %arg7[%dma_start3A_198, %dma_start3A_215, %dma_start3A_216, %dma_start3A_217, %dma_start3A_218] : memref<2x4x4x8x144xf32, #tpu.memory_space<vmem>> -> memref<1x4x4x8x128xf32, #tpu.memory_space<vmem>>
      %dma_start3A_220 = tpu.memref_squeeze %dma_start3A_219 : memref<1x4x4x8x128xf32, #tpu.memory_space<vmem>> -> memref<4x4x8x128xf32, #tpu.memory_space<vmem>>
      tpu.enqueue_dma source(%dma_start3A_220 : memref<4x4x8x128xf32, #tpu.memory_space<vmem>>) target(%dma_start3A_214 : memref<4x4x8x128xf32, #tpu.memory_space<hbm>>) target_semaphore(%arg16 : memref<!tpu.dma_semaphore, #tpu.memory_space<semaphore_mem>>)
      %lt3A_221 = arith.constant 49 : i32
      %lt3A_222 = arith.cmpi slt, %scan3A_162, %lt3A_221 : i32
      %convert_element_type3A_223 = arith.extui %lt3A_222 : i1 to i32
      %cond3A_224 = arith.constant 0 : i32
      %cond3A_225 = arith.cmpi ne, %convert_element_type3A_223, %cond3A_224 : i32
      scf.if %cond3A_225 {
        %dma_wait3A_430 = arith.constant 0 : i32
        %dma_wait3A_431 = arith.constant 0 : i32
        %dma_wait3A_432 = tpu.memref_slice %arg5[%dma_wait3A_430, %dma_wait3A_431] : memref<4x512xi32, #tpu.memory_space<vmem>> -> memref<1x512xi32, #tpu.memory_space<vmem>>
        %dma_wait3A_433 = tpu.memref_squeeze %dma_wait3A_432 : memref<1x512xi32, #tpu.memory_space<vmem>> -> memref<512xi32, #tpu.memory_space<vmem>>
        %dma_wait3A_434 = arith.constant 0 : i32
        %dma_wait3A_435 = tpu.memref_slice %arg2[%dma_wait3A_434] : memref<3276800xi32, #tpu.memory_space<hbm>> -> memref<512xi32, #tpu.memory_space<hbm>>
        %dma_wait3A_436 = arith.constant 0 : i32
        %dma_wait3A_437 = tpu.memref_slice %arg5[%dma_wait3A_430, %dma_wait3A_436] : memref<4x512xi32, #tpu.memory_space<vmem>> -> memref<1x512xi32, #tpu.memory_space<vmem>>
        %dma_wait3A_438 = tpu.memref_squeeze %dma_wait3A_437 : memref<1x512xi32, #tpu.memory_space<vmem>> -> memref<512xi32, #tpu.memory_space<vmem>>
        %dma_wait3A_439 = arith.constant 0 : i32
        %dma_wait3A_440 = tpu.memref_slice %arg2[%dma_wait3A_439] : memref<3276800xi32, #tpu.memory_space<hbm>> -> memref<512xi32, #tpu.memory_space<hbm>>
        tpu.wait_dma2 semaphore(%arg8 : memref<!tpu.dma_semaphore, #tpu.memory_space<semaphore_mem>>) src(%dma_wait3A_440 : memref<512xi32, #tpu.memory_space<hbm>>) dst(%dma_wait3A_438 : memref<512xi32, #tpu.memory_space<vmem>>)
        %dma_start3A_441 = arith.constant 0 : i32
        %dma_start3A_442 = arith.constant 0 : i32
        %dma_start3A_443 = arith.constant 0 : i32
        %dma_start3A_444 = arith.constant 0 : i32
        %dma_start3A_445 = tpu.memref_slice %arg6[%dma_start3A_442, %dma_start3A_443, %dma_start3A_444] : memref<4x512x32xf32, #tpu.memory_space<vmem>> -> memref<1x512x32xf32, #tpu.memory_space<vmem>>
        %dma_start3A_446 = tpu.memref_squeeze %dma_start3A_445 : memref<1x512x32xf32, #tpu.memory_space<vmem>> -> memref<512x32xf32, #tpu.memory_space<vmem>>
        %dma_start3A_447 = arith.constant 0 : i32
        %dma_start3A_448 = tpu.memref_slice %arg5[%dma_start3A_441, %dma_start3A_447] : memref<4x512xi32, #tpu.memory_space<vmem>> -> memref<1x512xi32, #tpu.memory_space<vmem>>
        %dma_start3A_449 = tpu.memref_squeeze %dma_start3A_448 : memref<1x512xi32, #tpu.memory_space<vmem>> -> memref<512xi32, #tpu.memory_space<vmem>>
        %dma_start3A_450 = arith.constant 0 : i32
        %dma_start3A_451 = arith.constant 0 : i32
        %dma_start3A_452 = tpu.memref_slice %arg3[%dma_start3A_450, %dma_start3A_451] : memref<100000x32xf32, #tpu.memory_space<hbm>> -> memref<100000x32xf32, #tpu.memory_space<hbm>>
        tpu.enqueue_indirect_dma source(%dma_start3A_452 : memref<100000x32xf32, #tpu.memory_space<hbm>>) target(%dma_start3A_446 : memref<512x32xf32, #tpu.memory_space<vmem>>) offsets(%dma_start3A_449 : memref<512xi32, #tpu.memory_space<vmem>>) semaphore(%arg12 : memref<!tpu.dma_semaphore, #tpu.memory_space<semaphore_mem>>)
      } else {
      }
      %mul3A_226 = arith.constant 4 : i32
      %mul3A_227 = arith.muli %mul3A_226, %scan3A_162 : i32
      %add3A_228 = arith.constant 1 : i32
      %add3A_229 = arith.addi %mul3A_227, %add3A_228 : i32
      %mul3A_230 = arith.constant 512 : i32
      %mul3A_231 = arith.muli %add3A_229, %mul3A_230 : i32
      %add3A_232 = arith.addi %mul3A_2, %mul3A_231 : i32
      %shift_right_arithmetic3A_233 = arith.constant 14 : i32
      %shift_right_arithmetic3A_234 = arith.shrsi %add3A_232, %shift_right_arithmetic3A_233 : i32
      %and3A_235 = arith.constant 16383 : i32
      %and3A_236 = arith.andi %add3A_232, %and3A_235 : i32
      %shift_right_arithmetic3A_237 = arith.constant 7 : i32
      %shift_right_arithmetic3A_238 = arith.shrsi %and3A_236, %shift_right_arithmetic3A_237 : i32
      %multiple_of3A_239 = tpu.assume_multiple %shift_right_arithmetic3A_238, 4 : i32
      %dma_wait3A_240 = arith.constant 1 : i32
      %dma_wait3A_241 = arith.constant 1 : i32
      %dma_wait3A_242 = arith.constant 0 : i32
      %dma_wait3A_243 = arith.constant 0 : i32
      %dma_wait3A_244 = tpu.memref_slice %arg6[%dma_wait3A_241, %dma_wait3A_242, %dma_wait3A_243] : memref<4x512x32xf32, #tpu.memory_space<vmem>> -> memref<1x512x32xf32, #tpu.memory_space<vmem>>
      %dma_wait3A_245 = tpu.memref_squeeze %dma_wait3A_244 : memref<1x512x32xf32, #tpu.memory_space<vmem>> -> memref<512x32xf32, #tpu.memory_space<vmem>>
      %dma_wait3A_246 = arith.constant 0 : i32
      %dma_wait3A_247 = tpu.memref_slice %arg5[%dma_wait3A_240, %dma_wait3A_246] : memref<4x512xi32, #tpu.memory_space<vmem>> -> memref<1x512xi32, #tpu.memory_space<vmem>>
      %dma_wait3A_248 = tpu.memref_squeeze %dma_wait3A_247 : memref<1x512xi32, #tpu.memory_space<vmem>> -> memref<512xi32, #tpu.memory_space<vmem>>
      %dma_wait3A_249 = arith.constant 0 : i32
      %dma_wait3A_250 = arith.constant 0 : i32
      %dma_wait3A_251 = tpu.memref_slice %arg3[%dma_wait3A_249, %dma_wait3A_250] : memref<100000x32xf32, #tpu.memory_space<hbm>> -> memref<100000x32xf32, #tpu.memory_space<hbm>>
      tpu.wait_indirect_dma semaphore(%arg13 : memref<!tpu.dma_semaphore, #tpu.memory_space<semaphore_mem>>) src(%dma_wait3A_251 : memref<100000x32xf32, #tpu.memory_space<hbm>>) dst(%dma_wait3A_245 : memref<512x32xf32, #tpu.memory_space<vmem>>)
      %lt3A_252 = arith.constant 49 : i32
      %lt3A_253 = arith.cmpi slt, %scan3A_162, %lt3A_252 : i32
      %convert_element_type3A_254 = arith.extui %lt3A_253 : i1 to i32
      %cond3A_255 = arith.constant 0 : i32
      %cond3A_256 = arith.cmpi ne, %convert_element_type3A_254, %cond3A_255 : i32
      scf.if %cond3A_256 {
        %add3A_430 = arith.constant 4 : i32
        %add3A_431 = arith.addi %add3A_229, %add3A_430 : i32
        %mul3A_432 = arith.constant 512 : i32
        %mul3A_433 = arith.muli %add3A_431, %mul3A_432 : i32
        %add3A_434 = arith.addi %mul3A_2, %mul3A_433 : i32
        %shift_right_arithmetic3A_435 = arith.constant 14 : i32
        %shift_right_arithmetic3A_436 = arith.shrsi %add3A_434, %shift_right_arithmetic3A_435 : i32
        %and3A_437 = arith.constant 16383 : i32
        %and3A_438 = arith.andi %add3A_434, %and3A_437 : i32
        %shift_right_arithmetic3A_439 = arith.constant 7 : i32
        %shift_right_arithmetic3A_440 = arith.shrsi %and3A_438, %shift_right_arithmetic3A_439 : i32
        %multiple_of3A_441 = tpu.assume_multiple %shift_right_arithmetic3A_440, 4 : i32
        %dma_start3A_442 = arith.constant 1 : i32
        %dma_start3A_443 = arith.constant 0 : i32
        %dma_start3A_444 = tpu.memref_slice %arg5[%dma_start3A_442, %dma_start3A_443] : memref<4x512xi32, #tpu.memory_space<vmem>> -> memref<1x512xi32, #tpu.memory_space<vmem>>
        %dma_start3A_445 = tpu.memref_squeeze %dma_start3A_444 : memref<1x512xi32, #tpu.memory_space<vmem>> -> memref<512xi32, #tpu.memory_space<vmem>>
        %dma_start3A_446 = tpu.memref_slice %arg2[%add3A_434] : memref<3276800xi32, #tpu.memory_space<hbm>> -> memref<512xi32, #tpu.memory_space<hbm>>
        %dma_start3A_447 = arith.constant 0 : i32
        %dma_start3A_448 = tpu.memref_slice %arg5[%dma_start3A_442, %dma_start3A_447] : memref<4x512xi32, #tpu.memory_space<vmem>> -> memref<1x512xi32, #tpu.memory_space<vmem>>
        %dma_start3A_449 = tpu.memref_squeeze %dma_start3A_448 : memref<1x512xi32, #tpu.memory_space<vmem>> -> memref<512xi32, #tpu.memory_space<vmem>>
        %dma_start3A_450 = tpu.memref_slice %arg2[%add3A_434] : memref<3276800xi32, #tpu.memory_space<hbm>> -> memref<512xi32, #tpu.memory_space<hbm>>
        tpu.enqueue_dma source(%dma_start3A_450 : memref<512xi32, #tpu.memory_space<hbm>>) target(%dma_start3A_449 : memref<512xi32, #tpu.memory_space<vmem>>) target_semaphore(%arg9 : memref<!tpu.dma_semaphore, #tpu.memory_space<semaphore_mem>>)
      } else {
      }
      %ge3A_257 = arith.constant 2 : i32
      %ge3A_258 = arith.cmpi sge, %add3A_229, %ge3A_257 : i32
      %convert_element_type3A_259 = arith.extui %ge3A_258 : i1 to i32
      %cond3A_260 = arith.constant 0 : i32
      %cond3A_261 = arith.cmpi ne, %convert_element_type3A_259, %cond3A_260 : i32
      scf.if %cond3A_261 {
        %sub3A = arith.constant 2 : i32
        %sub3A_430 = arith.subi %add3A_229, %sub3A : i32
        %mul3A_431 = arith.constant 512 : i32
        %mul3A_432 = arith.muli %sub3A_430, %mul3A_431 : i32
        %add3A_433 = arith.addi %mul3A_2, %mul3A_432 : i32
        %shift_right_arithmetic3A_434 = arith.constant 14 : i32
        %shift_right_arithmetic3A_435 = arith.shrsi %add3A_433, %shift_right_arithmetic3A_434 : i32
        %and3A_436 = arith.constant 16383 : i32
        %and3A_437 = arith.andi %add3A_433, %and3A_436 : i32
        %shift_right_arithmetic3A_438 = arith.constant 7 : i32
        %shift_right_arithmetic3A_439 = arith.shrsi %and3A_437, %shift_right_arithmetic3A_438 : i32
        %multiple_of3A_440 = tpu.assume_multiple %shift_right_arithmetic3A_439, 4 : i32
        %dma_wait3A_441 = arith.constant 1 : i32
        %dma_wait3A_442 = arith.constant 0 : i32
        %dma_wait3A_443 = arith.constant 0 : i32
        %dma_wait3A_444 = arith.constant 0 : i32
        %dma_wait3A_445 = arith.constant 0 : i32
        %dma_wait3A_446 = tpu.memref_slice %arg7[%dma_wait3A_441, %dma_wait3A_442, %dma_wait3A_443, %dma_wait3A_444, %dma_wait3A_445] : memref<2x4x4x8x144xf32, #tpu.memory_space<vmem>> -> memref<1x4x4x8x128xf32, #tpu.memory_space<vmem>>
        %dma_wait3A_447 = tpu.memref_squeeze %dma_wait3A_446 : memref<1x4x4x8x128xf32, #tpu.memory_space<vmem>> -> memref<4x4x8x128xf32, #tpu.memory_space<vmem>>
        %dma_wait3A_448 = arith.constant 0 : i32
        %dma_wait3A_449 = arith.constant 0 : i32
        %dma_wait3A_450 = arith.constant 0 : i32
        %dma_wait3A_451 = tpu.memref_slice %arg4[%shift_right_arithmetic3A_435, %dma_wait3A_448, %multiple_of3A_440, %dma_wait3A_449, %dma_wait3A_450] : memref<200x4x128x8x128xf32, #tpu.memory_space<hbm>> -> memref<1x4x4x8x128xf32, #tpu.memory_space<hbm>>
        %dma_wait3A_452 = tpu.memref_squeeze %dma_wait3A_451 : memref<1x4x4x8x128xf32, #tpu.memory_space<hbm>> -> memref<4x4x8x128xf32, #tpu.memory_space<hbm>>
        %dma_wait3A_453 = arith.constant 0 : i32
        %dma_wait3A_454 = arith.constant 0 : i32
        %dma_wait3A_455 = arith.constant 0 : i32
        %dma_wait3A_456 = tpu.memref_slice %arg4[%shift_right_arithmetic3A_435, %dma_wait3A_453, %multiple_of3A_440, %dma_wait3A_454, %dma_wait3A_455] : memref<200x4x128x8x128xf32, #tpu.memory_space<hbm>> -> memref<1x4x4x8x128xf32, #tpu.memory_space<hbm>>
        %dma_wait3A_457 = tpu.memref_squeeze %dma_wait3A_456 : memref<1x4x4x8x128xf32, #tpu.memory_space<hbm>> -> memref<4x4x8x128xf32, #tpu.memory_space<hbm>>
        %dma_wait3A_458 = arith.constant 0 : i32
        %dma_wait3A_459 = arith.constant 0 : i32
        %dma_wait3A_460 = arith.constant 0 : i32
        %dma_wait3A_461 = arith.constant 0 : i32
        %dma_wait3A_462 = tpu.memref_slice %arg7[%dma_wait3A_441, %dma_wait3A_458, %dma_wait3A_459, %dma_wait3A_460, %dma_wait3A_461] : memref<2x4x4x8x144xf32, #tpu.memory_space<vmem>> -> memref<1x4x4x8x128xf32, #tpu.memory_space<vmem>>
        %dma_wait3A_463 = tpu.memref_squeeze %dma_wait3A_462 : memref<1x4x4x8x128xf32, #tpu.memory_space<vmem>> -> memref<4x4x8x128xf32, #tpu.memory_space<vmem>>
        tpu.wait_dma2 semaphore(%arg17 : memref<!tpu.dma_semaphore, #tpu.memory_space<semaphore_mem>>) src(%dma_wait3A_463 : memref<4x4x8x128xf32, #tpu.memory_space<vmem>>) dst(%dma_wait3A_457 : memref<4x4x8x128xf32, #tpu.memory_space<hbm>>)
      } else {
      }
      %parallel_loop3A_262 = arith.constant 0 : i32
      %parallel_loop3A_263 = arith.constant 512 : i32
      %parallel_loop3A_264 = arith.constant 8 : i32
      %parallel_loop3A_265 = arith.constant 1 : i32
      scf.for %parallel_loop3A_430 = %parallel_loop3A_262 to %parallel_loop3A_263 step %parallel_loop3A_264  : i32 {
        %parallel_loop3A_431 = tpu.assume_multiple %parallel_loop3A_430, 8 : i32
        %parallel_loop3A_432 = arith.constant 7 : i32
        %parallel_loop3A_433 = arith.shrui %parallel_loop3A_431, %parallel_loop3A_432 : i32
        %parallel_loop3A_434 = arith.constant 0 : i32
        %parallel_loop3A_435 = vector.broadcast %parallel_loop3A_434 : i32 to vector<16xi32>
        %parallel_loop3A_436 = vector.broadcast %parallel_loop3A_433 : i32 to vector<16xi32>
        %parallel_loop3A_437 = arith.addi %parallel_loop3A_435, %parallel_loop3A_436 : vector<16xi32>
        %parallel_loop3A_438 = arith.constant 127 : i32
        %parallel_loop3A_439 = arith.andi %parallel_loop3A_431, %parallel_loop3A_438 : i32
        %parallel_loop3A_440 = arith.constant 0 : i32
        %parallel_loop3A_441 = arith.addi %parallel_loop3A_431, %parallel_loop3A_440 : i32
        %parallel_loop3A_442 = arith.constant 0 : i32
        %parallel_loop3A_443 = vector.broadcast %parallel_loop3A_442 : i32 to vector<16xi32>
        %parallel_loop3A_444 = arith.constant 0 : i32
        %parallel_loop3A_445 = arith.addi %parallel_loop3A_439, %parallel_loop3A_444 : i32
        %parallel_loop3A_446 = vector.broadcast %parallel_loop3A_445 : i32 to vector<16xi32>
        %parallel_loop3A_447 = arith.addi %parallel_loop3A_443, %parallel_loop3A_446 : vector<16xi32>
        %parallel_loop3A_448 = arith.constant 1 : i32
        %parallel_loop3A_449 = arith.index_cast %parallel_loop3A_448 : i32 to index
        %parallel_loop3A_450 = arith.index_cast %parallel_loop3A_441 : i32 to index
        %parallel_loop3A_451 = arith.constant 0 : index
        %parallel_loop3A_452 = tpu.vector_load %arg6[%parallel_loop3A_449, %parallel_loop3A_450, %parallel_loop3A_451] {strides = array<i32>} : memref<4x512x32xf32, #tpu.memory_space<vmem>>, vector<16xf32>,
        %parallel_loop3A_453 = arith.constant 1 : i32
        %parallel_loop3A_454 = arith.index_cast %parallel_loop3A_453 : i32 to index
        %parallel_loop3A_455 = arith.index_cast %parallel_loop3A_441 : i32 to index
        %parallel_loop3A_456 = arith.constant 16 : index
        %parallel_loop3A_457 = tpu.vector_load %arg6[%parallel_loop3A_454, %parallel_loop3A_455, %parallel_loop3A_456] {strides = array<i32>} : memref<4x512x32xf32, #tpu.memory_space<vmem>>, vector<16xf32>,
        %parallel_loop3A_458 = arith.constant 0 : i32
        %parallel_loop3A_459 = arith.constant 0 : i32
        %parallel_loop3A_460 = arith.constant 0 : i32
        %parallel_loop3A_461 = arith.constant 0 : i32
        %parallel_loop3A_462 = tpu.memref_slice %arg7[%parallel_loop3A_265, %parallel_loop3A_458, %parallel_loop3A_459, %parallel_loop3A_460, %parallel_loop3A_461] : memref<2x4x4x8x144xf32, #tpu.memory_space<vmem>> -> memref<1x4x4x8x144xf32, #tpu.memory_space<vmem>>
        %parallel_loop3A_463 = tpu.memref_squeeze %parallel_loop3A_462 : memref<1x4x4x8x144xf32, #tpu.memory_space<vmem>> -> memref<4x4x8x144xf32, #tpu.memory_space<vmem>>
        tpu.vector_store_idx %parallel_loop3A_463[%shift_right_logical3A_4, %parallel_loop3A_437, %and3A_9, %parallel_loop3A_447], %parallel_loop3A_452 : memref<4x4x8x144xf32, #tpu.memory_space<vmem>>[vector<16xi32>, vector<16xi32>, vector<16xi32>, vector<16xi32>], vector<16xf32>,
        %parallel_loop3A_464 = arith.constant 0 : i32
        %parallel_loop3A_465 = arith.constant 0 : i32
        %parallel_loop3A_466 = arith.constant 0 : i32
        %parallel_loop3A_467 = arith.constant 0 : i32
        %parallel_loop3A_468 = tpu.memref_slice %arg7[%parallel_loop3A_265, %parallel_loop3A_464, %parallel_loop3A_465, %parallel_loop3A_466, %parallel_loop3A_467] : memref<2x4x4x8x144xf32, #tpu.memory_space<vmem>> -> memref<1x4x4x8x144xf32, #tpu.memory_space<vmem>>
        %parallel_loop3A_469 = tpu.memref_squeeze %parallel_loop3A_468 : memref<1x4x4x8x144xf32, #tpu.memory_space<vmem>> -> memref<4x4x8x144xf32, #tpu.memory_space<vmem>>
        tpu.vector_store_idx %parallel_loop3A_469[%add3A_7, %parallel_loop3A_437, %and3A_9, %parallel_loop3A_447], %parallel_loop3A_457 : memref<4x4x8x144xf32, #tpu.memory_space<vmem>>[vector<16xi32>, vector<16xi32>, vector<16xi32>, vector<16xi32>], vector<16xf32>,
        %parallel_loop3A_470 = arith.constant 1 : i32
        %parallel_loop3A_471 = arith.addi %parallel_loop3A_431, %parallel_loop3A_470 : i32
        %parallel_loop3A_472 = arith.constant 0 : i32
        %parallel_loop3A_473 = vector.broadcast %parallel_loop3A_472 : i32 to vector<16xi32>
        %parallel_loop3A_474 = arith.constant 1 : i32
        %parallel_loop3A_475 = arith.addi %parallel_loop3A_439, %parallel_loop3A_474 : i32
        %parallel_loop3A_476 = vector.broadcast %parallel_loop3A_475 : i32 to vector<16xi32>
        %parallel_loop3A_477 = arith.addi %parallel_loop3A_473, %parallel_loop3A_476 : vector<16xi32>
        %parallel_loop3A_478 = arith.constant 1 : i32
        %parallel_loop3A_479 = arith.index_cast %parallel_loop3A_478 : i32 to index
        %parallel_loop3A_480 = arith.index_cast %parallel_loop3A_471 : i32 to index
        %parallel_loop3A_481 = arith.constant 0 : index
        %parallel_loop3A_482 = tpu.vector_load %arg6[%parallel_loop3A_479, %parallel_loop3A_480, %parallel_loop3A_481] {strides = array<i32>} : memref<4x512x32xf32, #tpu.memory_space<vmem>>, vector<16xf32>,
        %parallel_loop3A_483 = arith.constant 1 : i32
        %parallel_loop3A_484 = arith.index_cast %parallel_loop3A_483 : i32 to index
        %parallel_loop3A_485 = arith.index_cast %parallel_loop3A_471 : i32 to index
        %parallel_loop3A_486 = arith.constant 16 : index
        %parallel_loop3A_487 = tpu.vector_load %arg6[%parallel_loop3A_484, %parallel_loop3A_485, %parallel_loop3A_486] {strides = array<i32>} : memref<4x512x32xf32, #tpu.memory_space<vmem>>, vector<16xf32>,
        %parallel_loop3A_488 = arith.constant 0 : i32
        %parallel_loop3A_489 = arith.constant 0 : i32
        %parallel_loop3A_490 = arith.constant 0 : i32
        %parallel_loop3A_491 = arith.constant 0 : i32
        %parallel_loop3A_492 = tpu.memref_slice %arg7[%parallel_loop3A_265, %parallel_loop3A_488, %parallel_loop3A_489, %parallel_loop3A_490, %parallel_loop3A_491] : memref<2x4x4x8x144xf32, #tpu.memory_space<vmem>> -> memref<1x4x4x8x144xf32, #tpu.memory_space<vmem>>
        %parallel_loop3A_493 = tpu.memref_squeeze %parallel_loop3A_492 : memref<1x4x4x8x144xf32, #tpu.memory_space<vmem>> -> memref<4x4x8x144xf32, #tpu.memory_space<vmem>>
        tpu.vector_store_idx %parallel_loop3A_493[%shift_right_logical3A_4, %parallel_loop3A_437, %and3A_9, %parallel_loop3A_477], %parallel_loop3A_482 : memref<4x4x8x144xf32, #tpu.memory_space<vmem>>[vector<16xi32>, vector<16xi32>, vector<16xi32>, vector<16xi32>], vector<16xf32>,
        %parallel_loop3A_494 = arith.constant 0 : i32
        %parallel_loop3A_495 = arith.constant 0 : i32
        %parallel_loop3A_496 = arith.constant 0 : i32
        %parallel_loop3A_497 = arith.constant 0 : i32
        %parallel_loop3A_498 = tpu.memref_slice %arg7[%parallel_loop3A_265, %parallel_loop3A_494, %parallel_loop3A_495, %parallel_loop3A_496, %parallel_loop3A_497] : memref<2x4x4x8x144xf32, #tpu.memory_space<vmem>> -> memref<1x4x4x8x144xf32, #tpu.memory_space<vmem>>
        %parallel_loop3A_499 = tpu.memref_squeeze %parallel_loop3A_498 : memref<1x4x4x8x144xf32, #tpu.memory_space<vmem>> -> memref<4x4x8x144xf32, #tpu.memory_space<vmem>>
        tpu.vector_store_idx %parallel_loop3A_499[%add3A_7, %parallel_loop3A_437, %and3A_9, %parallel_loop3A_477], %parallel_loop3A_487 : memref<4x4x8x144xf32, #tpu.memory_space<vmem>>[vector<16xi32>, vector<16xi32>, vector<16xi32>, vector<16xi32>], vector<16xf32>,
        %parallel_loop3A_500 = arith.constant 2 : i32
        %parallel_loop3A_501 = arith.addi %parallel_loop3A_431, %parallel_loop3A_500 : i32
        %parallel_loop3A_502 = arith.constant 0 : i32
        %parallel_loop3A_503 = vector.broadcast %parallel_loop3A_502 : i32 to vector<16xi32>
        %parallel_loop3A_504 = arith.constant 2 : i32
        %parallel_loop3A_505 = arith.addi %parallel_loop3A_439, %parallel_loop3A_504 : i32
        %parallel_loop3A_506 = vector.broadcast %parallel_loop3A_505 : i32 to vector<16xi32>
        %parallel_loop3A_507 = arith.addi %parallel_loop3A_503, %parallel_loop3A_506 : vector<16xi32>
        %parallel_loop3A_508 = arith.constant 1 : i32
        %parallel_loop3A_509 = arith.index_cast %parallel_loop3A_508 : i32 to index
        %parallel_loop3A_510 = arith.index_cast %parallel_loop3A_501 : i32 to index
        %parallel_loop3A_511 = arith.constant 0 : index
        %parallel_loop3A_512 = tpu.vector_load %arg6[%parallel_loop3A_509, %parallel_loop3A_510, %parallel_loop3A_511] {strides = array<i32>} : memref<4x512x32xf32, #tpu.memory_space<vmem>>, vector<16xf32>,
        %parallel_loop3A_513 = arith.constant 1 : i32
        %parallel_loop3A_514 = arith.index_cast %parallel_loop3A_513 : i32 to index
        %parallel_loop3A_515 = arith.index_cast %parallel_loop3A_501 : i32 to index
        %parallel_loop3A_516 = arith.constant 16 : index
        %parallel_loop3A_517 = tpu.vector_load %arg6[%parallel_loop3A_514, %parallel_loop3A_515, %parallel_loop3A_516] {strides = array<i32>} : memref<4x512x32xf32, #tpu.memory_space<vmem>>, vector<16xf32>,
        %parallel_loop3A_518 = arith.constant 0 : i32
        %parallel_loop3A_519 = arith.constant 0 : i32
        %parallel_loop3A_520 = arith.constant 0 : i32
        %parallel_loop3A_521 = arith.constant 0 : i32
        %parallel_loop3A_522 = tpu.memref_slice %arg7[%parallel_loop3A_265, %parallel_loop3A_518, %parallel_loop3A_519, %parallel_loop3A_520, %parallel_loop3A_521] : memref<2x4x4x8x144xf32, #tpu.memory_space<vmem>> -> memref<1x4x4x8x144xf32, #tpu.memory_space<vmem>>
        %parallel_loop3A_523 = tpu.memref_squeeze %parallel_loop3A_522 : memref<1x4x4x8x144xf32, #tpu.memory_space<vmem>> -> memref<4x4x8x144xf32, #tpu.memory_space<vmem>>
        tpu.vector_store_idx %parallel_loop3A_523[%shift_right_logical3A_4, %parallel_loop3A_437, %and3A_9, %parallel_loop3A_507], %parallel_loop3A_512 : memref<4x4x8x144xf32, #tpu.memory_space<vmem>>[vector<16xi32>, vector<16xi32>, vector<16xi32>, vector<16xi32>], vector<16xf32>,
        %parallel_loop3A_524 = arith.constant 0 : i32
        %parallel_loop3A_525 = arith.constant 0 : i32
        %parallel_loop3A_526 = arith.constant 0 : i32
        %parallel_loop3A_527 = arith.constant 0 : i32
        %parallel_loop3A_528 = tpu.memref_slice %arg7[%parallel_loop3A_265, %parallel_loop3A_524, %parallel_loop3A_525, %parallel_loop3A_526, %parallel_loop3A_527] : memref<2x4x4x8x144xf32, #tpu.memory_space<vmem>> -> memref<1x4x4x8x144xf32, #tpu.memory_space<vmem>>
        %parallel_loop3A_529 = tpu.memref_squeeze %parallel_loop3A_528 : memref<1x4x4x8x144xf32, #tpu.memory_space<vmem>> -> memref<4x4x8x144xf32, #tpu.memory_space<vmem>>
        tpu.vector_store_idx %parallel_loop3A_529[%add3A_7, %parallel_loop3A_437, %and3A_9, %parallel_loop3A_507], %parallel_loop3A_517 : memref<4x4x8x144xf32, #tpu.memory_space<vmem>>[vector<16xi32>, vector<16xi32>, vector<16xi32>, vector<16xi32>], vector<16xf32>,
        %parallel_loop3A_530 = arith.constant 3 : i32
        %parallel_loop3A_531 = arith.addi %parallel_loop3A_431, %parallel_loop3A_530 : i32
        %parallel_loop3A_532 = arith.constant 0 : i32
        %parallel_loop3A_533 = vector.broadcast %parallel_loop3A_532 : i32 to vector<16xi32>
        %parallel_loop3A_534 = arith.constant 3 : i32
        %parallel_loop3A_535 = arith.addi %parallel_loop3A_439, %parallel_loop3A_534 : i32
        %parallel_loop3A_536 = vector.broadcast %parallel_loop3A_535 : i32 to vector<16xi32>
        %parallel_loop3A_537 = arith.addi %parallel_loop3A_533, %parallel_loop3A_536 : vector<16xi32>
        %parallel_loop3A_538 = arith.constant 1 : i32
        %parallel_loop3A_539 = arith.index_cast %parallel_loop3A_538 : i32 to index
        %parallel_loop3A_540 = arith.index_cast %parallel_loop3A_531 : i32 to index
        %parallel_loop3A_541 = arith.constant 0 : index
        %parallel_loop3A_542 = tpu.vector_load %arg6[%parallel_loop3A_539, %parallel_loop3A_540, %parallel_loop3A_541] {strides = array<i32>} : memref<4x512x32xf32, #tpu.memory_space<vmem>>, vector<16xf32>,
        %parallel_loop3A_543 = arith.constant 1 : i32
        %parallel_loop3A_544 = arith.index_cast %parallel_loop3A_543 : i32 to index
        %parallel_loop3A_545 = arith.index_cast %parallel_loop3A_531 : i32 to index
        %parallel_loop3A_546 = arith.constant 16 : index
        %parallel_loop3A_547 = tpu.vector_load %arg6[%parallel_loop3A_544, %parallel_loop3A_545, %parallel_loop3A_546] {strides = array<i32>} : memref<4x512x32xf32, #tpu.memory_space<vmem>>, vector<16xf32>,
        %parallel_loop3A_548 = arith.constant 0 : i32
        %parallel_loop3A_549 = arith.constant 0 : i32
        %parallel_loop3A_550 = arith.constant 0 : i32
        %parallel_loop3A_551 = arith.constant 0 : i32
        %parallel_loop3A_552 = tpu.memref_slice %arg7[%parallel_loop3A_265, %parallel_loop3A_548, %parallel_loop3A_549, %parallel_loop3A_550, %parallel_loop3A_551] : memref<2x4x4x8x144xf32, #tpu.memory_space<vmem>> -> memref<1x4x4x8x144xf32, #tpu.memory_space<vmem>>
        %parallel_loop3A_553 = tpu.memref_squeeze %parallel_loop3A_552 : memref<1x4x4x8x144xf32, #tpu.memory_space<vmem>> -> memref<4x4x8x144xf32, #tpu.memory_space<vmem>>
        tpu.vector_store_idx %parallel_loop3A_553[%shift_right_logical3A_4, %parallel_loop3A_437, %and3A_9, %parallel_loop3A_537], %parallel_loop3A_542 : memref<4x4x8x144xf32, #tpu.memory_space<vmem>>[vector<16xi32>, vector<16xi32>, vector<16xi32>, vector<16xi32>], vector<16xf32>,
        %parallel_loop3A_554 = arith.constant 0 : i32
        %parallel_loop3A_555 = arith.constant 0 : i32
        %parallel_loop3A_556 = arith.constant 0 : i32
        %parallel_loop3A_557 = arith.constant 0 : i32
        %parallel_loop3A_558 = tpu.memref_slice %arg7[%parallel_loop3A_265, %parallel_loop3A_554, %parallel_loop3A_555, %parallel_loop3A_556, %parallel_loop3A_557] : memref<2x4x4x8x144xf32, #tpu.memory_space<vmem>> -> memref<1x4x4x8x144xf32, #tpu.memory_space<vmem>>
        %parallel_loop3A_559 = tpu.memref_squeeze %parallel_loop3A_558 : memref<1x4x4x8x144xf32, #tpu.memory_space<vmem>> -> memref<4x4x8x144xf32, #tpu.memory_space<vmem>>
        tpu.vector_store_idx %parallel_loop3A_559[%add3A_7, %parallel_loop3A_437, %and3A_9, %parallel_loop3A_537], %parallel_loop3A_547 : memref<4x4x8x144xf32, #tpu.memory_space<vmem>>[vector<16xi32>, vector<16xi32>, vector<16xi32>, vector<16xi32>], vector<16xf32>,
        %parallel_loop3A_560 = arith.constant 4 : i32
        %parallel_loop3A_561 = arith.addi %parallel_loop3A_431, %parallel_loop3A_560 : i32
        %parallel_loop3A_562 = arith.constant 0 : i32
        %parallel_loop3A_563 = vector.broadcast %parallel_loop3A_562 : i32 to vector<16xi32>
        %parallel_loop3A_564 = arith.constant 4 : i32
        %parallel_loop3A_565 = arith.addi %parallel_loop3A_439, %parallel_loop3A_564 : i32
        %parallel_loop3A_566 = vector.broadcast %parallel_loop3A_565 : i32 to vector<16xi32>
        %parallel_loop3A_567 = arith.addi %parallel_loop3A_563, %parallel_loop3A_566 : vector<16xi32>
        %parallel_loop3A_568 = arith.constant 1 : i32
        %parallel_loop3A_569 = arith.index_cast %parallel_loop3A_568 : i32 to index
        %parallel_loop3A_570 = arith.index_cast %parallel_loop3A_561 : i32 to index
        %parallel_loop3A_571 = arith.constant 0 : index
        %parallel_loop3A_572 = tpu.vector_load %arg6[%parallel_loop3A_569, %parallel_loop3A_570, %parallel_loop3A_571] {strides = array<i32>} : memref<4x512x32xf32, #tpu.memory_space<vmem>>, vector<16xf32>,
        %parallel_loop3A_573 = arith.constant 1 : i32
        %parallel_loop3A_574 = arith.index_cast %parallel_loop3A_573 : i32 to index
        %parallel_loop3A_575 = arith.index_cast %parallel_loop3A_561 : i32 to index
        %parallel_loop3A_576 = arith.constant 16 : index
        %parallel_loop3A_577 = tpu.vector_load %arg6[%parallel_loop3A_574, %parallel_loop3A_575, %parallel_loop3A_576] {strides = array<i32>} : memref<4x512x32xf32, #tpu.memory_space<vmem>>, vector<16xf32>,
        %parallel_loop3A_578 = arith.constant 0 : i32
        %parallel_loop3A_579 = arith.constant 0 : i32
        %parallel_loop3A_580 = arith.constant 0 : i32
        %parallel_loop3A_581 = arith.constant 0 : i32
        %parallel_loop3A_582 = tpu.memref_slice %arg7[%parallel_loop3A_265, %parallel_loop3A_578, %parallel_loop3A_579, %parallel_loop3A_580, %parallel_loop3A_581] : memref<2x4x4x8x144xf32, #tpu.memory_space<vmem>> -> memref<1x4x4x8x144xf32, #tpu.memory_space<vmem>>
        %parallel_loop3A_583 = tpu.memref_squeeze %parallel_loop3A_582 : memref<1x4x4x8x144xf32, #tpu.memory_space<vmem>> -> memref<4x4x8x144xf32, #tpu.memory_space<vmem>>
        tpu.vector_store_idx %parallel_loop3A_583[%shift_right_logical3A_4, %parallel_loop3A_437, %and3A_9, %parallel_loop3A_567], %parallel_loop3A_572 : memref<4x4x8x144xf32, #tpu.memory_space<vmem>>[vector<16xi32>, vector<16xi32>, vector<16xi32>, vector<16xi32>], vector<16xf32>,
        %parallel_loop3A_584 = arith.constant 0 : i32
        %parallel_loop3A_585 = arith.constant 0 : i32
        %parallel_loop3A_586 = arith.constant 0 : i32
        %parallel_loop3A_587 = arith.constant 0 : i32
        %parallel_loop3A_588 = tpu.memref_slice %arg7[%parallel_loop3A_265, %parallel_loop3A_584, %parallel_loop3A_585, %parallel_loop3A_586, %parallel_loop3A_587] : memref<2x4x4x8x144xf32, #tpu.memory_space<vmem>> -> memref<1x4x4x8x144xf32, #tpu.memory_space<vmem>>
        %parallel_loop3A_589 = tpu.memref_squeeze %parallel_loop3A_588 : memref<1x4x4x8x144xf32, #tpu.memory_space<vmem>> -> memref<4x4x8x144xf32, #tpu.memory_space<vmem>>
        tpu.vector_store_idx %parallel_loop3A_589[%add3A_7, %parallel_loop3A_437, %and3A_9, %parallel_loop3A_567], %parallel_loop3A_577 : memref<4x4x8x144xf32, #tpu.memory_space<vmem>>[vector<16xi32>, vector<16xi32>, vector<16xi32>, vector<16xi32>], vector<16xf32>,
        %parallel_loop3A_590 = arith.constant 5 : i32
        %parallel_loop3A_591 = arith.addi %parallel_loop3A_431, %parallel_loop3A_590 : i32
        %parallel_loop3A_592 = arith.constant 0 : i32
        %parallel_loop3A_593 = vector.broadcast %parallel_loop3A_592 : i32 to vector<16xi32>
        %parallel_loop3A_594 = arith.constant 5 : i32
        %parallel_loop3A_595 = arith.addi %parallel_loop3A_439, %parallel_loop3A_594 : i32
        %parallel_loop3A_596 = vector.broadcast %parallel_loop3A_595 : i32 to vector<16xi32>
        %parallel_loop3A_597 = arith.addi %parallel_loop3A_593, %parallel_loop3A_596 : vector<16xi32>
        %parallel_loop3A_598 = arith.constant 1 : i32
        %parallel_loop3A_599 = arith.index_cast %parallel_loop3A_598 : i32 to index
        %parallel_loop3A_600 = arith.index_cast %parallel_loop3A_591 : i32 to index
        %parallel_loop3A_601 = arith.constant 0 : index
        %parallel_loop3A_602 = tpu.vector_load %arg6[%parallel_loop3A_599, %parallel_loop3A_600, %parallel_loop3A_601] {strides = array<i32>} : memref<4x512x32xf32, #tpu.memory_space<vmem>>, vector<16xf32>,
        %parallel_loop3A_603 = arith.constant 1 : i32
        %parallel_loop3A_604 = arith.index_cast %parallel_loop3A_603 : i32 to index
        %parallel_loop3A_605 = arith.index_cast %parallel_loop3A_591 : i32 to index
        %parallel_loop3A_606 = arith.constant 16 : index
        %parallel_loop3A_607 = tpu.vector_load %arg6[%parallel_loop3A_604, %parallel_loop3A_605, %parallel_loop3A_606] {strides = array<i32>} : memref<4x512x32xf32, #tpu.memory_space<vmem>>, vector<16xf32>,
        %parallel_loop3A_608 = arith.constant 0 : i32
        %parallel_loop3A_609 = arith.constant 0 : i32
        %parallel_loop3A_610 = arith.constant 0 : i32
        %parallel_loop3A_611 = arith.constant 0 : i32
        %parallel_loop3A_612 = tpu.memref_slice %arg7[%parallel_loop3A_265, %parallel_loop3A_608, %parallel_loop3A_609, %parallel_loop3A_610, %parallel_loop3A_611] : memref<2x4x4x8x144xf32, #tpu.memory_space<vmem>> -> memref<1x4x4x8x144xf32, #tpu.memory_space<vmem>>
        %parallel_loop3A_613 = tpu.memref_squeeze %parallel_loop3A_612 : memref<1x4x4x8x144xf32, #tpu.memory_space<vmem>> -> memref<4x4x8x144xf32, #tpu.memory_space<vmem>>
        tpu.vector_store_idx %parallel_loop3A_613[%shift_right_logical3A_4, %parallel_loop3A_437, %and3A_9, %parallel_loop3A_597], %parallel_loop3A_602 : memref<4x4x8x144xf32, #tpu.memory_space<vmem>>[vector<16xi32>, vector<16xi32>, vector<16xi32>, vector<16xi32>], vector<16xf32>,
        %parallel_loop3A_614 = arith.constant 0 : i32
        %parallel_loop3A_615 = arith.constant 0 : i32
        %parallel_loop3A_616 = arith.constant 0 : i32
        %parallel_loop3A_617 = arith.constant 0 : i32
        %parallel_loop3A_618 = tpu.memref_slice %arg7[%parallel_loop3A_265, %parallel_loop3A_614, %parallel_loop3A_615, %parallel_loop3A_616, %parallel_loop3A_617] : memref<2x4x4x8x144xf32, #tpu.memory_space<vmem>> -> memref<1x4x4x8x144xf32, #tpu.memory_space<vmem>>
        %parallel_loop3A_619 = tpu.memref_squeeze %parallel_loop3A_618 : memref<1x4x4x8x144xf32, #tpu.memory_space<vmem>> -> memref<4x4x8x144xf32, #tpu.memory_space<vmem>>
        tpu.vector_store_idx %parallel_loop3A_619[%add3A_7, %parallel_loop3A_437, %and3A_9, %parallel_loop3A_597], %parallel_loop3A_607 : memref<4x4x8x144xf32, #tpu.memory_space<vmem>>[vector<16xi32>, vector<16xi32>, vector<16xi32>, vector<16xi32>], vector<16xf32>,
        %parallel_loop3A_620 = arith.constant 6 : i32
        %parallel_loop3A_621 = arith.addi %parallel_loop3A_431, %parallel_loop3A_620 : i32
        %parallel_loop3A_622 = arith.constant 0 : i32
        %parallel_loop3A_623 = vector.broadcast %parallel_loop3A_622 : i32 to vector<16xi32>
        %parallel_loop3A_624 = arith.constant 6 : i32
        %parallel_loop3A_625 = arith.addi %parallel_loop3A_439, %parallel_loop3A_624 : i32
        %parallel_loop3A_626 = vector.broadcast %parallel_loop3A_625 : i32 to vector<16xi32>
        %parallel_loop3A_627 = arith.addi %parallel_loop3A_623, %parallel_loop3A_626 : vector<16xi32>
        %parallel_loop3A_628 = arith.constant 1 : i32
        %parallel_loop3A_629 = arith.index_cast %parallel_loop3A_628 : i32 to index
        %parallel_loop3A_630 = arith.index_cast %parallel_loop3A_621 : i32 to index
        %parallel_loop3A_631 = arith.constant 0 : index
        %parallel_loop3A_632 = tpu.vector_load %arg6[%parallel_loop3A_629, %parallel_loop3A_630, %parallel_loop3A_631] {strides = array<i32>} : memref<4x512x32xf32, #tpu.memory_space<vmem>>, vector<16xf32>,
        %parallel_loop3A_633 = arith.constant 1 : i32
        %parallel_loop3A_634 = arith.index_cast %parallel_loop3A_633 : i32 to index
        %parallel_loop3A_635 = arith.index_cast %parallel_loop3A_621 : i32 to index
        %parallel_loop3A_636 = arith.constant 16 : index
        %parallel_loop3A_637 = tpu.vector_load %arg6[%parallel_loop3A_634, %parallel_loop3A_635, %parallel_loop3A_636] {strides = array<i32>} : memref<4x512x32xf32, #tpu.memory_space<vmem>>, vector<16xf32>,
        %parallel_loop3A_638 = arith.constant 0 : i32
        %parallel_loop3A_639 = arith.constant 0 : i32
        %parallel_loop3A_640 = arith.constant 0 : i32
        %parallel_loop3A_641 = arith.constant 0 : i32
        %parallel_loop3A_642 = tpu.memref_slice %arg7[%parallel_loop3A_265, %parallel_loop3A_638, %parallel_loop3A_639, %parallel_loop3A_640, %parallel_loop3A_641] : memref<2x4x4x8x144xf32, #tpu.memory_space<vmem>> -> memref<1x4x4x8x144xf32, #tpu.memory_space<vmem>>
        %parallel_loop3A_643 = tpu.memref_squeeze %parallel_loop3A_642 : memref<1x4x4x8x144xf32, #tpu.memory_space<vmem>> -> memref<4x4x8x144xf32, #tpu.memory_space<vmem>>
        tpu.vector_store_idx %parallel_loop3A_643[%shift_right_logical3A_4, %parallel_loop3A_437, %and3A_9, %parallel_loop3A_627], %parallel_loop3A_632 : memref<4x4x8x144xf32, #tpu.memory_space<vmem>>[vector<16xi32>, vector<16xi32>, vector<16xi32>, vector<16xi32>], vector<16xf32>,
        %parallel_loop3A_644 = arith.constant 0 : i32
        %parallel_loop3A_645 = arith.constant 0 : i32
        %parallel_loop3A_646 = arith.constant 0 : i32
        %parallel_loop3A_647 = arith.constant 0 : i32
        %parallel_loop3A_648 = tpu.memref_slice %arg7[%parallel_loop3A_265, %parallel_loop3A_644, %parallel_loop3A_645, %parallel_loop3A_646, %parallel_loop3A_647] : memref<2x4x4x8x144xf32, #tpu.memory_space<vmem>> -> memref<1x4x4x8x144xf32, #tpu.memory_space<vmem>>
        %parallel_loop3A_649 = tpu.memref_squeeze %parallel_loop3A_648 : memref<1x4x4x8x144xf32, #tpu.memory_space<vmem>> -> memref<4x4x8x144xf32, #tpu.memory_space<vmem>>
        tpu.vector_store_idx %parallel_loop3A_649[%add3A_7, %parallel_loop3A_437, %and3A_9, %parallel_loop3A_627], %parallel_loop3A_637 : memref<4x4x8x144xf32, #tpu.memory_space<vmem>>[vector<16xi32>, vector<16xi32>, vector<16xi32>, vector<16xi32>], vector<16xf32>,
        %parallel_loop3A_650 = arith.constant 7 : i32
        %parallel_loop3A_651 = arith.addi %parallel_loop3A_431, %parallel_loop3A_650 : i32
        %parallel_loop3A_652 = arith.constant 0 : i32
        %parallel_loop3A_653 = vector.broadcast %parallel_loop3A_652 : i32 to vector<16xi32>
        %parallel_loop3A_654 = arith.constant 7 : i32
        %parallel_loop3A_655 = arith.addi %parallel_loop3A_439, %parallel_loop3A_654 : i32
        %parallel_loop3A_656 = vector.broadcast %parallel_loop3A_655 : i32 to vector<16xi32>
        %parallel_loop3A_657 = arith.addi %parallel_loop3A_653, %parallel_loop3A_656 : vector<16xi32>
        %parallel_loop3A_658 = arith.constant 1 : i32
        %parallel_loop3A_659 = arith.index_cast %parallel_loop3A_658 : i32 to index
        %parallel_loop3A_660 = arith.index_cast %parallel_loop3A_651 : i32 to index
        %parallel_loop3A_661 = arith.constant 0 : index
        %parallel_loop3A_662 = tpu.vector_load %arg6[%parallel_loop3A_659, %parallel_loop3A_660, %parallel_loop3A_661] {strides = array<i32>} : memref<4x512x32xf32, #tpu.memory_space<vmem>>, vector<16xf32>,
        %parallel_loop3A_663 = arith.constant 1 : i32
        %parallel_loop3A_664 = arith.index_cast %parallel_loop3A_663 : i32 to index
        %parallel_loop3A_665 = arith.index_cast %parallel_loop3A_651 : i32 to index
        %parallel_loop3A_666 = arith.constant 16 : index
        %parallel_loop3A_667 = tpu.vector_load %arg6[%parallel_loop3A_664, %parallel_loop3A_665, %parallel_loop3A_666] {strides = array<i32>} : memref<4x512x32xf32, #tpu.memory_space<vmem>>, vector<16xf32>,
        %parallel_loop3A_668 = arith.constant 0 : i32
        %parallel_loop3A_669 = arith.constant 0 : i32
        %parallel_loop3A_670 = arith.constant 0 : i32
        %parallel_loop3A_671 = arith.constant 0 : i32
        %parallel_loop3A_672 = tpu.memref_slice %arg7[%parallel_loop3A_265, %parallel_loop3A_668, %parallel_loop3A_669, %parallel_loop3A_670, %parallel_loop3A_671] : memref<2x4x4x8x144xf32, #tpu.memory_space<vmem>> -> memref<1x4x4x8x144xf32, #tpu.memory_space<vmem>>
        %parallel_loop3A_673 = tpu.memref_squeeze %parallel_loop3A_672 : memref<1x4x4x8x144xf32, #tpu.memory_space<vmem>> -> memref<4x4x8x144xf32, #tpu.memory_space<vmem>>
        tpu.vector_store_idx %parallel_loop3A_673[%shift_right_logical3A_4, %parallel_loop3A_437, %and3A_9, %parallel_loop3A_657], %parallel_loop3A_662 : memref<4x4x8x144xf32, #tpu.memory_space<vmem>>[vector<16xi32>, vector<16xi32>, vector<16xi32>, vector<16xi32>], vector<16xf32>,
        %parallel_loop3A_674 = arith.constant 0 : i32
        %parallel_loop3A_675 = arith.constant 0 : i32
        %parallel_loop3A_676 = arith.constant 0 : i32
        %parallel_loop3A_677 = arith.constant 0 : i32
        %parallel_loop3A_678 = tpu.memref_slice %arg7[%parallel_loop3A_265, %parallel_loop3A_674, %parallel_loop3A_675, %parallel_loop3A_676, %parallel_loop3A_677] : memref<2x4x4x8x144xf32, #tpu.memory_space<vmem>> -> memref<1x4x4x8x144xf32, #tpu.memory_space<vmem>>
        %parallel_loop3A_679 = tpu.memref_squeeze %parallel_loop3A_678 : memref<1x4x4x8x144xf32, #tpu.memory_space<vmem>> -> memref<4x4x8x144xf32, #tpu.memory_space<vmem>>
        tpu.vector_store_idx %parallel_loop3A_679[%add3A_7, %parallel_loop3A_437, %and3A_9, %parallel_loop3A_657], %parallel_loop3A_667 : memref<4x4x8x144xf32, #tpu.memory_space<vmem>>[vector<16xi32>, vector<16xi32>, vector<16xi32>, vector<16xi32>], vector<16xf32>,
      } {sc.loop_unroll_factor = 2 : i64, sc.parallel_access}
      %dma_start3A_266 = arith.constant 1 : i32
      %dma_start3A_267 = arith.constant 0 : i32
      %dma_start3A_268 = arith.constant 0 : i32
      %dma_start3A_269 = arith.constant 0 : i32
      %dma_start3A_270 = arith.constant 0 : i32
      %dma_start3A_271 = tpu.memref_slice %arg7[%dma_start3A_266, %dma_start3A_267, %dma_start3A_268, %dma_start3A_269, %dma_start3A_270] : memref<2x4x4x8x144xf32, #tpu.memory_space<vmem>> -> memref<1x4x4x8x128xf32, #tpu.memory_space<vmem>>
      %dma_start3A_272 = tpu.memref_squeeze %dma_start3A_271 : memref<1x4x4x8x128xf32, #tpu.memory_space<vmem>> -> memref<4x4x8x128xf32, #tpu.memory_space<vmem>>
      %dma_start3A_273 = arith.constant 0 : i32
      %dma_start3A_274 = arith.constant 0 : i32
      %dma_start3A_275 = arith.constant 0 : i32
      %dma_start3A_276 = tpu.memref_slice %arg4[%shift_right_arithmetic3A_234, %dma_start3A_273, %multiple_of3A_239, %dma_start3A_274, %dma_start3A_275] : memref<200x4x128x8x128xf32, #tpu.memory_space<hbm>> -> memref<1x4x4x8x128xf32, #tpu.memory_space<hbm>>
      %dma_start3A_277 = tpu.memref_squeeze %dma_start3A_276 : memref<1x4x4x8x128xf32, #tpu.memory_space<hbm>> -> memref<4x4x8x128xf32, #tpu.memory_space<hbm>>
      %dma_start3A_278 = arith.constant 0 : i32
      %dma_start3A_279 = arith.constant 0 : i32
      %dma_start3A_280 = arith.constant 0 : i32
      %dma_start3A_281 = tpu.memref_slice %arg4[%shift_right_arithmetic3A_234, %dma_start3A_278, %multiple_of3A_239, %dma_start3A_279, %dma_start3A_280] : memref<200x4x128x8x128xf32, #tpu.memory_space<hbm>> -> memref<1x4x4x8x128xf32, #tpu.memory_space<hbm>>
      %dma_start3A_282 = tpu.memref_squeeze %dma_start3A_281 : memref<1x4x4x8x128xf32, #tpu.memory_space<hbm>> -> memref<4x4x8x128xf32, #tpu.memory_space<hbm>>
      %dma_start3A_283 = arith.constant 0 : i32
      %dma_start3A_284 = arith.constant 0 : i32
      %dma_start3A_285 = arith.constant 0 : i32
      %dma_start3A_286 = arith.constant 0 : i32
      %dma_start3A_287 = tpu.memref_slice %arg7[%dma_start3A_266, %dma_start3A_283, %dma_start3A_284, %dma_start3A_285, %dma_start3A_286] : memref<2x4x4x8x144xf32, #tpu.memory_space<vmem>> -> memref<1x4x4x8x128xf32, #tpu.memory_space<vmem>>
      %dma_start3A_288 = tpu.memref_squeeze %dma_start3A_287 : memref<1x4x4x8x128xf32, #tpu.memory_space<vmem>> -> memref<4x4x8x128xf32, #tpu.memory_space<vmem>>
      tpu.enqueue_dma source(%dma_start3A_288 : memref<4x4x8x128xf32, #tpu.memory_space<vmem>>) target(%dma_start3A_282 : memref<4x4x8x128xf32, #tpu.memory_space<hbm>>) target_semaphore(%arg17 : memref<!tpu.dma_semaphore, #tpu.memory_space<semaphore_mem>>)
      %lt3A_289 = arith.constant 49 : i32
      %lt3A_290 = arith.cmpi slt, %scan3A_162, %lt3A_289 : i32
      %convert_element_type3A_291 = arith.extui %lt3A_290 : i1 to i32
      %cond3A_292 = arith.constant 0 : i32
      %cond3A_293 = arith.cmpi ne, %convert_element_type3A_291, %cond3A_292 : i32
      scf.if %cond3A_293 {
        %dma_wait3A_430 = arith.constant 1 : i32
        %dma_wait3A_431 = arith.constant 0 : i32
        %dma_wait3A_432 = tpu.memref_slice %arg5[%dma_wait3A_430, %dma_wait3A_431] : memref<4x512xi32, #tpu.memory_space<vmem>> -> memref<1x512xi32, #tpu.memory_space<vmem>>
        %dma_wait3A_433 = tpu.memref_squeeze %dma_wait3A_432 : memref<1x512xi32, #tpu.memory_space<vmem>> -> memref<512xi32, #tpu.memory_space<vmem>>
        %dma_wait3A_434 = arith.constant 0 : i32
        %dma_wait3A_435 = tpu.memref_slice %arg2[%dma_wait3A_434] : memref<3276800xi32, #tpu.memory_space<hbm>> -> memref<512xi32, #tpu.memory_space<hbm>>
        %dma_wait3A_436 = arith.constant 0 : i32
        %dma_wait3A_437 = tpu.memref_slice %arg5[%dma_wait3A_430, %dma_wait3A_436] : memref<4x512xi32, #tpu.memory_space<vmem>> -> memref<1x512xi32, #tpu.memory_space<vmem>>
        %dma_wait3A_438 = tpu.memref_squeeze %dma_wait3A_437 : memref<1x512xi32, #tpu.memory_space<vmem>> -> memref<512xi32, #tpu.memory_space<vmem>>
        %dma_wait3A_439 = arith.constant 0 : i32
        %dma_wait3A_440 = tpu.memref_slice %arg2[%dma_wait3A_439] : memref<3276800xi32, #tpu.memory_space<hbm>> -> memref<512xi32, #tpu.memory_space<hbm>>
        tpu.wait_dma2 semaphore(%arg9 : memref<!tpu.dma_semaphore, #tpu.memory_space<semaphore_mem>>) src(%dma_wait3A_440 : memref<512xi32, #tpu.memory_space<hbm>>) dst(%dma_wait3A_438 : memref<512xi32, #tpu.memory_space<vmem>>)
        %dma_start3A_441 = arith.constant 1 : i32
        %dma_start3A_442 = arith.constant 1 : i32
        %dma_start3A_443 = arith.constant 0 : i32
        %dma_start3A_444 = arith.constant 0 : i32
        %dma_start3A_445 = tpu.memref_slice %arg6[%dma_start3A_442, %dma_start3A_443, %dma_start3A_444] : memref<4x512x32xf32, #tpu.memory_space<vmem>> -> memref<1x512x32xf32, #tpu.memory_space<vmem>>
        %dma_start3A_446 = tpu.memref_squeeze %dma_start3A_445 : memref<1x512x32xf32, #tpu.memory_space<vmem>> -> memref<512x32xf32, #tpu.memory_space<vmem>>
        %dma_start3A_447 = arith.constant 0 : i32
        %dma_start3A_448 = tpu.memref_slice %arg5[%dma_start3A_441, %dma_start3A_447] : memref<4x512xi32, #tpu.memory_space<vmem>> -> memref<1x512xi32, #tpu.memory_space<vmem>>
        %dma_start3A_449 = tpu.memref_squeeze %dma_start3A_448 : memref<1x512xi32, #tpu.memory_space<vmem>> -> memref<512xi32, #tpu.memory_space<vmem>>
        %dma_start3A_450 = arith.constant 0 : i32
        %dma_start3A_451 = arith.constant 0 : i32
        %dma_start3A_452 = tpu.memref_slice %arg3[%dma_start3A_450, %dma_start3A_451] : memref<100000x32xf32, #tpu.memory_space<hbm>> -> memref<100000x32xf32, #tpu.memory_space<hbm>>
        tpu.enqueue_indirect_dma source(%dma_start3A_452 : memref<100000x32xf32, #tpu.memory_space<hbm>>) target(%dma_start3A_446 : memref<512x32xf32, #tpu.memory_space<vmem>>) offsets(%dma_start3A_449 : memref<512xi32, #tpu.memory_space<vmem>>) semaphore(%arg13 : memref<!tpu.dma_semaphore, #tpu.memory_space<semaphore_mem>>)
      } else {
      }
      %mul3A_294 = arith.constant 4 : i32
      %mul3A_295 = arith.muli %mul3A_294, %scan3A_162 : i32
      %add3A_296 = arith.constant 2 : i32
      %add3A_297 = arith.addi %mul3A_295, %add3A_296 : i32
      %mul3A_298 = arith.constant 512 : i32
      %mul3A_299 = arith.muli %add3A_297, %mul3A_298 : i32
      %add3A_300 = arith.addi %mul3A_2, %mul3A_299 : i32
      %shift_right_arithmetic3A_301 = arith.constant 14 : i32
      %shift_right_arithmetic3A_302 = arith.shrsi %add3A_300, %shift_right_arithmetic3A_301 : i32
      %and3A_303 = arith.constant 16383 : i32
      %and3A_304 = arith.andi %add3A_300, %and3A_303 : i32
      %shift_right_arithmetic3A_305 = arith.constant 7 : i32
      %shift_right_arithmetic3A_306 = arith.shrsi %and3A_304, %shift_right_arithmetic3A_305 : i32
      %multiple_of3A_307 = tpu.assume_multiple %shift_right_arithmetic3A_306, 4 : i32
      %dma_wait3A_308 = arith.constant 2 : i32
      %dma_wait3A_309 = arith.constant 2 : i32
      %dma_wait3A_310 = arith.constant 0 : i32
      %dma_wait3A_311 = arith.constant 0 : i32
      %dma_wait3A_312 = tpu.memref_slice %arg6[%dma_wait3A_309, %dma_wait3A_310, %dma_wait3A_311] : memref<4x512x32xf32, #tpu.memory_space<vmem>> -> memref<1x512x32xf32, #tpu.memory_space<vmem>>
      %dma_wait3A_313 = tpu.memref_squeeze %dma_wait3A_312 : memref<1x512x32xf32, #tpu.memory_space<vmem>> -> memref<512x32xf32, #tpu.memory_space<vmem>>
      %dma_wait3A_314 = arith.constant 0 : i32
      %dma_wait3A_315 = tpu.memref_slice %arg5[%dma_wait3A_308, %dma_wait3A_314] : memref<4x512xi32, #tpu.memory_space<vmem>> -> memref<1x512xi32, #tpu.memory_space<vmem>>
      %dma_wait3A_316 = tpu.memref_squeeze %dma_wait3A_315 : memref<1x512xi32, #tpu.memory_space<vmem>> -> memref<512xi32, #tpu.memory_space<vmem>>
      %dma_wait3A_317 = arith.constant 0 : i32
      %dma_wait3A_318 = arith.constant 0 : i32
      %dma_wait3A_319 = tpu.memref_slice %arg3[%dma_wait3A_317, %dma_wait3A_318] : memref<100000x32xf32, #tpu.memory_space<hbm>> -> memref<100000x32xf32, #tpu.memory_space<hbm>>
      tpu.wait_indirect_dma semaphore(%arg14 : memref<!tpu.dma_semaphore, #tpu.memory_space<semaphore_mem>>) src(%dma_wait3A_319 : memref<100000x32xf32, #tpu.memory_space<hbm>>) dst(%dma_wait3A_313 : memref<512x32xf32, #tpu.memory_space<vmem>>)
      %lt3A_320 = arith.constant 49 : i32
      %lt3A_321 = arith.cmpi slt, %scan3A_162, %lt3A_320 : i32
      %convert_element_type3A_322 = arith.extui %lt3A_321 : i1 to i32
      %cond3A_323 = arith.constant 0 : i32
      %cond3A_324 = arith.cmpi ne, %convert_element_type3A_322, %cond3A_323 : i32
      scf.if %cond3A_324 {
        %add3A_430 = arith.constant 4 : i32
        %add3A_431 = arith.addi %add3A_297, %add3A_430 : i32
        %mul3A_432 = arith.constant 512 : i32
        %mul3A_433 = arith.muli %add3A_431, %mul3A_432 : i32
        %add3A_434 = arith.addi %mul3A_2, %mul3A_433 : i32
        %shift_right_arithmetic3A_435 = arith.constant 14 : i32
        %shift_right_arithmetic3A_436 = arith.shrsi %add3A_434, %shift_right_arithmetic3A_435 : i32
        %and3A_437 = arith.constant 16383 : i32
        %and3A_438 = arith.andi %add3A_434, %and3A_437 : i32
        %shift_right_arithmetic3A_439 = arith.constant 7 : i32
        %shift_right_arithmetic3A_440 = arith.shrsi %and3A_438, %shift_right_arithmetic3A_439 : i32
        %multiple_of3A_441 = tpu.assume_multiple %shift_right_arithmetic3A_440, 4 : i32
        %dma_start3A_442 = arith.constant 2 : i32
        %dma_start3A_443 = arith.constant 0 : i32
        %dma_start3A_444 = tpu.memref_slice %arg5[%dma_start3A_442, %dma_start3A_443] : memref<4x512xi32, #tpu.memory_space<vmem>> -> memref<1x512xi32, #tpu.memory_space<vmem>>
        %dma_start3A_445 = tpu.memref_squeeze %dma_start3A_444 : memref<1x512xi32, #tpu.memory_space<vmem>> -> memref<512xi32, #tpu.memory_space<vmem>>
        %dma_start3A_446 = tpu.memref_slice %arg2[%add3A_434] : memref<3276800xi32, #tpu.memory_space<hbm>> -> memref<512xi32, #tpu.memory_space<hbm>>
        %dma_start3A_447 = arith.constant 0 : i32
        %dma_start3A_448 = tpu.memref_slice %arg5[%dma_start3A_442, %dma_start3A_447] : memref<4x512xi32, #tpu.memory_space<vmem>> -> memref<1x512xi32, #tpu.memory_space<vmem>>
        %dma_start3A_449 = tpu.memref_squeeze %dma_start3A_448 : memref<1x512xi32, #tpu.memory_space<vmem>> -> memref<512xi32, #tpu.memory_space<vmem>>
        %dma_start3A_450 = tpu.memref_slice %arg2[%add3A_434] : memref<3276800xi32, #tpu.memory_space<hbm>> -> memref<512xi32, #tpu.memory_space<hbm>>
        tpu.enqueue_dma source(%dma_start3A_450 : memref<512xi32, #tpu.memory_space<hbm>>) target(%dma_start3A_449 : memref<512xi32, #tpu.memory_space<vmem>>) target_semaphore(%arg10 : memref<!tpu.dma_semaphore, #tpu.memory_space<semaphore_mem>>)
      } else {
      }
      %ge3A_325 = arith.constant 2 : i32
      %ge3A_326 = arith.cmpi sge, %add3A_297, %ge3A_325 : i32
      %convert_element_type3A_327 = arith.extui %ge3A_326 : i1 to i32
      %cond3A_328 = arith.constant 0 : i32
      %cond3A_329 = arith.cmpi ne, %convert_element_type3A_327, %cond3A_328 : i32
      scf.if %cond3A_329 {
        %sub3A = arith.constant 2 : i32
        %sub3A_430 = arith.subi %add3A_297, %sub3A : i32
        %mul3A_431 = arith.constant 512 : i32
        %mul3A_432 = arith.muli %sub3A_430, %mul3A_431 : i32
        %add3A_433 = arith.addi %mul3A_2, %mul3A_432 : i32
        %shift_right_arithmetic3A_434 = arith.constant 14 : i32
        %shift_right_arithmetic3A_435 = arith.shrsi %add3A_433, %shift_right_arithmetic3A_434 : i32
        %and3A_436 = arith.constant 16383 : i32
        %and3A_437 = arith.andi %add3A_433, %and3A_436 : i32
        %shift_right_arithmetic3A_438 = arith.constant 7 : i32
        %shift_right_arithmetic3A_439 = arith.shrsi %and3A_437, %shift_right_arithmetic3A_438 : i32
        %multiple_of3A_440 = tpu.assume_multiple %shift_right_arithmetic3A_439, 4 : i32
        %dma_wait3A_441 = arith.constant 0 : i32
        %dma_wait3A_442 = arith.constant 0 : i32
        %dma_wait3A_443 = arith.constant 0 : i32
        %dma_wait3A_444 = arith.constant 0 : i32
        %dma_wait3A_445 = arith.constant 0 : i32
        %dma_wait3A_446 = tpu.memref_slice %arg7[%dma_wait3A_441, %dma_wait3A_442, %dma_wait3A_443, %dma_wait3A_444, %dma_wait3A_445] : memref<2x4x4x8x144xf32, #tpu.memory_space<vmem>> -> memref<1x4x4x8x128xf32, #tpu.memory_space<vmem>>
        %dma_wait3A_447 = tpu.memref_squeeze %dma_wait3A_446 : memref<1x4x4x8x128xf32, #tpu.memory_space<vmem>> -> memref<4x4x8x128xf32, #tpu.memory_space<vmem>>
        %dma_wait3A_448 = arith.constant 0 : i32
        %dma_wait3A_449 = arith.constant 0 : i32
        %dma_wait3A_450 = arith.constant 0 : i32
        %dma_wait3A_451 = tpu.memref_slice %arg4[%shift_right_arithmetic3A_435, %dma_wait3A_448, %multiple_of3A_440, %dma_wait3A_449, %dma_wait3A_450] : memref<200x4x128x8x128xf32, #tpu.memory_space<hbm>> -> memref<1x4x4x8x128xf32, #tpu.memory_space<hbm>>
        %dma_wait3A_452 = tpu.memref_squeeze %dma_wait3A_451 : memref<1x4x4x8x128xf32, #tpu.memory_space<hbm>> -> memref<4x4x8x128xf32, #tpu.memory_space<hbm>>
        %dma_wait3A_453 = arith.constant 0 : i32
        %dma_wait3A_454 = arith.constant 0 : i32
        %dma_wait3A_455 = arith.constant 0 : i32
        %dma_wait3A_456 = tpu.memref_slice %arg4[%shift_right_arithmetic3A_435, %dma_wait3A_453, %multiple_of3A_440, %dma_wait3A_454, %dma_wait3A_455] : memref<200x4x128x8x128xf32, #tpu.memory_space<hbm>> -> memref<1x4x4x8x128xf32, #tpu.memory_space<hbm>>
        %dma_wait3A_457 = tpu.memref_squeeze %dma_wait3A_456 : memref<1x4x4x8x128xf32, #tpu.memory_space<hbm>> -> memref<4x4x8x128xf32, #tpu.memory_space<hbm>>
        %dma_wait3A_458 = arith.constant 0 : i32
        %dma_wait3A_459 = arith.constant 0 : i32
        %dma_wait3A_460 = arith.constant 0 : i32
        %dma_wait3A_461 = arith.constant 0 : i32
        %dma_wait3A_462 = tpu.memref_slice %arg7[%dma_wait3A_441, %dma_wait3A_458, %dma_wait3A_459, %dma_wait3A_460, %dma_wait3A_461] : memref<2x4x4x8x144xf32, #tpu.memory_space<vmem>> -> memref<1x4x4x8x128xf32, #tpu.memory_space<vmem>>
        %dma_wait3A_463 = tpu.memref_squeeze %dma_wait3A_462 : memref<1x4x4x8x128xf32, #tpu.memory_space<vmem>> -> memref<4x4x8x128xf32, #tpu.memory_space<vmem>>
        tpu.wait_dma2 semaphore(%arg16 : memref<!tpu.dma_semaphore, #tpu.memory_space<semaphore_mem>>) src(%dma_wait3A_463 : memref<4x4x8x128xf32, #tpu.memory_space<vmem>>) dst(%dma_wait3A_457 : memref<4x4x8x128xf32, #tpu.memory_space<hbm>>)
      } else {
      }
      %parallel_loop3A_330 = arith.constant 0 : i32
      %parallel_loop3A_331 = arith.constant 512 : i32
      %parallel_loop3A_332 = arith.constant 8 : i32
      %parallel_loop3A_333 = arith.constant 0 : i32
      scf.for %parallel_loop3A_430 = %parallel_loop3A_330 to %parallel_loop3A_331 step %parallel_loop3A_332  : i32 {
        %parallel_loop3A_431 = tpu.assume_multiple %parallel_loop3A_430, 8 : i32
        %parallel_loop3A_432 = arith.constant 7 : i32
        %parallel_loop3A_433 = arith.shrui %parallel_loop3A_431, %parallel_loop3A_432 : i32
        %parallel_loop3A_434 = arith.constant 0 : i32
        %parallel_loop3A_435 = vector.broadcast %parallel_loop3A_434 : i32 to vector<16xi32>
        %parallel_loop3A_436 = vector.broadcast %parallel_loop3A_433 : i32 to vector<16xi32>
        %parallel_loop3A_437 = arith.addi %parallel_loop3A_435, %parallel_loop3A_436 : vector<16xi32>
        %parallel_loop3A_438 = arith.constant 127 : i32
        %parallel_loop3A_439 = arith.andi %parallel_loop3A_431, %parallel_loop3A_438 : i32
        %parallel_loop3A_440 = arith.constant 0 : i32
        %parallel_loop3A_441 = arith.addi %parallel_loop3A_431, %parallel_loop3A_440 : i32
        %parallel_loop3A_442 = arith.constant 0 : i32
        %parallel_loop3A_443 = vector.broadcast %parallel_loop3A_442 : i32 to vector<16xi32>
        %parallel_loop3A_444 = arith.constant 0 : i32
        %parallel_loop3A_445 = arith.addi %parallel_loop3A_439, %parallel_loop3A_444 : i32
        %parallel_loop3A_446 = vector.broadcast %parallel_loop3A_445 : i32 to vector<16xi32>
        %parallel_loop3A_447 = arith.addi %parallel_loop3A_443, %parallel_loop3A_446 : vector<16xi32>
        %parallel_loop3A_448 = arith.constant 2 : i32
        %parallel_loop3A_449 = arith.index_cast %parallel_loop3A_448 : i32 to index
        %parallel_loop3A_450 = arith.index_cast %parallel_loop3A_441 : i32 to index
        %parallel_loop3A_451 = arith.constant 0 : index
        %parallel_loop3A_452 = tpu.vector_load %arg6[%parallel_loop3A_449, %parallel_loop3A_450, %parallel_loop3A_451] {strides = array<i32>} : memref<4x512x32xf32, #tpu.memory_space<vmem>>, vector<16xf32>,
        %parallel_loop3A_453 = arith.constant 2 : i32
        %parallel_loop3A_454 = arith.index_cast %parallel_loop3A_453 : i32 to index
        %parallel_loop3A_455 = arith.index_cast %parallel_loop3A_441 : i32 to index
        %parallel_loop3A_456 = arith.constant 16 : index
        %parallel_loop3A_457 = tpu.vector_load %arg6[%parallel_loop3A_454, %parallel_loop3A_455, %parallel_loop3A_456] {strides = array<i32>} : memref<4x512x32xf32, #tpu.memory_space<vmem>>, vector<16xf32>,
        %parallel_loop3A_458 = arith.constant 0 : i32
        %parallel_loop3A_459 = arith.constant 0 : i32
        %parallel_loop3A_460 = arith.constant 0 : i32
        %parallel_loop3A_461 = arith.constant 0 : i32
        %parallel_loop3A_462 = tpu.memref_slice %arg7[%parallel_loop3A_333, %parallel_loop3A_458, %parallel_loop3A_459, %parallel_loop3A_460, %parallel_loop3A_461] : memref<2x4x4x8x144xf32, #tpu.memory_space<vmem>> -> memref<1x4x4x8x144xf32, #tpu.memory_space<vmem>>
        %parallel_loop3A_463 = tpu.memref_squeeze %parallel_loop3A_462 : memref<1x4x4x8x144xf32, #tpu.memory_space<vmem>> -> memref<4x4x8x144xf32, #tpu.memory_space<vmem>>
        tpu.vector_store_idx %parallel_loop3A_463[%shift_right_logical3A_4, %parallel_loop3A_437, %and3A_9, %parallel_loop3A_447], %parallel_loop3A_452 : memref<4x4x8x144xf32, #tpu.memory_space<vmem>>[vector<16xi32>, vector<16xi32>, vector<16xi32>, vector<16xi32>], vector<16xf32>,
        %parallel_loop3A_464 = arith.constant 0 : i32
        %parallel_loop3A_465 = arith.constant 0 : i32
        %parallel_loop3A_466 = arith.constant 0 : i32
        %parallel_loop3A_467 = arith.constant 0 : i32
        %parallel_loop3A_468 = tpu.memref_slice %arg7[%parallel_loop3A_333, %parallel_loop3A_464, %parallel_loop3A_465, %parallel_loop3A_466, %parallel_loop3A_467] : memref<2x4x4x8x144xf32, #tpu.memory_space<vmem>> -> memref<1x4x4x8x144xf32, #tpu.memory_space<vmem>>
        %parallel_loop3A_469 = tpu.memref_squeeze %parallel_loop3A_468 : memref<1x4x4x8x144xf32, #tpu.memory_space<vmem>> -> memref<4x4x8x144xf32, #tpu.memory_space<vmem>>
        tpu.vector_store_idx %parallel_loop3A_469[%add3A_7, %parallel_loop3A_437, %and3A_9, %parallel_loop3A_447], %parallel_loop3A_457 : memref<4x4x8x144xf32, #tpu.memory_space<vmem>>[vector<16xi32>, vector<16xi32>, vector<16xi32>, vector<16xi32>], vector<16xf32>,
        %parallel_loop3A_470 = arith.constant 1 : i32
        %parallel_loop3A_471 = arith.addi %parallel_loop3A_431, %parallel_loop3A_470 : i32
        %parallel_loop3A_472 = arith.constant 0 : i32
        %parallel_loop3A_473 = vector.broadcast %parallel_loop3A_472 : i32 to vector<16xi32>
        %parallel_loop3A_474 = arith.constant 1 : i32
        %parallel_loop3A_475 = arith.addi %parallel_loop3A_439, %parallel_loop3A_474 : i32
        %parallel_loop3A_476 = vector.broadcast %parallel_loop3A_475 : i32 to vector<16xi32>
        %parallel_loop3A_477 = arith.addi %parallel_loop3A_473, %parallel_loop3A_476 : vector<16xi32>
        %parallel_loop3A_478 = arith.constant 2 : i32
        %parallel_loop3A_479 = arith.index_cast %parallel_loop3A_478 : i32 to index
        %parallel_loop3A_480 = arith.index_cast %parallel_loop3A_471 : i32 to index
        %parallel_loop3A_481 = arith.constant 0 : index
        %parallel_loop3A_482 = tpu.vector_load %arg6[%parallel_loop3A_479, %parallel_loop3A_480, %parallel_loop3A_481] {strides = array<i32>} : memref<4x512x32xf32, #tpu.memory_space<vmem>>, vector<16xf32>,
        %parallel_loop3A_483 = arith.constant 2 : i32
        %parallel_loop3A_484 = arith.index_cast %parallel_loop3A_483 : i32 to index
        %parallel_loop3A_485 = arith.index_cast %parallel_loop3A_471 : i32 to index
        %parallel_loop3A_486 = arith.constant 16 : index
        %parallel_loop3A_487 = tpu.vector_load %arg6[%parallel_loop3A_484, %parallel_loop3A_485, %parallel_loop3A_486] {strides = array<i32>} : memref<4x512x32xf32, #tpu.memory_space<vmem>>, vector<16xf32>,
        %parallel_loop3A_488 = arith.constant 0 : i32
        %parallel_loop3A_489 = arith.constant 0 : i32
        %parallel_loop3A_490 = arith.constant 0 : i32
        %parallel_loop3A_491 = arith.constant 0 : i32
        %parallel_loop3A_492 = tpu.memref_slice %arg7[%parallel_loop3A_333, %parallel_loop3A_488, %parallel_loop3A_489, %parallel_loop3A_490, %parallel_loop3A_491] : memref<2x4x4x8x144xf32, #tpu.memory_space<vmem>> -> memref<1x4x4x8x144xf32, #tpu.memory_space<vmem>>
        %parallel_loop3A_493 = tpu.memref_squeeze %parallel_loop3A_492 : memref<1x4x4x8x144xf32, #tpu.memory_space<vmem>> -> memref<4x4x8x144xf32, #tpu.memory_space<vmem>>
        tpu.vector_store_idx %parallel_loop3A_493[%shift_right_logical3A_4, %parallel_loop3A_437, %and3A_9, %parallel_loop3A_477], %parallel_loop3A_482 : memref<4x4x8x144xf32, #tpu.memory_space<vmem>>[vector<16xi32>, vector<16xi32>, vector<16xi32>, vector<16xi32>], vector<16xf32>,
        %parallel_loop3A_494 = arith.constant 0 : i32
        %parallel_loop3A_495 = arith.constant 0 : i32
        %parallel_loop3A_496 = arith.constant 0 : i32
        %parallel_loop3A_497 = arith.constant 0 : i32
        %parallel_loop3A_498 = tpu.memref_slice %arg7[%parallel_loop3A_333, %parallel_loop3A_494, %parallel_loop3A_495, %parallel_loop3A_496, %parallel_loop3A_497] : memref<2x4x4x8x144xf32, #tpu.memory_space<vmem>> -> memref<1x4x4x8x144xf32, #tpu.memory_space<vmem>>
        %parallel_loop3A_499 = tpu.memref_squeeze %parallel_loop3A_498 : memref<1x4x4x8x144xf32, #tpu.memory_space<vmem>> -> memref<4x4x8x144xf32, #tpu.memory_space<vmem>>
        tpu.vector_store_idx %parallel_loop3A_499[%add3A_7, %parallel_loop3A_437, %and3A_9, %parallel_loop3A_477], %parallel_loop3A_487 : memref<4x4x8x144xf32, #tpu.memory_space<vmem>>[vector<16xi32>, vector<16xi32>, vector<16xi32>, vector<16xi32>], vector<16xf32>,
        %parallel_loop3A_500 = arith.constant 2 : i32
        %parallel_loop3A_501 = arith.addi %parallel_loop3A_431, %parallel_loop3A_500 : i32
        %parallel_loop3A_502 = arith.constant 0 : i32
        %parallel_loop3A_503 = vector.broadcast %parallel_loop3A_502 : i32 to vector<16xi32>
        %parallel_loop3A_504 = arith.constant 2 : i32
        %parallel_loop3A_505 = arith.addi %parallel_loop3A_439, %parallel_loop3A_504 : i32
        %parallel_loop3A_506 = vector.broadcast %parallel_loop3A_505 : i32 to vector<16xi32>
        %parallel_loop3A_507 = arith.addi %parallel_loop3A_503, %parallel_loop3A_506 : vector<16xi32>
        %parallel_loop3A_508 = arith.constant 2 : i32
        %parallel_loop3A_509 = arith.index_cast %parallel_loop3A_508 : i32 to index
        %parallel_loop3A_510 = arith.index_cast %parallel_loop3A_501 : i32 to index
        %parallel_loop3A_511 = arith.constant 0 : index
        %parallel_loop3A_512 = tpu.vector_load %arg6[%parallel_loop3A_509, %parallel_loop3A_510, %parallel_loop3A_511] {strides = array<i32>} : memref<4x512x32xf32, #tpu.memory_space<vmem>>, vector<16xf32>,
        %parallel_loop3A_513 = arith.constant 2 : i32
        %parallel_loop3A_514 = arith.index_cast %parallel_loop3A_513 : i32 to index
        %parallel_loop3A_515 = arith.index_cast %parallel_loop3A_501 : i32 to index
        %parallel_loop3A_516 = arith.constant 16 : index
        %parallel_loop3A_517 = tpu.vector_load %arg6[%parallel_loop3A_514, %parallel_loop3A_515, %parallel_loop3A_516] {strides = array<i32>} : memref<4x512x32xf32, #tpu.memory_space<vmem>>, vector<16xf32>,
        %parallel_loop3A_518 = arith.constant 0 : i32
        %parallel_loop3A_519 = arith.constant 0 : i32
        %parallel_loop3A_520 = arith.constant 0 : i32
        %parallel_loop3A_521 = arith.constant 0 : i32
        %parallel_loop3A_522 = tpu.memref_slice %arg7[%parallel_loop3A_333, %parallel_loop3A_518, %parallel_loop3A_519, %parallel_loop3A_520, %parallel_loop3A_521] : memref<2x4x4x8x144xf32, #tpu.memory_space<vmem>> -> memref<1x4x4x8x144xf32, #tpu.memory_space<vmem>>
        %parallel_loop3A_523 = tpu.memref_squeeze %parallel_loop3A_522 : memref<1x4x4x8x144xf32, #tpu.memory_space<vmem>> -> memref<4x4x8x144xf32, #tpu.memory_space<vmem>>
        tpu.vector_store_idx %parallel_loop3A_523[%shift_right_logical3A_4, %parallel_loop3A_437, %and3A_9, %parallel_loop3A_507], %parallel_loop3A_512 : memref<4x4x8x144xf32, #tpu.memory_space<vmem>>[vector<16xi32>, vector<16xi32>, vector<16xi32>, vector<16xi32>], vector<16xf32>,
        %parallel_loop3A_524 = arith.constant 0 : i32
        %parallel_loop3A_525 = arith.constant 0 : i32
        %parallel_loop3A_526 = arith.constant 0 : i32
        %parallel_loop3A_527 = arith.constant 0 : i32
        %parallel_loop3A_528 = tpu.memref_slice %arg7[%parallel_loop3A_333, %parallel_loop3A_524, %parallel_loop3A_525, %parallel_loop3A_526, %parallel_loop3A_527] : memref<2x4x4x8x144xf32, #tpu.memory_space<vmem>> -> memref<1x4x4x8x144xf32, #tpu.memory_space<vmem>>
        %parallel_loop3A_529 = tpu.memref_squeeze %parallel_loop3A_528 : memref<1x4x4x8x144xf32, #tpu.memory_space<vmem>> -> memref<4x4x8x144xf32, #tpu.memory_space<vmem>>
        tpu.vector_store_idx %parallel_loop3A_529[%add3A_7, %parallel_loop3A_437, %and3A_9, %parallel_loop3A_507], %parallel_loop3A_517 : memref<4x4x8x144xf32, #tpu.memory_space<vmem>>[vector<16xi32>, vector<16xi32>, vector<16xi32>, vector<16xi32>], vector<16xf32>,
        %parallel_loop3A_530 = arith.constant 3 : i32
        %parallel_loop3A_531 = arith.addi %parallel_loop3A_431, %parallel_loop3A_530 : i32
        %parallel_loop3A_532 = arith.constant 0 : i32
        %parallel_loop3A_533 = vector.broadcast %parallel_loop3A_532 : i32 to vector<16xi32>
        %parallel_loop3A_534 = arith.constant 3 : i32
        %parallel_loop3A_535 = arith.addi %parallel_loop3A_439, %parallel_loop3A_534 : i32
        %parallel_loop3A_536 = vector.broadcast %parallel_loop3A_535 : i32 to vector<16xi32>
        %parallel_loop3A_537 = arith.addi %parallel_loop3A_533, %parallel_loop3A_536 : vector<16xi32>
        %parallel_loop3A_538 = arith.constant 2 : i32
        %parallel_loop3A_539 = arith.index_cast %parallel_loop3A_538 : i32 to index
        %parallel_loop3A_540 = arith.index_cast %parallel_loop3A_531 : i32 to index
        %parallel_loop3A_541 = arith.constant 0 : index
        %parallel_loop3A_542 = tpu.vector_load %arg6[%parallel_loop3A_539, %parallel_loop3A_540, %parallel_loop3A_541] {strides = array<i32>} : memref<4x512x32xf32, #tpu.memory_space<vmem>>, vector<16xf32>,
        %parallel_loop3A_543 = arith.constant 2 : i32
        %parallel_loop3A_544 = arith.index_cast %parallel_loop3A_543 : i32 to index
        %parallel_loop3A_545 = arith.index_cast %parallel_loop3A_531 : i32 to index
        %parallel_loop3A_546 = arith.constant 16 : index
        %parallel_loop3A_547 = tpu.vector_load %arg6[%parallel_loop3A_544, %parallel_loop3A_545, %parallel_loop3A_546] {strides = array<i32>} : memref<4x512x32xf32, #tpu.memory_space<vmem>>, vector<16xf32>,
        %parallel_loop3A_548 = arith.constant 0 : i32
        %parallel_loop3A_549 = arith.constant 0 : i32
        %parallel_loop3A_550 = arith.constant 0 : i32
        %parallel_loop3A_551 = arith.constant 0 : i32
        %parallel_loop3A_552 = tpu.memref_slice %arg7[%parallel_loop3A_333, %parallel_loop3A_548, %parallel_loop3A_549, %parallel_loop3A_550, %parallel_loop3A_551] : memref<2x4x4x8x144xf32, #tpu.memory_space<vmem>> -> memref<1x4x4x8x144xf32, #tpu.memory_space<vmem>>
        %parallel_loop3A_553 = tpu.memref_squeeze %parallel_loop3A_552 : memref<1x4x4x8x144xf32, #tpu.memory_space<vmem>> -> memref<4x4x8x144xf32, #tpu.memory_space<vmem>>
        tpu.vector_store_idx %parallel_loop3A_553[%shift_right_logical3A_4, %parallel_loop3A_437, %and3A_9, %parallel_loop3A_537], %parallel_loop3A_542 : memref<4x4x8x144xf32, #tpu.memory_space<vmem>>[vector<16xi32>, vector<16xi32>, vector<16xi32>, vector<16xi32>], vector<16xf32>,
        %parallel_loop3A_554 = arith.constant 0 : i32
        %parallel_loop3A_555 = arith.constant 0 : i32
        %parallel_loop3A_556 = arith.constant 0 : i32
        %parallel_loop3A_557 = arith.constant 0 : i32
        %parallel_loop3A_558 = tpu.memref_slice %arg7[%parallel_loop3A_333, %parallel_loop3A_554, %parallel_loop3A_555, %parallel_loop3A_556, %parallel_loop3A_557] : memref<2x4x4x8x144xf32, #tpu.memory_space<vmem>> -> memref<1x4x4x8x144xf32, #tpu.memory_space<vmem>>
        %parallel_loop3A_559 = tpu.memref_squeeze %parallel_loop3A_558 : memref<1x4x4x8x144xf32, #tpu.memory_space<vmem>> -> memref<4x4x8x144xf32, #tpu.memory_space<vmem>>
        tpu.vector_store_idx %parallel_loop3A_559[%add3A_7, %parallel_loop3A_437, %and3A_9, %parallel_loop3A_537], %parallel_loop3A_547 : memref<4x4x8x144xf32, #tpu.memory_space<vmem>>[vector<16xi32>, vector<16xi32>, vector<16xi32>, vector<16xi32>], vector<16xf32>,
        %parallel_loop3A_560 = arith.constant 4 : i32
        %parallel_loop3A_561 = arith.addi %parallel_loop3A_431, %parallel_loop3A_560 : i32
        %parallel_loop3A_562 = arith.constant 0 : i32
        %parallel_loop3A_563 = vector.broadcast %parallel_loop3A_562 : i32 to vector<16xi32>
        %parallel_loop3A_564 = arith.constant 4 : i32
        %parallel_loop3A_565 = arith.addi %parallel_loop3A_439, %parallel_loop3A_564 : i32
        %parallel_loop3A_566 = vector.broadcast %parallel_loop3A_565 : i32 to vector<16xi32>
        %parallel_loop3A_567 = arith.addi %parallel_loop3A_563, %parallel_loop3A_566 : vector<16xi32>
        %parallel_loop3A_568 = arith.constant 2 : i32
        %parallel_loop3A_569 = arith.index_cast %parallel_loop3A_568 : i32 to index
        %parallel_loop3A_570 = arith.index_cast %parallel_loop3A_561 : i32 to index
        %parallel_loop3A_571 = arith.constant 0 : index
        %parallel_loop3A_572 = tpu.vector_load %arg6[%parallel_loop3A_569, %parallel_loop3A_570, %parallel_loop3A_571] {strides = array<i32>} : memref<4x512x32xf32, #tpu.memory_space<vmem>>, vector<16xf32>,
        %parallel_loop3A_573 = arith.constant 2 : i32
        %parallel_loop3A_574 = arith.index_cast %parallel_loop3A_573 : i32 to index
        %parallel_loop3A_575 = arith.index_cast %parallel_loop3A_561 : i32 to index
        %parallel_loop3A_576 = arith.constant 16 : index
        %parallel_loop3A_577 = tpu.vector_load %arg6[%parallel_loop3A_574, %parallel_loop3A_575, %parallel_loop3A_576] {strides = array<i32>} : memref<4x512x32xf32, #tpu.memory_space<vmem>>, vector<16xf32>,
        %parallel_loop3A_578 = arith.constant 0 : i32
        %parallel_loop3A_579 = arith.constant 0 : i32
        %parallel_loop3A_580 = arith.constant 0 : i32
        %parallel_loop3A_581 = arith.constant 0 : i32
        %parallel_loop3A_582 = tpu.memref_slice %arg7[%parallel_loop3A_333, %parallel_loop3A_578, %parallel_loop3A_579, %parallel_loop3A_580, %parallel_loop3A_581] : memref<2x4x4x8x144xf32, #tpu.memory_space<vmem>> -> memref<1x4x4x8x144xf32, #tpu.memory_space<vmem>>
        %parallel_loop3A_583 = tpu.memref_squeeze %parallel_loop3A_582 : memref<1x4x4x8x144xf32, #tpu.memory_space<vmem>> -> memref<4x4x8x144xf32, #tpu.memory_space<vmem>>
        tpu.vector_store_idx %parallel_loop3A_583[%shift_right_logical3A_4, %parallel_loop3A_437, %and3A_9, %parallel_loop3A_567], %parallel_loop3A_572 : memref<4x4x8x144xf32, #tpu.memory_space<vmem>>[vector<16xi32>, vector<16xi32>, vector<16xi32>, vector<16xi32>], vector<16xf32>,
        %parallel_loop3A_584 = arith.constant 0 : i32
        %parallel_loop3A_585 = arith.constant 0 : i32
        %parallel_loop3A_586 = arith.constant 0 : i32
        %parallel_loop3A_587 = arith.constant 0 : i32
        %parallel_loop3A_588 = tpu.memref_slice %arg7[%parallel_loop3A_333, %parallel_loop3A_584, %parallel_loop3A_585, %parallel_loop3A_586, %parallel_loop3A_587] : memref<2x4x4x8x144xf32, #tpu.memory_space<vmem>> -> memref<1x4x4x8x144xf32, #tpu.memory_space<vmem>>
        %parallel_loop3A_589 = tpu.memref_squeeze %parallel_loop3A_588 : memref<1x4x4x8x144xf32, #tpu.memory_space<vmem>> -> memref<4x4x8x144xf32, #tpu.memory_space<vmem>>
        tpu.vector_store_idx %parallel_loop3A_589[%add3A_7, %parallel_loop3A_437, %and3A_9, %parallel_loop3A_567], %parallel_loop3A_577 : memref<4x4x8x144xf32, #tpu.memory_space<vmem>>[vector<16xi32>, vector<16xi32>, vector<16xi32>, vector<16xi32>], vector<16xf32>,
        %parallel_loop3A_590 = arith.constant 5 : i32
        %parallel_loop3A_591 = arith.addi %parallel_loop3A_431, %parallel_loop3A_590 : i32
        %parallel_loop3A_592 = arith.constant 0 : i32
        %parallel_loop3A_593 = vector.broadcast %parallel_loop3A_592 : i32 to vector<16xi32>
        %parallel_loop3A_594 = arith.constant 5 : i32
        %parallel_loop3A_595 = arith.addi %parallel_loop3A_439, %parallel_loop3A_594 : i32
        %parallel_loop3A_596 = vector.broadcast %parallel_loop3A_595 : i32 to vector<16xi32>
        %parallel_loop3A_597 = arith.addi %parallel_loop3A_593, %parallel_loop3A_596 : vector<16xi32>
        %parallel_loop3A_598 = arith.constant 2 : i32
        %parallel_loop3A_599 = arith.index_cast %parallel_loop3A_598 : i32 to index
        %parallel_loop3A_600 = arith.index_cast %parallel_loop3A_591 : i32 to index
        %parallel_loop3A_601 = arith.constant 0 : index
        %parallel_loop3A_602 = tpu.vector_load %arg6[%parallel_loop3A_599, %parallel_loop3A_600, %parallel_loop3A_601] {strides = array<i32>} : memref<4x512x32xf32, #tpu.memory_space<vmem>>, vector<16xf32>,
        %parallel_loop3A_603 = arith.constant 2 : i32
        %parallel_loop3A_604 = arith.index_cast %parallel_loop3A_603 : i32 to index
        %parallel_loop3A_605 = arith.index_cast %parallel_loop3A_591 : i32 to index
        %parallel_loop3A_606 = arith.constant 16 : index
        %parallel_loop3A_607 = tpu.vector_load %arg6[%parallel_loop3A_604, %parallel_loop3A_605, %parallel_loop3A_606] {strides = array<i32>} : memref<4x512x32xf32, #tpu.memory_space<vmem>>, vector<16xf32>,
        %parallel_loop3A_608 = arith.constant 0 : i32
        %parallel_loop3A_609 = arith.constant 0 : i32
        %parallel_loop3A_610 = arith.constant 0 : i32
        %parallel_loop3A_611 = arith.constant 0 : i32
        %parallel_loop3A_612 = tpu.memref_slice %arg7[%parallel_loop3A_333, %parallel_loop3A_608, %parallel_loop3A_609, %parallel_loop3A_610, %parallel_loop3A_611] : memref<2x4x4x8x144xf32, #tpu.memory_space<vmem>> -> memref<1x4x4x8x144xf32, #tpu.memory_space<vmem>>
        %parallel_loop3A_613 = tpu.memref_squeeze %parallel_loop3A_612 : memref<1x4x4x8x144xf32, #tpu.memory_space<vmem>> -> memref<4x4x8x144xf32, #tpu.memory_space<vmem>>
        tpu.vector_store_idx %parallel_loop3A_613[%shift_right_logical3A_4, %parallel_loop3A_437, %and3A_9, %parallel_loop3A_597], %parallel_loop3A_602 : memref<4x4x8x144xf32, #tpu.memory_space<vmem>>[vector<16xi32>, vector<16xi32>, vector<16xi32>, vector<16xi32>], vector<16xf32>,
        %parallel_loop3A_614 = arith.constant 0 : i32
        %parallel_loop3A_615 = arith.constant 0 : i32
        %parallel_loop3A_616 = arith.constant 0 : i32
        %parallel_loop3A_617 = arith.constant 0 : i32
        %parallel_loop3A_618 = tpu.memref_slice %arg7[%parallel_loop3A_333, %parallel_loop3A_614, %parallel_loop3A_615, %parallel_loop3A_616, %parallel_loop3A_617] : memref<2x4x4x8x144xf32, #tpu.memory_space<vmem>> -> memref<1x4x4x8x144xf32, #tpu.memory_space<vmem>>
        %parallel_loop3A_619 = tpu.memref_squeeze %parallel_loop3A_618 : memref<1x4x4x8x144xf32, #tpu.memory_space<vmem>> -> memref<4x4x8x144xf32, #tpu.memory_space<vmem>>
        tpu.vector_store_idx %parallel_loop3A_619[%add3A_7, %parallel_loop3A_437, %and3A_9, %parallel_loop3A_597], %parallel_loop3A_607 : memref<4x4x8x144xf32, #tpu.memory_space<vmem>>[vector<16xi32>, vector<16xi32>, vector<16xi32>, vector<16xi32>], vector<16xf32>,
        %parallel_loop3A_620 = arith.constant 6 : i32
        %parallel_loop3A_621 = arith.addi %parallel_loop3A_431, %parallel_loop3A_620 : i32
        %parallel_loop3A_622 = arith.constant 0 : i32
        %parallel_loop3A_623 = vector.broadcast %parallel_loop3A_622 : i32 to vector<16xi32>
        %parallel_loop3A_624 = arith.constant 6 : i32
        %parallel_loop3A_625 = arith.addi %parallel_loop3A_439, %parallel_loop3A_624 : i32
        %parallel_loop3A_626 = vector.broadcast %parallel_loop3A_625 : i32 to vector<16xi32>
        %parallel_loop3A_627 = arith.addi %parallel_loop3A_623, %parallel_loop3A_626 : vector<16xi32>
        %parallel_loop3A_628 = arith.constant 2 : i32
        %parallel_loop3A_629 = arith.index_cast %parallel_loop3A_628 : i32 to index
        %parallel_loop3A_630 = arith.index_cast %parallel_loop3A_621 : i32 to index
        %parallel_loop3A_631 = arith.constant 0 : index
        %parallel_loop3A_632 = tpu.vector_load %arg6[%parallel_loop3A_629, %parallel_loop3A_630, %parallel_loop3A_631] {strides = array<i32>} : memref<4x512x32xf32, #tpu.memory_space<vmem>>, vector<16xf32>,
        %parallel_loop3A_633 = arith.constant 2 : i32
        %parallel_loop3A_634 = arith.index_cast %parallel_loop3A_633 : i32 to index
        %parallel_loop3A_635 = arith.index_cast %parallel_loop3A_621 : i32 to index
        %parallel_loop3A_636 = arith.constant 16 : index
        %parallel_loop3A_637 = tpu.vector_load %arg6[%parallel_loop3A_634, %parallel_loop3A_635, %parallel_loop3A_636] {strides = array<i32>} : memref<4x512x32xf32, #tpu.memory_space<vmem>>, vector<16xf32>,
        %parallel_loop3A_638 = arith.constant 0 : i32
        %parallel_loop3A_639 = arith.constant 0 : i32
        %parallel_loop3A_640 = arith.constant 0 : i32
        %parallel_loop3A_641 = arith.constant 0 : i32
        %parallel_loop3A_642 = tpu.memref_slice %arg7[%parallel_loop3A_333, %parallel_loop3A_638, %parallel_loop3A_639, %parallel_loop3A_640, %parallel_loop3A_641] : memref<2x4x4x8x144xf32, #tpu.memory_space<vmem>> -> memref<1x4x4x8x144xf32, #tpu.memory_space<vmem>>
        %parallel_loop3A_643 = tpu.memref_squeeze %parallel_loop3A_642 : memref<1x4x4x8x144xf32, #tpu.memory_space<vmem>> -> memref<4x4x8x144xf32, #tpu.memory_space<vmem>>
        tpu.vector_store_idx %parallel_loop3A_643[%shift_right_logical3A_4, %parallel_loop3A_437, %and3A_9, %parallel_loop3A_627], %parallel_loop3A_632 : memref<4x4x8x144xf32, #tpu.memory_space<vmem>>[vector<16xi32>, vector<16xi32>, vector<16xi32>, vector<16xi32>], vector<16xf32>,
        %parallel_loop3A_644 = arith.constant 0 : i32
        %parallel_loop3A_645 = arith.constant 0 : i32
        %parallel_loop3A_646 = arith.constant 0 : i32
        %parallel_loop3A_647 = arith.constant 0 : i32
        %parallel_loop3A_648 = tpu.memref_slice %arg7[%parallel_loop3A_333, %parallel_loop3A_644, %parallel_loop3A_645, %parallel_loop3A_646, %parallel_loop3A_647] : memref<2x4x4x8x144xf32, #tpu.memory_space<vmem>> -> memref<1x4x4x8x144xf32, #tpu.memory_space<vmem>>
        %parallel_loop3A_649 = tpu.memref_squeeze %parallel_loop3A_648 : memref<1x4x4x8x144xf32, #tpu.memory_space<vmem>> -> memref<4x4x8x144xf32, #tpu.memory_space<vmem>>
        tpu.vector_store_idx %parallel_loop3A_649[%add3A_7, %parallel_loop3A_437, %and3A_9, %parallel_loop3A_627], %parallel_loop3A_637 : memref<4x4x8x144xf32, #tpu.memory_space<vmem>>[vector<16xi32>, vector<16xi32>, vector<16xi32>, vector<16xi32>], vector<16xf32>,
        %parallel_loop3A_650 = arith.constant 7 : i32
        %parallel_loop3A_651 = arith.addi %parallel_loop3A_431, %parallel_loop3A_650 : i32
        %parallel_loop3A_652 = arith.constant 0 : i32
        %parallel_loop3A_653 = vector.broadcast %parallel_loop3A_652 : i32 to vector<16xi32>
        %parallel_loop3A_654 = arith.constant 7 : i32
        %parallel_loop3A_655 = arith.addi %parallel_loop3A_439, %parallel_loop3A_654 : i32
        %parallel_loop3A_656 = vector.broadcast %parallel_loop3A_655 : i32 to vector<16xi32>
        %parallel_loop3A_657 = arith.addi %parallel_loop3A_653, %parallel_loop3A_656 : vector<16xi32>
        %parallel_loop3A_658 = arith.constant 2 : i32
        %parallel_loop3A_659 = arith.index_cast %parallel_loop3A_658 : i32 to index
        %parallel_loop3A_660 = arith.index_cast %parallel_loop3A_651 : i32 to index
        %parallel_loop3A_661 = arith.constant 0 : index
        %parallel_loop3A_662 = tpu.vector_load %arg6[%parallel_loop3A_659, %parallel_loop3A_660, %parallel_loop3A_661] {strides = array<i32>} : memref<4x512x32xf32, #tpu.memory_space<vmem>>, vector<16xf32>,
        %parallel_loop3A_663 = arith.constant 2 : i32
        %parallel_loop3A_664 = arith.index_cast %parallel_loop3A_663 : i32 to index
        %parallel_loop3A_665 = arith.index_cast %parallel_loop3A_651 : i32 to index
        %parallel_loop3A_666 = arith.constant 16 : index
        %parallel_loop3A_667 = tpu.vector_load %arg6[%parallel_loop3A_664, %parallel_loop3A_665, %parallel_loop3A_666] {strides = array<i32>} : memref<4x512x32xf32, #tpu.memory_space<vmem>>, vector<16xf32>,
        %parallel_loop3A_668 = arith.constant 0 : i32
        %parallel_loop3A_669 = arith.constant 0 : i32
        %parallel_loop3A_670 = arith.constant 0 : i32
        %parallel_loop3A_671 = arith.constant 0 : i32
        %parallel_loop3A_672 = tpu.memref_slice %arg7[%parallel_loop3A_333, %parallel_loop3A_668, %parallel_loop3A_669, %parallel_loop3A_670, %parallel_loop3A_671] : memref<2x4x4x8x144xf32, #tpu.memory_space<vmem>> -> memref<1x4x4x8x144xf32, #tpu.memory_space<vmem>>
        %parallel_loop3A_673 = tpu.memref_squeeze %parallel_loop3A_672 : memref<1x4x4x8x144xf32, #tpu.memory_space<vmem>> -> memref<4x4x8x144xf32, #tpu.memory_space<vmem>>
        tpu.vector_store_idx %parallel_loop3A_673[%shift_right_logical3A_4, %parallel_loop3A_437, %and3A_9, %parallel_loop3A_657], %parallel_loop3A_662 : memref<4x4x8x144xf32, #tpu.memory_space<vmem>>[vector<16xi32>, vector<16xi32>, vector<16xi32>, vector<16xi32>], vector<16xf32>,
        %parallel_loop3A_674 = arith.constant 0 : i32
        %parallel_loop3A_675 = arith.constant 0 : i32
        %parallel_loop3A_676 = arith.constant 0 : i32
        %parallel_loop3A_677 = arith.constant 0 : i32
        %parallel_loop3A_678 = tpu.memref_slice %arg7[%parallel_loop3A_333, %parallel_loop3A_674, %parallel_loop3A_675, %parallel_loop3A_676, %parallel_loop3A_677] : memref<2x4x4x8x144xf32, #tpu.memory_space<vmem>> -> memref<1x4x4x8x144xf32, #tpu.memory_space<vmem>>
        %parallel_loop3A_679 = tpu.memref_squeeze %parallel_loop3A_678 : memref<1x4x4x8x144xf32, #tpu.memory_space<vmem>> -> memref<4x4x8x144xf32, #tpu.memory_space<vmem>>
        tpu.vector_store_idx %parallel_loop3A_679[%add3A_7, %parallel_loop3A_437, %and3A_9, %parallel_loop3A_657], %parallel_loop3A_667 : memref<4x4x8x144xf32, #tpu.memory_space<vmem>>[vector<16xi32>, vector<16xi32>, vector<16xi32>, vector<16xi32>], vector<16xf32>,
      } {sc.loop_unroll_factor = 2 : i64, sc.parallel_access}
      %dma_start3A_334 = arith.constant 0 : i32
      %dma_start3A_335 = arith.constant 0 : i32
      %dma_start3A_336 = arith.constant 0 : i32
      %dma_start3A_337 = arith.constant 0 : i32
      %dma_start3A_338 = arith.constant 0 : i32
      %dma_start3A_339 = tpu.memref_slice %arg7[%dma_start3A_334, %dma_start3A_335, %dma_start3A_336, %dma_start3A_337, %dma_start3A_338] : memref<2x4x4x8x144xf32, #tpu.memory_space<vmem>> -> memref<1x4x4x8x128xf32, #tpu.memory_space<vmem>>
      %dma_start3A_340 = tpu.memref_squeeze %dma_start3A_339 : memref<1x4x4x8x128xf32, #tpu.memory_space<vmem>> -> memref<4x4x8x128xf32, #tpu.memory_space<vmem>>
      %dma_start3A_341 = arith.constant 0 : i32
      %dma_start3A_342 = arith.constant 0 : i32
      %dma_start3A_343 = arith.constant 0 : i32
      %dma_start3A_344 = tpu.memref_slice %arg4[%shift_right_arithmetic3A_302, %dma_start3A_341, %multiple_of3A_307, %dma_start3A_342, %dma_start3A_343] : memref<200x4x128x8x128xf32, #tpu.memory_space<hbm>> -> memref<1x4x4x8x128xf32, #tpu.memory_space<hbm>>
      %dma_start3A_345 = tpu.memref_squeeze %dma_start3A_344 : memref<1x4x4x8x128xf32, #tpu.memory_space<hbm>> -> memref<4x4x8x128xf32, #tpu.memory_space<hbm>>
      %dma_start3A_346 = arith.constant 0 : i32
      %dma_start3A_347 = arith.constant 0 : i32
      %dma_start3A_348 = arith.constant 0 : i32
      %dma_start3A_349 = tpu.memref_slice %arg4[%shift_right_arithmetic3A_302, %dma_start3A_346, %multiple_of3A_307, %dma_start3A_347, %dma_start3A_348] : memref<200x4x128x8x128xf32, #tpu.memory_space<hbm>> -> memref<1x4x4x8x128xf32, #tpu.memory_space<hbm>>
      %dma_start3A_350 = tpu.memref_squeeze %dma_start3A_349 : memref<1x4x4x8x128xf32, #tpu.memory_space<hbm>> -> memref<4x4x8x128xf32, #tpu.memory_space<hbm>>
      %dma_start3A_351 = arith.constant 0 : i32
      %dma_start3A_352 = arith.constant 0 : i32
      %dma_start3A_353 = arith.constant 0 : i32
      %dma_start3A_354 = arith.constant 0 : i32
      %dma_start3A_355 = tpu.memref_slice %arg7[%dma_start3A_334, %dma_start3A_351, %dma_start3A_352, %dma_start3A_353, %dma_start3A_354] : memref<2x4x4x8x144xf32, #tpu.memory_space<vmem>> -> memref<1x4x4x8x128xf32, #tpu.memory_space<vmem>>
      %dma_start3A_356 = tpu.memref_squeeze %dma_start3A_355 : memref<1x4x4x8x128xf32, #tpu.memory_space<vmem>> -> memref<4x4x8x128xf32, #tpu.memory_space<vmem>>
      tpu.enqueue_dma source(%dma_start3A_356 : memref<4x4x8x128xf32, #tpu.memory_space<vmem>>) target(%dma_start3A_350 : memref<4x4x8x128xf32, #tpu.memory_space<hbm>>) target_semaphore(%arg16 : memref<!tpu.dma_semaphore, #tpu.memory_space<semaphore_mem>>)
      %lt3A_357 = arith.constant 49 : i32
      %lt3A_358 = arith.cmpi slt, %scan3A_162, %lt3A_357 : i32
      %convert_element_type3A_359 = arith.extui %lt3A_358 : i1 to i32
      %cond3A_360 = arith.constant 0 : i32
      %cond3A_361 = arith.cmpi ne, %convert_element_type3A_359, %cond3A_360 : i32
      scf.if %cond3A_361 {
        %dma_wait3A_430 = arith.constant 2 : i32
        %dma_wait3A_431 = arith.constant 0 : i32
        %dma_wait3A_432 = tpu.memref_slice %arg5[%dma_wait3A_430, %dma_wait3A_431] : memref<4x512xi32, #tpu.memory_space<vmem>> -> memref<1x512xi32, #tpu.memory_space<vmem>>
        %dma_wait3A_433 = tpu.memref_squeeze %dma_wait3A_432 : memref<1x512xi32, #tpu.memory_space<vmem>> -> memref<512xi32, #tpu.memory_space<vmem>>
        %dma_wait3A_434 = arith.constant 0 : i32
        %dma_wait3A_435 = tpu.memref_slice %arg2[%dma_wait3A_434] : memref<3276800xi32, #tpu.memory_space<hbm>> -> memref<512xi32, #tpu.memory_space<hbm>>
        %dma_wait3A_436 = arith.constant 0 : i32
        %dma_wait3A_437 = tpu.memref_slice %arg5[%dma_wait3A_430, %dma_wait3A_436] : memref<4x512xi32, #tpu.memory_space<vmem>> -> memref<1x512xi32, #tpu.memory_space<vmem>>
        %dma_wait3A_438 = tpu.memref_squeeze %dma_wait3A_437 : memref<1x512xi32, #tpu.memory_space<vmem>> -> memref<512xi32, #tpu.memory_space<vmem>>
        %dma_wait3A_439 = arith.constant 0 : i32
        %dma_wait3A_440 = tpu.memref_slice %arg2[%dma_wait3A_439] : memref<3276800xi32, #tpu.memory_space<hbm>> -> memref<512xi32, #tpu.memory_space<hbm>>
        tpu.wait_dma2 semaphore(%arg10 : memref<!tpu.dma_semaphore, #tpu.memory_space<semaphore_mem>>) src(%dma_wait3A_440 : memref<512xi32, #tpu.memory_space<hbm>>) dst(%dma_wait3A_438 : memref<512xi32, #tpu.memory_space<vmem>>)
        %dma_start3A_441 = arith.constant 2 : i32
        %dma_start3A_442 = arith.constant 2 : i32
        %dma_start3A_443 = arith.constant 0 : i32
        %dma_start3A_444 = arith.constant 0 : i32
        %dma_start3A_445 = tpu.memref_slice %arg6[%dma_start3A_442, %dma_start3A_443, %dma_start3A_444] : memref<4x512x32xf32, #tpu.memory_space<vmem>> -> memref<1x512x32xf32, #tpu.memory_space<vmem>>
        %dma_start3A_446 = tpu.memref_squeeze %dma_start3A_445 : memref<1x512x32xf32, #tpu.memory_space<vmem>> -> memref<512x32xf32, #tpu.memory_space<vmem>>
        %dma_start3A_447 = arith.constant 0 : i32
        %dma_start3A_448 = tpu.memref_slice %arg5[%dma_start3A_441, %dma_start3A_447] : memref<4x512xi32, #tpu.memory_space<vmem>> -> memref<1x512xi32, #tpu.memory_space<vmem>>
        %dma_start3A_449 = tpu.memref_squeeze %dma_start3A_448 : memref<1x512xi32, #tpu.memory_space<vmem>> -> memref<512xi32, #tpu.memory_space<vmem>>
        %dma_start3A_450 = arith.constant 0 : i32
        %dma_start3A_451 = arith.constant 0 : i32
        %dma_start3A_452 = tpu.memref_slice %arg3[%dma_start3A_450, %dma_start3A_451] : memref<100000x32xf32, #tpu.memory_space<hbm>> -> memref<100000x32xf32, #tpu.memory_space<hbm>>
        tpu.enqueue_indirect_dma source(%dma_start3A_452 : memref<100000x32xf32, #tpu.memory_space<hbm>>) target(%dma_start3A_446 : memref<512x32xf32, #tpu.memory_space<vmem>>) offsets(%dma_start3A_449 : memref<512xi32, #tpu.memory_space<vmem>>) semaphore(%arg14 : memref<!tpu.dma_semaphore, #tpu.memory_space<semaphore_mem>>)
      } else {
      }
      %mul3A_362 = arith.constant 4 : i32
      %mul3A_363 = arith.muli %mul3A_362, %scan3A_162 : i32
      %add3A_364 = arith.constant 3 : i32
      %add3A_365 = arith.addi %mul3A_363, %add3A_364 : i32
      %mul3A_366 = arith.constant 512 : i32
      %mul3A_367 = arith.muli %add3A_365, %mul3A_366 : i32
      %add3A_368 = arith.addi %mul3A_2, %mul3A_367 : i32
      %shift_right_arithmetic3A_369 = arith.constant 14 : i32
      %shift_right_arithmetic3A_370 = arith.shrsi %add3A_368, %shift_right_arithmetic3A_369 : i32
      %and3A_371 = arith.constant 16383 : i32
      %and3A_372 = arith.andi %add3A_368, %and3A_371 : i32
      %shift_right_arithmetic3A_373 = arith.constant 7 : i32
      %shift_right_arithmetic3A_374 = arith.shrsi %and3A_372, %shift_right_arithmetic3A_373 : i32
      %multiple_of3A_375 = tpu.assume_multiple %shift_right_arithmetic3A_374, 4 : i32
      %dma_wait3A_376 = arith.constant 3 : i32
      %dma_wait3A_377 = arith.constant 3 : i32
      %dma_wait3A_378 = arith.constant 0 : i32
      %dma_wait3A_379 = arith.constant 0 : i32
      %dma_wait3A_380 = tpu.memref_slice %arg6[%dma_wait3A_377, %dma_wait3A_378, %dma_wait3A_379] : memref<4x512x32xf32, #tpu.memory_space<vmem>> -> memref<1x512x32xf32, #tpu.memory_space<vmem>>
      %dma_wait3A_381 = tpu.memref_squeeze %dma_wait3A_380 : memref<1x512x32xf32, #tpu.memory_space<vmem>> -> memref<512x32xf32, #tpu.memory_space<vmem>>
      %dma_wait3A_382 = arith.constant 0 : i32
      %dma_wait3A_383 = tpu.memref_slice %arg5[%dma_wait3A_376, %dma_wait3A_382] : memref<4x512xi32, #tpu.memory_space<vmem>> -> memref<1x512xi32, #tpu.memory_space<vmem>>
      %dma_wait3A_384 = tpu.memref_squeeze %dma_wait3A_383 : memref<1x512xi32, #tpu.memory_space<vmem>> -> memref<512xi32, #tpu.memory_space<vmem>>
      %dma_wait3A_385 = arith.constant 0 : i32
      %dma_wait3A_386 = arith.constant 0 : i32
      %dma_wait3A_387 = tpu.memref_slice %arg3[%dma_wait3A_385, %dma_wait3A_386] : memref<100000x32xf32, #tpu.memory_space<hbm>> -> memref<100000x32xf32, #tpu.memory_space<hbm>>
      tpu.wait_indirect_dma semaphore(%arg15 : memref<!tpu.dma_semaphore, #tpu.memory_space<semaphore_mem>>) src(%dma_wait3A_387 : memref<100000x32xf32, #tpu.memory_space<hbm>>) dst(%dma_wait3A_381 : memref<512x32xf32, #tpu.memory_space<vmem>>)
      %lt3A_388 = arith.constant 49 : i32
      %lt3A_389 = arith.cmpi slt, %scan3A_162, %lt3A_388 : i32
      %convert_element_type3A_390 = arith.extui %lt3A_389 : i1 to i32
      %cond3A_391 = arith.constant 0 : i32
      %cond3A_392 = arith.cmpi ne, %convert_element_type3A_390, %cond3A_391 : i32
      scf.if %cond3A_392 {
        %add3A_430 = arith.constant 4 : i32
        %add3A_431 = arith.addi %add3A_365, %add3A_430 : i32
        %mul3A_432 = arith.constant 512 : i32
        %mul3A_433 = arith.muli %add3A_431, %mul3A_432 : i32
        %add3A_434 = arith.addi %mul3A_2, %mul3A_433 : i32
        %shift_right_arithmetic3A_435 = arith.constant 14 : i32
        %shift_right_arithmetic3A_436 = arith.shrsi %add3A_434, %shift_right_arithmetic3A_435 : i32
        %and3A_437 = arith.constant 16383 : i32
        %and3A_438 = arith.andi %add3A_434, %and3A_437 : i32
        %shift_right_arithmetic3A_439 = arith.constant 7 : i32
        %shift_right_arithmetic3A_440 = arith.shrsi %and3A_438, %shift_right_arithmetic3A_439 : i32
        %multiple_of3A_441 = tpu.assume_multiple %shift_right_arithmetic3A_440, 4 : i32
        %dma_start3A_442 = arith.constant 3 : i32
        %dma_start3A_443 = arith.constant 0 : i32
        %dma_start3A_444 = tpu.memref_slice %arg5[%dma_start3A_442, %dma_start3A_443] : memref<4x512xi32, #tpu.memory_space<vmem>> -> memref<1x512xi32, #tpu.memory_space<vmem>>
        %dma_start3A_445 = tpu.memref_squeeze %dma_start3A_444 : memref<1x512xi32, #tpu.memory_space<vmem>> -> memref<512xi32, #tpu.memory_space<vmem>>
        %dma_start3A_446 = tpu.memref_slice %arg2[%add3A_434] : memref<3276800xi32, #tpu.memory_space<hbm>> -> memref<512xi32, #tpu.memory_space<hbm>>
        %dma_start3A_447 = arith.constant 0 : i32
        %dma_start3A_448 = tpu.memref_slice %arg5[%dma_start3A_442, %dma_start3A_447] : memref<4x512xi32, #tpu.memory_space<vmem>> -> memref<1x512xi32, #tpu.memory_space<vmem>>
        %dma_start3A_449 = tpu.memref_squeeze %dma_start3A_448 : memref<1x512xi32, #tpu.memory_space<vmem>> -> memref<512xi32, #tpu.memory_space<vmem>>
        %dma_start3A_450 = tpu.memref_slice %arg2[%add3A_434] : memref<3276800xi32, #tpu.memory_space<hbm>> -> memref<512xi32, #tpu.memory_space<hbm>>
        tpu.enqueue_dma source(%dma_start3A_450 : memref<512xi32, #tpu.memory_space<hbm>>) target(%dma_start3A_449 : memref<512xi32, #tpu.memory_space<vmem>>) target_semaphore(%arg11 : memref<!tpu.dma_semaphore, #tpu.memory_space<semaphore_mem>>)
      } else {
      }
      %ge3A_393 = arith.constant 2 : i32
      %ge3A_394 = arith.cmpi sge, %add3A_365, %ge3A_393 : i32
      %convert_element_type3A_395 = arith.extui %ge3A_394 : i1 to i32
      %cond3A_396 = arith.constant 0 : i32
      %cond3A_397 = arith.cmpi ne, %convert_element_type3A_395, %cond3A_396 : i32
      scf.if %cond3A_397 {
        %sub3A = arith.constant 2 : i32
        %sub3A_430 = arith.subi %add3A_365, %sub3A : i32
        %mul3A_431 = arith.constant 512 : i32
        %mul3A_432 = arith.muli %sub3A_430, %mul3A_431 : i32
        %add3A_433 = arith.addi %mul3A_2, %mul3A_432 : i32
        %shift_right_arithmetic3A_434 = arith.constant 14 : i32
        %shift_right_arithmetic3A_435 = arith.shrsi %add3A_433, %shift_right_arithmetic3A_434 : i32
        %and3A_436 = arith.constant 16383 : i32
        %and3A_437 = arith.andi %add3A_433, %and3A_436 : i32
        %shift_right_arithmetic3A_438 = arith.constant 7 : i32
        %shift_right_arithmetic3A_439 = arith.shrsi %and3A_437, %shift_right_arithmetic3A_438 : i32
        %multiple_of3A_440 = tpu.assume_multiple %shift_right_arithmetic3A_439, 4 : i32
        %dma_wait3A_441 = arith.constant 1 : i32
        %dma_wait3A_442 = arith.constant 0 : i32
        %dma_wait3A_443 = arith.constant 0 : i32
        %dma_wait3A_444 = arith.constant 0 : i32
        %dma_wait3A_445 = arith.constant 0 : i32
        %dma_wait3A_446 = tpu.memref_slice %arg7[%dma_wait3A_441, %dma_wait3A_442, %dma_wait3A_443, %dma_wait3A_444, %dma_wait3A_445] : memref<2x4x4x8x144xf32, #tpu.memory_space<vmem>> -> memref<1x4x4x8x128xf32, #tpu.memory_space<vmem>>
        %dma_wait3A_447 = tpu.memref_squeeze %dma_wait3A_446 : memref<1x4x4x8x128xf32, #tpu.memory_space<vmem>> -> memref<4x4x8x128xf32, #tpu.memory_space<vmem>>
        %dma_wait3A_448 = arith.constant 0 : i32
        %dma_wait3A_449 = arith.constant 0 : i32
        %dma_wait3A_450 = arith.constant 0 : i32
        %dma_wait3A_451 = tpu.memref_slice %arg4[%shift_right_arithmetic3A_435, %dma_wait3A_448, %multiple_of3A_440, %dma_wait3A_449, %dma_wait3A_450] : memref<200x4x128x8x128xf32, #tpu.memory_space<hbm>> -> memref<1x4x4x8x128xf32, #tpu.memory_space<hbm>>
        %dma_wait3A_452 = tpu.memref_squeeze %dma_wait3A_451 : memref<1x4x4x8x128xf32, #tpu.memory_space<hbm>> -> memref<4x4x8x128xf32, #tpu.memory_space<hbm>>
        %dma_wait3A_453 = arith.constant 0 : i32
        %dma_wait3A_454 = arith.constant 0 : i32
        %dma_wait3A_455 = arith.constant 0 : i32
        %dma_wait3A_456 = tpu.memref_slice %arg4[%shift_right_arithmetic3A_435, %dma_wait3A_453, %multiple_of3A_440, %dma_wait3A_454, %dma_wait3A_455] : memref<200x4x128x8x128xf32, #tpu.memory_space<hbm>> -> memref<1x4x4x8x128xf32, #tpu.memory_space<hbm>>
        %dma_wait3A_457 = tpu.memref_squeeze %dma_wait3A_456 : memref<1x4x4x8x128xf32, #tpu.memory_space<hbm>> -> memref<4x4x8x128xf32, #tpu.memory_space<hbm>>
        %dma_wait3A_458 = arith.constant 0 : i32
        %dma_wait3A_459 = arith.constant 0 : i32
        %dma_wait3A_460 = arith.constant 0 : i32
        %dma_wait3A_461 = arith.constant 0 : i32
        %dma_wait3A_462 = tpu.memref_slice %arg7[%dma_wait3A_441, %dma_wait3A_458, %dma_wait3A_459, %dma_wait3A_460, %dma_wait3A_461] : memref<2x4x4x8x144xf32, #tpu.memory_space<vmem>> -> memref<1x4x4x8x128xf32, #tpu.memory_space<vmem>>
        %dma_wait3A_463 = tpu.memref_squeeze %dma_wait3A_462 : memref<1x4x4x8x128xf32, #tpu.memory_space<vmem>> -> memref<4x4x8x128xf32, #tpu.memory_space<vmem>>
        tpu.wait_dma2 semaphore(%arg17 : memref<!tpu.dma_semaphore, #tpu.memory_space<semaphore_mem>>) src(%dma_wait3A_463 : memref<4x4x8x128xf32, #tpu.memory_space<vmem>>) dst(%dma_wait3A_457 : memref<4x4x8x128xf32, #tpu.memory_space<hbm>>)
      } else {
      }
      %parallel_loop3A_398 = arith.constant 0 : i32
      %parallel_loop3A_399 = arith.constant 512 : i32
      %parallel_loop3A_400 = arith.constant 8 : i32
      %parallel_loop3A_401 = arith.constant 1 : i32
      scf.for %parallel_loop3A_430 = %parallel_loop3A_398 to %parallel_loop3A_399 step %parallel_loop3A_400  : i32 {
        %parallel_loop3A_431 = tpu.assume_multiple %parallel_loop3A_430, 8 : i32
        %parallel_loop3A_432 = arith.constant 7 : i32
        %parallel_loop3A_433 = arith.shrui %parallel_loop3A_431, %parallel_loop3A_432 : i32
        %parallel_loop3A_434 = arith.constant 0 : i32
        %parallel_loop3A_435 = vector.broadcast %parallel_loop3A_434 : i32 to vector<16xi32>
        %parallel_loop3A_436 = vector.broadcast %parallel_loop3A_433 : i32 to vector<16xi32>
        %parallel_loop3A_437 = arith.addi %parallel_loop3A_435, %parallel_loop3A_436 : vector<16xi32>
        %parallel_loop3A_438 = arith.constant 127 : i32
        %parallel_loop3A_439 = arith.andi %parallel_loop3A_431, %parallel_loop3A_438 : i32
        %parallel_loop3A_440 = arith.constant 0 : i32
        %parallel_loop3A_441 = arith.addi %parallel_loop3A_431, %parallel_loop3A_440 : i32
        %parallel_loop3A_442 = arith.constant 0 : i32
        %parallel_loop3A_443 = vector.broadcast %parallel_loop3A_442 : i32 to vector<16xi32>
        %parallel_loop3A_444 = arith.constant 0 : i32
        %parallel_loop3A_445 = arith.addi %parallel_loop3A_439, %parallel_loop3A_444 : i32
        %parallel_loop3A_446 = vector.broadcast %parallel_loop3A_445 : i32 to vector<16xi32>
        %parallel_loop3A_447 = arith.addi %parallel_loop3A_443, %parallel_loop3A_446 : vector<16xi32>
        %parallel_loop3A_448 = arith.constant 3 : i32
        %parallel_loop3A_449 = arith.index_cast %parallel_loop3A_448 : i32 to index
        %parallel_loop3A_450 = arith.index_cast %parallel_loop3A_441 : i32 to index
        %parallel_loop3A_451 = arith.constant 0 : index
        %parallel_loop3A_452 = tpu.vector_load %arg6[%parallel_loop3A_449, %parallel_loop3A_450, %parallel_loop3A_451] {strides = array<i32>} : memref<4x512x32xf32, #tpu.memory_space<vmem>>, vector<16xf32>,
        %parallel_loop3A_453 = arith.constant 3 : i32
        %parallel_loop3A_454 = arith.index_cast %parallel_loop3A_453 : i32 to index
        %parallel_loop3A_455 = arith.index_cast %parallel_loop3A_441 : i32 to index
        %parallel_loop3A_456 = arith.constant 16 : index
        %parallel_loop3A_457 = tpu.vector_load %arg6[%parallel_loop3A_454, %parallel_loop3A_455, %parallel_loop3A_456] {strides = array<i32>} : memref<4x512x32xf32, #tpu.memory_space<vmem>>, vector<16xf32>,
        %parallel_loop3A_458 = arith.constant 0 : i32
        %parallel_loop3A_459 = arith.constant 0 : i32
        %parallel_loop3A_460 = arith.constant 0 : i32
        %parallel_loop3A_461 = arith.constant 0 : i32
        %parallel_loop3A_462 = tpu.memref_slice %arg7[%parallel_loop3A_401, %parallel_loop3A_458, %parallel_loop3A_459, %parallel_loop3A_460, %parallel_loop3A_461] : memref<2x4x4x8x144xf32, #tpu.memory_space<vmem>> -> memref<1x4x4x8x144xf32, #tpu.memory_space<vmem>>
        %parallel_loop3A_463 = tpu.memref_squeeze %parallel_loop3A_462 : memref<1x4x4x8x144xf32, #tpu.memory_space<vmem>> -> memref<4x4x8x144xf32, #tpu.memory_space<vmem>>
        tpu.vector_store_idx %parallel_loop3A_463[%shift_right_logical3A_4, %parallel_loop3A_437, %and3A_9, %parallel_loop3A_447], %parallel_loop3A_452 : memref<4x4x8x144xf32, #tpu.memory_space<vmem>>[vector<16xi32>, vector<16xi32>, vector<16xi32>, vector<16xi32>], vector<16xf32>,
        %parallel_loop3A_464 = arith.constant 0 : i32
        %parallel_loop3A_465 = arith.constant 0 : i32
        %parallel_loop3A_466 = arith.constant 0 : i32
        %parallel_loop3A_467 = arith.constant 0 : i32
        %parallel_loop3A_468 = tpu.memref_slice %arg7[%parallel_loop3A_401, %parallel_loop3A_464, %parallel_loop3A_465, %parallel_loop3A_466, %parallel_loop3A_467] : memref<2x4x4x8x144xf32, #tpu.memory_space<vmem>> -> memref<1x4x4x8x144xf32, #tpu.memory_space<vmem>>
        %parallel_loop3A_469 = tpu.memref_squeeze %parallel_loop3A_468 : memref<1x4x4x8x144xf32, #tpu.memory_space<vmem>> -> memref<4x4x8x144xf32, #tpu.memory_space<vmem>>
        tpu.vector_store_idx %parallel_loop3A_469[%add3A_7, %parallel_loop3A_437, %and3A_9, %parallel_loop3A_447], %parallel_loop3A_457 : memref<4x4x8x144xf32, #tpu.memory_space<vmem>>[vector<16xi32>, vector<16xi32>, vector<16xi32>, vector<16xi32>], vector<16xf32>,
        %parallel_loop3A_470 = arith.constant 1 : i32
        %parallel_loop3A_471 = arith.addi %parallel_loop3A_431, %parallel_loop3A_470 : i32
        %parallel_loop3A_472 = arith.constant 0 : i32
        %parallel_loop3A_473 = vector.broadcast %parallel_loop3A_472 : i32 to vector<16xi32>
        %parallel_loop3A_474 = arith.constant 1 : i32
        %parallel_loop3A_475 = arith.addi %parallel_loop3A_439, %parallel_loop3A_474 : i32
        %parallel_loop3A_476 = vector.broadcast %parallel_loop3A_475 : i32 to vector<16xi32>
        %parallel_loop3A_477 = arith.addi %parallel_loop3A_473, %parallel_loop3A_476 : vector<16xi32>
        %parallel_loop3A_478 = arith.constant 3 : i32
        %parallel_loop3A_479 = arith.index_cast %parallel_loop3A_478 : i32 to index
        %parallel_loop3A_480 = arith.index_cast %parallel_loop3A_471 : i32 to index
        %parallel_loop3A_481 = arith.constant 0 : index
        %parallel_loop3A_482 = tpu.vector_load %arg6[%parallel_loop3A_479, %parallel_loop3A_480, %parallel_loop3A_481] {strides = array<i32>} : memref<4x512x32xf32, #tpu.memory_space<vmem>>, vector<16xf32>,
        %parallel_loop3A_483 = arith.constant 3 : i32
        %parallel_loop3A_484 = arith.index_cast %parallel_loop3A_483 : i32 to index
        %parallel_loop3A_485 = arith.index_cast %parallel_loop3A_471 : i32 to index
        %parallel_loop3A_486 = arith.constant 16 : index
        %parallel_loop3A_487 = tpu.vector_load %arg6[%parallel_loop3A_484, %parallel_loop3A_485, %parallel_loop3A_486] {strides = array<i32>} : memref<4x512x32xf32, #tpu.memory_space<vmem>>, vector<16xf32>,
        %parallel_loop3A_488 = arith.constant 0 : i32
        %parallel_loop3A_489 = arith.constant 0 : i32
        %parallel_loop3A_490 = arith.constant 0 : i32
        %parallel_loop3A_491 = arith.constant 0 : i32
        %parallel_loop3A_492 = tpu.memref_slice %arg7[%parallel_loop3A_401, %parallel_loop3A_488, %parallel_loop3A_489, %parallel_loop3A_490, %parallel_loop3A_491] : memref<2x4x4x8x144xf32, #tpu.memory_space<vmem>> -> memref<1x4x4x8x144xf32, #tpu.memory_space<vmem>>
        %parallel_loop3A_493 = tpu.memref_squeeze %parallel_loop3A_492 : memref<1x4x4x8x144xf32, #tpu.memory_space<vmem>> -> memref<4x4x8x144xf32, #tpu.memory_space<vmem>>
        tpu.vector_store_idx %parallel_loop3A_493[%shift_right_logical3A_4, %parallel_loop3A_437, %and3A_9, %parallel_loop3A_477], %parallel_loop3A_482 : memref<4x4x8x144xf32, #tpu.memory_space<vmem>>[vector<16xi32>, vector<16xi32>, vector<16xi32>, vector<16xi32>], vector<16xf32>,
        %parallel_loop3A_494 = arith.constant 0 : i32
        %parallel_loop3A_495 = arith.constant 0 : i32
        %parallel_loop3A_496 = arith.constant 0 : i32
        %parallel_loop3A_497 = arith.constant 0 : i32
        %parallel_loop3A_498 = tpu.memref_slice %arg7[%parallel_loop3A_401, %parallel_loop3A_494, %parallel_loop3A_495, %parallel_loop3A_496, %parallel_loop3A_497] : memref<2x4x4x8x144xf32, #tpu.memory_space<vmem>> -> memref<1x4x4x8x144xf32, #tpu.memory_space<vmem>>
        %parallel_loop3A_499 = tpu.memref_squeeze %parallel_loop3A_498 : memref<1x4x4x8x144xf32, #tpu.memory_space<vmem>> -> memref<4x4x8x144xf32, #tpu.memory_space<vmem>>
        tpu.vector_store_idx %parallel_loop3A_499[%add3A_7, %parallel_loop3A_437, %and3A_9, %parallel_loop3A_477], %parallel_loop3A_487 : memref<4x4x8x144xf32, #tpu.memory_space<vmem>>[vector<16xi32>, vector<16xi32>, vector<16xi32>, vector<16xi32>], vector<16xf32>,
        %parallel_loop3A_500 = arith.constant 2 : i32
        %parallel_loop3A_501 = arith.addi %parallel_loop3A_431, %parallel_loop3A_500 : i32
        %parallel_loop3A_502 = arith.constant 0 : i32
        %parallel_loop3A_503 = vector.broadcast %parallel_loop3A_502 : i32 to vector<16xi32>
        %parallel_loop3A_504 = arith.constant 2 : i32
        %parallel_loop3A_505 = arith.addi %parallel_loop3A_439, %parallel_loop3A_504 : i32
        %parallel_loop3A_506 = vector.broadcast %parallel_loop3A_505 : i32 to vector<16xi32>
        %parallel_loop3A_507 = arith.addi %parallel_loop3A_503, %parallel_loop3A_506 : vector<16xi32>
        %parallel_loop3A_508 = arith.constant 3 : i32
        %parallel_loop3A_509 = arith.index_cast %parallel_loop3A_508 : i32 to index
        %parallel_loop3A_510 = arith.index_cast %parallel_loop3A_501 : i32 to index
        %parallel_loop3A_511 = arith.constant 0 : index
        %parallel_loop3A_512 = tpu.vector_load %arg6[%parallel_loop3A_509, %parallel_loop3A_510, %parallel_loop3A_511] {strides = array<i32>} : memref<4x512x32xf32, #tpu.memory_space<vmem>>, vector<16xf32>,
        %parallel_loop3A_513 = arith.constant 3 : i32
        %parallel_loop3A_514 = arith.index_cast %parallel_loop3A_513 : i32 to index
        %parallel_loop3A_515 = arith.index_cast %parallel_loop3A_501 : i32 to index
        %parallel_loop3A_516 = arith.constant 16 : index
        %parallel_loop3A_517 = tpu.vector_load %arg6[%parallel_loop3A_514, %parallel_loop3A_515, %parallel_loop3A_516] {strides = array<i32>} : memref<4x512x32xf32, #tpu.memory_space<vmem>>, vector<16xf32>,
        %parallel_loop3A_518 = arith.constant 0 : i32
        %parallel_loop3A_519 = arith.constant 0 : i32
        %parallel_loop3A_520 = arith.constant 0 : i32
        %parallel_loop3A_521 = arith.constant 0 : i32
        %parallel_loop3A_522 = tpu.memref_slice %arg7[%parallel_loop3A_401, %parallel_loop3A_518, %parallel_loop3A_519, %parallel_loop3A_520, %parallel_loop3A_521] : memref<2x4x4x8x144xf32, #tpu.memory_space<vmem>> -> memref<1x4x4x8x144xf32, #tpu.memory_space<vmem>>
        %parallel_loop3A_523 = tpu.memref_squeeze %parallel_loop3A_522 : memref<1x4x4x8x144xf32, #tpu.memory_space<vmem>> -> memref<4x4x8x144xf32, #tpu.memory_space<vmem>>
        tpu.vector_store_idx %parallel_loop3A_523[%shift_right_logical3A_4, %parallel_loop3A_437, %and3A_9, %parallel_loop3A_507], %parallel_loop3A_512 : memref<4x4x8x144xf32, #tpu.memory_space<vmem>>[vector<16xi32>, vector<16xi32>, vector<16xi32>, vector<16xi32>], vector<16xf32>,
        %parallel_loop3A_524 = arith.constant 0 : i32
        %parallel_loop3A_525 = arith.constant 0 : i32
        %parallel_loop3A_526 = arith.constant 0 : i32
        %parallel_loop3A_527 = arith.constant 0 : i32
        %parallel_loop3A_528 = tpu.memref_slice %arg7[%parallel_loop3A_401, %parallel_loop3A_524, %parallel_loop3A_525, %parallel_loop3A_526, %parallel_loop3A_527] : memref<2x4x4x8x144xf32, #tpu.memory_space<vmem>> -> memref<1x4x4x8x144xf32, #tpu.memory_space<vmem>>
        %parallel_loop3A_529 = tpu.memref_squeeze %parallel_loop3A_528 : memref<1x4x4x8x144xf32, #tpu.memory_space<vmem>> -> memref<4x4x8x144xf32, #tpu.memory_space<vmem>>
        tpu.vector_store_idx %parallel_loop3A_529[%add3A_7, %parallel_loop3A_437, %and3A_9, %parallel_loop3A_507], %parallel_loop3A_517 : memref<4x4x8x144xf32, #tpu.memory_space<vmem>>[vector<16xi32>, vector<16xi32>, vector<16xi32>, vector<16xi32>], vector<16xf32>,
        %parallel_loop3A_530 = arith.constant 3 : i32
        %parallel_loop3A_531 = arith.addi %parallel_loop3A_431, %parallel_loop3A_530 : i32
        %parallel_loop3A_532 = arith.constant 0 : i32
        %parallel_loop3A_533 = vector.broadcast %parallel_loop3A_532 : i32 to vector<16xi32>
        %parallel_loop3A_534 = arith.constant 3 : i32
        %parallel_loop3A_535 = arith.addi %parallel_loop3A_439, %parallel_loop3A_534 : i32
        %parallel_loop3A_536 = vector.broadcast %parallel_loop3A_535 : i32 to vector<16xi32>
        %parallel_loop3A_537 = arith.addi %parallel_loop3A_533, %parallel_loop3A_536 : vector<16xi32>
        %parallel_loop3A_538 = arith.constant 3 : i32
        %parallel_loop3A_539 = arith.index_cast %parallel_loop3A_538 : i32 to index
        %parallel_loop3A_540 = arith.index_cast %parallel_loop3A_531 : i32 to index
        %parallel_loop3A_541 = arith.constant 0 : index
        %parallel_loop3A_542 = tpu.vector_load %arg6[%parallel_loop3A_539, %parallel_loop3A_540, %parallel_loop3A_541] {strides = array<i32>} : memref<4x512x32xf32, #tpu.memory_space<vmem>>, vector<16xf32>,
        %parallel_loop3A_543 = arith.constant 3 : i32
        %parallel_loop3A_544 = arith.index_cast %parallel_loop3A_543 : i32 to index
        %parallel_loop3A_545 = arith.index_cast %parallel_loop3A_531 : i32 to index
        %parallel_loop3A_546 = arith.constant 16 : index
        %parallel_loop3A_547 = tpu.vector_load %arg6[%parallel_loop3A_544, %parallel_loop3A_545, %parallel_loop3A_546] {strides = array<i32>} : memref<4x512x32xf32, #tpu.memory_space<vmem>>, vector<16xf32>,
        %parallel_loop3A_548 = arith.constant 0 : i32
        %parallel_loop3A_549 = arith.constant 0 : i32
        %parallel_loop3A_550 = arith.constant 0 : i32
        %parallel_loop3A_551 = arith.constant 0 : i32
        %parallel_loop3A_552 = tpu.memref_slice %arg7[%parallel_loop3A_401, %parallel_loop3A_548, %parallel_loop3A_549, %parallel_loop3A_550, %parallel_loop3A_551] : memref<2x4x4x8x144xf32, #tpu.memory_space<vmem>> -> memref<1x4x4x8x144xf32, #tpu.memory_space<vmem>>
        %parallel_loop3A_553 = tpu.memref_squeeze %parallel_loop3A_552 : memref<1x4x4x8x144xf32, #tpu.memory_space<vmem>> -> memref<4x4x8x144xf32, #tpu.memory_space<vmem>>
        tpu.vector_store_idx %parallel_loop3A_553[%shift_right_logical3A_4, %parallel_loop3A_437, %and3A_9, %parallel_loop3A_537], %parallel_loop3A_542 : memref<4x4x8x144xf32, #tpu.memory_space<vmem>>[vector<16xi32>, vector<16xi32>, vector<16xi32>, vector<16xi32>], vector<16xf32>,
        %parallel_loop3A_554 = arith.constant 0 : i32
        %parallel_loop3A_555 = arith.constant 0 : i32
        %parallel_loop3A_556 = arith.constant 0 : i32
        %parallel_loop3A_557 = arith.constant 0 : i32
        %parallel_loop3A_558 = tpu.memref_slice %arg7[%parallel_loop3A_401, %parallel_loop3A_554, %parallel_loop3A_555, %parallel_loop3A_556, %parallel_loop3A_557] : memref<2x4x4x8x144xf32, #tpu.memory_space<vmem>> -> memref<1x4x4x8x144xf32, #tpu.memory_space<vmem>>
        %parallel_loop3A_559 = tpu.memref_squeeze %parallel_loop3A_558 : memref<1x4x4x8x144xf32, #tpu.memory_space<vmem>> -> memref<4x4x8x144xf32, #tpu.memory_space<vmem>>
        tpu.vector_store_idx %parallel_loop3A_559[%add3A_7, %parallel_loop3A_437, %and3A_9, %parallel_loop3A_537], %parallel_loop3A_547 : memref<4x4x8x144xf32, #tpu.memory_space<vmem>>[vector<16xi32>, vector<16xi32>, vector<16xi32>, vector<16xi32>], vector<16xf32>,
        %parallel_loop3A_560 = arith.constant 4 : i32
        %parallel_loop3A_561 = arith.addi %parallel_loop3A_431, %parallel_loop3A_560 : i32
        %parallel_loop3A_562 = arith.constant 0 : i32
        %parallel_loop3A_563 = vector.broadcast %parallel_loop3A_562 : i32 to vector<16xi32>
        %parallel_loop3A_564 = arith.constant 4 : i32
        %parallel_loop3A_565 = arith.addi %parallel_loop3A_439, %parallel_loop3A_564 : i32
        %parallel_loop3A_566 = vector.broadcast %parallel_loop3A_565 : i32 to vector<16xi32>
        %parallel_loop3A_567 = arith.addi %parallel_loop3A_563, %parallel_loop3A_566 : vector<16xi32>
        %parallel_loop3A_568 = arith.constant 3 : i32
        %parallel_loop3A_569 = arith.index_cast %parallel_loop3A_568 : i32 to index
        %parallel_loop3A_570 = arith.index_cast %parallel_loop3A_561 : i32 to index
        %parallel_loop3A_571 = arith.constant 0 : index
        %parallel_loop3A_572 = tpu.vector_load %arg6[%parallel_loop3A_569, %parallel_loop3A_570, %parallel_loop3A_571] {strides = array<i32>} : memref<4x512x32xf32, #tpu.memory_space<vmem>>, vector<16xf32>,
        %parallel_loop3A_573 = arith.constant 3 : i32
        %parallel_loop3A_574 = arith.index_cast %parallel_loop3A_573 : i32 to index
        %parallel_loop3A_575 = arith.index_cast %parallel_loop3A_561 : i32 to index
        %parallel_loop3A_576 = arith.constant 16 : index
        %parallel_loop3A_577 = tpu.vector_load %arg6[%parallel_loop3A_574, %parallel_loop3A_575, %parallel_loop3A_576] {strides = array<i32>} : memref<4x512x32xf32, #tpu.memory_space<vmem>>, vector<16xf32>,
        %parallel_loop3A_578 = arith.constant 0 : i32
        %parallel_loop3A_579 = arith.constant 0 : i32
        %parallel_loop3A_580 = arith.constant 0 : i32
        %parallel_loop3A_581 = arith.constant 0 : i32
        %parallel_loop3A_582 = tpu.memref_slice %arg7[%parallel_loop3A_401, %parallel_loop3A_578, %parallel_loop3A_579, %parallel_loop3A_580, %parallel_loop3A_581] : memref<2x4x4x8x144xf32, #tpu.memory_space<vmem>> -> memref<1x4x4x8x144xf32, #tpu.memory_space<vmem>>
        %parallel_loop3A_583 = tpu.memref_squeeze %parallel_loop3A_582 : memref<1x4x4x8x144xf32, #tpu.memory_space<vmem>> -> memref<4x4x8x144xf32, #tpu.memory_space<vmem>>
        tpu.vector_store_idx %parallel_loop3A_583[%shift_right_logical3A_4, %parallel_loop3A_437, %and3A_9, %parallel_loop3A_567], %parallel_loop3A_572 : memref<4x4x8x144xf32, #tpu.memory_space<vmem>>[vector<16xi32>, vector<16xi32>, vector<16xi32>, vector<16xi32>], vector<16xf32>,
        %parallel_loop3A_584 = arith.constant 0 : i32
        %parallel_loop3A_585 = arith.constant 0 : i32
        %parallel_loop3A_586 = arith.constant 0 : i32
        %parallel_loop3A_587 = arith.constant 0 : i32
        %parallel_loop3A_588 = tpu.memref_slice %arg7[%parallel_loop3A_401, %parallel_loop3A_584, %parallel_loop3A_585, %parallel_loop3A_586, %parallel_loop3A_587] : memref<2x4x4x8x144xf32, #tpu.memory_space<vmem>> -> memref<1x4x4x8x144xf32, #tpu.memory_space<vmem>>
        %parallel_loop3A_589 = tpu.memref_squeeze %parallel_loop3A_588 : memref<1x4x4x8x144xf32, #tpu.memory_space<vmem>> -> memref<4x4x8x144xf32, #tpu.memory_space<vmem>>
        tpu.vector_store_idx %parallel_loop3A_589[%add3A_7, %parallel_loop3A_437, %and3A_9, %parallel_loop3A_567], %parallel_loop3A_577 : memref<4x4x8x144xf32, #tpu.memory_space<vmem>>[vector<16xi32>, vector<16xi32>, vector<16xi32>, vector<16xi32>], vector<16xf32>,
        %parallel_loop3A_590 = arith.constant 5 : i32
        %parallel_loop3A_591 = arith.addi %parallel_loop3A_431, %parallel_loop3A_590 : i32
        %parallel_loop3A_592 = arith.constant 0 : i32
        %parallel_loop3A_593 = vector.broadcast %parallel_loop3A_592 : i32 to vector<16xi32>
        %parallel_loop3A_594 = arith.constant 5 : i32
        %parallel_loop3A_595 = arith.addi %parallel_loop3A_439, %parallel_loop3A_594 : i32
        %parallel_loop3A_596 = vector.broadcast %parallel_loop3A_595 : i32 to vector<16xi32>
        %parallel_loop3A_597 = arith.addi %parallel_loop3A_593, %parallel_loop3A_596 : vector<16xi32>
        %parallel_loop3A_598 = arith.constant 3 : i32
        %parallel_loop3A_599 = arith.index_cast %parallel_loop3A_598 : i32 to index
        %parallel_loop3A_600 = arith.index_cast %parallel_loop3A_591 : i32 to index
        %parallel_loop3A_601 = arith.constant 0 : index
        %parallel_loop3A_602 = tpu.vector_load %arg6[%parallel_loop3A_599, %parallel_loop3A_600, %parallel_loop3A_601] {strides = array<i32>} : memref<4x512x32xf32, #tpu.memory_space<vmem>>, vector<16xf32>,
        %parallel_loop3A_603 = arith.constant 3 : i32
        %parallel_loop3A_604 = arith.index_cast %parallel_loop3A_603 : i32 to index
        %parallel_loop3A_605 = arith.index_cast %parallel_loop3A_591 : i32 to index
        %parallel_loop3A_606 = arith.constant 16 : index
        %parallel_loop3A_607 = tpu.vector_load %arg6[%parallel_loop3A_604, %parallel_loop3A_605, %parallel_loop3A_606] {strides = array<i32>} : memref<4x512x32xf32, #tpu.memory_space<vmem>>, vector<16xf32>,
        %parallel_loop3A_608 = arith.constant 0 : i32
        %parallel_loop3A_609 = arith.constant 0 : i32
        %parallel_loop3A_610 = arith.constant 0 : i32
        %parallel_loop3A_611 = arith.constant 0 : i32
        %parallel_loop3A_612 = tpu.memref_slice %arg7[%parallel_loop3A_401, %parallel_loop3A_608, %parallel_loop3A_609, %parallel_loop3A_610, %parallel_loop3A_611] : memref<2x4x4x8x144xf32, #tpu.memory_space<vmem>> -> memref<1x4x4x8x144xf32, #tpu.memory_space<vmem>>
        %parallel_loop3A_613 = tpu.memref_squeeze %parallel_loop3A_612 : memref<1x4x4x8x144xf32, #tpu.memory_space<vmem>> -> memref<4x4x8x144xf32, #tpu.memory_space<vmem>>
        tpu.vector_store_idx %parallel_loop3A_613[%shift_right_logical3A_4, %parallel_loop3A_437, %and3A_9, %parallel_loop3A_597], %parallel_loop3A_602 : memref<4x4x8x144xf32, #tpu.memory_space<vmem>>[vector<16xi32>, vector<16xi32>, vector<16xi32>, vector<16xi32>], vector<16xf32>,
        %parallel_loop3A_614 = arith.constant 0 : i32
        %parallel_loop3A_615 = arith.constant 0 : i32
        %parallel_loop3A_616 = arith.constant 0 : i32
        %parallel_loop3A_617 = arith.constant 0 : i32
        %parallel_loop3A_618 = tpu.memref_slice %arg7[%parallel_loop3A_401, %parallel_loop3A_614, %parallel_loop3A_615, %parallel_loop3A_616, %parallel_loop3A_617] : memref<2x4x4x8x144xf32, #tpu.memory_space<vmem>> -> memref<1x4x4x8x144xf32, #tpu.memory_space<vmem>>
        %parallel_loop3A_619 = tpu.memref_squeeze %parallel_loop3A_618 : memref<1x4x4x8x144xf32, #tpu.memory_space<vmem>> -> memref<4x4x8x144xf32, #tpu.memory_space<vmem>>
        tpu.vector_store_idx %parallel_loop3A_619[%add3A_7, %parallel_loop3A_437, %and3A_9, %parallel_loop3A_597], %parallel_loop3A_607 : memref<4x4x8x144xf32, #tpu.memory_space<vmem>>[vector<16xi32>, vector<16xi32>, vector<16xi32>, vector<16xi32>], vector<16xf32>,
        %parallel_loop3A_620 = arith.constant 6 : i32
        %parallel_loop3A_621 = arith.addi %parallel_loop3A_431, %parallel_loop3A_620 : i32
        %parallel_loop3A_622 = arith.constant 0 : i32
        %parallel_loop3A_623 = vector.broadcast %parallel_loop3A_622 : i32 to vector<16xi32>
        %parallel_loop3A_624 = arith.constant 6 : i32
        %parallel_loop3A_625 = arith.addi %parallel_loop3A_439, %parallel_loop3A_624 : i32
        %parallel_loop3A_626 = vector.broadcast %parallel_loop3A_625 : i32 to vector<16xi32>
        %parallel_loop3A_627 = arith.addi %parallel_loop3A_623, %parallel_loop3A_626 : vector<16xi32>
        %parallel_loop3A_628 = arith.constant 3 : i32
        %parallel_loop3A_629 = arith.index_cast %parallel_loop3A_628 : i32 to index
        %parallel_loop3A_630 = arith.index_cast %parallel_loop3A_621 : i32 to index
        %parallel_loop3A_631 = arith.constant 0 : index
        %parallel_loop3A_632 = tpu.vector_load %arg6[%parallel_loop3A_629, %parallel_loop3A_630, %parallel_loop3A_631] {strides = array<i32>} : memref<4x512x32xf32, #tpu.memory_space<vmem>>, vector<16xf32>,
        %parallel_loop3A_633 = arith.constant 3 : i32
        %parallel_loop3A_634 = arith.index_cast %parallel_loop3A_633 : i32 to index
        %parallel_loop3A_635 = arith.index_cast %parallel_loop3A_621 : i32 to index
        %parallel_loop3A_636 = arith.constant 16 : index
        %parallel_loop3A_637 = tpu.vector_load %arg6[%parallel_loop3A_634, %parallel_loop3A_635, %parallel_loop3A_636] {strides = array<i32>} : memref<4x512x32xf32, #tpu.memory_space<vmem>>, vector<16xf32>,
        %parallel_loop3A_638 = arith.constant 0 : i32
        %parallel_loop3A_639 = arith.constant 0 : i32
        %parallel_loop3A_640 = arith.constant 0 : i32
        %parallel_loop3A_641 = arith.constant 0 : i32
        %parallel_loop3A_642 = tpu.memref_slice %arg7[%parallel_loop3A_401, %parallel_loop3A_638, %parallel_loop3A_639, %parallel_loop3A_640, %parallel_loop3A_641] : memref<2x4x4x8x144xf32, #tpu.memory_space<vmem>> -> memref<1x4x4x8x144xf32, #tpu.memory_space<vmem>>
        %parallel_loop3A_643 = tpu.memref_squeeze %parallel_loop3A_642 : memref<1x4x4x8x144xf32, #tpu.memory_space<vmem>> -> memref<4x4x8x144xf32, #tpu.memory_space<vmem>>
        tpu.vector_store_idx %parallel_loop3A_643[%shift_right_logical3A_4, %parallel_loop3A_437, %and3A_9, %parallel_loop3A_627], %parallel_loop3A_632 : memref<4x4x8x144xf32, #tpu.memory_space<vmem>>[vector<16xi32>, vector<16xi32>, vector<16xi32>, vector<16xi32>], vector<16xf32>,
        %parallel_loop3A_644 = arith.constant 0 : i32
        %parallel_loop3A_645 = arith.constant 0 : i32
        %parallel_loop3A_646 = arith.constant 0 : i32
        %parallel_loop3A_647 = arith.constant 0 : i32
        %parallel_loop3A_648 = tpu.memref_slice %arg7[%parallel_loop3A_401, %parallel_loop3A_644, %parallel_loop3A_645, %parallel_loop3A_646, %parallel_loop3A_647] : memref<2x4x4x8x144xf32, #tpu.memory_space<vmem>> -> memref<1x4x4x8x144xf32, #tpu.memory_space<vmem>>
        %parallel_loop3A_649 = tpu.memref_squeeze %parallel_loop3A_648 : memref<1x4x4x8x144xf32, #tpu.memory_space<vmem>> -> memref<4x4x8x144xf32, #tpu.memory_space<vmem>>
        tpu.vector_store_idx %parallel_loop3A_649[%add3A_7, %parallel_loop3A_437, %and3A_9, %parallel_loop3A_627], %parallel_loop3A_637 : memref<4x4x8x144xf32, #tpu.memory_space<vmem>>[vector<16xi32>, vector<16xi32>, vector<16xi32>, vector<16xi32>], vector<16xf32>,
        %parallel_loop3A_650 = arith.constant 7 : i32
        %parallel_loop3A_651 = arith.addi %parallel_loop3A_431, %parallel_loop3A_650 : i32
        %parallel_loop3A_652 = arith.constant 0 : i32
        %parallel_loop3A_653 = vector.broadcast %parallel_loop3A_652 : i32 to vector<16xi32>
        %parallel_loop3A_654 = arith.constant 7 : i32
        %parallel_loop3A_655 = arith.addi %parallel_loop3A_439, %parallel_loop3A_654 : i32
        %parallel_loop3A_656 = vector.broadcast %parallel_loop3A_655 : i32 to vector<16xi32>
        %parallel_loop3A_657 = arith.addi %parallel_loop3A_653, %parallel_loop3A_656 : vector<16xi32>
        %parallel_loop3A_658 = arith.constant 3 : i32
        %parallel_loop3A_659 = arith.index_cast %parallel_loop3A_658 : i32 to index
        %parallel_loop3A_660 = arith.index_cast %parallel_loop3A_651 : i32 to index
        %parallel_loop3A_661 = arith.constant 0 : index
        %parallel_loop3A_662 = tpu.vector_load %arg6[%parallel_loop3A_659, %parallel_loop3A_660, %parallel_loop3A_661] {strides = array<i32>} : memref<4x512x32xf32, #tpu.memory_space<vmem>>, vector<16xf32>,
        %parallel_loop3A_663 = arith.constant 3 : i32
        %parallel_loop3A_664 = arith.index_cast %parallel_loop3A_663 : i32 to index
        %parallel_loop3A_665 = arith.index_cast %parallel_loop3A_651 : i32 to index
        %parallel_loop3A_666 = arith.constant 16 : index
        %parallel_loop3A_667 = tpu.vector_load %arg6[%parallel_loop3A_664, %parallel_loop3A_665, %parallel_loop3A_666] {strides = array<i32>} : memref<4x512x32xf32, #tpu.memory_space<vmem>>, vector<16xf32>,
        %parallel_loop3A_668 = arith.constant 0 : i32
        %parallel_loop3A_669 = arith.constant 0 : i32
        %parallel_loop3A_670 = arith.constant 0 : i32
        %parallel_loop3A_671 = arith.constant 0 : i32
        %parallel_loop3A_672 = tpu.memref_slice %arg7[%parallel_loop3A_401, %parallel_loop3A_668, %parallel_loop3A_669, %parallel_loop3A_670, %parallel_loop3A_671] : memref<2x4x4x8x144xf32, #tpu.memory_space<vmem>> -> memref<1x4x4x8x144xf32, #tpu.memory_space<vmem>>
        %parallel_loop3A_673 = tpu.memref_squeeze %parallel_loop3A_672 : memref<1x4x4x8x144xf32, #tpu.memory_space<vmem>> -> memref<4x4x8x144xf32, #tpu.memory_space<vmem>>
        tpu.vector_store_idx %parallel_loop3A_673[%shift_right_logical3A_4, %parallel_loop3A_437, %and3A_9, %parallel_loop3A_657], %parallel_loop3A_662 : memref<4x4x8x144xf32, #tpu.memory_space<vmem>>[vector<16xi32>, vector<16xi32>, vector<16xi32>, vector<16xi32>], vector<16xf32>,
        %parallel_loop3A_674 = arith.constant 0 : i32
        %parallel_loop3A_675 = arith.constant 0 : i32
        %parallel_loop3A_676 = arith.constant 0 : i32
        %parallel_loop3A_677 = arith.constant 0 : i32
        %parallel_loop3A_678 = tpu.memref_slice %arg7[%parallel_loop3A_401, %parallel_loop3A_674, %parallel_loop3A_675, %parallel_loop3A_676, %parallel_loop3A_677] : memref<2x4x4x8x144xf32, #tpu.memory_space<vmem>> -> memref<1x4x4x8x144xf32, #tpu.memory_space<vmem>>
        %parallel_loop3A_679 = tpu.memref_squeeze %parallel_loop3A_678 : memref<1x4x4x8x144xf32, #tpu.memory_space<vmem>> -> memref<4x4x8x144xf32, #tpu.memory_space<vmem>>
        tpu.vector_store_idx %parallel_loop3A_679[%add3A_7, %parallel_loop3A_437, %and3A_9, %parallel_loop3A_657], %parallel_loop3A_667 : memref<4x4x8x144xf32, #tpu.memory_space<vmem>>[vector<16xi32>, vector<16xi32>, vector<16xi32>, vector<16xi32>], vector<16xf32>,
      } {sc.loop_unroll_factor = 2 : i64, sc.parallel_access}
      %dma_start3A_402 = arith.constant 1 : i32
      %dma_start3A_403 = arith.constant 0 : i32
      %dma_start3A_404 = arith.constant 0 : i32
      %dma_start3A_405 = arith.constant 0 : i32
      %dma_start3A_406 = arith.constant 0 : i32
      %dma_start3A_407 = tpu.memref_slice %arg7[%dma_start3A_402, %dma_start3A_403, %dma_start3A_404, %dma_start3A_405, %dma_start3A_406] : memref<2x4x4x8x144xf32, #tpu.memory_space<vmem>> -> memref<1x4x4x8x128xf32, #tpu.memory_space<vmem>>
      %dma_start3A_408 = tpu.memref_squeeze %dma_start3A_407 : memref<1x4x4x8x128xf32, #tpu.memory_space<vmem>> -> memref<4x4x8x128xf32, #tpu.memory_space<vmem>>
      %dma_start3A_409 = arith.constant 0 : i32
      %dma_start3A_410 = arith.constant 0 : i32
      %dma_start3A_411 = arith.constant 0 : i32
      %dma_start3A_412 = tpu.memref_slice %arg4[%shift_right_arithmetic3A_370, %dma_start3A_409, %multiple_of3A_375, %dma_start3A_410, %dma_start3A_411] : memref<200x4x128x8x128xf32, #tpu.memory_space<hbm>> -> memref<1x4x4x8x128xf32, #tpu.memory_space<hbm>>
      %dma_start3A_413 = tpu.memref_squeeze %dma_start3A_412 : memref<1x4x4x8x128xf32, #tpu.memory_space<hbm>> -> memref<4x4x8x128xf32, #tpu.memory_space<hbm>>
      %dma_start3A_414 = arith.constant 0 : i32
      %dma_start3A_415 = arith.constant 0 : i32
      %dma_start3A_416 = arith.constant 0 : i32
      %dma_start3A_417 = tpu.memref_slice %arg4[%shift_right_arithmetic3A_370, %dma_start3A_414, %multiple_of3A_375, %dma_start3A_415, %dma_start3A_416] : memref<200x4x128x8x128xf32, #tpu.memory_space<hbm>> -> memref<1x4x4x8x128xf32, #tpu.memory_space<hbm>>
      %dma_start3A_418 = tpu.memref_squeeze %dma_start3A_417 : memref<1x4x4x8x128xf32, #tpu.memory_space<hbm>> -> memref<4x4x8x128xf32, #tpu.memory_space<hbm>>
      %dma_start3A_419 = arith.constant 0 : i32
      %dma_start3A_420 = arith.constant 0 : i32
      %dma_start3A_421 = arith.constant 0 : i32
      %dma_start3A_422 = arith.constant 0 : i32
      %dma_start3A_423 = tpu.memref_slice %arg7[%dma_start3A_402, %dma_start3A_419, %dma_start3A_420, %dma_start3A_421, %dma_start3A_422] : memref<2x4x4x8x144xf32, #tpu.memory_space<vmem>> -> memref<1x4x4x8x128xf32, #tpu.memory_space<vmem>>
      %dma_start3A_424 = tpu.memref_squeeze %dma_start3A_423 : memref<1x4x4x8x128xf32, #tpu.memory_space<vmem>> -> memref<4x4x8x128xf32, #tpu.memory_space<vmem>>
      tpu.enqueue_dma source(%dma_start3A_424 : memref<4x4x8x128xf32, #tpu.memory_space<vmem>>) target(%dma_start3A_418 : memref<4x4x8x128xf32, #tpu.memory_space<hbm>>) target_semaphore(%arg17 : memref<!tpu.dma_semaphore, #tpu.memory_space<semaphore_mem>>)
      %lt3A_425 = arith.constant 49 : i32
      %lt3A_426 = arith.cmpi slt, %scan3A_162, %lt3A_425 : i32
      %convert_element_type3A_427 = arith.extui %lt3A_426 : i1 to i32
      %cond3A_428 = arith.constant 0 : i32
      %cond3A_429 = arith.cmpi ne, %convert_element_type3A_427, %cond3A_428 : i32
      scf.if %cond3A_429 {
        %dma_wait3A_430 = arith.constant 3 : i32
        %dma_wait3A_431 = arith.constant 0 : i32
        %dma_wait3A_432 = tpu.memref_slice %arg5[%dma_wait3A_430, %dma_wait3A_431] : memref<4x512xi32, #tpu.memory_space<vmem>> -> memref<1x512xi32, #tpu.memory_space<vmem>>
        %dma_wait3A_433 = tpu.memref_squeeze %dma_wait3A_432 : memref<1x512xi32, #tpu.memory_space<vmem>> -> memref<512xi32, #tpu.memory_space<vmem>>
        %dma_wait3A_434 = arith.constant 0 : i32
        %dma_wait3A_435 = tpu.memref_slice %arg2[%dma_wait3A_434] : memref<3276800xi32, #tpu.memory_space<hbm>> -> memref<512xi32, #tpu.memory_space<hbm>>
        %dma_wait3A_436 = arith.constant 0 : i32
        %dma_wait3A_437 = tpu.memref_slice %arg5[%dma_wait3A_430, %dma_wait3A_436] : memref<4x512xi32, #tpu.memory_space<vmem>> -> memref<1x512xi32, #tpu.memory_space<vmem>>
        %dma_wait3A_438 = tpu.memref_squeeze %dma_wait3A_437 : memref<1x512xi32, #tpu.memory_space<vmem>> -> memref<512xi32, #tpu.memory_space<vmem>>
        %dma_wait3A_439 = arith.constant 0 : i32
        %dma_wait3A_440 = tpu.memref_slice %arg2[%dma_wait3A_439] : memref<3276800xi32, #tpu.memory_space<hbm>> -> memref<512xi32, #tpu.memory_space<hbm>>
        tpu.wait_dma2 semaphore(%arg11 : memref<!tpu.dma_semaphore, #tpu.memory_space<semaphore_mem>>) src(%dma_wait3A_440 : memref<512xi32, #tpu.memory_space<hbm>>) dst(%dma_wait3A_438 : memref<512xi32, #tpu.memory_space<vmem>>)
        %dma_start3A_441 = arith.constant 3 : i32
        %dma_start3A_442 = arith.constant 3 : i32
        %dma_start3A_443 = arith.constant 0 : i32
        %dma_start3A_444 = arith.constant 0 : i32
        %dma_start3A_445 = tpu.memref_slice %arg6[%dma_start3A_442, %dma_start3A_443, %dma_start3A_444] : memref<4x512x32xf32, #tpu.memory_space<vmem>> -> memref<1x512x32xf32, #tpu.memory_space<vmem>>
        %dma_start3A_446 = tpu.memref_squeeze %dma_start3A_445 : memref<1x512x32xf32, #tpu.memory_space<vmem>> -> memref<512x32xf32, #tpu.memory_space<vmem>>
        %dma_start3A_447 = arith.constant 0 : i32
        %dma_start3A_448 = tpu.memref_slice %arg5[%dma_start3A_441, %dma_start3A_447] : memref<4x512xi32, #tpu.memory_space<vmem>> -> memref<1x512xi32, #tpu.memory_space<vmem>>
        %dma_start3A_449 = tpu.memref_squeeze %dma_start3A_448 : memref<1x512xi32, #tpu.memory_space<vmem>> -> memref<512xi32, #tpu.memory_space<vmem>>
        %dma_start3A_450 = arith.constant 0 : i32
        %dma_start3A_451 = arith.constant 0 : i32
        %dma_start3A_452 = tpu.memref_slice %arg3[%dma_start3A_450, %dma_start3A_451] : memref<100000x32xf32, #tpu.memory_space<hbm>> -> memref<100000x32xf32, #tpu.memory_space<hbm>>
        tpu.enqueue_indirect_dma source(%dma_start3A_452 : memref<100000x32xf32, #tpu.memory_space<hbm>>) target(%dma_start3A_446 : memref<512x32xf32, #tpu.memory_space<vmem>>) offsets(%dma_start3A_449 : memref<512xi32, #tpu.memory_space<vmem>>) semaphore(%arg15 : memref<!tpu.dma_semaphore, #tpu.memory_space<semaphore_mem>>)
      } else {
      }
    }
    %scan3A_98 = arith.constant 50 : i32
    %add3A_99 = arith.constant 101376 : i32
    %add3A_100 = arith.addi %mul3A_2, %add3A_99 : i32
    %shift_right_arithmetic3A_101 = arith.constant 14 : i32
    %shift_right_arithmetic3A_102 = arith.shrsi %add3A_100, %shift_right_arithmetic3A_101 : i32
    %and3A_103 = arith.constant 16383 : i32
    %and3A_104 = arith.andi %add3A_100, %and3A_103 : i32
    %shift_right_arithmetic3A_105 = arith.constant 7 : i32
    %shift_right_arithmetic3A_106 = arith.shrsi %and3A_104, %shift_right_arithmetic3A_105 : i32
    %multiple_of3A_107 = tpu.assume_multiple %shift_right_arithmetic3A_106, 4 : i32
    %dma_wait3A = arith.constant 0 : i32
    %dma_wait3A_108 = arith.constant 0 : i32
    %dma_wait3A_109 = arith.constant 0 : i32
    %dma_wait3A_110 = arith.constant 0 : i32
    %dma_wait3A_111 = arith.constant 0 : i32
    %dma_wait3A_112 = tpu.memref_slice %arg7[%dma_wait3A, %dma_wait3A_108, %dma_wait3A_109, %dma_wait3A_110, %dma_wait3A_111] : memref<2x4x4x8x144xf32, #tpu.memory_space<vmem>> -> memref<1x4x4x8x128xf32, #tpu.memory_space<vmem>>
    %dma_wait3A_113 = tpu.memref_squeeze %dma_wait3A_112 : memref<1x4x4x8x128xf32, #tpu.memory_space<vmem>> -> memref<4x4x8x128xf32, #tpu.memory_space<vmem>>
    %dma_wait3A_114 = arith.constant 0 : i32
    %dma_wait3A_115 = arith.constant 0 : i32
    %dma_wait3A_116 = arith.constant 0 : i32
    %dma_wait3A_117 = tpu.memref_slice %arg4[%shift_right_arithmetic3A_102, %dma_wait3A_114, %multiple_of3A_107, %dma_wait3A_115, %dma_wait3A_116] : memref<200x4x128x8x128xf32, #tpu.memory_space<hbm>> -> memref<1x4x4x8x128xf32, #tpu.memory_space<hbm>>
    %dma_wait3A_118 = tpu.memref_squeeze %dma_wait3A_117 : memref<1x4x4x8x128xf32, #tpu.memory_space<hbm>> -> memref<4x4x8x128xf32, #tpu.memory_space<hbm>>
    %dma_wait3A_119 = arith.constant 0 : i32
    %dma_wait3A_120 = arith.constant 0 : i32
    %dma_wait3A_121 = arith.constant 0 : i32
    %dma_wait3A_122 = tpu.memref_slice %arg4[%shift_right_arithmetic3A_102, %dma_wait3A_119, %multiple_of3A_107, %dma_wait3A_120, %dma_wait3A_121] : memref<200x4x128x8x128xf32, #tpu.memory_space<hbm>> -> memref<1x4x4x8x128xf32, #tpu.memory_space<hbm>>
    %dma_wait3A_123 = tpu.memref_squeeze %dma_wait3A_122 : memref<1x4x4x8x128xf32, #tpu.memory_space<hbm>> -> memref<4x4x8x128xf32, #tpu.memory_space<hbm>>
    %dma_wait3A_124 = arith.constant 0 : i32
    %dma_wait3A_125 = arith.constant 0 : i32
    %dma_wait3A_126 = arith.constant 0 : i32
    %dma_wait3A_127 = arith.constant 0 : i32
    %dma_wait3A_128 = tpu.memref_slice %arg7[%dma_wait3A, %dma_wait3A_124, %dma_wait3A_125, %dma_wait3A_126, %dma_wait3A_127] : memref<2x4x4x8x144xf32, #tpu.memory_space<vmem>> -> memref<1x4x4x8x128xf32, #tpu.memory_space<vmem>>
    %dma_wait3A_129 = tpu.memref_squeeze %dma_wait3A_128 : memref<1x4x4x8x128xf32, #tpu.memory_space<vmem>> -> memref<4x4x8x128xf32, #tpu.memory_space<vmem>>
    tpu.wait_dma2 semaphore(%arg16 : memref<!tpu.dma_semaphore, #tpu.memory_space<semaphore_mem>>) src(%dma_wait3A_129 : memref<4x4x8x128xf32, #tpu.memory_space<vmem>>) dst(%dma_wait3A_123 : memref<4x4x8x128xf32, #tpu.memory_space<hbm>>)
    %add3A_130 = arith.constant 101888 : i32
    %add3A_131 = arith.addi %mul3A_2, %add3A_130 : i32
    %shift_right_arithmetic3A_132 = arith.constant 14 : i32
    %shift_right_arithmetic3A_133 = arith.shrsi %add3A_131, %shift_right_arithmetic3A_132 : i32
    %and3A_134 = arith.constant 16383 : i32
    %and3A_135 = arith.andi %add3A_131, %and3A_134 : i32
    %shift_right_arithmetic3A_136 = arith.constant 7 : i32
    %shift_right_arithmetic3A_137 = arith.shrsi %and3A_135, %shift_right_arithmetic3A_136 : i32
    %multiple_of3A_138 = tpu.assume_multiple %shift_right_arithmetic3A_137, 4 : i32
    %dma_wait3A_139 = arith.constant 1 : i32
    %dma_wait3A_140 = arith.constant 0 : i32
    %dma_wait3A_141 = arith.constant 0 : i32
    %dma_wait3A_142 = arith.constant 0 : i32
    %dma_wait3A_143 = arith.constant 0 : i32
    %dma_wait3A_144 = tpu.memref_slice %arg7[%dma_wait3A_139, %dma_wait3A_140, %dma_wait3A_141, %dma_wait3A_142, %dma_wait3A_143] : memref<2x4x4x8x144xf32, #tpu.memory_space<vmem>> -> memref<1x4x4x8x128xf32, #tpu.memory_space<vmem>>
    %dma_wait3A_145 = tpu.memref_squeeze %dma_wait3A_144 : memref<1x4x4x8x128xf32, #tpu.memory_space<vmem>> -> memref<4x4x8x128xf32, #tpu.memory_space<vmem>>
    %dma_wait3A_146 = arith.constant 0 : i32
    %dma_wait3A_147 = arith.constant 0 : i32
    %dma_wait3A_148 = arith.constant 0 : i32
    %dma_wait3A_149 = tpu.memref_slice %arg4[%shift_right_arithmetic3A_133, %dma_wait3A_146, %multiple_of3A_138, %dma_wait3A_147, %dma_wait3A_148] : memref<200x4x128x8x128xf32, #tpu.memory_space<hbm>> -> memref<1x4x4x8x128xf32, #tpu.memory_space<hbm>>
    %dma_wait3A_150 = tpu.memref_squeeze %dma_wait3A_149 : memref<1x4x4x8x128xf32, #tpu.memory_space<hbm>> -> memref<4x4x8x128xf32, #tpu.memory_space<hbm>>
    %dma_wait3A_151 = arith.constant 0 : i32
    %dma_wait3A_152 = arith.constant 0 : i32
    %dma_wait3A_153 = arith.constant 0 : i32
    %dma_wait3A_154 = tpu.memref_slice %arg4[%shift_right_arithmetic3A_133, %dma_wait3A_151, %multiple_of3A_138, %dma_wait3A_152, %dma_wait3A_153] : memref<200x4x128x8x128xf32, #tpu.memory_space<hbm>> -> memref<1x4x4x8x128xf32, #tpu.memory_space<hbm>>
    %dma_wait3A_155 = tpu.memref_squeeze %dma_wait3A_154 : memref<1x4x4x8x128xf32, #tpu.memory_space<hbm>> -> memref<4x4x8x128xf32, #tpu.memory_space<hbm>>
    %dma_wait3A_156 = arith.constant 0 : i32
    %dma_wait3A_157 = arith.constant 0 : i32
    %dma_wait3A_158 = arith.constant 0 : i32
    %dma_wait3A_159 = arith.constant 0 : i32
    %dma_wait3A_160 = tpu.memref_slice %arg7[%dma_wait3A_139, %dma_wait3A_156, %dma_wait3A_157, %dma_wait3A_158, %dma_wait3A_159] : memref<2x4x4x8x144xf32, #tpu.memory_space<vmem>> -> memref<1x4x4x8x128xf32, #tpu.memory_space<vmem>>
    %dma_wait3A_161 = tpu.memref_squeeze %dma_wait3A_160 : memref<1x4x4x8x128xf32, #tpu.memory_space<vmem>> -> memref<4x4x8x128xf32, #tpu.memory_space<vmem>>
    tpu.wait_dma2 semaphore(%arg17 : memref<!tpu.dma_semaphore, #tpu.memory_space<semaphore_mem>>) src(%dma_wait3A_161 : memref<4x4x8x128xf32, #tpu.memory_space<vmem>>) dst(%dma_wait3A_155 : memref<4x4x8x128xf32, #tpu.memory_space<hbm>>)
    return
  }
}

</mosaic_0001>

<sc_bundles>
// kernel: kernel.3.cloned.1.call-start
scs
__scs_entry_jumppad:
0x0: {  	(pc) =	sbr.rel $0x88, $3  }
0x1: {  	(tag) =	ssettag $0x0;
	lr =	simm.s32 $0x1  }
0x2: {  	[smem:$0x3F9F] =	sst lr;
	_ =	strace $0xD0000000  }
0x3: {  	_ = 	snop  }
0x4: {  	_ = 	snop  }
0x5: {  	_ = 	snop  }
0x6: {  	_ = 	snop  }
0x7: {  	_ = 	snop  }
__scs_overlays_trampoline_lowered:
0x8: {  	[smem:$0x3FAE] =	sst s0  }
0x9: {  	[smem:$0x3FAF] =	sst s1  }
0xa: {  	[smem:$0x3FB0] =	sst s2  }
0xb: {  	[smem:$0x3FB1] =	sst s3  }
0xc: {  	[smem:$0x3FB2] =	sst s4  }
0xd: {  	[smem:$0x3FB3] =	sst s5  }
0xe: {  	[smem:$0x3FB4] =	sst s6  }
0xf: {  	[smem:$0x3FB5] =	sst s7  }
0x10: {  	[smem:$0x3FB6] =	sst s8  }
0x11: {  	[smem:$0x3FB7] =	sst s9;
	s0 =	simm.s32 @!p0 $0x0  }
0x12: {  	s1 =	sld [smem:$0x3F9D];
	s0 =	simm.s32 @p0 $0x1  }
0x13: {  	[smem:$0x3FB8] =	sst s0;
	s0 =	simm.s32 @!p1 $0x0  }
0x14: {  	s2 =	sld [smem:$0x3F9C];
	s0 =	simm.s32 @p1 $0x1  }
0x15: {  	[smem:$0x3FB9] =	sst s0;
	s0 =	simm.s32 @!p2 $0x0  }
0x16: {  	s3 =	sld [smem:$0x3FDB];
	s0 =	simm.s32 @p2 $0x1  }
0x17: {  	s4 =	simm.s32 $0x1BF5;
	[smem:$0x3FBB] =	sst s0  }
0x18: {  	s0 =	sld [smem:$0x3F9E];
	_ =	swait.ge [sflag:s4], $0x0  }
0x19: {  	s7 =	sld [smem:$0x3F9F]  }
0x1a: {  	s8 =	sadd.s32 $0xFFFFE003, lr  }
0x1b: {  	s9 =	sadd.s32 $0xFFFFFEF7, lr;
	s5 =	simm.s32 $0xFFFFFFFF;
	p2 =	slt.u32 s8, $0xFFFFF086  }
0x1c: {  	p1 =	slt.u32 s9, $0xF7A;
	s5 =	simm.s32 @!p2 $0x0  }
0x1d: {  	s5 =	simm.s32 @p1 $0x1;
	p0 =	seq.s32 s7, s2  }
0x1e: {  	s7 =	smul.u32 @!p0 $0xF7A, s2;
	p2 =	seq.s32 @!p0 s5, $0x0  }
0x1f: {  	s9 =	smul.u32 $0xF7A, s1;
	s8 =	simm.s32 @!p0 $0x1BF5;
	p2 =	por !p2, p0  }
0x20: {  	[sflag:s8] =	ssyncset.s32 @!p0 $0xFFFFF086;
	s6 =	sadd.s32 @!p0 s3, s7;
	s7 =	simm.s32 @!p0 $0x108  }
0x21: {  	s3 =	sadd.s32 s3, s9;
	s6 =	sadd.s32 @!p0 $0x88, s6;
	s7 =	simm.s32 @p2 $0x1082  }
0x22: {  	[simem:s7], [sflag:s8] =	dma.local @!p0 [hbm:s6], $0xF7A  }
0x23: {  	s9 =	sor.u32 $0xD0000000, s2;
	s6 =	simm.s32 $0x108;
	_ =	swait.ge @!p0 [sflag:s8], $0x0  }
0x24: {  	s3 =	sadd.s32 $0x88, s3;
	s6 =	simm.s32 @!p1 $0x1082;
	[sflag:s4] =	ssyncset.s32 $0xFFFFF086  }
0x25: {  	[simem:s6], [sflag:s4] =	dma.local [hbm:s3], $0xF7A  }
0x26: {  	[smem:$0x3F9F] =	sst s1;
	(tag) =	ssettag s2;
	_ =	strace s9  }
0x27: {  	s1 =	sld [smem:$0x3FAF]  }
0x28: {  	s2 =	sld [smem:$0x3FB0]  }
0x29: {  	s4 =	sld [smem:$0x3FB2]  }
0x2a: {  	p0 =	seq.s32 s5, $0x0;
	s5 =	sld [smem:$0x3FB3]  }
0x2b: {  	s6 =	sld [smem:$0x3FB4]  }
0x2c: {  	s7 =	sld [smem:$0x3FB5]  }
0x2d: {  	s3 =	simm.s32 $0x108;
	s8 =	sld [smem:$0x3FB6]  }
0x2e: {  	s3 =	simm.s32 @!p0 $0x1082;
	s9 =	sld [smem:$0x3FB7]  }
0x2f: {  	lr =	sadd.s32 s0, s3;
	s0 =	sld [smem:$0x3FAE]  }
0x30: {  	s3 =	sld [smem:$0x3FB1]  }
0x31: {  	[smem:$0x3FBA] =	sst s10  }
0x32: {  	s10 =	sld [smem:$0x3FB8];
	_ =	sdelay $0x3  }
0x33: {  	p0 =	seq.s32 s10, $0x1;
	s10 =	sld [smem:$0x3FBA];
	_ =	sdelay $0x3  }
0x34: {  	[smem:$0x3FBA] =	sst s10  }
0x35: {  	s10 =	sld [smem:$0x3FB9];
	_ =	sdelay $0x3  }
0x36: {  	p1 =	seq.s32 s10, $0x1;
	s10 =	sld [smem:$0x3FBA];
	_ =	sdelay $0x3  }
0x37: {  	[smem:$0x3FBA] =	sst s10  }
0x38: {  	s10 =	sld [smem:$0x3FBB]  }
0x39: {  	_ = 	snop;
	(pc) =	sbr.ind lr, $3  }
0x3a: {  	_ = 	snop  }
0x3b: {  	_ = 	snop  }
0x3c: {  	p2 =	seq.s32 s10, $0x1;
	s10 =	sld [smem:$0x3FBA]  }
0x3d: {  	_ =	shalt  }
0x3e: {  	_ =	shalt  }
0x3f: {  	_ =	shalt  }
0x40: {  	_ =	shalt  }
0x41: {  	_ =	shalt  }
0x42: {  	_ =	shalt  }
0x43: {  	_ =	shalt  }
0x44: {  	_ =	shalt  }
0x45: {  	_ =	shalt  }
0x46: {  	_ =	shalt  }
0x47: {  	_ =	shalt  }
0x48: {  	_ =	shalt  }
0x49: {  	_ =	shalt  }
0x4a: {  	_ =	shalt  }
0x4b: {  	_ =	shalt  }
0x4c: {  	_ =	shalt  }
0x4d: {  	_ =	shalt  }
0x4e: {  	_ =	shalt  }
0x4f: {  	_ =	shalt  }
0x50: {  	_ =	shalt  }
0x51: {  	_ =	shalt  }
0x52: {  	_ =	shalt  }
0x53: {  	_ =	shalt  }
0x54: {  	_ =	shalt  }
0x55: {  	_ =	shalt  }
0x56: {  	_ =	shalt  }
0x57: {  	_ =	shalt  }
0x58: {  	_ =	shalt  }
0x59: {  	_ =	shalt  }
0x5a: {  	_ =	shalt  }
0x5b: {  	_ =	shalt  }
0x5c: {  	_ =	shalt  }
0x5d: {  	_ =	shalt  }
0x5e: {  	_ =	shalt  }
0x5f: {  	_ =	shalt  }
0x60: {  	_ =	shalt  }
0x61: {  	_ =	shalt  }
0x62: {  	_ =	shalt  }
0x63: {  	_ =	shalt  }
0x64: {  	_ =	shalt  }
0x65: {  	_ =	shalt  }
0x66: {  	_ =	shalt  }
0x67: {  	_ =	shalt  }
0x68: {  	_ =	shalt  }
0x69: {  	_ =	shalt  }
0x6a: {  	_ =	shalt  }
0x6b: {  	_ =	shalt  }
0x6c: {  	_ =	shalt  }
0x6d: {  	_ =	shalt  }
0x6e: {  	_ =	shalt  }
0x6f: {  	_ =	shalt  }
0x70: {  	_ =	shalt  }
0x71: {  	_ =	shalt  }
0x72: {  	_ =	shalt  }
0x73: {  	_ =	shalt  }
0x74: {  	_ =	shalt  }
0x75: {  	_ =	shalt  }
0x76: {  	_ =	shalt  }
0x77: {  	_ =	shalt  }
0x78: {  	_ =	shalt  }
0x79: {  	_ =	shalt  }
0x7a: {  	_ =	shalt  }
0x7b: {  	_ =	shalt  }
0x7c: {  	_ =	shalt  }
0x7d: {  	_ =	shalt  }
0x7e: {  	_ =	shalt  }
0x7f: {  	_ =	shalt  }
0x80: {  	_ =	shalt  }
0x81: {  	_ =	shalt  }
0x82: {  	_ =	shalt  }
0x83: {  	_ =	shalt  }
0x84: {  	_ =	shalt  }
0x85: {  	_ =	shalt  }
0x86: {  	_ =	shalt  }
0x87: {  	_ =	shalt  }
.Lfunc_end0:
.L_simem_size_0:
called_computation_lowered:
.L_overlay_start_0:
0x88: {  	s2 =	sld [smem:$0x3FD9]  }
0x89: {  	s3 =	sld [smem:$0x3FFE];
	_ =	sdelay $0x1  }
0x8a: {  	s1 =	srdreg.scid  }
0x8b: {  	s0 =	sand.u32 $0x1, s1  }
0x8c: {  	s17 =	sshll.u32 s0, $0xA;
	s2 =	sadd.s32 s3, s2  }
0x8d: {  	s2 =	sadd.s32 s2, s17  }
0x8e: {  	[smem:$0x3FC6] =	sst s2  }
0x8f: {  	_ = 	snop  }
0x90: {  	s2 =	sld [smem:$0x3FD0];
	(tm) =	ssettm $0x1  }
0x91: {  	s18 =	sld [smem:$0x3FFB];
	_ =	sdelay $0x3  }
0x92: {  	_ =	strace s18  }
0x93: {  	s3 =	sld [smem:$0x3FFC];
	_ =	sdelay $0x3  }
0x94: {  	_ =	strace s3  }
0x95: {  	s3 =	sld [smem:$0x3FFD];
	_ =	sdelay $0x3  }
0x96: {  	_ =	strace s3  }
0x97: {  	_ =	strace $0x8FFFFFFF  }
0x98: {  	s19 =	sld [smem:$0x3FDB];
	_ =	sdelay $0x1  }
0x99: {  	s4 =	simm.s32 $_scs_section_size  }
0x9a: {  	s5 =	simm.s32 $_size__tile_overlayer_lowered;
	s6 =	simm.s32 $_tile_overlayer_lowered  }
0x9b: {  	s22 =	simm.s32 $0x1BFF;
	s21 =	sshll.u32 s6, $0x1;
	s3 =	sadd.s32 s4, s19  }
0x9c: {  	s7 =	simm.s32 $0x0;
	s20 =	sshll.u32 s5, $0x1;
	s5 =	sadd.s32 s21, s3  }
0x9d: {  	[timem:s7], [sflag:s22] =	dma.local [hbm:s5], s20  }
0x9e: {  	_ =	swait.ge [sflag:s22], s20  }
0x9f: {  	s4 =	ssub.s32 $0x0, s20;
	[sflag:s22] =	ssyncset.done $0x0  }
0xa0: {  	[sflag:s22] =	ssyncadd.s32 s4;
	_ =	sdelay $0x1  }
0xa1: {  	s23 =	simm.s32 $0x1B8B  }
0xa2: {  	_ =	swait.ge [sflag:s23], $0x1  }
0xa3: {  	[sflag:s23] =	ssyncset.done $0x0  }
0xa4: {  	s25 =	simm.s32 $0x1B8E;
	s24 =	sld [smem:$0x3FFE];
	[sflag:s23] =	ssyncadd.s32 $0xFFFFFFFF  }
0xa5: {  	s26 =	simm.s32 $execute0_lowered;
	[smem:$0x3FD2] =	sst s25  }
0xa6: {  	s5 =	sshll.u32 s26, $0x1;
	_ =	strace $0x80000046;
	[dreg:$0x1] =	wrdreg $0xFFFFFFFF  }
0xa7: {  	s28 =	simm.s32 $_size_execute0_lowered;
	s3 =	sadd.s32 s3, s5;
	[dreg:$0x0] =	wrdreg $0x0  }
0xa8: {  	s5 =	sshll.u32 s28, $0x1;
	[dreg:$0x2] =	wrdreg s3  }
0xa9: {  	[dreg:$0x3] =	wrdreg s5  }
0xaa: {  	[dreg:$0x4] =	wrdreg $0xC0  }
0xab: {  	_ =	task [dreg:s7], $0x5FFFF  }
0xac: {  	[dreg:$0x1] =	wrdreg $0xFFFFFFFF  }
0xad: {  	[dreg:$0x0] =	wrdreg $0x60  }
0xae: {  	[dreg:$0x2] =	wrdreg s24  }
0xaf: {  	[dreg:$0x3] =	wrdreg s2  }
0xb0: {  	[dreg:$0x4] =	wrdreg $0x9  }
0xb1: {  	_ =	task.clear_ibuf [dreg:s7], $0x5FFFF;
	_ =	strace $0x90000046  }
0xb2: {  	s29 =	simm.s32 $0x9;
	_ =	strace $0x80000048  }
0xb3: {  	_ =	swait.ge [sflag:s29], $0x1  }
0xb4: {  	[sflag:s29] =	ssyncadd.s32 $0xFFFFFFFF  }
0xb5: {  	_ =	strace $0x90000048  }
0xb6: {  	_ =	sfence  }
0xb7: {  	s30 =	sld [smem:$0x0];
	_ =	sdelay $0x2  }
0xb8: {  	s31 =	sshll.u32 s1, $0xD;
	s1 =	sshrl.u32 s1, $0x2  }
0xb9: {  	s3 =	sand.u32 $0x4000, s31;
	s1 =	sadd.s32 s1, s30  }
0xba: {  	s0 =	sor.u32 s3, s0;
	s1 =	sshll.u32 s1, $0x11  }
0xbb: {  	s0 =	sor.u32 s1, s0  }
0xbc: {  	s0 =	sadd.s32 $0x8F2B, s0  }
0xbd: {  	[sflag:s0] =	ssyncadd.remote.s32 $0x1  }
0xbe: {  	_ =	sfence.sel $0xFFFF  }
0xbf: {  	[dreg:$0x0] =	wrdreg $0xFFFFFFFF;
	(pc) =	sbr.abs _section_cstart, $3  }
0xc0: {  	[dreg:$0x1] =	wrdreg $0xFFFFFFFF  }
0xc1: {  	_ =	task.clear_ibuf [dreg:s7], $0x2FFFF;
	_ =	strace $0x9FFFFFFF  }
0xc2: {  	(tm) =	ssettm $0x7FFFFFFF  }
0xc3: {  	_ =	shalt  }
tec
execute0_lowered:
.L_overlay_start_1:
0x0: {  	(tag) =	ssettag $0x1  }
0x1: {  	v0 =	vimm.s32 $0x15F0  }
0x2: {  	vm0 =	vcmask $0x300;
	vm1 =	vcmask $0x704;
	v1 =	vimm.s32 $0x39F0  }
0x3: {  	s0 =	rddreg [dreg:$0x0];
	vm2 =	vcmask $0xB08;
	v0 =	vsel vm0, $0x0, v0;
	v1 =	vsel vm0, $0x2400, v1  }
0x4: {  	s1 =	srdreg.scid;
	s3 =	stileid.u32;
	vm3 =	vcmask $0xF0C;
	v0 =	vsel vm1, $0x90, v0;
	v1 =	vsel vm1, $0x2490, v1  }
0x5: {  	s2 =	rddreg [dreg:$0x1];
	vm15 =	vcmask $0x1310;
	s28 =	simm.s32 $0x15000;
	s29 =	simm.s32 $0x7;
	v0 =	vsel vm2, $0x120, v0;
	v1 =	vsel vm2, $0x2520, v1  }
0x6: {  	vm6 =	vcmask $0x1714;
	s30 =	simm.s32 $0x9;
	s31 =	simm.s32 $0x8;
	s8 =	simm.s32 $0x0;
	v0 =	vsel vm3, $0x1B0, v0;
	v1 =	vsel vm3, $0x25B0, v1  }
0x7: {  	vm7 =	vcmask $0x1B18;
	s1 =	sand.u32 $0x1, s1;
	s4 =	sshll.u32 s3, $0x1;
	s3 =	simm.s32 $0x0;
	v0 =	vsel vm15, $0x240, v0;
	v1 =	vsel vm15, $0x2640, v1  }
0x8: {  	vm8 =	vcmask $0x1F1C;
	s5 =	sadd.s32 $0x600, s0;
	s4 =	sor.u32 s1, s4;
	s1 =	ssub.s32 $0x2, s1;
	v0 =	vsel vm6, $0x2D0, v0;
	v1 =	vsel vm6, $0x26D0, v1  }
0x9: {  	vm9 =	vcmask $0x2320;
	[smem:$0x7FF] =	sst s3;
	s4 =	smul.u32 $0x19000, s4;
	s23 =	sshrl.u32 s1, $0x1;
	v0 =	vsel vm7, $0x360, v0;
	v1 =	vsel vm7, $0x2760, v1  }
0xa: {  	vm10 =	vcmask $0x2724;
	s6 =	sadd.s32 $0x64600, s0;
	_ =	strace $0x80000047;
	s0 =	ssub.s32 s1, s23;
	v0 =	vsel vm8, $0x3F0, v0;
	v1 =	vsel vm8, $0x27F0, v1  }
0xb: {  	vm11 =	vcmask $0x2B28;
	s1 =	simm.s32 $0xA;
	s7 =	sshrl.u32 s4, $0x3;
	s0 =	smax.u32 s0, $0x1;
	v0 =	vsel vm9, $0x1200, v0;
	v1 =	vsel vm9, $0x3600, v1  }
0xc: {  	vm12 =	vcmask $0x2F2C;
	s11 =	sor.u32 $0x800, s4;
	s7 =	sadd.s32 s5, s7;
	[dreg:$0x7] =	wrdreg s0;
	v0 =	vsel vm10, $0x1290, v0;
	v1 =	vsel vm10, $0x3690, v1  }
.Ltmp0:
0xd: {  	vm13 =	vcmask $0x3330;
	s24 =	sadd.s32 $0x40, s7;
	[dreg:$0x3] =	wrdreg s7;
	v0 =	vsel vm11, $0x1320, v0;
	v1 =	vsel vm11, $0x3720, v1;
	(pc) =	sbr.rel .LBB2_1-.Ltmp0, $4  }
0xe: {  	vm14 =	vcmask $0x3734;
	s12 =	sor.u32 $0xA00, s4;
	s25 =	sadd.s32 $0x80, s7;
	[dreg:$0x4] =	wrdreg s24;
	v0 =	vsel vm12, $0x13B0, v0;
	v1 =	vsel vm12, $0x37B0, v1  }
0xf: {  	v2 =	vimm.s32 $0x0;
	s13 =	sor.u32 $0xC00, s4;
	s26 =	sadd.s32 $0xC0, s7;
	[dreg:$0x5] =	wrdreg s25;
	v0 =	vsel vm13, $0x1440, v0;
	v1 =	vsel vm13, $0x3840, v1  }
0x10: {  	s14 =	sor.u32 $0xE00, s4;
	vm15 =	vcmask $0x3B38;
	s0 =	simm.s32 $0x4;
	[dreg:$0x6] =	wrdreg s26;
	v0 =	vsel vm14, $0x14D0, v0;
	v3 =	vsel vm14, $0x38D0, v1  }
0x11: {  	s24 =	simm.s32 $0x5;
	s25 =	simm.s32 $0x10800;
	s26 =	simm.s32 $0x6;
	v1 =	vsel vm0, $0x3, v2;
	v0 =	vsel vm15, $0x1560, v0;
	v2 =	vsel vm15, $0x3960, v3  }
.LBB2_47:
0x12: {  	_ =	swait.ge [sflag:s30], $0x4000  }
0x13: {  	[sflag:s30] =	ssyncset.done $0x0  }
0x14: {  	[sflag:s30] =	ssyncadd.s32 $0xFFFFC000  }
0x15: {  	_ =	swait.ge [sflag:s1], $0x4000  }
0x16: {  	s8 =	rddreg [dreg:$0x8]  }
0x17: {  	s7 =	rddreg [dreg:$0x7];
	s8 =	sadd.s32 $0x1, s8  }
0x18: {  	p0 =	sne.s32 s8, s7  }
.Ltmp1:
0x19: {  	_ = 	snop;
	(pc) =	sbr.rel @!p0 .LBB2_48-.Ltmp1, $3  }
0x1a: {  	_ =	sdelay $0x1  }
0x1b: {  	[sflag:s1] =	ssyncset.done $0x0  }
0x1c: {  	[sflag:s1] =	ssyncadd.s32 $0xFFFFC000  }
.LBB2_1:
0x1d: {  	[dreg:$0x8] =	wrdreg s8  }
0x1e: {  	s7 =	rddreg [dreg:$0x3];
	s15 =	simm.s32 $0xB  }
0x1f: {  	[tilespmem:s3], [sflag:$0xB] =	stream.linear.gather [hbm4b:s7+s3], $0x200, $0x38;
	[tilespmem:$0x19800] =	vst v63  }
0x20: {  	_ =	swait.ge [sflag:s15], $0x200  }
0x21: {  	[sflag:s15] =	ssyncset.done $0x0  }
0x22: {  	s9 =	simm.s32 $0x200;
	s16 =	simm.s32 $0x800;
	[sflag:s15] =	ssyncadd.s32 $0xFFFFFE00  }
0x23: {  	[tilespmem:s16], [sflag:$0x5] =	stream.indirect.gather [hbm4b:s6+s9], $0x20, s3, s9, $0xb8;
	[tilespmem:$0x19800] =	vst v63  }
0x24: {  	s17 =	rddreg [dreg:$0x4]  }
0x25: {  	[tilespmem:s9], [sflag:$0xB] =	stream.linear.gather [hbm4b:s17+s3], $0x200, $0x38;
	[tilespmem:$0x19800] =	vst v63  }
0x26: {  	_ =	swait.ge [sflag:s15], $0x200  }
0x27: {  	[sflag:s15] =	ssyncset.done $0x0  }
0x28: {  	s18 =	simm.s32 $0x4800;
	[sflag:s15] =	ssyncadd.s32 $0xFFFFFE00  }
0x29: {  	[tilespmem:s18], [sflag:$0x6] =	stream.indirect.gather [hbm4b:s6+s9], $0x20, s9, s9, $0xb8;
	[tilespmem:$0x19800] =	vst v63  }
0x2a: {  	s10 =	simm.s32 $0x400;
	s19 =	rddreg [dreg:$0x5]  }
0x2b: {  	[tilespmem:s10], [sflag:$0xB] =	stream.linear.gather [hbm4b:s19+s3], $0x200, $0x38;
	[tilespmem:$0x19800] =	vst v63  }
0x2c: {  	_ =	swait.ge [sflag:s15], $0x200  }
0x2d: {  	[sflag:s15] =	ssyncset.done $0x0  }
0x2e: {  	s20 =	simm.s32 $0x8800;
	[sflag:s15] =	ssyncadd.s32 $0xFFFFFE00  }
0x2f: {  	[tilespmem:s20], [sflag:$0x7] =	stream.indirect.gather [hbm4b:s6+s9], $0x20, s10, s9, $0xb8;
	[tilespmem:$0x19800] =	vst v63  }
0x30: {  	s22 =	simm.s32 $0x600;
	s21 =	rddreg [dreg:$0x6]  }
0x31: {  	[tilespmem:s22], [sflag:$0xB] =	stream.linear.gather [hbm4b:s21+s3], $0x200, $0x38;
	[tilespmem:$0x19800] =	vst v63  }
0x32: {  	_ =	swait.ge [sflag:s15], $0x200  }
0x33: {  	[sflag:s15] =	ssyncset.done $0x0  }
0x34: {  	s23 =	simm.s32 $0xC800;
	s19 =	simm.s32 $0x0;
	[sflag:s15] =	ssyncadd.s32 $0xFFFFFE00  }
0x35: {  	[tilespmem:s23], [sflag:$0x8] =	stream.indirect.gather [hbm4b:s6+s9], $0x20, s22, s9, $0xb8;
	[tilespmem:$0x19800] =	vst v63  }
.LBB2_2:
0x36: {  	p0 =	seq.s32 s19, $0x31  }
0x37: {  	p1 =	seq.s32 @!p0 s19, $0x0  }
0x38: {  	p1 =	por p0, !p1  }
.Ltmp2:
0x39: {  	s21 =	sshll.u32 s19, $0xB;
	(pc) =	sbr.rel @!p1 .LBB2_3-.Ltmp2, $4  }
0x3a: {  	_ =	swait.ge [sflag:s24], $0x4000;
	s7 =	sadd.s32 @!p0 s21, s11  }
0x3b: {  	[sflag:s24] =	ssyncset.done $0x0;
	s7 =	sshrl.u32 @!p0 s7, $0x3  }
0x3c: {  	s8 =	simm.s32 @!p0 $0x0;
	[sflag:s24] =	ssyncadd.s32 $0xFFFFC000;
	s7 =	sadd.s32 @!p0 s5, s7  }
0x3d: {  	[tilespmem:s8], [sflag:$0x1] =	stream.linear.gather @!p0 [hbm4b:s7+s8], $0x200, $0x38;
	[tilespmem:$0x19800] =	vst v63  }
.Ltmp3:
0x3e: {  	(pc) =	sbr.rel .LBB2_5-.Ltmp3, $4  }
0x3f: {  	_ = 	snop  }
0x40: {  	_ =	swait.ge [sflag:s30], $0x4000  }
0x41: {  	[sflag:s30] =	ssyncset.done $0x0  }
0x42: {  	p1 =	por $0x0, $0x0;
	[sflag:s30] =	ssyncadd.s32 $0xFFFFC000  }
.LBB2_3:
0x43: {  	p1 =	por @!p0 $0x1, $0x1  }
.LBB2_5:
0x44: {  	s7 =	simm.s32 $0x0;
	s8 =	simm.s32 $0x0  }
0x45: {  	s7 =	sand.u32 $0x70, s7;
	v3 =	vmov s8  }
0x46: {  	v4 =	vmov s7;
	v3 =	vmul.u32 $0x480, v3  }
0x47: {  	v4 =	vshrl.u32 v4, $0x3  }
0x48: {  	v4 =	vshll.u32 v4, v1;
	v3 =	vbroadcast v3, $0x0  }
0x49: {  	v4 =	vbroadcast v4, $0x0  }
0x4a: {  	s10 =	simm.s32 $0x900;
	v5 =	vadd.s32 v0, v3  }
0x4b: {  	v6 =	vld [tilespmem:s10+$0xFFFFFF00];
	v3 =	vadd.s32 v2, v3;
	v19 =	vadd.s32 v4, v5  }
0x4c: {  	v7 =	vld [tilespmem:s10+$0xFFFFFF10];
	v10 =	vadd.s32 v4, v3;
	_ =	sdelay $0x1  }
0x4d: {  	s9 =	simm.s32 $0x8  }
0x4e: {  	s7 =	sand.u32 $0x78, s9  }
0x4f: {  	v4 =	vmov s7;
	[tilespmem:v19+s25+$0x0] =	vst.idx.msk $0xffff, v6  }
0x50: {  	v4 =	vshrl.u32 v4, $0x3;
	[tilespmem:v10+s25+$0x0] =	vst.idx.msk $0xffff, v7  }
0x51: {  	v4 =	vshll.u32 v4, v1;
	v6 =	vor.u32 $0x1, v19;
	v7 =	vld [tilespmem:s10+$0xFFFFFF20]  }
0x52: {  	s15 =	simm.s32 $0x10;
	s16 =	simm.s32 $0x0;
	v9 =	vor.u32 $0x1, v10;
	v4 =	vbroadcast v4, $0x0;
	v8 =	vld [tilespmem:s10+$0xFFFFFF30]  }
0x53: {  	v11 =	vmov s16;
	s7 =	sand.u32 $0x70, s15  }
0x54: {  	v14 =	vld [tilespmem:s10+$0x0];
	v11 =	vmul.u32 $0x480, v11;
	v12 =	vadd.s32 v5, v4;
	v5 =	vmov s7  }
0x55: {  	v13 =	vadd.s32 v3, v4;
	v3 =	vld [tilespmem:s10+$0x10];
	v4 =	vshrl.u32 v5, $0x3  }
0x56: {  	v5 =	vbroadcast v11, $0x0;
	v4 =	vshll.u32 v4, v1;
	[tilespmem:v6+s25+$0x0] =	vst.idx.msk $0xffff, v7  }
0x57: {  	v4 =	vbroadcast v4, $0x0;
	[tilespmem:v9+s25+$0x0] =	vst.idx.msk $0xffff, v8  }
0x58: {  	s9 =	simm.s32 $0xB00;
	v7 =	vor.u32 $0x2, v19;
	v8 =	vadd.s32 v0, v5;
	v6 =	vld [tilespmem:s10+$0xFFFFFF40]  }
0x59: {  	v15 =	vld [tilespmem:s9+$0xFFFFFF00];
	[tilespmem:v12+s25+$0x0] =	vst.idx.msk $0xffff, v14;
	v14 =	vadd.s32 v2, v5;
	v5 =	vadd.s32 v4, v8  }
0x5a: {  	v11 =	vor.u32 $0x2, v10;
	[tilespmem:v13+s25+$0x0] =	vst.idx.msk $0xffff, v3;
	v9 =	vld [tilespmem:s10+$0xFFFFFF50]  }
0x5b: {  	v17 =	vor.u32 $0x1, v12;
	v3 =	vld [tilespmem:s10+$0x20]  }
0x5c: {  	v16 =	vld [tilespmem:s9+$0xFFFFFF10];
	v4 =	vadd.s32 v4, v14  }
0x5d: {  	s17 =	simm.s32 $0x18;
	s8 =	simm.s32 $0xD00;
	[tilespmem:v7+s25+$0x0] =	vst.idx.msk $0xffff, v6  }
0x5e: {  	v26 =	vld [tilespmem:s8+$0xFFFFFF00];
	s7 =	sand.u32 $0x78, s17;
	[tilespmem:v5+s25+$0x0] =	vst.idx.msk $0xffff, v15  }
0x5f: {  	v6 =	vld [tilespmem:s10+$0x30];
	v7 =	vor.u32 $0x1, v13;
	[tilespmem:v11+s25+$0x0] =	vst.idx.msk $0xffff, v9;
	v9 =	vmov s7  }
0x60: {  	v15 =	vor.u32 $0x3, v19;
	[tilespmem:v17+s25+$0x0] =	vst.idx.msk $0xffff, v3;
	v11 =	vld [tilespmem:s10+$0xFFFFFF60];
	v9 =	vshrl.u32 v9, $0x3  }
0x61: {  	v3 =	vor.u32 $0x3, v10;
	[tilespmem:v4+s25+$0x0] =	vst.idx.msk $0xffff, v16;
	v16 =	vld [tilespmem:s10+$0xFFFFFF70];
	v9 =	vshll.u32 v9, v1  }
0x62: {  	v17 =	vor.u32 $0x1, v5;
	v21 =	vld [tilespmem:s9+$0xFFFFFF20];
	v9 =	vbroadcast v9, $0x0  }
0x63: {  	v22 =	vor.u32 $0x1, v4;
	v20 =	vld [tilespmem:s9+$0xFFFFFF30]  }
0x64: {  	v18 =	vld [tilespmem:s9+$0x0];
	[tilespmem:v7+s25+$0x0] =	vst.idx.msk $0xffff, v6;
	v7 =	vadd.s32 v8, v9  }
0x65: {  	v24 =	vor.u32 $0x2, v12;
	v23 =	vld [tilespmem:s10+$0x40];
	[tilespmem:v15+s25+$0x0] =	vst.idx.msk $0xffff, v11  }
0x66: {  	v6 =	vld [tilespmem:s10+$0x50];
	[tilespmem:v3+s25+$0x0] =	vst.idx.msk $0xffff, v16;
	v3 =	vor.u32 $0x2, v13  }
0x67: {  	[tilespmem:v17+s25+$0x0] =	vst.idx.msk $0xffff, v21;
	v17 =	vor.u32 $0x4, v19;
	v16 =	vld [tilespmem:s10+$0xFFFFFF80]  }
0x68: {  	s18 =	simm.s32 $0x20;
	s15 =	simm.s32 $0x0;
	v11 =	vld [tilespmem:s9+$0x10];
	[tilespmem:v22+s25+$0x0] =	vst.idx.msk $0xffff, v20  }
0x69: {  	s7 =	sand.u32 $0x70, s18;
	v8 =	vadd.s32 v14, v9;
	v14 =	vmov s15;
	v22 =	vld [tilespmem:s9+$0xFFFFFF50];
	[tilespmem:v7+s25+$0x0] =	vst.idx.msk $0xffff, v18  }
0x6a: {  	v21 =	vmov s7;
	v14 =	vmul.u32 $0x480, v14;
	v20 =	vor.u32 $0x2, v5;
	v18 =	vld [tilespmem:s9+$0xFFFFFF40];
	[tilespmem:v24+s25+$0x0] =	vst.idx.msk $0xffff, v23  }
0x6b: {  	v21 =	vshrl.u32 v21, $0x3;
	v23 =	vor.u32 $0x2, v4;
	v24 =	vld [tilespmem:s10+$0xFFFFFF90];
	[tilespmem:v3+s25+$0x0] =	vst.idx.msk $0xffff, v6  }
0x6c: {  	v3 =	vshll.u32 v21, v1;
	v6 =	vbroadcast v14, $0x0;
	[tilespmem:v17+s25+$0x0] =	vst.idx.msk $0xffff, v16;
	v14 =	vld [tilespmem:s10+$0x60];
	v16 =	vor.u32 $0x3, v12  }
0x6d: {  	v25 =	vor.u32 $0x4, v10;
	v9 =	vld [tilespmem:s8+$0xFFFFFF10];
	v3 =	vbroadcast v3, $0x0  }
0x6e: {  	[tilespmem:v8+s25+$0x0] =	vst.idx.msk $0xffff, v11;
	v11 =	vor.u32 $0x3, v13;
	v17 =	vld [tilespmem:s10+$0x70];
	v21 =	vadd.s32 v0, v6  }
0x6f: {  	v15 =	vld [tilespmem:s8+$0x0];
	[tilespmem:v20+s25+$0x0] =	vst.idx.msk $0xffff, v18;
	v20 =	vadd.s32 v2, v6;
	v6 =	vadd.s32 v3, v21  }
0x70: {  	v18 =	vld [tilespmem:s9+$0x30];
	[tilespmem:v23+s25+$0x0] =	vst.idx.msk $0xffff, v22;
	v3 =	vadd.s32 v3, v20  }
0x71: {  	v22 =	vld [tilespmem:s9+$0x20];
	[tilespmem:v16+s25+$0x0] =	vst.idx.msk $0xffff, v14;
	v16 =	vor.u32 $0x1, v7  }
0x72: {  	[tilespmem:v25+s25+$0x0] =	vst.idx.msk $0xffff, v24;
	v24 =	vor.u32 $0x3, v5;
	v14 =	vld [tilespmem:s9+$0xFFFFFF60]  }
0x73: {  	v25 =	vld [tilespmem:s10+$0xFFFFFFA0];
	[tilespmem:v11+s25+$0x0] =	vst.idx.msk $0xffff, v17;
	v17 =	vor.u32 $0x1, v8  }
0x74: {  	s20 =	simm.s32 $0x28;
	v11 =	vld [tilespmem:s10+$0xFFFFFFB0];
	[tilespmem:v6+s25+$0x0] =	vst.idx.msk $0xffff, v26  }
0x75: {  	s7 =	sand.u32 $0x78, s20;
	v23 =	vld [tilespmem:s10+$0x80];
	[tilespmem:v3+s25+$0x0] =	vst.idx.msk $0xffff, v9;
	v9 =	vor.u32 $0x5, v19  }
0x76: {  	v27 =	vmov s7;
	v26 =	vld [tilespmem:s9+$0xFFFFFF70];
	[tilespmem:v16+s25+$0x0] =	vst.idx.msk $0xffff, v22;
	v16 =	vor.u32 $0x5, v10  }
0x77: {  	v22 =	vshrl.u32 v27, $0x3;
	v27 =	vld [tilespmem:s8+$0xFFFFFF20];
	[tilespmem:v24+s25+$0x0] =	vst.idx.msk $0xffff, v14;
	v14 =	vor.u32 $0x1, v6  }
0x78: {  	v28 =	vld [tilespmem:s8+$0xFFFFFF30];
	[tilespmem:v17+s25+$0x0] =	vst.idx.msk $0xffff, v18;
	v17 =	vor.u32 $0x3, v4;
	v18 =	vshll.u32 v22, v1  }
0x79: {  	v22 =	vld [tilespmem:s9+$0x50];
	v29 =	vbroadcast v18, $0x0  }
0x7a: {  	s7 =	simm.s32 $0xF00;
	v30 =	vor.u32 $0x1, v3;
	v24 =	vld [tilespmem:s9+$0x40];
	[tilespmem:v9+s25+$0x0] =	vst.idx.msk $0xffff, v25  }
0x7b: {  	v18 =	vld [tilespmem:s7+$0x0];
	v9 =	vadd.s32 v21, v29;
	[tilespmem:v16+s25+$0x0] =	vst.idx.msk $0xffff, v11  }
0x7c: {  	v25 =	vld [tilespmem:s8+$0x10];
	v16 =	vor.u32 $0x2, v7;
	[tilespmem:v14+s25+$0x0] =	vst.idx.msk $0xffff, v27  }
0x7d: {  	v27 =	vld [tilespmem:s10+$0x90];
	v11 =	vadd.s32 v20, v29;
	[tilespmem:v17+s25+$0x0] =	vst.idx.msk $0xffff, v26  }
0x7e: {  	v26 =	vor.u32 $0x4, v5;
	v21 =	vld [tilespmem:s9+$0xFFFFFF80]  }
0x7f: {  	v14 =	vor.u32 $0x2, v8;
	v17 =	vld [tilespmem:s10+$0xFFFFFFD0];
	[tilespmem:v30+s25+$0x0] =	vst.idx.msk $0xffff, v28  }
0x80: {  	v28 =	vld [tilespmem:s7+$0xFFFFFF10];
	v30 =	vor.u32 $0x4, v12;
	[tilespmem:v9+s25+$0x0] =	vst.idx.msk $0xffff, v15  }
0x81: {  	v31 =	vor.u32 $0x4, v13;
	v20 =	vld [tilespmem:s8+$0xFFFFFF40];
	[tilespmem:v16+s25+$0x0] =	vst.idx.msk $0xffff, v24  }
0x82: {  	s22 =	simm.s32 $0x0;
	s16 =	simm.s32 $0x30;
	v15 =	vld [tilespmem:s9+$0xFFFFFF90];
	v24 =	vor.u32 $0x2, v6;
	[tilespmem:v11+s25+$0x0] =	vst.idx.msk $0xffff, v25  }
0x83: {  	s18 =	sand.u32 $0x70, s16;
	v29 =	vor.u32 $0x2, v3;
	[tilespmem:v26+s25+$0x0] =	vst.idx.msk $0xffff, v21;
	v21 =	vmov s22;
	v26 =	vld [tilespmem:s8+$0xFFFFFF50]  }
0x84: {  	v16 =	vld [tilespmem:s7+$0xFFFFFF00];
	[tilespmem:v14+s25+$0x0] =	vst.idx.msk $0xffff, v22;
	v14 =	vmov s18;
	v22 =	vor.u32 $0x4, v4;
	v21 =	vmul.u32 $0x480, v21  }
0x85: {  	[tilespmem:v30+s25+$0x0] =	vst.idx.msk $0xffff, v23;
	v30 =	vor.u32 $0x3, v7;
	v32 =	vld [tilespmem:s9+$0x60];
	v14 =	vshrl.u32 v14, $0x3  }
0x86: {  	v25 =	vor.u32 $0x3, v8;
	v23 =	vld [tilespmem:s9+$0x70];
	[tilespmem:v31+s25+$0x0] =	vst.idx.msk $0xffff, v27;
	v14 =	vshll.u32 v14, v1;
	v21 =	vbroadcast v21, $0x0  }
0x87: {  	v31 =	vbroadcast v14, $0x0;
	[tilespmem:v24+s25+$0x0] =	vst.idx.msk $0xffff, v20;
	v20 =	vld [tilespmem:s10+$0xA0];
	v24 =	vor.u32 $0x5, v12  }
0x88: {  	v27 =	vld [tilespmem:s10+$0xB0];
	v33 =	vadd.s32 v0, v21;
	[tilespmem:v29+s25+$0x0] =	vst.idx.msk $0xffff, v26;
	v29 =	vor.u32 $0x5, v13  }
0x89: {  	v35 =	vld [tilespmem:s8+$0x30];
	[tilespmem:v22+s25+$0x0] =	vst.idx.msk $0xffff, v15;
	v34 =	vadd.s32 v2, v21;
	v14 =	vadd.s32 v31, v33  }
0x8a: {  	[tilespmem:v30+s25+$0x0] =	vst.idx.msk $0xffff, v32;
	v15 =	vadd.s32 v31, v34;
	v30 =	vld [tilespmem:s8+$0xFFFFFF60];
	v31 =	vor.u32 $0x3, v6  }
0x8b: {  	v22 =	vld [tilespmem:s8+$0x20];
	[tilespmem:v25+s25+$0x0] =	vst.idx.msk $0xffff, v23  }
0x8c: {  	v26 =	vld [tilespmem:s10+$0xFFFFFFC0];
	v23 =	vor.u32 $0x1, v9;
	[tilespmem:v24+s25+$0x0] =	vst.idx.msk $0xffff, v20  }
0x8d: {  	v25 =	vld [tilespmem:s9+$0xFFFFFFB0];
	v20 =	vor.u32 $0x6, v19;
	[tilespmem:v29+s25+$0x0] =	vst.idx.msk $0xffff, v27  }
0x8e: {  	s23 =	simm.s32 $0x38;
	v24 =	vld [tilespmem:s9+$0xFFFFFFA0];
	[tilespmem:v14+s25+$0x0] =	vst.idx.msk $0xffff, v16;
	v16 =	vor.u32 $0x1, v11  }
0x8f: {  	v36 =	vor.u32 $0x5, v5;
	s15 =	sand.u32 $0x78, s23;
	v29 =	vld [tilespmem:s8+$0xFFFFFF70];
	[tilespmem:v31+s25+$0x0] =	vst.idx.msk $0xffff, v30  }
0x90: {  	v61 =	vmov s15;
	v21 =	vld [tilespmem:s9+$0x80];
	[tilespmem:v15+s25+$0x0] =	vst.idx.msk $0xffff, v28;
	v28 =	vor.u32 $0x6, v10  }
0x91: {  	v30 =	vld [tilespmem:s10+$0xC0];
	[tilespmem:v23+s25+$0x0] =	vst.idx.msk $0xffff, v22;
	v22 =	vshrl.u32 v61, $0x3  }
0x92: {  	v31 =	vor.u32 $0x6, v12;
	v63 =	vld [tilespmem:s10+$0xD0];
	[tilespmem:v20+s25+$0x0] =	vst.idx.msk $0xffff, v26;
	v20 =	vshll.u32 v22, v1  }
0x93: {  	v38 =	vor.u32 $0x6, v13;
	v27 =	vld [tilespmem:s7+$0xFFFFFF30];
	[tilespmem:v16+s25+$0x0] =	vst.idx.msk $0xffff, v35;
	v16 =	vbroadcast v20, $0x0  }
0x94: {  	v62 =	vor.u32 $0x1, v14;
	v37 =	vld [tilespmem:s7+$0xFFFFFF20];
	[tilespmem:v36+s25+$0x0] =	vst.idx.msk $0xffff, v24  }
0x95: {  	v24 =	vld [tilespmem:s7+$0x10];
	[tilespmem:v28+s25+$0x0] =	vst.idx.msk $0xffff, v17;
	v17 =	vadd.s32 v33, v16;
	v33 =	vor.u32 $0x3, v3  }
0x96: {  	v32 =	vor.u32 $0x5, v4;
	v23 =	vld [tilespmem:s8+$0x50]  }
0x97: {  	[tilespmem:v31+s25+$0x0] =	vst.idx.msk $0xffff, v30;
	v31 =	vor.u32 $0x1, v15;
	v28 =	vld [tilespmem:s8+$0x40]  }
0x98: {  	v19 =	vor.u32 $0x7, v19;
	[tilespmem:v38+s25+$0x0] =	vst.idx.msk $0xffff, v63;
	v26 =	vld [tilespmem:s10+$0xFFFFFFF0]  }
0x99: {  	s20 =	sadd.s32 s4, s21;
	s15 =	simm.s32 $0xF00;
	v22 =	vor.u32 $0x2, v9;
	v16 =	vadd.s32 v34, v16;
	[tilespmem:v62+s25+$0x0] =	vst.idx.msk $0xffff, v37;
	v30 =	vld [tilespmem:s10+$0xFFFFFFE0];
	v20 =	vor.u32 $0x2, v17  }
.LBB2_6:
0x9a: {  	s7 =	sadd.s32 $0x200, s7;
	[tilespmem:v33+s25+$0x0] =	vst.idx.msk $0xffff, v29;
	v29 =	vld [tilespmem:s10+$0xF0];
	s18 =	smov.u32 s16;
	s16 =	sadd.s32 $0x10, s16  }
0x9b: {  	s23 =	sshrl.u32 s16, $0x7;
	s22 =	sand.u32 $0x70, s16;
	s18 =	sadd.s32 $0x18, s18;
	v33 =	vld [tilespmem:s7+$0x0];
	[tilespmem:v32+s25+$0x0] =	vst.idx.msk $0xffff, v25;
	v25 =	vor.u32 $0x7, v10;
	v32 =	vor.u32 $0x7, v13;
	v10 =	vmovc v4;
	v4 =	vmovc v3;
	v3 =	vmov v15  }
0x9c: {  	p2 =	slt.u32 s16, $0x1F0;
	v37 =	vmov s23;
	v15 =	vmov s22;
	s18 =	sand.u32 $0x78, s18;
	[tilespmem:v31+s25+$0x0] =	vst.idx.msk $0xffff, v27;
	v27 =	vld [tilespmem:s10+$0xE0];
	v31 =	vor.u32 $0x7, v12;
	v12 =	vmovc v7;
	v7 =	vmovc v9;
	s10 =	smov.u32 s9  }
0x9d: {  	v13 =	vmovc v8;
	v9 =	vmovc v17;
	s9 =	smov.u32 s8;
	s8 =	smov.u32 s15;
	s15 =	smov.u32 s7;
	v15 =	vshrl.u32 v15, $0x3;
	v34 =	vmul.u32 $0x480, v37;
	v35 =	vmov s18;
	[tilespmem:v17+s25+$0x0] =	vst.idx.msk $0xffff, v18;
	v36 =	vld [tilespmem:s10+$0xFFFFFFD0]  }
0x9e: {  	v8 =	vmovc v11;
	v37 =	vor.u32 $0x4, v6;
	v15 =	vshll.u32 v15, v1;
	v17 =	vshrl.u32 v35, $0x3;
	v35 =	vld [tilespmem:s9+$0xFFFFFF80];
	[tilespmem:v19+s25+$0x0] =	vst.idx.msk $0xffff, v30  }
0x9f: {  	v11 =	vmovc v16;
	v19 =	vbroadcast v34, $0x0;
	v17 =	vshll.u32 v17, v1;
	[tilespmem:v22+s25+$0x0] =	vst.idx.msk $0xffff, v28;
	v28 =	vor.u32 $0x2, v8;
	v30 =	vld [tilespmem:s10+$0x90]  }
0xa0: {  	v38 =	vor.u32 $0x4, v12;
	v15 =	vbroadcast v15, $0x0;
	v22 =	vmovc v20;
	v34 =	vld [tilespmem:s7+$0xFFFFFF10];
	v16 =	vbroadcast v17, $0x0;
	[tilespmem:v25+s25+$0x0] =	vst.idx.msk $0xffff, v26;
	v18 =	vmovc v33  }
0xa1: {  	v26 =	vor.u32 $0x4, v13;
	v17 =	vadd.s32 v0, v19;
	v19 =	vadd.s32 v2, v19;
	v25 =	vld [tilespmem:s9+$0xFFFFFF90];
	[tilespmem:v31+s25+$0x0] =	vst.idx.msk $0xffff, v27  }
0xa2: {  	v27 =	vld [tilespmem:s7+$0xFFFFFF00];
	v39 =	vadd.s32 v15, v17;
	v17 =	vadd.s32 v17, v16;
	[tilespmem:v32+s25+$0x0] =	vst.idx.msk $0xffff, v29  }
0xa3: {  	v15 =	vadd.s32 v15, v19;
	v16 =	vadd.s32 v19, v16;
	v29 =	vor.u32 $0x2, v14;
	v19 =	vld [tilespmem:s8+$0xFFFFFF40];
	[tilespmem:v37+s25+$0x0] =	vst.idx.msk $0xffff, v35  }
0xa4: {  	v32 =	vor.u32 $0x2, v3;
	v20 =	vor.u32 $0x2, v17;
	v31 =	vld [tilespmem:s8+$0xFFFFFF50];
	[tilespmem:v28+s25+$0x0] =	vst.idx.msk $0xffff, v23  }
0xa5: {  	v23 =	vor.u32 $0x4, v4;
	v28 =	vld [tilespmem:s9+$0x60];
	[tilespmem:v38+s25+$0x0] =	vst.idx.msk $0xffff, v21  }
0xa6: {  	v33 =	vor.u32 $0x3, v7;
	v21 =	vld [tilespmem:s9+$0x70];
	[tilespmem:v26+s25+$0x0] =	vst.idx.msk $0xffff, v30  }
0xa7: {  	[tilespmem:v11+s25+$0x0] =	vst.idx.msk $0xffff, v24;
	v24 =	vor.u32 $0x3, v8;
	v26 =	vld [tilespmem:s10+$0xB0]  }
0xa8: {  	[tilespmem:v29+s25+$0x0] =	vst.idx.msk $0xffff, v19;
	v19 =	vld [tilespmem:s10+$0xA0];
	v29 =	vor.u32 $0x5, v12  }
0xa9: {  	[tilespmem:v32+s25+$0x0] =	vst.idx.msk $0xffff, v31;
	v30 =	vld [tilespmem:s10+$0xFFFFFFC0];
	v31 =	vor.u32 $0x5, v13  }
0xaa: {  	v32 =	vld [tilespmem:s8+$0x30];
	[tilespmem:v23+s25+$0x0] =	vst.idx.msk $0xffff, v25  }
0xab: {  	v23 =	vld [tilespmem:s8+$0x20];
	[tilespmem:v33+s25+$0x0] =	vst.idx.msk $0xffff, v28  }
0xac: {  	v33 =	vor.u32 $0x3, v14;
	v28 =	vld [tilespmem:s8+$0xFFFFFF60];
	[tilespmem:v24+s25+$0x0] =	vst.idx.msk $0xffff, v21  }
0xad: {  	v24 =	vor.u32 $0x1, v9;
	v25 =	vld [tilespmem:s9+$0xFFFFFFB0];
	[tilespmem:v29+s25+$0x0] =	vst.idx.msk $0xffff, v19  }
0xae: {  	v19 =	vor.u32 $0x6, v5;
	v21 =	vld [tilespmem:s9+$0x80];
	[tilespmem:v31+s25+$0x0] =	vst.idx.msk $0xffff, v26  }
0xaf: {  	v26 =	vor.u32 $0x1, v11;
	[tilespmem:v39+s25+$0x0] =	vst.idx.msk $0xffff, v27;
	v35 =	vld [tilespmem:s9+$0xFFFFFFA0]  }
0xb0: {  	v31 =	vor.u32 $0x6, v10;
	[tilespmem:v15+s25+$0x0] =	vst.idx.msk $0xffff, v34;
	v29 =	vld [tilespmem:s8+$0xFFFFFF70]  }
0xb1: {  	v34 =	vor.u32 $0x6, v12;
	[tilespmem:v33+s25+$0x0] =	vst.idx.msk $0xffff, v28;
	v28 =	vld [tilespmem:s10+$0xC0]  }
0xb2: {  	v37 =	vor.u32 $0x1, v39;
	v27 =	vld [tilespmem:s7+$0xFFFFFF30];
	[tilespmem:v24+s25+$0x0] =	vst.idx.msk $0xffff, v23;
	v24 =	vor.u32 $0x5, v6  }
0xb3: {  	v38 =	vld [tilespmem:s7+$0xFFFFFF20];
	[tilespmem:v19+s25+$0x0] =	vst.idx.msk $0xffff, v30  }
0xb4: {  	v41 =	vor.u32 $0x6, v13;
	[tilespmem:v26+s25+$0x0] =	vst.idx.msk $0xffff, v32;
	v40 =	vld [tilespmem:s10+$0xD0]  }
.Ltmp4:
0xb5: {  	v33 =	vor.u32 $0x3, v3;
	v23 =	vld [tilespmem:s8+$0x50];
	[tilespmem:v31+s25+$0x0] =	vst.idx.msk $0xffff, v36;
	(pc) =	sbr.rel @p2 .LBB2_6-.Ltmp4, $4  }
0xb6: {  	v32 =	vor.u32 $0x5, v4;
	v26 =	vld [tilespmem:s10+$0xFFFFFFF0];
	[tilespmem:v34+s25+$0x0] =	vst.idx.msk $0xffff, v28  }
0xb7: {  	v31 =	vor.u32 $0x1, v15;
	v28 =	vld [tilespmem:s8+$0x40];
	[tilespmem:v24+s25+$0x0] =	vst.idx.msk $0xffff, v35  }
0xb8: {  	[tilespmem:v37+s25+$0x0] =	vst.idx.msk $0xffff, v38;
	v30 =	vld [tilespmem:s10+$0xFFFFFFE0]  }
0xb9: {  	v19 =	vor.u32 $0x7, v5;
	v5 =	vmovc v6;
	v6 =	vmov v14;
	v14 =	vmov v39;
	v24 =	vld [tilespmem:s7+$0x10];
	[tilespmem:v41+s25+$0x0] =	vst.idx.msk $0xffff, v40  }
0xba: {  	_ =	sdelay $0x3  }
0xbb: {  	[tilespmem:v33+s25+$0x0] =	vst.idx.msk $0xffff, v29  }
0xbc: {  	[tilespmem:v32+s25+$0x0] =	vst.idx.msk $0xffff, v25  }
0xbd: {  	v10 =	vor.u32 $0x7, v10;
	[tilespmem:v31+s25+$0x0] =	vst.idx.msk $0xffff, v27  }
0xbe: {  	v38 =	vld [tilespmem:s10+$0xE0];
	v12 =	vor.u32 $0x7, v12;
	[tilespmem:v17+s25+$0x0] =	vst.idx.msk $0xffff, v18  }
0xbf: {  	v42 =	vor.u32 $0x2, v11;
	[tilespmem:v22+s25+$0x0] =	vst.idx.msk $0xffff, v28  }
0xc0: {  	v39 =	vld [tilespmem:s10+$0xF0];
	v43 =	vor.u32 $0x4, v7;
	[tilespmem:v19+s25+$0x0] =	vst.idx.msk $0xffff, v30  }
0xc1: {  	v13 =	vor.u32 $0x7, v13;
	v44 =	vld [tilespmem:s9+$0x90];
	[tilespmem:v16+s25+$0x0] =	vst.idx.msk $0xffff, v24  }
0xc2: {  	v41 =	vor.u32 $0x4, v6;
	v40 =	vld [tilespmem:s8+$0xFFFFFF80];
	[tilespmem:v10+s25+$0x0] =	vst.idx.msk $0xffff, v26  }
0xc3: {  	v45 =	vor.u32 $0x4, v8;
	v46 =	vld [tilespmem:s8+$0xFFFFFF90];
	[tilespmem:v12+s25+$0x0] =	vst.idx.msk $0xffff, v38  }
0xc4: {  	v48 =	vor.u32 $0x2, v14;
	v47 =	vld [tilespmem:s15+$0xFFFFFF40];
	[tilespmem:v42+s25+$0x0] =	vst.idx.msk $0xffff, v23  }
0xc5: {  	v50 =	vor.u32 $0x2, v15;
	v49 =	vld [tilespmem:s15+$0xFFFFFF50];
	[tilespmem:v43+s25+$0x0] =	vst.idx.msk $0xffff, v21  }
0xc6: {  	v52 =	vor.u32 $0x4, v3;
	v51 =	vld [tilespmem:s9+$0xFFFFFFD0];
	[tilespmem:v13+s25+$0x0] =	vst.idx.msk $0xffff, v39  }
0xc7: {  	v29 =	vor.u32 $0x6, v5;
	v28 =	vld [tilespmem:s9+$0xFFFFFFC0];
	[tilespmem:v41+s25+$0x0] =	vst.idx.msk $0xffff, v40  }
0xc8: {  	v33 =	vor.u32 $0x6, v4;
	v62 =	vld [tilespmem:s15+$0x20];
	[tilespmem:v45+s25+$0x0] =	vst.idx.msk $0xffff, v44  }
0xc9: {  	v63 =	vor.u32 $0x1, v17;
	v30 =	vld [tilespmem:s15+$0x30];
	[tilespmem:v48+s25+$0x0] =	vst.idx.msk $0xffff, v47  }
0xca: {  	v54 =	vor.u32 $0x3, v9;
	v53 =	vld [tilespmem:s8+$0x60];
	[tilespmem:v50+s25+$0x0] =	vst.idx.msk $0xffff, v49  }
0xcb: {  	v31 =	vor.u32 $0x1, v16;
	v55 =	vld [tilespmem:s8+$0x70];
	[tilespmem:v52+s25+$0x0] =	vst.idx.msk $0xffff, v46  }
0xcc: {  	v56 =	vor.u32 $0x3, v11;
	v57 =	vld [tilespmem:s9+$0xA0];
	[tilespmem:v29+s25+$0x0] =	vst.idx.msk $0xffff, v28  }
0xcd: {  	v58 =	vor.u32 $0x5, v7;
	v26 =	vld [tilespmem:s9+$0xB0];
	[tilespmem:v33+s25+$0x0] =	vst.idx.msk $0xffff, v51  }
0xce: {  	v59 =	vor.u32 $0x5, v8;
	v60 =	vld [tilespmem:s15+$0xFFFFFF60];
	[tilespmem:v63+s25+$0x0] =	vst.idx.msk $0xffff, v62  }
0xcf: {  	v61 =	vor.u32 $0x3, v14;
	v32 =	vld [tilespmem:s15+$0xFFFFFF70];
	[tilespmem:v54+s25+$0x0] =	vst.idx.msk $0xffff, v53  }
0xd0: {  	v37 =	vor.u32 $0x5, v6;
	v36 =	vld [tilespmem:s8+$0xFFFFFFA0];
	[tilespmem:v31+s25+$0x0] =	vst.idx.msk $0xffff, v30  }
0xd1: {  	v41 =	vor.u32 $0x3, v15;
	v40 =	vld [tilespmem:s8+$0xFFFFFFB0];
	[tilespmem:v56+s25+$0x0] =	vst.idx.msk $0xffff, v55  }
0xd2: {  	v45 =	vor.u32 $0x5, v3;
	v46 =	vld [tilespmem:s9+$0xFFFFFFE0];
	[tilespmem:v58+s25+$0x0] =	vst.idx.msk $0xffff, v57  }
0xd3: {  	v47 =	vor.u32 $0x7, v5;
	v48 =	vld [tilespmem:s9+$0xFFFFFFF0];
	[tilespmem:v59+s25+$0x0] =	vst.idx.msk $0xffff, v26  }
0xd4: {  	v42 =	vld [tilespmem:s15+$0x40];
	[tilespmem:v61+s25+$0x0] =	vst.idx.msk $0xffff, v60  }
0xd5: {  	v43 =	vor.u32 $0x2, v16;
	v24 =	vld [tilespmem:s15+$0x50];
	[tilespmem:v37+s25+$0x0] =	vst.idx.msk $0xffff, v36  }
0xd6: {  	v49 =	vor.u32 $0x7, v4;
	v44 =	vld [tilespmem:s8+$0x80];
	[tilespmem:v41+s25+$0x0] =	vst.idx.msk $0xffff, v32  }
0xd7: {  	v51 =	vor.u32 $0x4, v9;
	v52 =	vld [tilespmem:s8+$0x90];
	[tilespmem:v45+s25+$0x0] =	vst.idx.msk $0xffff, v40  }
0xd8: {  	v35 =	vor.u32 $0x6, v7;
	v34 =	vld [tilespmem:s9+$0xC0];
	[tilespmem:v47+s25+$0x0] =	vst.idx.msk $0xffff, v46  }
0xd9: {  	v53 =	vor.u32 $0x4, v11;
	v38 =	vld [tilespmem:s9+$0xD0];
	[tilespmem:v20+s25+$0x0] =	vst.idx.msk $0xffff, v42  }
0xda: {  	v39 =	vor.u32 $0x6, v8;
	v59 =	vld [tilespmem:s15+$0xFFFFFF80];
	[tilespmem:v43+s25+$0x0] =	vst.idx.msk $0xffff, v24  }
0xdb: {  	v54 =	vor.u32 $0x3, v17;
	[tilespmem:v49+s25+$0x0] =	vst.idx.msk $0xffff, v48;
	v12 =	vld [tilespmem:s15+$0x60]  }
0xdc: {  	v56 =	vor.u32 $0x3, v16;
	[tilespmem:v51+s25+$0x0] =	vst.idx.msk $0xffff, v44;
	v55 =	vld [tilespmem:s15+$0x70]  }
0xdd: {  	v60 =	vor.u32 $0x4, v14;
	v61 =	vld [tilespmem:s15+$0xFFFFFF90];
	[tilespmem:v35+s25+$0x0] =	vst.idx.msk $0xffff, v34  }
0xde: {  	v33 =	vor.u32 $0x6, v6;
	v32 =	vld [tilespmem:s8+$0xFFFFFFC0];
	[tilespmem:v53+s25+$0x0] =	vst.idx.msk $0xffff, v52  }
0xdf: {  	v62 =	vor.u32 $0x4, v15;
	v31 =	vld [tilespmem:s8+$0xFFFFFFD0];
	[tilespmem:v39+s25+$0x0] =	vst.idx.msk $0xffff, v38  }
0xe0: {  	v35 =	vor.u32 $0x6, v3;
	v19 =	vld [tilespmem:s8+$0xA0];
	[tilespmem:v54+s25+$0x0] =	vst.idx.msk $0xffff, v12  }
0xe1: {  	v63 =	vor.u32 $0x5, v9;
	v25 =	vld [tilespmem:s8+$0xB0];
	[tilespmem:v56+s25+$0x0] =	vst.idx.msk $0xffff, v55  }
0xe2: {  	v27 =	vor.u32 $0x4, v17;
	[tilespmem:v60+s25+$0x0] =	vst.idx.msk $0xffff, v59;
	v5 =	vld [tilespmem:s15+$0x80]  }
0xe3: {  	v29 =	vor.u32 $0x4, v16;
	[tilespmem:v33+s25+$0x0] =	vst.idx.msk $0xffff, v32;
	v28 =	vld [tilespmem:s15+$0x90]  }
0xe4: {  	v58 =	vor.u32 $0x7, v7;
	v57 =	vld [tilespmem:s9+$0xE0];
	[tilespmem:v62+s25+$0x0] =	vst.idx.msk $0xffff, v61  }
0xe5: {  	v26 =	vor.u32 $0x5, v11;
	v50 =	vld [tilespmem:s9+$0xF0];
	[tilespmem:v35+s25+$0x0] =	vst.idx.msk $0xffff, v31  }
0xe6: {  	v30 =	vor.u32 $0x7, v8;
	v34 =	vld [tilespmem:s15+$0xFFFFFFB0];
	[tilespmem:v63+s25+$0x0] =	vst.idx.msk $0xffff, v19  }
0xe7: {  	v37 =	vor.u32 $0x5, v14;
	v36 =	vld [tilespmem:s15+$0xFFFFFFA0];
	[tilespmem:v27+s25+$0x0] =	vst.idx.msk $0xffff, v5  }
0xe8: {  	v39 =	vor.u32 $0x5, v15;
	v21 =	vld [tilespmem:s8+$0xFFFFFFF0];
	[tilespmem:v29+s25+$0x0] =	vst.idx.msk $0xffff, v28  }
0xe9: {  	v40 =	vor.u32 $0x5, v17;
	[tilespmem:v58+s25+$0x0] =	vst.idx.msk $0xffff, v57;
	v4 =	vld [tilespmem:s15+$0xA0]  }
0xea: {  	v41 =	vor.u32 $0x5, v16;
	[tilespmem:v26+s25+$0x0] =	vst.idx.msk $0xffff, v25;
	v10 =	vld [tilespmem:s15+$0xB0]  }
0xeb: {  	v46 =	vor.u32 $0x7, v6;
	v45 =	vld [tilespmem:s8+$0xFFFFFFE0];
	[tilespmem:v30+s25+$0x0] =	vst.idx.msk $0xffff, v50  }
0xec: {  	v42 =	vor.u32 $0x6, v9;
	v38 =	vld [tilespmem:s8+$0xC0];
	[tilespmem:v37+s25+$0x0] =	vst.idx.msk $0xffff, v36  }
0xed: {  	v44 =	vor.u32 $0x6, v11;
	v43 =	vld [tilespmem:s8+$0xD0];
	[tilespmem:v39+s25+$0x0] =	vst.idx.msk $0xffff, v34  }
0xee: {  	v47 =	vor.u32 $0x6, v14;
	v7 =	vld [tilespmem:s15+$0xFFFFFFC0];
	[tilespmem:v40+s25+$0x0] =	vst.idx.msk $0xffff, v4  }
0xef: {  	v49 =	vor.u32 $0x6, v15;
	v48 =	vld [tilespmem:s15+$0xFFFFFFD0];
	[tilespmem:v41+s25+$0x0] =	vst.idx.msk $0xffff, v10  }
0xf0: {  	v51 =	vor.u32 $0x6, v17;
	[tilespmem:v46+s25+$0x0] =	vst.idx.msk $0xffff, v45;
	v50 =	vld [tilespmem:s15+$0xC0]  }
0xf1: {  	v53 =	vor.u32 $0x6, v16;
	[tilespmem:v42+s25+$0x0] =	vst.idx.msk $0xffff, v38;
	v52 =	vld [tilespmem:s15+$0xD0]  }
0xf2: {  	v3 =	vor.u32 $0x7, v3;
	[tilespmem:v44+s25+$0x0] =	vst.idx.msk $0xffff, v43  }
0xf3: {  	v55 =	vor.u32 $0x7, v9;
	v54 =	vld [tilespmem:s8+$0xE0];
	[tilespmem:v47+s25+$0x0] =	vst.idx.msk $0xffff, v7  }
0xf4: {  	v57 =	vor.u32 $0x7, v11;
	v56 =	vld [tilespmem:s8+$0xF0];
	[tilespmem:v49+s25+$0x0] =	vst.idx.msk $0xffff, v48  }
0xf5: {  	v59 =	vor.u32 $0x7, v14;
	v58 =	vld [tilespmem:s15+$0xFFFFFFE0];
	[tilespmem:v51+s25+$0x0] =	vst.idx.msk $0xffff, v50  }
0xf6: {  	v60 =	vor.u32 $0x7, v15;
	v10 =	vld [tilespmem:s15+$0xFFFFFFF0];
	[tilespmem:v53+s25+$0x0] =	vst.idx.msk $0xffff, v52  }
0xf7: {  	v61 =	vor.u32 $0x7, v17;
	[tilespmem:v3+s25+$0x0] =	vst.idx.msk $0xffff, v21;
	v3 =	vld [tilespmem:s15+$0xE0]  }
0xf8: {  	v63 =	vor.u32 $0x7, v16;
	[tilespmem:v55+s25+$0x0] =	vst.idx.msk $0xffff, v54;
	v62 =	vld [tilespmem:s15+$0xF0]  }
0xf9: {  	[tilespmem:v57+s25+$0x0] =	vst.idx.msk $0xffff, v56  }
0xfa: {  	s7 =	sshll.u32 s20, $0x2;
	s23 =	sand.u32 $0x3800, s20;
	[tilespmem:v59+s25+$0x0] =	vst.idx.msk $0xffff, v58  }
0xfb: {  	s7 =	sand.u32 $0xFFF0000, s7;
	s8 =	sadd.s32 s2, s23;
	[tilespmem:v60+s25+$0x0] =	vst.idx.msk $0xffff, v10  }
0xfc: {  	s10 =	simm.s32 $0x10890;
	s7 =	sadd.s32 s7, s8;
	[tilespmem:v61+s25+$0x0] =	vst.idx.msk $0xffff, v3  }
0xfd: {  	s9 =	simm.s32 $0x10;
	s8 =	simm.s32 $0x10800;
	s15 =	sadd.s32 $0x0, s7;
	[tilespmem:v63+s25+$0x0] =	vst.idx.msk $0xffff, v62  }
.LBB2_8:
0xfe: {  	[hbm4b:s15+s3] =	stream.linear.scatter [tilespmem:s8], [sflag:$0x9], $0x80, $0x38;
	[tilespmem:$0x19800] =	vst v63  }
0xff: {  	s15 =	smov.u32 s9;
	s8 =	smov.u32 s10;
	p2 =	sne.s32 s9, $0x1F0  }
.Ltmp5:
0x100: {  	s9 =	sadd.s32 $0x10, s9;
	(pc) =	sbr.rel @p2 .LBB2_8-.Ltmp5, $2  }
0x101: {  	_ =	sdelay $0x2  }
0x102: {  	s10 =	sadd.s32 $0x90, s10;
	s15 =	sadd.s32 s15, s7  }
0x103: {  	[hbm4b:s15+s3] =	stream.linear.scatter [tilespmem:s8], [sflag:$0x9], $0x80, $0x38;
	[tilespmem:$0x19800] =	vst v63  }
0x104: {  	s8 =	sadd.s32 $0x4000, s7;
	s9 =	simm.s32 $0x11A00  }
0x105: {  	s10 =	simm.s32 $0x10;
	s15 =	simm.s32 $0x11A90;
	s16 =	sadd.s32 $0x0, s8  }
.LBB2_10:
0x106: {  	[hbm4b:s16+s3] =	stream.linear.scatter [tilespmem:s9], [sflag:$0x9], $0x80, $0x38;
	[tilespmem:$0x19800] =	vst v63  }
0x107: {  	s16 =	smov.u32 s10;
	s9 =	smov.u32 s15;
	p2 =	sne.s32 s10, $0x1F0  }
.Ltmp6:
0x108: {  	s10 =	sadd.s32 $0x10, s10;
	(pc) =	sbr.rel @p2 .LBB2_10-.Ltmp6, $2  }
0x109: {  	_ =	sdelay $0x2  }
0x10a: {  	s15 =	sadd.s32 $0x90, s15;
	s16 =	sadd.s32 s16, s8  }
0x10b: {  	[hbm4b:s16+s3] =	stream.linear.scatter [tilespmem:s9], [sflag:$0x9], $0x80, $0x38;
	[tilespmem:$0x19800] =	vst v63  }
0x10c: {  	s8 =	sadd.s32 $0x8000, s7;
	s9 =	simm.s32 $0x12C00  }
0x10d: {  	s10 =	simm.s32 $0x10;
	s15 =	simm.s32 $0x12C90;
	s16 =	sadd.s32 $0x0, s8  }
.LBB2_12:
0x10e: {  	[hbm4b:s16+s3] =	stream.linear.scatter [tilespmem:s9], [sflag:$0x9], $0x80, $0x38;
	[tilespmem:$0x19800] =	vst v63  }
0x10f: {  	s16 =	smov.u32 s10;
	s9 =	smov.u32 s15;
	p2 =	sne.s32 s10, $0x1F0  }
.Ltmp7:
0x110: {  	s10 =	sadd.s32 $0x10, s10;
	(pc) =	sbr.rel @p2 .LBB2_12-.Ltmp7, $2  }
0x111: {  	_ =	sdelay $0x2  }
0x112: {  	s15 =	sadd.s32 $0x90, s15;
	s16 =	sadd.s32 s16, s8  }
0x113: {  	[hbm4b:s16+s3] =	stream.linear.scatter [tilespmem:s9], [sflag:$0x9], $0x80, $0x38;
	[tilespmem:$0x19800] =	vst v63  }
0x114: {  	s7 =	sadd.s32 $0xC000, s7;
	s8 =	simm.s32 $0x13E00  }
0x115: {  	s9 =	simm.s32 $0x10;
	s10 =	simm.s32 $0x13E90;
	s15 =	sadd.s32 $0x0, s7  }
.LBB2_14:
0x116: {  	[hbm4b:s15+s3] =	stream.linear.scatter [tilespmem:s8], [sflag:$0x9], $0x80, $0x38;
	[tilespmem:$0x19800] =	vst v63  }
0x117: {  	s15 =	smov.u32 s9;
	s8 =	smov.u32 s10;
	p2 =	sne.s32 s9, $0x1F0  }
.Ltmp8:
0x118: {  	s9 =	sadd.s32 $0x10, s9;
	(pc) =	sbr.rel @p2 .LBB2_14-.Ltmp8, $2  }
0x119: {  	_ =	sdelay $0x2  }
0x11a: {  	s10 =	sadd.s32 $0x90, s10;
	s15 =	sadd.s32 s15, s7  }
0x11b: {  	[hbm4b:s15+s3] =	stream.linear.scatter [tilespmem:s8], [sflag:$0x9], $0x80, $0x38;
	[tilespmem:$0x19800] =	vst v63  }
0x11c: {  	s7 =	simm.s32 @!p0 $0x1  }
0x11d: {  	_ =	swait.ge @!p0 [sflag:s7], $0x200  }
0x11e: {  	s8 =	simm.s32 @!p0 $0x0;
	[sflag:s7] =	ssyncset.done @!p0 $0x0  }
0x11f: {  	s9 =	simm.s32 @!p0 $0x800;
	[sflag:s7] =	ssyncadd.s32 @!p0 $0xFFFFFE00;
	s7 =	simm.s32 @!p0 $0x200  }
0x120: {  	[tilespmem:s9], [sflag:$0x5] =	stream.indirect.gather @!p0 [hbm4b:s6+s7], $0x20, s8, s7, $0xb8;
	[tilespmem:$0x19800] =	vst v63  }
0x121: {  	s10 =	simm.s32 $0x0;
	s9 =	sadd.s32 @!p0 s21, s12;
	_ =	swait.ge [sflag:s26], $0x4000  }
0x122: {  	s22 =	simm.s32 $0x0;
	s9 =	sshrl.u32 @!p0 s9, $0x3;
	[sflag:s26] =	ssyncset.done $0x0  }
0x123: {  	s10 =	sand.u32 $0x70, s10;
	v3 =	vmov s22;
	s9 =	sadd.s32 @!p0 s5, s9;
	[sflag:s26] =	ssyncadd.s32 $0xFFFFC000  }
0x124: {  	v4 =	vmov s10;
	v3 =	vmul.u32 $0x480, v3;
	[tilespmem:s7], [sflag:$0x2] =	stream.linear.gather @!p0 [hbm4b:s9+s8], $0x200, $0x38;
	[tilespmem:$0x19800] =	vst v63  }
0x125: {  	v4 =	vshrl.u32 v4, $0x3;
	s7 =	simm.s32 @!p1 $0xA  }
0x126: {  	v4 =	vshll.u32 v4, v1;
	v3 =	vbroadcast v3, $0x0;
	_ =	swait.ge @!p1 [sflag:s7], $0x4000  }
0x127: {  	v4 =	vbroadcast v4, $0x0;
	[sflag:s7] =	ssyncset.done @!p1 $0x0  }
0x128: {  	s10 =	simm.s32 $0x4800;
	v5 =	vadd.s32 v0, v3;
	[sflag:s7] =	ssyncadd.s32 @!p1 $0xFFFFC000  }
0x129: {  	v3 =	vadd.s32 v2, v3;
	v19 =	vadd.s32 v4, v5;
	v6 =	vld [tilespmem:s10+$0x0]  }
0x12a: {  	v10 =	vadd.s32 v4, v3;
	v7 =	vld [tilespmem:s10+$0x10];
	_ =	sdelay $0x1  }
0x12b: {  	s23 =	simm.s32 $0x8  }
0x12c: {  	s7 =	sand.u32 $0x78, s23  }
0x12d: {  	v4 =	vmov s7;
	[tilespmem:v19+s28+$0x0] =	vst.idx.msk $0xffff, v6  }
0x12e: {  	v4 =	vshrl.u32 v4, $0x3;
	[tilespmem:v10+s28+$0x0] =	vst.idx.msk $0xffff, v7  }
0x12f: {  	v4 =	vshll.u32 v4, v1;
	v6 =	vor.u32 $0x1, v19;
	v7 =	vld [tilespmem:s10+$0x20]  }
0x130: {  	v9 =	vor.u32 $0x1, v10;
	s8 =	simm.s32 $0x10;
	s9 =	simm.s32 $0x0;
	v4 =	vbroadcast v4, $0x0;
	v8 =	vld [tilespmem:s10+$0x30]  }
0x131: {  	v11 =	vmov s9;
	s7 =	sand.u32 $0x70, s8  }
0x132: {  	v11 =	vmul.u32 $0x480, v11;
	v14 =	vld [tilespmem:s10+$0x100];
	v12 =	vadd.s32 v5, v4;
	v5 =	vmov s7  }
0x133: {  	v13 =	vadd.s32 v3, v4;
	v3 =	vld [tilespmem:s10+$0x110];
	v4 =	vshrl.u32 v5, $0x3  }
0x134: {  	v5 =	vbroadcast v11, $0x0;
	v4 =	vshll.u32 v4, v1;
	[tilespmem:v6+s28+$0x0] =	vst.idx.msk $0xffff, v7  }
0x135: {  	v4 =	vbroadcast v4, $0x0;
	[tilespmem:v9+s28+$0x0] =	vst.idx.msk $0xffff, v8  }
0x136: {  	s9 =	simm.s32 $0x4A00;
	v7 =	vor.u32 $0x2, v19;
	v8 =	vadd.s32 v0, v5;
	v6 =	vld [tilespmem:s10+$0x40]  }
0x137: {  	v15 =	vld [tilespmem:s9+$0x0];
	[tilespmem:v12+s28+$0x0] =	vst.idx.msk $0xffff, v14;
	v14 =	vadd.s32 v2, v5;
	v5 =	vadd.s32 v4, v8  }
0x138: {  	v11 =	vor.u32 $0x2, v10;
	[tilespmem:v13+s28+$0x0] =	vst.idx.msk $0xffff, v3;
	v9 =	vld [tilespmem:s10+$0x50]  }
0x139: {  	v17 =	vor.u32 $0x1, v12;
	v3 =	vld [tilespmem:s10+$0x120]  }
0x13a: {  	v16 =	vld [tilespmem:s9+$0x10];
	v4 =	vadd.s32 v4, v14  }
0x13b: {  	s15 =	simm.s32 $0x18;
	[tilespmem:v7+s28+$0x0] =	vst.idx.msk $0xffff, v6  }
0x13c: {  	v18 =	vld [tilespmem:s9+$0x100];
	s7 =	sand.u32 $0x78, s15;
	[tilespmem:v5+s28+$0x0] =	vst.idx.msk $0xffff, v15  }
0x13d: {  	v6 =	vld [tilespmem:s10+$0x130];
	v7 =	vor.u32 $0x1, v13;
	[tilespmem:v11+s28+$0x0] =	vst.idx.msk $0xffff, v9;
	v9 =	vmov s7  }
0x13e: {  	v15 =	vor.u32 $0x3, v19;
	[tilespmem:v17+s28+$0x0] =	vst.idx.msk $0xffff, v3;
	v11 =	vld [tilespmem:s10+$0x60];
	v9 =	vshrl.u32 v9, $0x3  }
0x13f: {  	v3 =	vor.u32 $0x3, v10;
	[tilespmem:v4+s28+$0x0] =	vst.idx.msk $0xffff, v16;
	v16 =	vld [tilespmem:s10+$0x70];
	v9 =	vshll.u32 v9, v1  }
0x140: {  	v17 =	vor.u32 $0x1, v5;
	v21 =	vld [tilespmem:s9+$0x20];
	v9 =	vbroadcast v9, $0x0  }
0x141: {  	s8 =	simm.s32 $0x4C00;
	v22 =	vor.u32 $0x1, v4;
	v20 =	vld [tilespmem:s9+$0x30]  }
0x142: {  	v26 =	vld [tilespmem:s8+$0x0];
	[tilespmem:v7+s28+$0x0] =	vst.idx.msk $0xffff, v6;
	v7 =	vadd.s32 v8, v9  }
0x143: {  	v24 =	vor.u32 $0x2, v12;
	v23 =	vld [tilespmem:s10+$0x140];
	[tilespmem:v15+s28+$0x0] =	vst.idx.msk $0xffff, v11  }
0x144: {  	v6 =	vld [tilespmem:s10+$0x150];
	[tilespmem:v3+s28+$0x0] =	vst.idx.msk $0xffff, v16;
	v3 =	vor.u32 $0x2, v13  }
0x145: {  	[tilespmem:v17+s28+$0x0] =	vst.idx.msk $0xffff, v21;
	v17 =	vor.u32 $0x4, v19;
	v16 =	vld [tilespmem:s10+$0x80]  }
0x146: {  	s16 =	simm.s32 $0x20;
	s17 =	simm.s32 $0x0;
	v11 =	vld [tilespmem:s9+$0x110];
	[tilespmem:v22+s28+$0x0] =	vst.idx.msk $0xffff, v20  }
0x147: {  	s7 =	sand.u32 $0x70, s16;
	v8 =	vadd.s32 v14, v9;
	v14 =	vmov s17;
	v22 =	vld [tilespmem:s9+$0x50];
	[tilespmem:v7+s28+$0x0] =	vst.idx.msk $0xffff, v18  }
0x148: {  	v21 =	vmov s7;
	v14 =	vmul.u32 $0x480, v14;
	v20 =	vor.u32 $0x2, v5;
	v18 =	vld [tilespmem:s9+$0x40];
	[tilespmem:v24+s28+$0x0] =	vst.idx.msk $0xffff, v23  }
0x149: {  	v21 =	vshrl.u32 v21, $0x3;
	v23 =	vor.u32 $0x2, v4;
	v24 =	vld [tilespmem:s10+$0x90];
	[tilespmem:v3+s28+$0x0] =	vst.idx.msk $0xffff, v6  }
0x14a: {  	v3 =	vshll.u32 v21, v1;
	v6 =	vbroadcast v14, $0x0;
	[tilespmem:v17+s28+$0x0] =	vst.idx.msk $0xffff, v16;
	v14 =	vld [tilespmem:s10+$0x160];
	v16 =	vor.u32 $0x3, v12  }
0x14b: {  	v25 =	vor.u32 $0x4, v10;
	v9 =	vld [tilespmem:s8+$0x10];
	v3 =	vbroadcast v3, $0x0  }
0x14c: {  	[tilespmem:v8+s28+$0x0] =	vst.idx.msk $0xffff, v11;
	v11 =	vor.u32 $0x3, v13;
	v17 =	vld [tilespmem:s10+$0x170];
	v21 =	vadd.s32 v0, v6  }
0x14d: {  	v15 =	vld [tilespmem:s8+$0x100];
	[tilespmem:v20+s28+$0x0] =	vst.idx.msk $0xffff, v18;
	v20 =	vadd.s32 v2, v6;
	v6 =	vadd.s32 v3, v21  }
0x14e: {  	v18 =	vld [tilespmem:s9+$0x130];
	[tilespmem:v23+s28+$0x0] =	vst.idx.msk $0xffff, v22;
	v3 =	vadd.s32 v3, v20  }
0x14f: {  	v22 =	vld [tilespmem:s9+$0x120];
	[tilespmem:v16+s28+$0x0] =	vst.idx.msk $0xffff, v14;
	v16 =	vor.u32 $0x1, v7  }
0x150: {  	[tilespmem:v25+s28+$0x0] =	vst.idx.msk $0xffff, v24;
	v24 =	vor.u32 $0x3, v5;
	v14 =	vld [tilespmem:s9+$0x60]  }
0x151: {  	v25 =	vld [tilespmem:s10+$0xA0];
	[tilespmem:v11+s28+$0x0] =	vst.idx.msk $0xffff, v17;
	v17 =	vor.u32 $0x1, v8  }
0x152: {  	s18 =	simm.s32 $0x28;
	v11 =	vld [tilespmem:s10+$0xB0];
	[tilespmem:v6+s28+$0x0] =	vst.idx.msk $0xffff, v26  }
0x153: {  	s7 =	sand.u32 $0x78, s18;
	v23 =	vld [tilespmem:s10+$0x180];
	[tilespmem:v3+s28+$0x0] =	vst.idx.msk $0xffff, v9;
	v9 =	vor.u32 $0x5, v19  }
0x154: {  	v27 =	vmov s7;
	v26 =	vld [tilespmem:s9+$0x70];
	[tilespmem:v16+s28+$0x0] =	vst.idx.msk $0xffff, v22;
	v16 =	vor.u32 $0x5, v10  }
0x155: {  	v22 =	vshrl.u32 v27, $0x3;
	v27 =	vld [tilespmem:s8+$0x20];
	[tilespmem:v24+s28+$0x0] =	vst.idx.msk $0xffff, v14;
	v14 =	vor.u32 $0x1, v6  }
0x156: {  	v28 =	vld [tilespmem:s8+$0x30];
	[tilespmem:v17+s28+$0x0] =	vst.idx.msk $0xffff, v18;
	v17 =	vor.u32 $0x3, v4;
	v18 =	vshll.u32 v22, v1  }
0x157: {  	v22 =	vld [tilespmem:s9+$0x150];
	v29 =	vbroadcast v18, $0x0  }
0x158: {  	s16 =	simm.s32 $0x4E00;
	v30 =	vor.u32 $0x1, v3;
	v24 =	vld [tilespmem:s9+$0x140];
	[tilespmem:v9+s28+$0x0] =	vst.idx.msk $0xffff, v25  }
0x159: {  	v18 =	vld [tilespmem:s16+$0x100];
	v9 =	vadd.s32 v21, v29;
	[tilespmem:v16+s28+$0x0] =	vst.idx.msk $0xffff, v11  }
0x15a: {  	v25 =	vld [tilespmem:s8+$0x110];
	v16 =	vor.u32 $0x2, v7;
	[tilespmem:v14+s28+$0x0] =	vst.idx.msk $0xffff, v27  }
0x15b: {  	v27 =	vld [tilespmem:s10+$0x190];
	v11 =	vadd.s32 v20, v29;
	[tilespmem:v17+s28+$0x0] =	vst.idx.msk $0xffff, v26  }
0x15c: {  	v26 =	vor.u32 $0x4, v5;
	v21 =	vld [tilespmem:s9+$0x80]  }
0x15d: {  	v14 =	vor.u32 $0x2, v8;
	v17 =	vld [tilespmem:s10+$0xD0];
	[tilespmem:v30+s28+$0x0] =	vst.idx.msk $0xffff, v28  }
0x15e: {  	v28 =	vld [tilespmem:s16+$0x10];
	v30 =	vor.u32 $0x4, v12;
	[tilespmem:v9+s28+$0x0] =	vst.idx.msk $0xffff, v15  }
0x15f: {  	v31 =	vor.u32 $0x4, v13;
	v20 =	vld [tilespmem:s8+$0x40];
	[tilespmem:v16+s28+$0x0] =	vst.idx.msk $0xffff, v24  }
0x160: {  	s20 =	simm.s32 $0x0;
	s18 =	simm.s32 $0x30;
	v15 =	vld [tilespmem:s9+$0x90];
	v24 =	vor.u32 $0x2, v6;
	[tilespmem:v11+s28+$0x0] =	vst.idx.msk $0xffff, v25  }
0x161: {  	s22 =	sand.u32 $0x70, s18;
	v29 =	vor.u32 $0x2, v3;
	[tilespmem:v26+s28+$0x0] =	vst.idx.msk $0xffff, v21;
	v21 =	vmov s20;
	v26 =	vld [tilespmem:s8+$0x50]  }
0x162: {  	v16 =	vld [tilespmem:s16+$0x0];
	[tilespmem:v14+s28+$0x0] =	vst.idx.msk $0xffff, v22;
	v14 =	vmov s22;
	v22 =	vor.u32 $0x4, v4;
	v21 =	vmul.u32 $0x480, v21  }
0x163: {  	[tilespmem:v30+s28+$0x0] =	vst.idx.msk $0xffff, v23;
	v30 =	vor.u32 $0x3, v7;
	v32 =	vld [tilespmem:s9+$0x160];
	v14 =	vshrl.u32 v14, $0x3  }
0x164: {  	v25 =	vor.u32 $0x3, v8;
	v23 =	vld [tilespmem:s9+$0x170];
	[tilespmem:v31+s28+$0x0] =	vst.idx.msk $0xffff, v27;
	v14 =	vshll.u32 v14, v1;
	v21 =	vbroadcast v21, $0x0  }
0x165: {  	v31 =	vbroadcast v14, $0x0;
	[tilespmem:v24+s28+$0x0] =	vst.idx.msk $0xffff, v20;
	v20 =	vld [tilespmem:s10+$0x1A0];
	v24 =	vor.u32 $0x5, v12  }
0x166: {  	v27 =	vld [tilespmem:s10+$0x1B0];
	v33 =	vadd.s32 v0, v21;
	[tilespmem:v29+s28+$0x0] =	vst.idx.msk $0xffff, v26;
	v29 =	vor.u32 $0x5, v13  }
0x167: {  	v35 =	vld [tilespmem:s8+$0x130];
	[tilespmem:v22+s28+$0x0] =	vst.idx.msk $0xffff, v15;
	v34 =	vadd.s32 v2, v21;
	v14 =	vadd.s32 v31, v33  }
0x168: {  	[tilespmem:v30+s28+$0x0] =	vst.idx.msk $0xffff, v32;
	v15 =	vadd.s32 v31, v34;
	v30 =	vld [tilespmem:s8+$0x60];
	v31 =	vor.u32 $0x3, v6  }
0x169: {  	v22 =	vld [tilespmem:s8+$0x120];
	[tilespmem:v25+s28+$0x0] =	vst.idx.msk $0xffff, v23  }
0x16a: {  	v26 =	vld [tilespmem:s10+$0xC0];
	v23 =	vor.u32 $0x1, v9;
	[tilespmem:v24+s28+$0x0] =	vst.idx.msk $0xffff, v20  }
0x16b: {  	v25 =	vld [tilespmem:s9+$0xB0];
	v20 =	vor.u32 $0x6, v19;
	[tilespmem:v29+s28+$0x0] =	vst.idx.msk $0xffff, v27  }
0x16c: {  	s23 =	simm.s32 $0x38;
	v24 =	vld [tilespmem:s9+$0xA0];
	[tilespmem:v14+s28+$0x0] =	vst.idx.msk $0xffff, v16;
	v16 =	vor.u32 $0x1, v11  }
0x16d: {  	v36 =	vor.u32 $0x5, v5;
	s7 =	sand.u32 $0x78, s23;
	v29 =	vld [tilespmem:s8+$0x70];
	[tilespmem:v31+s28+$0x0] =	vst.idx.msk $0xffff, v30  }
0x16e: {  	v61 =	vmov s7;
	v21 =	vld [tilespmem:s9+$0x180];
	[tilespmem:v15+s28+$0x0] =	vst.idx.msk $0xffff, v28;
	v28 =	vor.u32 $0x6, v10  }
0x16f: {  	v30 =	vld [tilespmem:s10+$0x1C0];
	[tilespmem:v23+s28+$0x0] =	vst.idx.msk $0xffff, v22;
	v22 =	vshrl.u32 v61, $0x3  }
0x170: {  	v31 =	vor.u32 $0x6, v12;
	v63 =	vld [tilespmem:s10+$0x1D0];
	[tilespmem:v20+s28+$0x0] =	vst.idx.msk $0xffff, v26;
	v20 =	vshll.u32 v22, v1  }
0x171: {  	v38 =	vor.u32 $0x6, v13;
	v27 =	vld [tilespmem:s16+$0x30];
	[tilespmem:v16+s28+$0x0] =	vst.idx.msk $0xffff, v35;
	v16 =	vbroadcast v20, $0x0  }
0x172: {  	v62 =	vor.u32 $0x1, v14;
	v37 =	vld [tilespmem:s16+$0x20];
	[tilespmem:v36+s28+$0x0] =	vst.idx.msk $0xffff, v24  }
0x173: {  	v24 =	vld [tilespmem:s16+$0x110];
	[tilespmem:v28+s28+$0x0] =	vst.idx.msk $0xffff, v17;
	v17 =	vadd.s32 v33, v16;
	v33 =	vor.u32 $0x3, v3  }
0x174: {  	v32 =	vor.u32 $0x5, v4;
	v23 =	vld [tilespmem:s8+$0x150]  }
0x175: {  	[tilespmem:v31+s28+$0x0] =	vst.idx.msk $0xffff, v30;
	v31 =	vor.u32 $0x1, v15;
	v28 =	vld [tilespmem:s8+$0x140]  }
0x176: {  	s20 =	sadd.s32 s21, s4;
	v19 =	vor.u32 $0x7, v19;
	[tilespmem:v38+s28+$0x0] =	vst.idx.msk $0xffff, v63;
	v26 =	vld [tilespmem:s10+$0xF0]  }
0x177: {  	s7 =	simm.s32 $0x4E00;
	s15 =	sadd.s32 $0x200, s20;
	v22 =	vor.u32 $0x2, v9;
	v16 =	vadd.s32 v34, v16;
	[tilespmem:v62+s28+$0x0] =	vst.idx.msk $0xffff, v37;
	v30 =	vld [tilespmem:s10+$0xE0];
	v20 =	vor.u32 $0x2, v17  }
.LBB2_16:
0x178: {  	s16 =	sadd.s32 $0x200, s16;
	[tilespmem:v33+s28+$0x0] =	vst.idx.msk $0xffff, v29;
	v29 =	vld [tilespmem:s10+$0x1F0];
	s22 =	smov.u32 s18;
	s18 =	sadd.s32 $0x10, s18  }
0x179: {  	s23 =	sshrl.u32 s18, $0x7;
	s17 =	sand.u32 $0x70, s18;
	s22 =	sadd.s32 $0x18, s22;
	v33 =	vld [tilespmem:s16+$0x100];
	[tilespmem:v32+s28+$0x0] =	vst.idx.msk $0xffff, v25;
	v25 =	vor.u32 $0x7, v10;
	v32 =	vor.u32 $0x7, v13;
	v10 =	vmovc v4;
	v4 =	vmovc v3;
	v3 =	vmov v15  }
0x17a: {  	p1 =	slt.u32 s18, $0x1F0;
	v37 =	vmov s23;
	v15 =	vmov s17;
	s17 =	sand.u32 $0x78, s22;
	[tilespmem:v31+s28+$0x0] =	vst.idx.msk $0xffff, v27;
	v27 =	vld [tilespmem:s10+$0x1E0];
	v31 =	vor.u32 $0x7, v12;
	v12 =	vmovc v7;
	v7 =	vmovc v9;
	s10 =	smov.u32 s9  }
0x17b: {  	v13 =	vmovc v8;
	v9 =	vmovc v17;
	s9 =	smov.u32 s8;
	s8 =	smov.u32 s7;
	s7 =	smov.u32 s16;
	v15 =	vshrl.u32 v15, $0x3;
	v34 =	vmul.u32 $0x480, v37;
	v35 =	vmov s17;
	[tilespmem:v17+s28+$0x0] =	vst.idx.msk $0xffff, v18;
	v36 =	vld [tilespmem:s10+$0xD0]  }
0x17c: {  	v8 =	vmovc v11;
	v37 =	vor.u32 $0x4, v6;
	v15 =	vshll.u32 v15, v1;
	v17 =	vshrl.u32 v35, $0x3;
	v35 =	vld [tilespmem:s9+$0x80];
	[tilespmem:v19+s28+$0x0] =	vst.idx.msk $0xffff, v30  }
0x17d: {  	v11 =	vmovc v16;
	v19 =	vbroadcast v34, $0x0;
	v17 =	vshll.u32 v17, v1;
	[tilespmem:v22+s28+$0x0] =	vst.idx.msk $0xffff, v28;
	v28 =	vor.u32 $0x2, v8;
	v30 =	vld [tilespmem:s10+$0x190]  }
0x17e: {  	v38 =	vor.u32 $0x4, v12;
	v15 =	vbroadcast v15, $0x0;
	v22 =	vmovc v20;
	v34 =	vld [tilespmem:s16+$0x10];
	v16 =	vbroadcast v17, $0x0;
	[tilespmem:v25+s28+$0x0] =	vst.idx.msk $0xffff, v26;
	v18 =	vmovc v33  }
0x17f: {  	v26 =	vor.u32 $0x4, v13;
	v17 =	vadd.s32 v0, v19;
	v19 =	vadd.s32 v2, v19;
	v25 =	vld [tilespmem:s9+$0x90];
	[tilespmem:v31+s28+$0x0] =	vst.idx.msk $0xffff, v27  }
0x180: {  	v27 =	vld [tilespmem:s16+$0x0];
	v39 =	vadd.s32 v15, v17;
	v17 =	vadd.s32 v17, v16;
	[tilespmem:v32+s28+$0x0] =	vst.idx.msk $0xffff, v29  }
0x181: {  	v15 =	vadd.s32 v15, v19;
	v16 =	vadd.s32 v19, v16;
	v29 =	vor.u32 $0x2, v14;
	v19 =	vld [tilespmem:s8+$0x40];
	[tilespmem:v37+s28+$0x0] =	vst.idx.msk $0xffff, v35  }
0x182: {  	v32 =	vor.u32 $0x2, v3;
	v20 =	vor.u32 $0x2, v17;
	v31 =	vld [tilespmem:s8+$0x50];
	[tilespmem:v28+s28+$0x0] =	vst.idx.msk $0xffff, v23  }
0x183: {  	v23 =	vor.u32 $0x4, v4;
	v28 =	vld [tilespmem:s9+$0x160];
	[tilespmem:v38+s28+$0x0] =	vst.idx.msk $0xffff, v21  }
0x184: {  	v33 =	vor.u32 $0x3, v7;
	v21 =	vld [tilespmem:s9+$0x170];
	[tilespmem:v26+s28+$0x0] =	vst.idx.msk $0xffff, v30  }
0x185: {  	[tilespmem:v11+s28+$0x0] =	vst.idx.msk $0xffff, v24;
	v24 =	vor.u32 $0x3, v8;
	v26 =	vld [tilespmem:s10+$0x1B0]  }
0x186: {  	[tilespmem:v29+s28+$0x0] =	vst.idx.msk $0xffff, v19;
	v19 =	vld [tilespmem:s10+$0x1A0];
	v29 =	vor.u32 $0x5, v12  }
0x187: {  	[tilespmem:v32+s28+$0x0] =	vst.idx.msk $0xffff, v31;
	v30 =	vld [tilespmem:s10+$0xC0];
	v31 =	vor.u32 $0x5, v13  }
0x188: {  	v32 =	vld [tilespmem:s8+$0x130];
	[tilespmem:v23+s28+$0x0] =	vst.idx.msk $0xffff, v25  }
0x189: {  	v23 =	vld [tilespmem:s8+$0x120];
	[tilespmem:v33+s28+$0x0] =	vst.idx.msk $0xffff, v28  }
0x18a: {  	v33 =	vor.u32 $0x3, v14;
	v28 =	vld [tilespmem:s8+$0x60];
	[tilespmem:v24+s28+$0x0] =	vst.idx.msk $0xffff, v21  }
0x18b: {  	v24 =	vor.u32 $0x1, v9;
	v25 =	vld [tilespmem:s9+$0xB0];
	[tilespmem:v29+s28+$0x0] =	vst.idx.msk $0xffff, v19  }
0x18c: {  	v19 =	vor.u32 $0x6, v5;
	v21 =	vld [tilespmem:s9+$0x180];
	[tilespmem:v31+s28+$0x0] =	vst.idx.msk $0xffff, v26  }
0x18d: {  	v26 =	vor.u32 $0x1, v11;
	[tilespmem:v39+s28+$0x0] =	vst.idx.msk $0xffff, v27;
	v35 =	vld [tilespmem:s9+$0xA0]  }
0x18e: {  	v31 =	vor.u32 $0x6, v10;
	[tilespmem:v15+s28+$0x0] =	vst.idx.msk $0xffff, v34;
	v29 =	vld [tilespmem:s8+$0x70]  }
0x18f: {  	v34 =	vor.u32 $0x6, v12;
	[tilespmem:v33+s28+$0x0] =	vst.idx.msk $0xffff, v28;
	v28 =	vld [tilespmem:s10+$0x1C0]  }
0x190: {  	v37 =	vor.u32 $0x1, v39;
	v27 =	vld [tilespmem:s16+$0x30];
	[tilespmem:v24+s28+$0x0] =	vst.idx.msk $0xffff, v23;
	v24 =	vor.u32 $0x5, v6  }
0x191: {  	v38 =	vld [tilespmem:s16+$0x20];
	[tilespmem:v19+s28+$0x0] =	vst.idx.msk $0xffff, v30  }
0x192: {  	v41 =	vor.u32 $0x6, v13;
	[tilespmem:v26+s28+$0x0] =	vst.idx.msk $0xffff, v32;
	v40 =	vld [tilespmem:s10+$0x1D0]  }
.Ltmp9:
0x193: {  	v33 =	vor.u32 $0x3, v3;
	v23 =	vld [tilespmem:s8+$0x150];
	[tilespmem:v31+s28+$0x0] =	vst.idx.msk $0xffff, v36;
	(pc) =	sbr.rel @p1 .LBB2_16-.Ltmp9, $4  }
0x194: {  	v32 =	vor.u32 $0x5, v4;
	v26 =	vld [tilespmem:s10+$0xF0];
	[tilespmem:v34+s28+$0x0] =	vst.idx.msk $0xffff, v28  }
0x195: {  	v31 =	vor.u32 $0x1, v15;
	v28 =	vld [tilespmem:s8+$0x140];
	[tilespmem:v24+s28+$0x0] =	vst.idx.msk $0xffff, v35  }
0x196: {  	[tilespmem:v37+s28+$0x0] =	vst.idx.msk $0xffff, v38;
	v30 =	vld [tilespmem:s10+$0xE0]  }
0x197: {  	v19 =	vor.u32 $0x7, v5;
	v5 =	vmovc v6;
	v6 =	vmov v14;
	v14 =	vmov v39;
	v24 =	vld [tilespmem:s16+$0x110];
	[tilespmem:v41+s28+$0x0] =	vst.idx.msk $0xffff, v40  }
0x198: {  	_ =	sdelay $0x3  }
0x199: {  	[tilespmem:v33+s28+$0x0] =	vst.idx.msk $0xffff, v29  }
0x19a: {  	[tilespmem:v32+s28+$0x0] =	vst.idx.msk $0xffff, v25  }
0x19b: {  	v10 =	vor.u32 $0x7, v10;
	[tilespmem:v31+s28+$0x0] =	vst.idx.msk $0xffff, v27  }
0x19c: {  	v38 =	vld [tilespmem:s10+$0x1E0];
	v12 =	vor.u32 $0x7, v12;
	[tilespmem:v17+s28+$0x0] =	vst.idx.msk $0xffff, v18  }
0x19d: {  	v42 =	vor.u32 $0x2, v11;
	[tilespmem:v22+s28+$0x0] =	vst.idx.msk $0xffff, v28  }
0x19e: {  	v39 =	vld [tilespmem:s10+$0x1F0];
	v43 =	vor.u32 $0x4, v7;
	[tilespmem:v19+s28+$0x0] =	vst.idx.msk $0xffff, v30  }
0x19f: {  	v13 =	vor.u32 $0x7, v13;
	v44 =	vld [tilespmem:s9+$0x190];
	[tilespmem:v16+s28+$0x0] =	vst.idx.msk $0xffff, v24  }
0x1a0: {  	v41 =	vor.u32 $0x4, v6;
	v40 =	vld [tilespmem:s8+$0x80];
	[tilespmem:v10+s28+$0x0] =	vst.idx.msk $0xffff, v26  }
0x1a1: {  	v45 =	vor.u32 $0x4, v8;
	v46 =	vld [tilespmem:s8+$0x90];
	[tilespmem:v12+s28+$0x0] =	vst.idx.msk $0xffff, v38  }
0x1a2: {  	v48 =	vor.u32 $0x2, v14;
	v47 =	vld [tilespmem:s7+$0x40];
	[tilespmem:v42+s28+$0x0] =	vst.idx.msk $0xffff, v23  }
0x1a3: {  	v50 =	vor.u32 $0x2, v15;
	v49 =	vld [tilespmem:s7+$0x50];
	[tilespmem:v43+s28+$0x0] =	vst.idx.msk $0xffff, v21  }
0x1a4: {  	v52 =	vor.u32 $0x4, v3;
	v51 =	vld [tilespmem:s9+$0xD0];
	[tilespmem:v13+s28+$0x0] =	vst.idx.msk $0xffff, v39  }
0x1a5: {  	v29 =	vor.u32 $0x6, v5;
	v28 =	vld [tilespmem:s9+$0xC0];
	[tilespmem:v41+s28+$0x0] =	vst.idx.msk $0xffff, v40  }
0x1a6: {  	v33 =	vor.u32 $0x6, v4;
	v62 =	vld [tilespmem:s7+$0x120];
	[tilespmem:v45+s28+$0x0] =	vst.idx.msk $0xffff, v44  }
0x1a7: {  	v63 =	vor.u32 $0x1, v17;
	v30 =	vld [tilespmem:s7+$0x130];
	[tilespmem:v48+s28+$0x0] =	vst.idx.msk $0xffff, v47  }
0x1a8: {  	v54 =	vor.u32 $0x3, v9;
	v53 =	vld [tilespmem:s8+$0x160];
	[tilespmem:v50+s28+$0x0] =	vst.idx.msk $0xffff, v49  }
0x1a9: {  	v31 =	vor.u32 $0x1, v16;
	v55 =	vld [tilespmem:s8+$0x170];
	[tilespmem:v52+s28+$0x0] =	vst.idx.msk $0xffff, v46  }
0x1aa: {  	v56 =	vor.u32 $0x3, v11;
	v57 =	vld [tilespmem:s9+$0x1A0];
	[tilespmem:v29+s28+$0x0] =	vst.idx.msk $0xffff, v28  }
0x1ab: {  	v58 =	vor.u32 $0x5, v7;
	v26 =	vld [tilespmem:s9+$0x1B0];
	[tilespmem:v33+s28+$0x0] =	vst.idx.msk $0xffff, v51  }
0x1ac: {  	v59 =	vor.u32 $0x5, v8;
	v60 =	vld [tilespmem:s7+$0x60];
	[tilespmem:v63+s28+$0x0] =	vst.idx.msk $0xffff, v62  }
0x1ad: {  	v61 =	vor.u32 $0x3, v14;
	v32 =	vld [tilespmem:s7+$0x70];
	[tilespmem:v54+s28+$0x0] =	vst.idx.msk $0xffff, v53  }
0x1ae: {  	v37 =	vor.u32 $0x5, v6;
	v36 =	vld [tilespmem:s8+$0xA0];
	[tilespmem:v31+s28+$0x0] =	vst.idx.msk $0xffff, v30  }
0x1af: {  	v41 =	vor.u32 $0x3, v15;
	v40 =	vld [tilespmem:s8+$0xB0];
	[tilespmem:v56+s28+$0x0] =	vst.idx.msk $0xffff, v55  }
0x1b0: {  	v45 =	vor.u32 $0x5, v3;
	v46 =	vld [tilespmem:s9+$0xE0];
	[tilespmem:v58+s28+$0x0] =	vst.idx.msk $0xffff, v57  }
0x1b1: {  	v47 =	vor.u32 $0x7, v5;
	v48 =	vld [tilespmem:s9+$0xF0];
	[tilespmem:v59+s28+$0x0] =	vst.idx.msk $0xffff, v26  }
0x1b2: {  	v42 =	vld [tilespmem:s7+$0x140];
	[tilespmem:v61+s28+$0x0] =	vst.idx.msk $0xffff, v60  }
0x1b3: {  	v43 =	vor.u32 $0x2, v16;
	v24 =	vld [tilespmem:s7+$0x150];
	[tilespmem:v37+s28+$0x0] =	vst.idx.msk $0xffff, v36  }
0x1b4: {  	v49 =	vor.u32 $0x7, v4;
	v44 =	vld [tilespmem:s8+$0x180];
	[tilespmem:v41+s28+$0x0] =	vst.idx.msk $0xffff, v32  }
0x1b5: {  	v51 =	vor.u32 $0x4, v9;
	v52 =	vld [tilespmem:s8+$0x190];
	[tilespmem:v45+s28+$0x0] =	vst.idx.msk $0xffff, v40  }
0x1b6: {  	v35 =	vor.u32 $0x6, v7;
	v34 =	vld [tilespmem:s9+$0x1C0];
	[tilespmem:v47+s28+$0x0] =	vst.idx.msk $0xffff, v46  }
0x1b7: {  	v53 =	vor.u32 $0x4, v11;
	v38 =	vld [tilespmem:s9+$0x1D0];
	[tilespmem:v20+s28+$0x0] =	vst.idx.msk $0xffff, v42  }
0x1b8: {  	v39 =	vor.u32 $0x6, v8;
	v59 =	vld [tilespmem:s7+$0x80];
	[tilespmem:v43+s28+$0x0] =	vst.idx.msk $0xffff, v24  }
0x1b9: {  	v54 =	vor.u32 $0x3, v17;
	[tilespmem:v49+s28+$0x0] =	vst.idx.msk $0xffff, v48;
	v12 =	vld [tilespmem:s7+$0x160]  }
0x1ba: {  	v56 =	vor.u32 $0x3, v16;
	[tilespmem:v51+s28+$0x0] =	vst.idx.msk $0xffff, v44;
	v55 =	vld [tilespmem:s7+$0x170]  }
0x1bb: {  	v60 =	vor.u32 $0x4, v14;
	v61 =	vld [tilespmem:s7+$0x90];
	[tilespmem:v35+s28+$0x0] =	vst.idx.msk $0xffff, v34  }
0x1bc: {  	v33 =	vor.u32 $0x6, v6;
	v32 =	vld [tilespmem:s8+$0xC0];
	[tilespmem:v53+s28+$0x0] =	vst.idx.msk $0xffff, v52  }
0x1bd: {  	v62 =	vor.u32 $0x4, v15;
	v31 =	vld [tilespmem:s8+$0xD0];
	[tilespmem:v39+s28+$0x0] =	vst.idx.msk $0xffff, v38  }
0x1be: {  	v35 =	vor.u32 $0x6, v3;
	v19 =	vld [tilespmem:s8+$0x1A0];
	[tilespmem:v54+s28+$0x0] =	vst.idx.msk $0xffff, v12  }
0x1bf: {  	v63 =	vor.u32 $0x5, v9;
	v25 =	vld [tilespmem:s8+$0x1B0];
	[tilespmem:v56+s28+$0x0] =	vst.idx.msk $0xffff, v55  }
0x1c0: {  	v27 =	vor.u32 $0x4, v17;
	[tilespmem:v60+s28+$0x0] =	vst.idx.msk $0xffff, v59;
	v5 =	vld [tilespmem:s7+$0x180]  }
0x1c1: {  	v29 =	vor.u32 $0x4, v16;
	[tilespmem:v33+s28+$0x0] =	vst.idx.msk $0xffff, v32;
	v28 =	vld [tilespmem:s7+$0x190]  }
0x1c2: {  	v58 =	vor.u32 $0x7, v7;
	v57 =	vld [tilespmem:s9+$0x1E0];
	[tilespmem:v62+s28+$0x0] =	vst.idx.msk $0xffff, v61  }
0x1c3: {  	v26 =	vor.u32 $0x5, v11;
	v50 =	vld [tilespmem:s9+$0x1F0];
	[tilespmem:v35+s28+$0x0] =	vst.idx.msk $0xffff, v31  }
0x1c4: {  	v30 =	vor.u32 $0x7, v8;
	v34 =	vld [tilespmem:s7+$0xB0];
	[tilespmem:v63+s28+$0x0] =	vst.idx.msk $0xffff, v19  }
0x1c5: {  	v37 =	vor.u32 $0x5, v14;
	v36 =	vld [tilespmem:s7+$0xA0];
	[tilespmem:v27+s28+$0x0] =	vst.idx.msk $0xffff, v5  }
0x1c6: {  	v39 =	vor.u32 $0x5, v15;
	v21 =	vld [tilespmem:s8+$0xF0];
	[tilespmem:v29+s28+$0x0] =	vst.idx.msk $0xffff, v28  }
0x1c7: {  	v40 =	vor.u32 $0x5, v17;
	[tilespmem:v58+s28+$0x0] =	vst.idx.msk $0xffff, v57;
	v4 =	vld [tilespmem:s7+$0x1A0]  }
0x1c8: {  	v41 =	vor.u32 $0x5, v16;
	[tilespmem:v26+s28+$0x0] =	vst.idx.msk $0xffff, v25;
	v10 =	vld [tilespmem:s7+$0x1B0]  }
0x1c9: {  	v46 =	vor.u32 $0x7, v6;
	v45 =	vld [tilespmem:s8+$0xE0];
	[tilespmem:v30+s28+$0x0] =	vst.idx.msk $0xffff, v50  }
0x1ca: {  	v42 =	vor.u32 $0x6, v9;
	v38 =	vld [tilespmem:s8+$0x1C0];
	[tilespmem:v37+s28+$0x0] =	vst.idx.msk $0xffff, v36  }
0x1cb: {  	v44 =	vor.u32 $0x6, v11;
	v43 =	vld [tilespmem:s8+$0x1D0];
	[tilespmem:v39+s28+$0x0] =	vst.idx.msk $0xffff, v34  }
0x1cc: {  	v47 =	vor.u32 $0x6, v14;
	v7 =	vld [tilespmem:s7+$0xC0];
	[tilespmem:v40+s28+$0x0] =	vst.idx.msk $0xffff, v4  }
0x1cd: {  	v49 =	vor.u32 $0x6, v15;
	v48 =	vld [tilespmem:s7+$0xD0];
	[tilespmem:v41+s28+$0x0] =	vst.idx.msk $0xffff, v10  }
0x1ce: {  	v51 =	vor.u32 $0x6, v17;
	[tilespmem:v46+s28+$0x0] =	vst.idx.msk $0xffff, v45;
	v50 =	vld [tilespmem:s7+$0x1C0]  }
0x1cf: {  	v53 =	vor.u32 $0x6, v16;
	[tilespmem:v42+s28+$0x0] =	vst.idx.msk $0xffff, v38;
	v52 =	vld [tilespmem:s7+$0x1D0]  }
0x1d0: {  	v3 =	vor.u32 $0x7, v3;
	[tilespmem:v44+s28+$0x0] =	vst.idx.msk $0xffff, v43  }
0x1d1: {  	v55 =	vor.u32 $0x7, v9;
	v54 =	vld [tilespmem:s8+$0x1E0];
	[tilespmem:v47+s28+$0x0] =	vst.idx.msk $0xffff, v7  }
0x1d2: {  	v57 =	vor.u32 $0x7, v11;
	v56 =	vld [tilespmem:s8+$0x1F0];
	[tilespmem:v49+s28+$0x0] =	vst.idx.msk $0xffff, v48  }
0x1d3: {  	v59 =	vor.u32 $0x7, v14;
	v58 =	vld [tilespmem:s7+$0xE0];
	[tilespmem:v51+s28+$0x0] =	vst.idx.msk $0xffff, v50  }
0x1d4: {  	v60 =	vor.u32 $0x7, v15;
	v10 =	vld [tilespmem:s7+$0xF0];
	[tilespmem:v53+s28+$0x0] =	vst.idx.msk $0xffff, v52  }
0x1d5: {  	v61 =	vor.u32 $0x7, v17;
	[tilespmem:v3+s28+$0x0] =	vst.idx.msk $0xffff, v21;
	v3 =	vld [tilespmem:s7+$0x1E0]  }
0x1d6: {  	v63 =	vor.u32 $0x7, v16;
	[tilespmem:v55+s28+$0x0] =	vst.idx.msk $0xffff, v54;
	v62 =	vld [tilespmem:s7+$0x1F0]  }
0x1d7: {  	[tilespmem:v57+s28+$0x0] =	vst.idx.msk $0xffff, v56  }
0x1d8: {  	s22 =	sshll.u32 s15, $0x2;
	s23 =	sand.u32 $0x3A00, s15;
	[tilespmem:v59+s28+$0x0] =	vst.idx.msk $0xffff, v58  }
0x1d9: {  	s8 =	sadd.s32 s2, s23;
	[tilespmem:v60+s28+$0x0] =	vst.idx.msk $0xffff, v10;
	s7 =	sand.u32 $0xFFF0000, s22  }
0x1da: {  	s10 =	simm.s32 $0x15090;
	s7 =	sadd.s32 s7, s8;
	[tilespmem:v61+s28+$0x0] =	vst.idx.msk $0xffff, v3  }
0x1db: {  	s9 =	simm.s32 $0x10;
	s8 =	simm.s32 $0x15000;
	s15 =	sadd.s32 $0x0, s7;
	[tilespmem:v63+s28+$0x0] =	vst.idx.msk $0xffff, v62  }
.LBB2_18:
0x1dc: {  	[hbm4b:s15+s3] =	stream.linear.scatter [tilespmem:s8], [sflag:$0xA], $0x80, $0x38;
	[tilespmem:$0x19800] =	vst v63  }
0x1dd: {  	s15 =	smov.u32 s9;
	s8 =	smov.u32 s10;
	p1 =	sne.s32 s9, $0x1F0  }
.Ltmp10:
0x1de: {  	s9 =	sadd.s32 $0x10, s9;
	(pc) =	sbr.rel @p1 .LBB2_18-.Ltmp10, $2  }
0x1df: {  	_ =	sdelay $0x2  }
0x1e0: {  	s10 =	sadd.s32 $0x90, s10;
	s15 =	sadd.s32 s15, s7  }
0x1e1: {  	[hbm4b:s15+s3] =	stream.linear.scatter [tilespmem:s8], [sflag:$0xA], $0x80, $0x38;
	[tilespmem:$0x19800] =	vst v63  }
0x1e2: {  	s8 =	sadd.s32 $0x4000, s7;
	s9 =	simm.s32 $0x16200  }
0x1e3: {  	s10 =	simm.s32 $0x10;
	s15 =	simm.s32 $0x16290;
	s16 =	sadd.s32 $0x0, s8  }
.LBB2_20:
0x1e4: {  	[hbm4b:s16+s3] =	stream.linear.scatter [tilespmem:s9], [sflag:$0xA], $0x80, $0x38;
	[tilespmem:$0x19800] =	vst v63  }
0x1e5: {  	s16 =	smov.u32 s10;
	s9 =	smov.u32 s15;
	p1 =	sne.s32 s10, $0x1F0  }
.Ltmp11:
0x1e6: {  	s10 =	sadd.s32 $0x10, s10;
	(pc) =	sbr.rel @p1 .LBB2_20-.Ltmp11, $2  }
0x1e7: {  	_ =	sdelay $0x2  }
0x1e8: {  	s15 =	sadd.s32 $0x90, s15;
	s16 =	sadd.s32 s16, s8  }
0x1e9: {  	[hbm4b:s16+s3] =	stream.linear.scatter [tilespmem:s9], [sflag:$0xA], $0x80, $0x38;
	[tilespmem:$0x19800] =	vst v63  }
0x1ea: {  	s8 =	sadd.s32 $0x8000, s7;
	s9 =	simm.s32 $0x17400  }
0x1eb: {  	s10 =	simm.s32 $0x10;
	s15 =	simm.s32 $0x17490;
	s16 =	sadd.s32 $0x0, s8  }
.LBB2_22:
0x1ec: {  	[hbm4b:s16+s3] =	stream.linear.scatter [tilespmem:s9], [sflag:$0xA], $0x80, $0x38;
	[tilespmem:$0x19800] =	vst v63  }
0x1ed: {  	s16 =	smov.u32 s10;
	s9 =	smov.u32 s15;
	p1 =	sne.s32 s10, $0x1F0  }
.Ltmp12:
0x1ee: {  	s10 =	sadd.s32 $0x10, s10;
	(pc) =	sbr.rel @p1 .LBB2_22-.Ltmp12, $2  }
0x1ef: {  	_ =	sdelay $0x2  }
0x1f0: {  	s15 =	sadd.s32 $0x90, s15;
	s16 =	sadd.s32 s16, s8  }
0x1f1: {  	[hbm4b:s16+s3] =	stream.linear.scatter [tilespmem:s9], [sflag:$0xA], $0x80, $0x38;
	[tilespmem:$0x19800] =	vst v63  }
0x1f2: {  	s7 =	sadd.s32 $0xC000, s7;
	s8 =	simm.s32 $0x18600  }
0x1f3: {  	s9 =	simm.s32 $0x10;
	s10 =	simm.s32 $0x18690;
	s15 =	sadd.s32 $0x0, s7  }
.LBB2_24:
0x1f4: {  	[hbm4b:s15+s3] =	stream.linear.scatter [tilespmem:s8], [sflag:$0xA], $0x80, $0x38;
	[tilespmem:$0x19800] =	vst v63  }
0x1f5: {  	s15 =	smov.u32 s9;
	s8 =	smov.u32 s10;
	p1 =	sne.s32 s9, $0x1F0  }
.Ltmp13:
0x1f6: {  	s9 =	sadd.s32 $0x10, s9;
	(pc) =	sbr.rel @p1 .LBB2_24-.Ltmp13, $2  }
0x1f7: {  	_ =	sdelay $0x2  }
0x1f8: {  	s10 =	sadd.s32 $0x90, s10;
	s15 =	sadd.s32 s15, s7  }
0x1f9: {  	[hbm4b:s15+s3] =	stream.linear.scatter [tilespmem:s8], [sflag:$0xA], $0x80, $0x38;
	[tilespmem:$0x19800] =	vst v63  }
0x1fa: {  	s7 =	simm.s32 @!p0 $0x2  }
0x1fb: {  	_ =	swait.ge @!p0 [sflag:s7], $0x200  }
0x1fc: {  	s8 =	simm.s32 @!p0 $0x4800;
	s10 =	simm.s32 $0x0;
	[sflag:s7] =	ssyncset.done @!p0 $0x0  }
0x1fd: {  	s9 =	simm.s32 $0x0;
	[sflag:s7] =	ssyncadd.s32 @!p0 $0xFFFFFE00;
	s7 =	simm.s32 @!p0 $0x200  }
0x1fe: {  	[tilespmem:s8], [sflag:$0x6] =	stream.indirect.gather @!p0 [hbm4b:s6+s7], $0x20, s7, s7, $0xb8;
	[tilespmem:$0x19800] =	vst v63  }
0x1ff: {  	v3 =	vmov s9;
	s9 =	simm.s32 @!p0 $0x0;
	s7 =	sadd.s32 @!p0 s21, s13;
	_ =	swait.ge [sflag:s29], $0x4000  }
0x200: {  	s8 =	sand.u32 $0x70, s10;
	s7 =	sshrl.u32 @!p0 s7, $0x3;
	[sflag:s29] =	ssyncset.done $0x0  }
0x201: {  	v3 =	vmul.u32 $0x480, v3;
	s10 =	simm.s32 @!p0 $0x400;
	v4 =	vmov s8;
	s7 =	sadd.s32 @!p0 s5, s7;
	[sflag:s29] =	ssyncadd.s32 $0xFFFFC000  }
0x202: {  	v4 =	vshrl.u32 v4, $0x3;
	[tilespmem:s10], [sflag:$0x3] =	stream.linear.gather @!p0 [hbm4b:s7+s9], $0x200, $0x38;
	[tilespmem:$0x19800] =	vst v63  }
0x203: {  	v3 =	vbroadcast v3, $0x0;
	v4 =	vshll.u32 v4, v1;
	_ =	swait.ge [sflag:s30], $0x4000  }
0x204: {  	v4 =	vbroadcast v4, $0x0;
	[sflag:s30] =	ssyncset.done $0x0  }
0x205: {  	v5 =	vadd.s32 v0, v3;
	s10 =	simm.s32 $0x8800;
	[sflag:s30] =	ssyncadd.s32 $0xFFFFC000  }
0x206: {  	v3 =	vadd.s32 v2, v3;
	v19 =	vadd.s32 v4, v5;
	v6 =	vld [tilespmem:s10+$0x0]  }
0x207: {  	v10 =	vadd.s32 v4, v3;
	v7 =	vld [tilespmem:s10+$0x10];
	_ =	sdelay $0x1  }
0x208: {  	s15 =	simm.s32 $0x8  }
0x209: {  	s7 =	sand.u32 $0x78, s15  }
0x20a: {  	v4 =	vmov s7;
	[tilespmem:v19+s25+$0x0] =	vst.idx.msk $0xffff, v6  }
0x20b: {  	v4 =	vshrl.u32 v4, $0x3;
	[tilespmem:v10+s25+$0x0] =	vst.idx.msk $0xffff, v7  }
0x20c: {  	v4 =	vshll.u32 v4, v1;
	v6 =	vor.u32 $0x1, v19;
	v7 =	vld [tilespmem:s10+$0x20]  }
0x20d: {  	s16 =	simm.s32 $0x10;
	s17 =	simm.s32 $0x0;
	v9 =	vor.u32 $0x1, v10;
	v4 =	vbroadcast v4, $0x0;
	v8 =	vld [tilespmem:s10+$0x30]  }
0x20e: {  	v11 =	vmov s17;
	s7 =	sand.u32 $0x70, s16  }
0x20f: {  	v11 =	vmul.u32 $0x480, v11;
	v14 =	vld [tilespmem:s10+$0x100];
	v12 =	vadd.s32 v5, v4;
	v5 =	vmov s7  }
0x210: {  	v13 =	vadd.s32 v3, v4;
	v3 =	vld [tilespmem:s10+$0x110];
	v4 =	vshrl.u32 v5, $0x3  }
0x211: {  	v5 =	vbroadcast v11, $0x0;
	v4 =	vshll.u32 v4, v1;
	[tilespmem:v6+s25+$0x0] =	vst.idx.msk $0xffff, v7  }
0x212: {  	v4 =	vbroadcast v4, $0x0;
	[tilespmem:v9+s25+$0x0] =	vst.idx.msk $0xffff, v8  }
0x213: {  	s9 =	simm.s32 $0x8A00;
	v7 =	vor.u32 $0x2, v19;
	v8 =	vadd.s32 v0, v5;
	v6 =	vld [tilespmem:s10+$0x40]  }
0x214: {  	v15 =	vld [tilespmem:s9+$0x0];
	[tilespmem:v12+s25+$0x0] =	vst.idx.msk $0xffff, v14;
	v14 =	vadd.s32 v2, v5;
	v5 =	vadd.s32 v4, v8  }
0x215: {  	v11 =	vor.u32 $0x2, v10;
	[tilespmem:v13+s25+$0x0] =	vst.idx.msk $0xffff, v3;
	v9 =	vld [tilespmem:s10+$0x50]  }
0x216: {  	v17 =	vor.u32 $0x1, v12;
	v3 =	vld [tilespmem:s10+$0x120]  }
0x217: {  	v16 =	vld [tilespmem:s9+$0x10];
	v4 =	vadd.s32 v4, v14  }
0x218: {  	s18 =	simm.s32 $0x18;
	[tilespmem:v7+s25+$0x0] =	vst.idx.msk $0xffff, v6  }
0x219: {  	v18 =	vld [tilespmem:s9+$0x100];
	s7 =	sand.u32 $0x78, s18;
	[tilespmem:v5+s25+$0x0] =	vst.idx.msk $0xffff, v15  }
0x21a: {  	v6 =	vld [tilespmem:s10+$0x130];
	v7 =	vor.u32 $0x1, v13;
	[tilespmem:v11+s25+$0x0] =	vst.idx.msk $0xffff, v9;
	v9 =	vmov s7  }
0x21b: {  	v15 =	vor.u32 $0x3, v19;
	[tilespmem:v17+s25+$0x0] =	vst.idx.msk $0xffff, v3;
	v11 =	vld [tilespmem:s10+$0x60];
	v9 =	vshrl.u32 v9, $0x3  }
0x21c: {  	v3 =	vor.u32 $0x3, v10;
	[tilespmem:v4+s25+$0x0] =	vst.idx.msk $0xffff, v16;
	v16 =	vld [tilespmem:s10+$0x70];
	v9 =	vshll.u32 v9, v1  }
0x21d: {  	v17 =	vor.u32 $0x1, v5;
	v21 =	vld [tilespmem:s9+$0x20];
	v9 =	vbroadcast v9, $0x0  }
0x21e: {  	s8 =	simm.s32 $0x8C00;
	v22 =	vor.u32 $0x1, v4;
	v20 =	vld [tilespmem:s9+$0x30]  }
0x21f: {  	v26 =	vld [tilespmem:s8+$0x0];
	[tilespmem:v7+s25+$0x0] =	vst.idx.msk $0xffff, v6;
	v7 =	vadd.s32 v8, v9  }
0x220: {  	v24 =	vor.u32 $0x2, v12;
	v23 =	vld [tilespmem:s10+$0x140];
	[tilespmem:v15+s25+$0x0] =	vst.idx.msk $0xffff, v11  }
0x221: {  	v6 =	vld [tilespmem:s10+$0x150];
	[tilespmem:v3+s25+$0x0] =	vst.idx.msk $0xffff, v16;
	v3 =	vor.u32 $0x2, v13  }
0x222: {  	[tilespmem:v17+s25+$0x0] =	vst.idx.msk $0xffff, v21;
	v17 =	vor.u32 $0x4, v19;
	v16 =	vld [tilespmem:s10+$0x80]  }
0x223: {  	s22 =	simm.s32 $0x20;
	s23 =	simm.s32 $0x0;
	v11 =	vld [tilespmem:s9+$0x110];
	[tilespmem:v22+s25+$0x0] =	vst.idx.msk $0xffff, v20  }
0x224: {  	s7 =	sand.u32 $0x70, s22;
	v8 =	vadd.s32 v14, v9;
	v14 =	vmov s23;
	v22 =	vld [tilespmem:s9+$0x50];
	[tilespmem:v7+s25+$0x0] =	vst.idx.msk $0xffff, v18  }
0x225: {  	v21 =	vmov s7;
	v14 =	vmul.u32 $0x480, v14;
	v20 =	vor.u32 $0x2, v5;
	v18 =	vld [tilespmem:s9+$0x40];
	[tilespmem:v24+s25+$0x0] =	vst.idx.msk $0xffff, v23  }
0x226: {  	v21 =	vshrl.u32 v21, $0x3;
	v23 =	vor.u32 $0x2, v4;
	v24 =	vld [tilespmem:s10+$0x90];
	[tilespmem:v3+s25+$0x0] =	vst.idx.msk $0xffff, v6  }
0x227: {  	v3 =	vshll.u32 v21, v1;
	v6 =	vbroadcast v14, $0x0;
	[tilespmem:v17+s25+$0x0] =	vst.idx.msk $0xffff, v16;
	v14 =	vld [tilespmem:s10+$0x160];
	v16 =	vor.u32 $0x3, v12  }
0x228: {  	v25 =	vor.u32 $0x4, v10;
	v9 =	vld [tilespmem:s8+$0x10];
	v3 =	vbroadcast v3, $0x0  }
0x229: {  	[tilespmem:v8+s25+$0x0] =	vst.idx.msk $0xffff, v11;
	v11 =	vor.u32 $0x3, v13;
	v17 =	vld [tilespmem:s10+$0x170];
	v21 =	vadd.s32 v0, v6  }
0x22a: {  	v15 =	vld [tilespmem:s8+$0x100];
	[tilespmem:v20+s25+$0x0] =	vst.idx.msk $0xffff, v18;
	v20 =	vadd.s32 v2, v6;
	v6 =	vadd.s32 v3, v21  }
0x22b: {  	v18 =	vld [tilespmem:s9+$0x130];
	[tilespmem:v23+s25+$0x0] =	vst.idx.msk $0xffff, v22;
	v3 =	vadd.s32 v3, v20  }
0x22c: {  	v22 =	vld [tilespmem:s9+$0x120];
	[tilespmem:v16+s25+$0x0] =	vst.idx.msk $0xffff, v14;
	v16 =	vor.u32 $0x1, v7  }
0x22d: {  	[tilespmem:v25+s25+$0x0] =	vst.idx.msk $0xffff, v24;
	v24 =	vor.u32 $0x3, v5;
	v14 =	vld [tilespmem:s9+$0x60]  }
0x22e: {  	v25 =	vld [tilespmem:s10+$0xA0];
	[tilespmem:v11+s25+$0x0] =	vst.idx.msk $0xffff, v17;
	v17 =	vor.u32 $0x1, v8  }
0x22f: {  	s16 =	simm.s32 $0x28;
	v11 =	vld [tilespmem:s10+$0xB0];
	[tilespmem:v6+s25+$0x0] =	vst.idx.msk $0xffff, v26  }
0x230: {  	s7 =	sand.u32 $0x78, s16;
	v23 =	vld [tilespmem:s10+$0x180];
	[tilespmem:v3+s25+$0x0] =	vst.idx.msk $0xffff, v9;
	v9 =	vor.u32 $0x5, v19  }
0x231: {  	v27 =	vmov s7;
	v26 =	vld [tilespmem:s9+$0x70];
	[tilespmem:v16+s25+$0x0] =	vst.idx.msk $0xffff, v22;
	v16 =	vor.u32 $0x5, v10  }
0x232: {  	v22 =	vshrl.u32 v27, $0x3;
	v27 =	vld [tilespmem:s8+$0x20];
	[tilespmem:v24+s25+$0x0] =	vst.idx.msk $0xffff, v14;
	v14 =	vor.u32 $0x1, v6  }
0x233: {  	v28 =	vld [tilespmem:s8+$0x30];
	[tilespmem:v17+s25+$0x0] =	vst.idx.msk $0xffff, v18;
	v17 =	vor.u32 $0x3, v4;
	v18 =	vshll.u32 v22, v1  }
0x234: {  	v22 =	vld [tilespmem:s9+$0x150];
	v29 =	vbroadcast v18, $0x0  }
0x235: {  	s16 =	simm.s32 $0x8E00;
	v30 =	vor.u32 $0x1, v3;
	v24 =	vld [tilespmem:s9+$0x140];
	[tilespmem:v9+s25+$0x0] =	vst.idx.msk $0xffff, v25  }
0x236: {  	v18 =	vld [tilespmem:s16+$0x100];
	v9 =	vadd.s32 v21, v29;
	[tilespmem:v16+s25+$0x0] =	vst.idx.msk $0xffff, v11  }
0x237: {  	v25 =	vld [tilespmem:s8+$0x110];
	v16 =	vor.u32 $0x2, v7;
	[tilespmem:v14+s25+$0x0] =	vst.idx.msk $0xffff, v27  }
0x238: {  	v27 =	vld [tilespmem:s10+$0x190];
	v11 =	vadd.s32 v20, v29;
	[tilespmem:v17+s25+$0x0] =	vst.idx.msk $0xffff, v26  }
0x239: {  	v26 =	vor.u32 $0x4, v5;
	v21 =	vld [tilespmem:s9+$0x80]  }
0x23a: {  	v14 =	vor.u32 $0x2, v8;
	v17 =	vld [tilespmem:s10+$0xD0];
	[tilespmem:v30+s25+$0x0] =	vst.idx.msk $0xffff, v28  }
0x23b: {  	v28 =	vld [tilespmem:s16+$0x10];
	v30 =	vor.u32 $0x4, v12;
	[tilespmem:v9+s25+$0x0] =	vst.idx.msk $0xffff, v15  }
0x23c: {  	v31 =	vor.u32 $0x4, v13;
	v20 =	vld [tilespmem:s8+$0x40];
	[tilespmem:v16+s25+$0x0] =	vst.idx.msk $0xffff, v24  }
0x23d: {  	s17 =	simm.s32 $0x0;
	s18 =	simm.s32 $0x30;
	v15 =	vld [tilespmem:s9+$0x90];
	v24 =	vor.u32 $0x2, v6;
	[tilespmem:v11+s25+$0x0] =	vst.idx.msk $0xffff, v25  }
0x23e: {  	s22 =	sand.u32 $0x70, s18;
	v29 =	vor.u32 $0x2, v3;
	[tilespmem:v26+s25+$0x0] =	vst.idx.msk $0xffff, v21;
	v21 =	vmov s17;
	v26 =	vld [tilespmem:s8+$0x50]  }
0x23f: {  	v16 =	vld [tilespmem:s16+$0x0];
	[tilespmem:v14+s25+$0x0] =	vst.idx.msk $0xffff, v22;
	v14 =	vmov s22;
	v22 =	vor.u32 $0x4, v4;
	v21 =	vmul.u32 $0x480, v21  }
0x240: {  	[tilespmem:v30+s25+$0x0] =	vst.idx.msk $0xffff, v23;
	v30 =	vor.u32 $0x3, v7;
	v32 =	vld [tilespmem:s9+$0x160];
	v14 =	vshrl.u32 v14, $0x3  }
0x241: {  	v25 =	vor.u32 $0x3, v8;
	v23 =	vld [tilespmem:s9+$0x170];
	[tilespmem:v31+s25+$0x0] =	vst.idx.msk $0xffff, v27;
	v14 =	vshll.u32 v14, v1;
	v21 =	vbroadcast v21, $0x0  }
0x242: {  	v31 =	vbroadcast v14, $0x0;
	[tilespmem:v24+s25+$0x0] =	vst.idx.msk $0xffff, v20;
	v20 =	vld [tilespmem:s10+$0x1A0];
	v24 =	vor.u32 $0x5, v12  }
0x243: {  	v27 =	vld [tilespmem:s10+$0x1B0];
	v33 =	vadd.s32 v0, v21;
	[tilespmem:v29+s25+$0x0] =	vst.idx.msk $0xffff, v26;
	v29 =	vor.u32 $0x5, v13  }
0x244: {  	v35 =	vld [tilespmem:s8+$0x130];
	[tilespmem:v22+s25+$0x0] =	vst.idx.msk $0xffff, v15;
	v34 =	vadd.s32 v2, v21;
	v14 =	vadd.s32 v31, v33  }
0x245: {  	[tilespmem:v30+s25+$0x0] =	vst.idx.msk $0xffff, v32;
	v15 =	vadd.s32 v31, v34;
	v30 =	vld [tilespmem:s8+$0x60];
	v31 =	vor.u32 $0x3, v6  }
0x246: {  	v22 =	vld [tilespmem:s8+$0x120];
	[tilespmem:v25+s25+$0x0] =	vst.idx.msk $0xffff, v23  }
0x247: {  	v26 =	vld [tilespmem:s10+$0xC0];
	v23 =	vor.u32 $0x1, v9;
	[tilespmem:v24+s25+$0x0] =	vst.idx.msk $0xffff, v20  }
0x248: {  	v25 =	vld [tilespmem:s9+$0xB0];
	v20 =	vor.u32 $0x6, v19;
	[tilespmem:v29+s25+$0x0] =	vst.idx.msk $0xffff, v27  }
0x249: {  	s23 =	simm.s32 $0x38;
	v24 =	vld [tilespmem:s9+$0xA0];
	[tilespmem:v14+s25+$0x0] =	vst.idx.msk $0xffff, v16;
	v16 =	vor.u32 $0x1, v11  }
0x24a: {  	v36 =	vor.u32 $0x5, v5;
	s7 =	sand.u32 $0x78, s23;
	v29 =	vld [tilespmem:s8+$0x70];
	[tilespmem:v31+s25+$0x0] =	vst.idx.msk $0xffff, v30  }
0x24b: {  	v61 =	vmov s7;
	v21 =	vld [tilespmem:s9+$0x180];
	[tilespmem:v15+s25+$0x0] =	vst.idx.msk $0xffff, v28;
	v28 =	vor.u32 $0x6, v10  }
0x24c: {  	v30 =	vld [tilespmem:s10+$0x1C0];
	[tilespmem:v23+s25+$0x0] =	vst.idx.msk $0xffff, v22;
	v22 =	vshrl.u32 v61, $0x3  }
0x24d: {  	v31 =	vor.u32 $0x6, v12;
	v63 =	vld [tilespmem:s10+$0x1D0];
	[tilespmem:v20+s25+$0x0] =	vst.idx.msk $0xffff, v26;
	v20 =	vshll.u32 v22, v1  }
0x24e: {  	v38 =	vor.u32 $0x6, v13;
	v27 =	vld [tilespmem:s16+$0x30];
	[tilespmem:v16+s25+$0x0] =	vst.idx.msk $0xffff, v35;
	v16 =	vbroadcast v20, $0x0  }
0x24f: {  	v62 =	vor.u32 $0x1, v14;
	v37 =	vld [tilespmem:s16+$0x20];
	[tilespmem:v36+s25+$0x0] =	vst.idx.msk $0xffff, v24  }
0x250: {  	v24 =	vld [tilespmem:s16+$0x110];
	[tilespmem:v28+s25+$0x0] =	vst.idx.msk $0xffff, v17;
	v17 =	vadd.s32 v33, v16;
	v33 =	vor.u32 $0x3, v3  }
0x251: {  	v32 =	vor.u32 $0x5, v4;
	v23 =	vld [tilespmem:s8+$0x150]  }
0x252: {  	[tilespmem:v31+s25+$0x0] =	vst.idx.msk $0xffff, v30;
	v31 =	vor.u32 $0x1, v15;
	v28 =	vld [tilespmem:s8+$0x140]  }
0x253: {  	v19 =	vor.u32 $0x7, v19;
	[tilespmem:v38+s25+$0x0] =	vst.idx.msk $0xffff, v63;
	v26 =	vld [tilespmem:s10+$0xF0]  }
0x254: {  	s15 =	sadd.s32 $0x400, s20;
	s7 =	simm.s32 $0x8E00;
	v22 =	vor.u32 $0x2, v9;
	v16 =	vadd.s32 v34, v16;
	[tilespmem:v62+s25+$0x0] =	vst.idx.msk $0xffff, v37;
	v30 =	vld [tilespmem:s10+$0xE0];
	v20 =	vor.u32 $0x2, v17  }
.LBB2_26:
0x255: {  	s16 =	sadd.s32 $0x200, s16;
	[tilespmem:v33+s25+$0x0] =	vst.idx.msk $0xffff, v29;
	v29 =	vld [tilespmem:s10+$0x1F0];
	s17 =	smov.u32 s18;
	s18 =	sadd.s32 $0x10, s18  }
0x256: {  	s22 =	sshrl.u32 s18, $0x7;
	s23 =	sand.u32 $0x70, s18;
	s17 =	sadd.s32 $0x18, s17;
	v33 =	vld [tilespmem:s16+$0x100];
	[tilespmem:v32+s25+$0x0] =	vst.idx.msk $0xffff, v25;
	v25 =	vor.u32 $0x7, v10;
	v32 =	vor.u32 $0x7, v13;
	v10 =	vmovc v4;
	v4 =	vmovc v3;
	v3 =	vmov v15  }
0x257: {  	p1 =	slt.u32 s18, $0x1F0;
	v37 =	vmov s22;
	v15 =	vmov s23;
	s17 =	sand.u32 $0x78, s17;
	[tilespmem:v31+s25+$0x0] =	vst.idx.msk $0xffff, v27;
	v27 =	vld [tilespmem:s10+$0x1E0];
	v31 =	vor.u32 $0x7, v12;
	v12 =	vmovc v7;
	v7 =	vmovc v9;
	s10 =	smov.u32 s9  }
0x258: {  	v13 =	vmovc v8;
	v9 =	vmovc v17;
	s9 =	smov.u32 s8;
	s8 =	smov.u32 s7;
	s7 =	smov.u32 s16;
	v15 =	vshrl.u32 v15, $0x3;
	v34 =	vmul.u32 $0x480, v37;
	v35 =	vmov s17;
	[tilespmem:v17+s25+$0x0] =	vst.idx.msk $0xffff, v18;
	v36 =	vld [tilespmem:s10+$0xD0]  }
0x259: {  	v8 =	vmovc v11;
	v37 =	vor.u32 $0x4, v6;
	v15 =	vshll.u32 v15, v1;
	v17 =	vshrl.u32 v35, $0x3;
	v35 =	vld [tilespmem:s9+$0x80];
	[tilespmem:v19+s25+$0x0] =	vst.idx.msk $0xffff, v30  }
0x25a: {  	v11 =	vmovc v16;
	v19 =	vbroadcast v34, $0x0;
	v17 =	vshll.u32 v17, v1;
	[tilespmem:v22+s25+$0x0] =	vst.idx.msk $0xffff, v28;
	v28 =	vor.u32 $0x2, v8;
	v30 =	vld [tilespmem:s10+$0x190]  }
0x25b: {  	v38 =	vor.u32 $0x4, v12;
	v15 =	vbroadcast v15, $0x0;
	v22 =	vmovc v20;
	v34 =	vld [tilespmem:s16+$0x10];
	v16 =	vbroadcast v17, $0x0;
	[tilespmem:v25+s25+$0x0] =	vst.idx.msk $0xffff, v26;
	v18 =	vmovc v33  }
0x25c: {  	v26 =	vor.u32 $0x4, v13;
	v17 =	vadd.s32 v0, v19;
	v19 =	vadd.s32 v2, v19;
	v25 =	vld [tilespmem:s9+$0x90];
	[tilespmem:v31+s25+$0x0] =	vst.idx.msk $0xffff, v27  }
0x25d: {  	v27 =	vld [tilespmem:s16+$0x0];
	v39 =	vadd.s32 v15, v17;
	v17 =	vadd.s32 v17, v16;
	[tilespmem:v32+s25+$0x0] =	vst.idx.msk $0xffff, v29  }
0x25e: {  	v15 =	vadd.s32 v15, v19;
	v16 =	vadd.s32 v19, v16;
	v29 =	vor.u32 $0x2, v14;
	v19 =	vld [tilespmem:s8+$0x40];
	[tilespmem:v37+s25+$0x0] =	vst.idx.msk $0xffff, v35  }
0x25f: {  	v32 =	vor.u32 $0x2, v3;
	v20 =	vor.u32 $0x2, v17;
	v31 =	vld [tilespmem:s8+$0x50];
	[tilespmem:v28+s25+$0x0] =	vst.idx.msk $0xffff, v23  }
0x260: {  	v23 =	vor.u32 $0x4, v4;
	v28 =	vld [tilespmem:s9+$0x160];
	[tilespmem:v38+s25+$0x0] =	vst.idx.msk $0xffff, v21  }
0x261: {  	v33 =	vor.u32 $0x3, v7;
	v21 =	vld [tilespmem:s9+$0x170];
	[tilespmem:v26+s25+$0x0] =	vst.idx.msk $0xffff, v30  }
0x262: {  	[tilespmem:v11+s25+$0x0] =	vst.idx.msk $0xffff, v24;
	v24 =	vor.u32 $0x3, v8;
	v26 =	vld [tilespmem:s10+$0x1B0]  }
0x263: {  	[tilespmem:v29+s25+$0x0] =	vst.idx.msk $0xffff, v19;
	v19 =	vld [tilespmem:s10+$0x1A0];
	v29 =	vor.u32 $0x5, v12  }
0x264: {  	[tilespmem:v32+s25+$0x0] =	vst.idx.msk $0xffff, v31;
	v30 =	vld [tilespmem:s10+$0xC0];
	v31 =	vor.u32 $0x5, v13  }
0x265: {  	v32 =	vld [tilespmem:s8+$0x130];
	[tilespmem:v23+s25+$0x0] =	vst.idx.msk $0xffff, v25  }
0x266: {  	v23 =	vld [tilespmem:s8+$0x120];
	[tilespmem:v33+s25+$0x0] =	vst.idx.msk $0xffff, v28  }
0x267: {  	v33 =	vor.u32 $0x3, v14;
	v28 =	vld [tilespmem:s8+$0x60];
	[tilespmem:v24+s25+$0x0] =	vst.idx.msk $0xffff, v21  }
0x268: {  	v24 =	vor.u32 $0x1, v9;
	v25 =	vld [tilespmem:s9+$0xB0];
	[tilespmem:v29+s25+$0x0] =	vst.idx.msk $0xffff, v19  }
0x269: {  	v19 =	vor.u32 $0x6, v5;
	v21 =	vld [tilespmem:s9+$0x180];
	[tilespmem:v31+s25+$0x0] =	vst.idx.msk $0xffff, v26  }
0x26a: {  	v26 =	vor.u32 $0x1, v11;
	[tilespmem:v39+s25+$0x0] =	vst.idx.msk $0xffff, v27;
	v35 =	vld [tilespmem:s9+$0xA0]  }
0x26b: {  	v31 =	vor.u32 $0x6, v10;
	[tilespmem:v15+s25+$0x0] =	vst.idx.msk $0xffff, v34;
	v29 =	vld [tilespmem:s8+$0x70]  }
0x26c: {  	v34 =	vor.u32 $0x6, v12;
	[tilespmem:v33+s25+$0x0] =	vst.idx.msk $0xffff, v28;
	v28 =	vld [tilespmem:s10+$0x1C0]  }
0x26d: {  	v37 =	vor.u32 $0x1, v39;
	v27 =	vld [tilespmem:s16+$0x30];
	[tilespmem:v24+s25+$0x0] =	vst.idx.msk $0xffff, v23;
	v24 =	vor.u32 $0x5, v6  }
0x26e: {  	v38 =	vld [tilespmem:s16+$0x20];
	[tilespmem:v19+s25+$0x0] =	vst.idx.msk $0xffff, v30  }
0x26f: {  	v41 =	vor.u32 $0x6, v13;
	[tilespmem:v26+s25+$0x0] =	vst.idx.msk $0xffff, v32;
	v40 =	vld [tilespmem:s10+$0x1D0]  }
.Ltmp14:
0x270: {  	v33 =	vor.u32 $0x3, v3;
	v23 =	vld [tilespmem:s8+$0x150];
	[tilespmem:v31+s25+$0x0] =	vst.idx.msk $0xffff, v36;
	(pc) =	sbr.rel @p1 .LBB2_26-.Ltmp14, $4  }
0x271: {  	v32 =	vor.u32 $0x5, v4;
	v26 =	vld [tilespmem:s10+$0xF0];
	[tilespmem:v34+s25+$0x0] =	vst.idx.msk $0xffff, v28  }
0x272: {  	v31 =	vor.u32 $0x1, v15;
	v28 =	vld [tilespmem:s8+$0x140];
	[tilespmem:v24+s25+$0x0] =	vst.idx.msk $0xffff, v35  }
0x273: {  	[tilespmem:v37+s25+$0x0] =	vst.idx.msk $0xffff, v38;
	v30 =	vld [tilespmem:s10+$0xE0]  }
0x274: {  	v19 =	vor.u32 $0x7, v5;
	v5 =	vmovc v6;
	v6 =	vmov v14;
	v14 =	vmov v39;
	v24 =	vld [tilespmem:s16+$0x110];
	[tilespmem:v41+s25+$0x0] =	vst.idx.msk $0xffff, v40  }
0x275: {  	_ =	sdelay $0x3  }
0x276: {  	[tilespmem:v33+s25+$0x0] =	vst.idx.msk $0xffff, v29  }
0x277: {  	[tilespmem:v32+s25+$0x0] =	vst.idx.msk $0xffff, v25  }
0x278: {  	v10 =	vor.u32 $0x7, v10;
	[tilespmem:v31+s25+$0x0] =	vst.idx.msk $0xffff, v27  }
0x279: {  	v38 =	vld [tilespmem:s10+$0x1E0];
	v12 =	vor.u32 $0x7, v12;
	[tilespmem:v17+s25+$0x0] =	vst.idx.msk $0xffff, v18  }
0x27a: {  	v42 =	vor.u32 $0x2, v11;
	[tilespmem:v22+s25+$0x0] =	vst.idx.msk $0xffff, v28  }
0x27b: {  	v39 =	vld [tilespmem:s10+$0x1F0];
	v43 =	vor.u32 $0x4, v7;
	[tilespmem:v19+s25+$0x0] =	vst.idx.msk $0xffff, v30  }
0x27c: {  	v13 =	vor.u32 $0x7, v13;
	v44 =	vld [tilespmem:s9+$0x190];
	[tilespmem:v16+s25+$0x0] =	vst.idx.msk $0xffff, v24  }
0x27d: {  	v41 =	vor.u32 $0x4, v6;
	v40 =	vld [tilespmem:s8+$0x80];
	[tilespmem:v10+s25+$0x0] =	vst.idx.msk $0xffff, v26  }
0x27e: {  	v45 =	vor.u32 $0x4, v8;
	v46 =	vld [tilespmem:s8+$0x90];
	[tilespmem:v12+s25+$0x0] =	vst.idx.msk $0xffff, v38  }
0x27f: {  	v48 =	vor.u32 $0x2, v14;
	v47 =	vld [tilespmem:s7+$0x40];
	[tilespmem:v42+s25+$0x0] =	vst.idx.msk $0xffff, v23  }
0x280: {  	v50 =	vor.u32 $0x2, v15;
	v49 =	vld [tilespmem:s7+$0x50];
	[tilespmem:v43+s25+$0x0] =	vst.idx.msk $0xffff, v21  }
0x281: {  	v52 =	vor.u32 $0x4, v3;
	v51 =	vld [tilespmem:s9+$0xD0];
	[tilespmem:v13+s25+$0x0] =	vst.idx.msk $0xffff, v39  }
0x282: {  	v29 =	vor.u32 $0x6, v5;
	v28 =	vld [tilespmem:s9+$0xC0];
	[tilespmem:v41+s25+$0x0] =	vst.idx.msk $0xffff, v40  }
0x283: {  	v33 =	vor.u32 $0x6, v4;
	v62 =	vld [tilespmem:s7+$0x120];
	[tilespmem:v45+s25+$0x0] =	vst.idx.msk $0xffff, v44  }
0x284: {  	v63 =	vor.u32 $0x1, v17;
	v30 =	vld [tilespmem:s7+$0x130];
	[tilespmem:v48+s25+$0x0] =	vst.idx.msk $0xffff, v47  }
0x285: {  	v54 =	vor.u32 $0x3, v9;
	v53 =	vld [tilespmem:s8+$0x160];
	[tilespmem:v50+s25+$0x0] =	vst.idx.msk $0xffff, v49  }
0x286: {  	v31 =	vor.u32 $0x1, v16;
	v55 =	vld [tilespmem:s8+$0x170];
	[tilespmem:v52+s25+$0x0] =	vst.idx.msk $0xffff, v46  }
0x287: {  	v56 =	vor.u32 $0x3, v11;
	v57 =	vld [tilespmem:s9+$0x1A0];
	[tilespmem:v29+s25+$0x0] =	vst.idx.msk $0xffff, v28  }
0x288: {  	v58 =	vor.u32 $0x5, v7;
	v26 =	vld [tilespmem:s9+$0x1B0];
	[tilespmem:v33+s25+$0x0] =	vst.idx.msk $0xffff, v51  }
0x289: {  	v59 =	vor.u32 $0x5, v8;
	v60 =	vld [tilespmem:s7+$0x60];
	[tilespmem:v63+s25+$0x0] =	vst.idx.msk $0xffff, v62  }
0x28a: {  	v61 =	vor.u32 $0x3, v14;
	v32 =	vld [tilespmem:s7+$0x70];
	[tilespmem:v54+s25+$0x0] =	vst.idx.msk $0xffff, v53  }
0x28b: {  	v37 =	vor.u32 $0x5, v6;
	v36 =	vld [tilespmem:s8+$0xA0];
	[tilespmem:v31+s25+$0x0] =	vst.idx.msk $0xffff, v30  }
0x28c: {  	v41 =	vor.u32 $0x3, v15;
	v40 =	vld [tilespmem:s8+$0xB0];
	[tilespmem:v56+s25+$0x0] =	vst.idx.msk $0xffff, v55  }
0x28d: {  	v45 =	vor.u32 $0x5, v3;
	v46 =	vld [tilespmem:s9+$0xE0];
	[tilespmem:v58+s25+$0x0] =	vst.idx.msk $0xffff, v57  }
0x28e: {  	v47 =	vor.u32 $0x7, v5;
	v48 =	vld [tilespmem:s9+$0xF0];
	[tilespmem:v59+s25+$0x0] =	vst.idx.msk $0xffff, v26  }
0x28f: {  	v42 =	vld [tilespmem:s7+$0x140];
	[tilespmem:v61+s25+$0x0] =	vst.idx.msk $0xffff, v60  }
0x290: {  	v43 =	vor.u32 $0x2, v16;
	v24 =	vld [tilespmem:s7+$0x150];
	[tilespmem:v37+s25+$0x0] =	vst.idx.msk $0xffff, v36  }
0x291: {  	v49 =	vor.u32 $0x7, v4;
	v44 =	vld [tilespmem:s8+$0x180];
	[tilespmem:v41+s25+$0x0] =	vst.idx.msk $0xffff, v32  }
0x292: {  	v51 =	vor.u32 $0x4, v9;
	v52 =	vld [tilespmem:s8+$0x190];
	[tilespmem:v45+s25+$0x0] =	vst.idx.msk $0xffff, v40  }
0x293: {  	v35 =	vor.u32 $0x6, v7;
	v34 =	vld [tilespmem:s9+$0x1C0];
	[tilespmem:v47+s25+$0x0] =	vst.idx.msk $0xffff, v46  }
0x294: {  	v53 =	vor.u32 $0x4, v11;
	v38 =	vld [tilespmem:s9+$0x1D0];
	[tilespmem:v20+s25+$0x0] =	vst.idx.msk $0xffff, v42  }
0x295: {  	v39 =	vor.u32 $0x6, v8;
	v59 =	vld [tilespmem:s7+$0x80];
	[tilespmem:v43+s25+$0x0] =	vst.idx.msk $0xffff, v24  }
0x296: {  	v54 =	vor.u32 $0x3, v17;
	[tilespmem:v49+s25+$0x0] =	vst.idx.msk $0xffff, v48;
	v12 =	vld [tilespmem:s7+$0x160]  }
0x297: {  	v56 =	vor.u32 $0x3, v16;
	[tilespmem:v51+s25+$0x0] =	vst.idx.msk $0xffff, v44;
	v55 =	vld [tilespmem:s7+$0x170]  }
0x298: {  	v60 =	vor.u32 $0x4, v14;
	v61 =	vld [tilespmem:s7+$0x90];
	[tilespmem:v35+s25+$0x0] =	vst.idx.msk $0xffff, v34  }
0x299: {  	v33 =	vor.u32 $0x6, v6;
	v32 =	vld [tilespmem:s8+$0xC0];
	[tilespmem:v53+s25+$0x0] =	vst.idx.msk $0xffff, v52  }
0x29a: {  	v62 =	vor.u32 $0x4, v15;
	v31 =	vld [tilespmem:s8+$0xD0];
	[tilespmem:v39+s25+$0x0] =	vst.idx.msk $0xffff, v38  }
0x29b: {  	v35 =	vor.u32 $0x6, v3;
	v19 =	vld [tilespmem:s8+$0x1A0];
	[tilespmem:v54+s25+$0x0] =	vst.idx.msk $0xffff, v12  }
0x29c: {  	v63 =	vor.u32 $0x5, v9;
	v25 =	vld [tilespmem:s8+$0x1B0];
	[tilespmem:v56+s25+$0x0] =	vst.idx.msk $0xffff, v55  }
0x29d: {  	v27 =	vor.u32 $0x4, v17;
	[tilespmem:v60+s25+$0x0] =	vst.idx.msk $0xffff, v59;
	v5 =	vld [tilespmem:s7+$0x180]  }
0x29e: {  	v29 =	vor.u32 $0x4, v16;
	[tilespmem:v33+s25+$0x0] =	vst.idx.msk $0xffff, v32;
	v28 =	vld [tilespmem:s7+$0x190]  }
0x29f: {  	v58 =	vor.u32 $0x7, v7;
	v57 =	vld [tilespmem:s9+$0x1E0];
	[tilespmem:v62+s25+$0x0] =	vst.idx.msk $0xffff, v61  }
0x2a0: {  	v26 =	vor.u32 $0x5, v11;
	v50 =	vld [tilespmem:s9+$0x1F0];
	[tilespmem:v35+s25+$0x0] =	vst.idx.msk $0xffff, v31  }
0x2a1: {  	v30 =	vor.u32 $0x7, v8;
	v34 =	vld [tilespmem:s7+$0xB0];
	[tilespmem:v63+s25+$0x0] =	vst.idx.msk $0xffff, v19  }
0x2a2: {  	v37 =	vor.u32 $0x5, v14;
	v36 =	vld [tilespmem:s7+$0xA0];
	[tilespmem:v27+s25+$0x0] =	vst.idx.msk $0xffff, v5  }
0x2a3: {  	v39 =	vor.u32 $0x5, v15;
	v21 =	vld [tilespmem:s8+$0xF0];
	[tilespmem:v29+s25+$0x0] =	vst.idx.msk $0xffff, v28  }
0x2a4: {  	v40 =	vor.u32 $0x5, v17;
	[tilespmem:v58+s25+$0x0] =	vst.idx.msk $0xffff, v57;
	v4 =	vld [tilespmem:s7+$0x1A0]  }
0x2a5: {  	v41 =	vor.u32 $0x5, v16;
	[tilespmem:v26+s25+$0x0] =	vst.idx.msk $0xffff, v25;
	v10 =	vld [tilespmem:s7+$0x1B0]  }
0x2a6: {  	v46 =	vor.u32 $0x7, v6;
	v45 =	vld [tilespmem:s8+$0xE0];
	[tilespmem:v30+s25+$0x0] =	vst.idx.msk $0xffff, v50  }
0x2a7: {  	v42 =	vor.u32 $0x6, v9;
	v38 =	vld [tilespmem:s8+$0x1C0];
	[tilespmem:v37+s25+$0x0] =	vst.idx.msk $0xffff, v36  }
0x2a8: {  	v44 =	vor.u32 $0x6, v11;
	v43 =	vld [tilespmem:s8+$0x1D0];
	[tilespmem:v39+s25+$0x0] =	vst.idx.msk $0xffff, v34  }
0x2a9: {  	v47 =	vor.u32 $0x6, v14;
	v7 =	vld [tilespmem:s7+$0xC0];
	[tilespmem:v40+s25+$0x0] =	vst.idx.msk $0xffff, v4  }
0x2aa: {  	v49 =	vor.u32 $0x6, v15;
	v48 =	vld [tilespmem:s7+$0xD0];
	[tilespmem:v41+s25+$0x0] =	vst.idx.msk $0xffff, v10  }
0x2ab: {  	v51 =	vor.u32 $0x6, v17;
	[tilespmem:v46+s25+$0x0] =	vst.idx.msk $0xffff, v45;
	v50 =	vld [tilespmem:s7+$0x1C0]  }
0x2ac: {  	v53 =	vor.u32 $0x6, v16;
	[tilespmem:v42+s25+$0x0] =	vst.idx.msk $0xffff, v38;
	v52 =	vld [tilespmem:s7+$0x1D0]  }
0x2ad: {  	v3 =	vor.u32 $0x7, v3;
	[tilespmem:v44+s25+$0x0] =	vst.idx.msk $0xffff, v43  }
0x2ae: {  	v55 =	vor.u32 $0x7, v9;
	v54 =	vld [tilespmem:s8+$0x1E0];
	[tilespmem:v47+s25+$0x0] =	vst.idx.msk $0xffff, v7  }
0x2af: {  	v57 =	vor.u32 $0x7, v11;
	v56 =	vld [tilespmem:s8+$0x1F0];
	[tilespmem:v49+s25+$0x0] =	vst.idx.msk $0xffff, v48  }
0x2b0: {  	v59 =	vor.u32 $0x7, v14;
	v58 =	vld [tilespmem:s7+$0xE0];
	[tilespmem:v51+s25+$0x0] =	vst.idx.msk $0xffff, v50  }
0x2b1: {  	v60 =	vor.u32 $0x7, v15;
	v10 =	vld [tilespmem:s7+$0xF0];
	[tilespmem:v53+s25+$0x0] =	vst.idx.msk $0xffff, v52  }
0x2b2: {  	v61 =	vor.u32 $0x7, v17;
	[tilespmem:v3+s25+$0x0] =	vst.idx.msk $0xffff, v21;
	v3 =	vld [tilespmem:s7+$0x1E0]  }
0x2b3: {  	v63 =	vor.u32 $0x7, v16;
	[tilespmem:v55+s25+$0x0] =	vst.idx.msk $0xffff, v54;
	v62 =	vld [tilespmem:s7+$0x1F0]  }
0x2b4: {  	[tilespmem:v57+s25+$0x0] =	vst.idx.msk $0xffff, v56  }
0x2b5: {  	s22 =	sshll.u32 s15, $0x2;
	s23 =	sand.u32 $0x3C00, s15;
	[tilespmem:v59+s25+$0x0] =	vst.idx.msk $0xffff, v58  }
0x2b6: {  	s8 =	sadd.s32 s2, s23;
	[tilespmem:v60+s25+$0x0] =	vst.idx.msk $0xffff, v10;
	s7 =	sand.u32 $0xFFF0000, s22  }
0x2b7: {  	s10 =	simm.s32 $0x10890;
	s7 =	sadd.s32 s7, s8;
	[tilespmem:v61+s25+$0x0] =	vst.idx.msk $0xffff, v3  }
0x2b8: {  	s9 =	simm.s32 $0x10;
	s8 =	simm.s32 $0x10800;
	s15 =	sadd.s32 $0x0, s7;
	[tilespmem:v63+s25+$0x0] =	vst.idx.msk $0xffff, v62  }
.LBB2_28:
0x2b9: {  	[hbm4b:s15+s3] =	stream.linear.scatter [tilespmem:s8], [sflag:$0x9], $0x80, $0x38;
	[tilespmem:$0x19800] =	vst v63  }
0x2ba: {  	s15 =	smov.u32 s9;
	s8 =	smov.u32 s10;
	p1 =	sne.s32 s9, $0x1F0  }
.Ltmp15:
0x2bb: {  	s9 =	sadd.s32 $0x10, s9;
	(pc) =	sbr.rel @p1 .LBB2_28-.Ltmp15, $2  }
0x2bc: {  	_ =	sdelay $0x2  }
0x2bd: {  	s10 =	sadd.s32 $0x90, s10;
	s15 =	sadd.s32 s15, s7  }
0x2be: {  	[hbm4b:s15+s3] =	stream.linear.scatter [tilespmem:s8], [sflag:$0x9], $0x80, $0x38;
	[tilespmem:$0x19800] =	vst v63  }
0x2bf: {  	s8 =	sadd.s32 $0x4000, s7;
	s9 =	simm.s32 $0x11A00  }
0x2c0: {  	s10 =	simm.s32 $0x10;
	s15 =	simm.s32 $0x11A90;
	s16 =	sadd.s32 $0x0, s8  }
.LBB2_30:
0x2c1: {  	[hbm4b:s16+s3] =	stream.linear.scatter [tilespmem:s9], [sflag:$0x9], $0x80, $0x38;
	[tilespmem:$0x19800] =	vst v63  }
0x2c2: {  	s16 =	smov.u32 s10;
	s9 =	smov.u32 s15;
	p1 =	sne.s32 s10, $0x1F0  }
.Ltmp16:
0x2c3: {  	s10 =	sadd.s32 $0x10, s10;
	(pc) =	sbr.rel @p1 .LBB2_30-.Ltmp16, $2  }
0x2c4: {  	_ =	sdelay $0x2  }
0x2c5: {  	s15 =	sadd.s32 $0x90, s15;
	s16 =	sadd.s32 s16, s8  }
0x2c6: {  	[hbm4b:s16+s3] =	stream.linear.scatter [tilespmem:s9], [sflag:$0x9], $0x80, $0x38;
	[tilespmem:$0x19800] =	vst v63  }
0x2c7: {  	s8 =	sadd.s32 $0x8000, s7;
	s9 =	simm.s32 $0x12C00  }
0x2c8: {  	s10 =	simm.s32 $0x10;
	s15 =	simm.s32 $0x12C90;
	s16 =	sadd.s32 $0x0, s8  }
.LBB2_32:
0x2c9: {  	[hbm4b:s16+s3] =	stream.linear.scatter [tilespmem:s9], [sflag:$0x9], $0x80, $0x38;
	[tilespmem:$0x19800] =	vst v63  }
0x2ca: {  	s16 =	smov.u32 s10;
	s9 =	smov.u32 s15;
	p1 =	sne.s32 s10, $0x1F0  }
.Ltmp17:
0x2cb: {  	s10 =	sadd.s32 $0x10, s10;
	(pc) =	sbr.rel @p1 .LBB2_32-.Ltmp17, $2  }
0x2cc: {  	_ =	sdelay $0x2  }
0x2cd: {  	s15 =	sadd.s32 $0x90, s15;
	s16 =	sadd.s32 s16, s8  }
0x2ce: {  	[hbm4b:s16+s3] =	stream.linear.scatter [tilespmem:s9], [sflag:$0x9], $0x80, $0x38;
	[tilespmem:$0x19800] =	vst v63  }
0x2cf: {  	s7 =	sadd.s32 $0xC000, s7;
	s8 =	simm.s32 $0x13E00  }
0x2d0: {  	s9 =	simm.s32 $0x10;
	s10 =	simm.s32 $0x13E90;
	s15 =	sadd.s32 $0x0, s7  }
.LBB2_34:
0x2d1: {  	[hbm4b:s15+s3] =	stream.linear.scatter [tilespmem:s8], [sflag:$0x9], $0x80, $0x38;
	[tilespmem:$0x19800] =	vst v63  }
0x2d2: {  	s15 =	smov.u32 s9;
	s8 =	smov.u32 s10;
	p1 =	sne.s32 s9, $0x1F0  }
.Ltmp18:
0x2d3: {  	s9 =	sadd.s32 $0x10, s9;
	(pc) =	sbr.rel @p1 .LBB2_34-.Ltmp18, $2  }
0x2d4: {  	_ =	sdelay $0x2  }
0x2d5: {  	s10 =	sadd.s32 $0x90, s10;
	s15 =	sadd.s32 s15, s7  }
0x2d6: {  	[hbm4b:s15+s3] =	stream.linear.scatter [tilespmem:s8], [sflag:$0x9], $0x80, $0x38;
	[tilespmem:$0x19800] =	vst v63  }
0x2d7: {  	s7 =	simm.s32 @!p0 $0x3  }
0x2d8: {  	s8 =	simm.s32 @!p0 $0x400;
	_ =	swait.ge @!p0 [sflag:s7], $0x200  }
0x2d9: {  	s9 =	simm.s32 @!p0 $0x8800;
	s22 =	simm.s32 $0x0;
	[sflag:s7] =	ssyncset.done @!p0 $0x0  }
0x2da: {  	s10 =	simm.s32 @!p0 $0x600;
	[sflag:s7] =	ssyncadd.s32 @!p0 $0xFFFFFE00;
	s7 =	simm.s32 @!p0 $0x200  }
0x2db: {  	[tilespmem:s9], [sflag:$0x7] =	stream.indirect.gather @!p0 [hbm4b:s6+s7], $0x20, s8, s7, $0xb8;
	[tilespmem:$0x19800] =	vst v63  }
0x2dc: {  	s7 =	sadd.s32 @!p0 s21, s14;
	s21 =	simm.s32 $0x0;
	_ =	swait.ge [sflag:s31], $0x4000  }
0x2dd: {  	v3 =	vmov s22;
	s7 =	sshrl.u32 @!p0 s7, $0x3;
	s8 =	sand.u32 $0x70, s21;
	[sflag:s31] =	ssyncset.done $0x0  }
0x2de: {  	v3 =	vmul.u32 $0x480, v3;
	s9 =	simm.s32 @!p0 $0x0;
	s7 =	sadd.s32 @!p0 s5, s7;
	v4 =	vmov s8;
	[sflag:s31] =	ssyncadd.s32 $0xFFFFC000  }
0x2df: {  	v4 =	vshrl.u32 v4, $0x3;
	[tilespmem:s10], [sflag:$0x4] =	stream.linear.gather @!p0 [hbm4b:s7+s9], $0x200, $0x38;
	[tilespmem:$0x19800] =	vst v63  }
0x2e0: {  	v3 =	vbroadcast v3, $0x0;
	v4 =	vshll.u32 v4, v1;
	_ =	swait.ge [sflag:s1], $0x4000  }
0x2e1: {  	v4 =	vbroadcast v4, $0x0;
	[sflag:s1] =	ssyncset.done $0x0  }
0x2e2: {  	v5 =	vadd.s32 v0, v3;
	s10 =	simm.s32 $0xC800;
	[sflag:s1] =	ssyncadd.s32 $0xFFFFC000  }
0x2e3: {  	v3 =	vadd.s32 v2, v3;
	v19 =	vadd.s32 v4, v5;
	v6 =	vld [tilespmem:s10+$0x0]  }
0x2e4: {  	v10 =	vadd.s32 v4, v3;
	v7 =	vld [tilespmem:s10+$0x10];
	_ =	sdelay $0x1  }
0x2e5: {  	s23 =	simm.s32 $0x8  }
0x2e6: {  	s7 =	sand.u32 $0x78, s23  }
0x2e7: {  	v4 =	vmov s7;
	[tilespmem:v19+s28+$0x0] =	vst.idx.msk $0xffff, v6  }
0x2e8: {  	v4 =	vshrl.u32 v4, $0x3;
	[tilespmem:v10+s28+$0x0] =	vst.idx.msk $0xffff, v7  }
0x2e9: {  	v4 =	vshll.u32 v4, v1;
	v6 =	vor.u32 $0x1, v19;
	v7 =	vld [tilespmem:s10+$0x20]  }
0x2ea: {  	s8 =	simm.s32 $0x10;
	s9 =	simm.s32 $0x0;
	v9 =	vor.u32 $0x1, v10;
	v4 =	vbroadcast v4, $0x0;
	v8 =	vld [tilespmem:s10+$0x30]  }
0x2eb: {  	v11 =	vmov s9;
	s7 =	sand.u32 $0x70, s8  }
0x2ec: {  	v11 =	vmul.u32 $0x480, v11;
	v14 =	vld [tilespmem:s10+$0x100];
	v12 =	vadd.s32 v5, v4;
	v5 =	vmov s7  }
0x2ed: {  	v13 =	vadd.s32 v3, v4;
	v3 =	vld [tilespmem:s10+$0x110];
	v4 =	vshrl.u32 v5, $0x3  }
0x2ee: {  	v5 =	vbroadcast v11, $0x0;
	v4 =	vshll.u32 v4, v1;
	[tilespmem:v6+s28+$0x0] =	vst.idx.msk $0xffff, v7  }
0x2ef: {  	v4 =	vbroadcast v4, $0x0;
	[tilespmem:v9+s28+$0x0] =	vst.idx.msk $0xffff, v8  }
0x2f0: {  	s9 =	simm.s32 $0xCA00;
	v7 =	vor.u32 $0x2, v19;
	v8 =	vadd.s32 v0, v5;
	v6 =	vld [tilespmem:s10+$0x40]  }
0x2f1: {  	v15 =	vld [tilespmem:s9+$0x0];
	[tilespmem:v12+s28+$0x0] =	vst.idx.msk $0xffff, v14;
	v14 =	vadd.s32 v2, v5;
	v5 =	vadd.s32 v4, v8  }
0x2f2: {  	v11 =	vor.u32 $0x2, v10;
	[tilespmem:v13+s28+$0x0] =	vst.idx.msk $0xffff, v3;
	v9 =	vld [tilespmem:s10+$0x50]  }
0x2f3: {  	v17 =	vor.u32 $0x1, v12;
	v3 =	vld [tilespmem:s10+$0x120]  }
0x2f4: {  	v16 =	vld [tilespmem:s9+$0x10];
	v4 =	vadd.s32 v4, v14  }
0x2f5: {  	s15 =	simm.s32 $0x18;
	[tilespmem:v7+s28+$0x0] =	vst.idx.msk $0xffff, v6  }
0x2f6: {  	v18 =	vld [tilespmem:s9+$0x100];
	s7 =	sand.u32 $0x78, s15;
	[tilespmem:v5+s28+$0x0] =	vst.idx.msk $0xffff, v15  }
0x2f7: {  	v6 =	vld [tilespmem:s10+$0x130];
	v7 =	vor.u32 $0x1, v13;
	[tilespmem:v11+s28+$0x0] =	vst.idx.msk $0xffff, v9;
	v9 =	vmov s7  }
0x2f8: {  	v15 =	vor.u32 $0x3, v19;
	[tilespmem:v17+s28+$0x0] =	vst.idx.msk $0xffff, v3;
	v11 =	vld [tilespmem:s10+$0x60];
	v9 =	vshrl.u32 v9, $0x3  }
0x2f9: {  	v3 =	vor.u32 $0x3, v10;
	[tilespmem:v4+s28+$0x0] =	vst.idx.msk $0xffff, v16;
	v16 =	vld [tilespmem:s10+$0x70];
	v9 =	vshll.u32 v9, v1  }
0x2fa: {  	v17 =	vor.u32 $0x1, v5;
	v21 =	vld [tilespmem:s9+$0x20];
	v9 =	vbroadcast v9, $0x0  }
0x2fb: {  	s8 =	simm.s32 $0xCC00;
	v22 =	vor.u32 $0x1, v4;
	v20 =	vld [tilespmem:s9+$0x30]  }
0x2fc: {  	v26 =	vld [tilespmem:s8+$0x0];
	[tilespmem:v7+s28+$0x0] =	vst.idx.msk $0xffff, v6;
	v7 =	vadd.s32 v8, v9  }
0x2fd: {  	v24 =	vor.u32 $0x2, v12;
	v23 =	vld [tilespmem:s10+$0x140];
	[tilespmem:v15+s28+$0x0] =	vst.idx.msk $0xffff, v11  }
0x2fe: {  	v6 =	vld [tilespmem:s10+$0x150];
	[tilespmem:v3+s28+$0x0] =	vst.idx.msk $0xffff, v16;
	v3 =	vor.u32 $0x2, v13  }
0x2ff: {  	[tilespmem:v17+s28+$0x0] =	vst.idx.msk $0xffff, v21;
	v17 =	vor.u32 $0x4, v19;
	v16 =	vld [tilespmem:s10+$0x80]  }
0x300: {  	s16 =	simm.s32 $0x20;
	s17 =	simm.s32 $0x0;
	v11 =	vld [tilespmem:s9+$0x110];
	[tilespmem:v22+s28+$0x0] =	vst.idx.msk $0xffff, v20  }
0x301: {  	s7 =	sand.u32 $0x70, s16;
	v8 =	vadd.s32 v14, v9;
	v14 =	vmov s17;
	v22 =	vld [tilespmem:s9+$0x50];
	[tilespmem:v7+s28+$0x0] =	vst.idx.msk $0xffff, v18  }
0x302: {  	v21 =	vmov s7;
	v14 =	vmul.u32 $0x480, v14;
	v20 =	vor.u32 $0x2, v5;
	v18 =	vld [tilespmem:s9+$0x40];
	[tilespmem:v24+s28+$0x0] =	vst.idx.msk $0xffff, v23  }
0x303: {  	v21 =	vshrl.u32 v21, $0x3;
	v23 =	vor.u32 $0x2, v4;
	v24 =	vld [tilespmem:s10+$0x90];
	[tilespmem:v3+s28+$0x0] =	vst.idx.msk $0xffff, v6  }
0x304: {  	v3 =	vshll.u32 v21, v1;
	v6 =	vbroadcast v14, $0x0;
	[tilespmem:v17+s28+$0x0] =	vst.idx.msk $0xffff, v16;
	v14 =	vld [tilespmem:s10+$0x160];
	v16 =	vor.u32 $0x3, v12  }
0x305: {  	v25 =	vor.u32 $0x4, v10;
	v9 =	vld [tilespmem:s8+$0x10];
	v3 =	vbroadcast v3, $0x0  }
0x306: {  	[tilespmem:v8+s28+$0x0] =	vst.idx.msk $0xffff, v11;
	v11 =	vor.u32 $0x3, v13;
	v17 =	vld [tilespmem:s10+$0x170];
	v21 =	vadd.s32 v0, v6  }
0x307: {  	v15 =	vld [tilespmem:s8+$0x100];
	[tilespmem:v20+s28+$0x0] =	vst.idx.msk $0xffff, v18;
	v20 =	vadd.s32 v2, v6;
	v6 =	vadd.s32 v3, v21  }
0x308: {  	v18 =	vld [tilespmem:s9+$0x130];
	[tilespmem:v23+s28+$0x0] =	vst.idx.msk $0xffff, v22;
	v3 =	vadd.s32 v3, v20  }
0x309: {  	v22 =	vld [tilespmem:s9+$0x120];
	[tilespmem:v16+s28+$0x0] =	vst.idx.msk $0xffff, v14;
	v16 =	vor.u32 $0x1, v7  }
0x30a: {  	[tilespmem:v25+s28+$0x0] =	vst.idx.msk $0xffff, v24;
	v24 =	vor.u32 $0x3, v5;
	v14 =	vld [tilespmem:s9+$0x60]  }
0x30b: {  	v25 =	vld [tilespmem:s10+$0xA0];
	[tilespmem:v11+s28+$0x0] =	vst.idx.msk $0xffff, v17;
	v17 =	vor.u32 $0x1, v8  }
0x30c: {  	s18 =	simm.s32 $0x28;
	v11 =	vld [tilespmem:s10+$0xB0];
	[tilespmem:v6+s28+$0x0] =	vst.idx.msk $0xffff, v26  }
0x30d: {  	s7 =	sand.u32 $0x78, s18;
	v23 =	vld [tilespmem:s10+$0x180];
	[tilespmem:v3+s28+$0x0] =	vst.idx.msk $0xffff, v9;
	v9 =	vor.u32 $0x5, v19  }
0x30e: {  	v27 =	vmov s7;
	v26 =	vld [tilespmem:s9+$0x70];
	[tilespmem:v16+s28+$0x0] =	vst.idx.msk $0xffff, v22;
	v16 =	vor.u32 $0x5, v10  }
0x30f: {  	v22 =	vshrl.u32 v27, $0x3;
	v27 =	vld [tilespmem:s8+$0x20];
	[tilespmem:v24+s28+$0x0] =	vst.idx.msk $0xffff, v14;
	v14 =	vor.u32 $0x1, v6  }
0x310: {  	v28 =	vld [tilespmem:s8+$0x30];
	[tilespmem:v17+s28+$0x0] =	vst.idx.msk $0xffff, v18;
	v17 =	vor.u32 $0x3, v4;
	v18 =	vshll.u32 v22, v1  }
0x311: {  	v22 =	vld [tilespmem:s9+$0x150];
	v29 =	vbroadcast v18, $0x0  }
0x312: {  	s16 =	simm.s32 $0xCE00;
	v30 =	vor.u32 $0x1, v3;
	v24 =	vld [tilespmem:s9+$0x140];
	[tilespmem:v9+s28+$0x0] =	vst.idx.msk $0xffff, v25  }
0x313: {  	v18 =	vld [tilespmem:s16+$0x100];
	v9 =	vadd.s32 v21, v29;
	[tilespmem:v16+s28+$0x0] =	vst.idx.msk $0xffff, v11  }
0x314: {  	v25 =	vld [tilespmem:s8+$0x110];
	v16 =	vor.u32 $0x2, v7;
	[tilespmem:v14+s28+$0x0] =	vst.idx.msk $0xffff, v27  }
0x315: {  	v27 =	vld [tilespmem:s10+$0x190];
	v11 =	vadd.s32 v20, v29;
	[tilespmem:v17+s28+$0x0] =	vst.idx.msk $0xffff, v26  }
0x316: {  	v26 =	vor.u32 $0x4, v5;
	v21 =	vld [tilespmem:s9+$0x80]  }
0x317: {  	v14 =	vor.u32 $0x2, v8;
	v17 =	vld [tilespmem:s10+$0xD0];
	[tilespmem:v30+s28+$0x0] =	vst.idx.msk $0xffff, v28  }
0x318: {  	v28 =	vld [tilespmem:s16+$0x10];
	v30 =	vor.u32 $0x4, v12;
	[tilespmem:v9+s28+$0x0] =	vst.idx.msk $0xffff, v15  }
0x319: {  	v31 =	vor.u32 $0x4, v13;
	v20 =	vld [tilespmem:s8+$0x40];
	[tilespmem:v16+s28+$0x0] =	vst.idx.msk $0xffff, v24  }
0x31a: {  	s21 =	simm.s32 $0x0;
	s18 =	simm.s32 $0x30;
	v15 =	vld [tilespmem:s9+$0x90];
	v24 =	vor.u32 $0x2, v6;
	[tilespmem:v11+s28+$0x0] =	vst.idx.msk $0xffff, v25  }
0x31b: {  	s22 =	sand.u32 $0x70, s18;
	v29 =	vor.u32 $0x2, v3;
	[tilespmem:v26+s28+$0x0] =	vst.idx.msk $0xffff, v21;
	v21 =	vmov s21;
	v26 =	vld [tilespmem:s8+$0x50]  }
0x31c: {  	v16 =	vld [tilespmem:s16+$0x0];
	[tilespmem:v14+s28+$0x0] =	vst.idx.msk $0xffff, v22;
	v14 =	vmov s22;
	v22 =	vor.u32 $0x4, v4;
	v21 =	vmul.u32 $0x480, v21  }
0x31d: {  	[tilespmem:v30+s28+$0x0] =	vst.idx.msk $0xffff, v23;
	v30 =	vor.u32 $0x3, v7;
	v32 =	vld [tilespmem:s9+$0x160];
	v14 =	vshrl.u32 v14, $0x3  }
0x31e: {  	v25 =	vor.u32 $0x3, v8;
	v23 =	vld [tilespmem:s9+$0x170];
	[tilespmem:v31+s28+$0x0] =	vst.idx.msk $0xffff, v27;
	v14 =	vshll.u32 v14, v1;
	v21 =	vbroadcast v21, $0x0  }
0x31f: {  	v31 =	vbroadcast v14, $0x0;
	[tilespmem:v24+s28+$0x0] =	vst.idx.msk $0xffff, v20;
	v20 =	vld [tilespmem:s10+$0x1A0];
	v24 =	vor.u32 $0x5, v12  }
0x320: {  	v27 =	vld [tilespmem:s10+$0x1B0];
	v33 =	vadd.s32 v0, v21;
	[tilespmem:v29+s28+$0x0] =	vst.idx.msk $0xffff, v26;
	v29 =	vor.u32 $0x5, v13  }
0x321: {  	v35 =	vld [tilespmem:s8+$0x130];
	[tilespmem:v22+s28+$0x0] =	vst.idx.msk $0xffff, v15;
	v34 =	vadd.s32 v2, v21;
	v14 =	vadd.s32 v31, v33  }
0x322: {  	[tilespmem:v30+s28+$0x0] =	vst.idx.msk $0xffff, v32;
	v15 =	vadd.s32 v31, v34;
	v30 =	vld [tilespmem:s8+$0x60];
	v31 =	vor.u32 $0x3, v6  }
0x323: {  	v22 =	vld [tilespmem:s8+$0x120];
	[tilespmem:v25+s28+$0x0] =	vst.idx.msk $0xffff, v23  }
0x324: {  	v26 =	vld [tilespmem:s10+$0xC0];
	v23 =	vor.u32 $0x1, v9;
	[tilespmem:v24+s28+$0x0] =	vst.idx.msk $0xffff, v20  }
0x325: {  	v25 =	vld [tilespmem:s9+$0xB0];
	v20 =	vor.u32 $0x6, v19;
	[tilespmem:v29+s28+$0x0] =	vst.idx.msk $0xffff, v27  }
0x326: {  	s23 =	simm.s32 $0x38;
	v24 =	vld [tilespmem:s9+$0xA0];
	[tilespmem:v14+s28+$0x0] =	vst.idx.msk $0xffff, v16;
	v16 =	vor.u32 $0x1, v11  }
0x327: {  	v36 =	vor.u32 $0x5, v5;
	s7 =	sand.u32 $0x78, s23;
	v29 =	vld [tilespmem:s8+$0x70];
	[tilespmem:v31+s28+$0x0] =	vst.idx.msk $0xffff, v30  }
0x328: {  	v61 =	vmov s7;
	v21 =	vld [tilespmem:s9+$0x180];
	[tilespmem:v15+s28+$0x0] =	vst.idx.msk $0xffff, v28;
	v28 =	vor.u32 $0x6, v10  }
0x329: {  	v30 =	vld [tilespmem:s10+$0x1C0];
	[tilespmem:v23+s28+$0x0] =	vst.idx.msk $0xffff, v22;
	v22 =	vshrl.u32 v61, $0x3  }
0x32a: {  	v31 =	vor.u32 $0x6, v12;
	v63 =	vld [tilespmem:s10+$0x1D0];
	[tilespmem:v20+s28+$0x0] =	vst.idx.msk $0xffff, v26;
	v20 =	vshll.u32 v22, v1  }
0x32b: {  	v38 =	vor.u32 $0x6, v13;
	v27 =	vld [tilespmem:s16+$0x30];
	[tilespmem:v16+s28+$0x0] =	vst.idx.msk $0xffff, v35;
	v16 =	vbroadcast v20, $0x0  }
0x32c: {  	v62 =	vor.u32 $0x1, v14;
	v37 =	vld [tilespmem:s16+$0x20];
	[tilespmem:v36+s28+$0x0] =	vst.idx.msk $0xffff, v24  }
0x32d: {  	v24 =	vld [tilespmem:s16+$0x110];
	[tilespmem:v28+s28+$0x0] =	vst.idx.msk $0xffff, v17;
	v17 =	vadd.s32 v33, v16;
	v33 =	vor.u32 $0x3, v3  }
0x32e: {  	v32 =	vor.u32 $0x5, v4;
	v23 =	vld [tilespmem:s8+$0x150]  }
0x32f: {  	[tilespmem:v31+s28+$0x0] =	vst.idx.msk $0xffff, v30;
	v31 =	vor.u32 $0x1, v15;
	v28 =	vld [tilespmem:s8+$0x140]  }
0x330: {  	v19 =	vor.u32 $0x7, v19;
	[tilespmem:v38+s28+$0x0] =	vst.idx.msk $0xffff, v63;
	v26 =	vld [tilespmem:s10+$0xF0]  }
0x331: {  	s15 =	sadd.s32 $0x600, s20;
	s7 =	simm.s32 $0xCE00;
	v22 =	vor.u32 $0x2, v9;
	v16 =	vadd.s32 v34, v16;
	[tilespmem:v62+s28+$0x0] =	vst.idx.msk $0xffff, v37;
	v30 =	vld [tilespmem:s10+$0xE0];
	v20 =	vor.u32 $0x2, v17  }
.LBB2_36:
0x332: {  	s16 =	sadd.s32 $0x200, s16;
	[tilespmem:v33+s28+$0x0] =	vst.idx.msk $0xffff, v29;
	v29 =	vld [tilespmem:s10+$0x1F0];
	s17 =	smov.u32 s18;
	s18 =	sadd.s32 $0x10, s18  }
0x333: {  	s20 =	sshrl.u32 s18, $0x7;
	s21 =	sand.u32 $0x70, s18;
	s17 =	sadd.s32 $0x18, s17;
	v33 =	vld [tilespmem:s16+$0x100];
	[tilespmem:v32+s28+$0x0] =	vst.idx.msk $0xffff, v25;
	v25 =	vor.u32 $0x7, v10;
	v32 =	vor.u32 $0x7, v13;
	v10 =	vmovc v4;
	v4 =	vmovc v3;
	v3 =	vmov v15  }
0x334: {  	p1 =	slt.u32 s18, $0x1F0;
	v37 =	vmov s20;
	v15 =	vmov s21;
	s17 =	sand.u32 $0x78, s17;
	[tilespmem:v31+s28+$0x0] =	vst.idx.msk $0xffff, v27;
	v27 =	vld [tilespmem:s10+$0x1E0];
	v31 =	vor.u32 $0x7, v12;
	v12 =	vmovc v7;
	v7 =	vmovc v9;
	s10 =	smov.u32 s9  }
0x335: {  	v13 =	vmovc v8;
	v9 =	vmovc v17;
	s9 =	smov.u32 s8;
	s8 =	smov.u32 s7;
	s7 =	smov.u32 s16;
	v15 =	vshrl.u32 v15, $0x3;
	v34 =	vmul.u32 $0x480, v37;
	v35 =	vmov s17;
	[tilespmem:v17+s28+$0x0] =	vst.idx.msk $0xffff, v18;
	v36 =	vld [tilespmem:s10+$0xD0]  }
0x336: {  	v8 =	vmovc v11;
	v37 =	vor.u32 $0x4, v6;
	v15 =	vshll.u32 v15, v1;
	v17 =	vshrl.u32 v35, $0x3;
	v35 =	vld [tilespmem:s9+$0x80];
	[tilespmem:v19+s28+$0x0] =	vst.idx.msk $0xffff, v30  }
0x337: {  	v11 =	vmovc v16;
	v19 =	vbroadcast v34, $0x0;
	v17 =	vshll.u32 v17, v1;
	[tilespmem:v22+s28+$0x0] =	vst.idx.msk $0xffff, v28;
	v28 =	vor.u32 $0x2, v8;
	v30 =	vld [tilespmem:s10+$0x190]  }
0x338: {  	v38 =	vor.u32 $0x4, v12;
	v15 =	vbroadcast v15, $0x0;
	v22 =	vmovc v20;
	v34 =	vld [tilespmem:s16+$0x10];
	v16 =	vbroadcast v17, $0x0;
	[tilespmem:v25+s28+$0x0] =	vst.idx.msk $0xffff, v26;
	v18 =	vmovc v33  }
0x339: {  	v26 =	vor.u32 $0x4, v13;
	v17 =	vadd.s32 v0, v19;
	v19 =	vadd.s32 v2, v19;
	v25 =	vld [tilespmem:s9+$0x90];
	[tilespmem:v31+s28+$0x0] =	vst.idx.msk $0xffff, v27  }
0x33a: {  	v27 =	vld [tilespmem:s16+$0x0];
	v39 =	vadd.s32 v15, v17;
	v17 =	vadd.s32 v17, v16;
	[tilespmem:v32+s28+$0x0] =	vst.idx.msk $0xffff, v29  }
0x33b: {  	v15 =	vadd.s32 v15, v19;
	v16 =	vadd.s32 v19, v16;
	v29 =	vor.u32 $0x2, v14;
	v19 =	vld [tilespmem:s8+$0x40];
	[tilespmem:v37+s28+$0x0] =	vst.idx.msk $0xffff, v35  }
0x33c: {  	v32 =	vor.u32 $0x2, v3;
	v20 =	vor.u32 $0x2, v17;
	v31 =	vld [tilespmem:s8+$0x50];
	[tilespmem:v28+s28+$0x0] =	vst.idx.msk $0xffff, v23  }
0x33d: {  	v23 =	vor.u32 $0x4, v4;
	v28 =	vld [tilespmem:s9+$0x160];
	[tilespmem:v38+s28+$0x0] =	vst.idx.msk $0xffff, v21  }
0x33e: {  	v33 =	vor.u32 $0x3, v7;
	v21 =	vld [tilespmem:s9+$0x170];
	[tilespmem:v26+s28+$0x0] =	vst.idx.msk $0xffff, v30  }
0x33f: {  	[tilespmem:v11+s28+$0x0] =	vst.idx.msk $0xffff, v24;
	v24 =	vor.u32 $0x3, v8;
	v26 =	vld [tilespmem:s10+$0x1B0]  }
0x340: {  	[tilespmem:v29+s28+$0x0] =	vst.idx.msk $0xffff, v19;
	v19 =	vld [tilespmem:s10+$0x1A0];
	v29 =	vor.u32 $0x5, v12  }
0x341: {  	[tilespmem:v32+s28+$0x0] =	vst.idx.msk $0xffff, v31;
	v30 =	vld [tilespmem:s10+$0xC0];
	v31 =	vor.u32 $0x5, v13  }
0x342: {  	v32 =	vld [tilespmem:s8+$0x130];
	[tilespmem:v23+s28+$0x0] =	vst.idx.msk $0xffff, v25  }
0x343: {  	v23 =	vld [tilespmem:s8+$0x120];
	[tilespmem:v33+s28+$0x0] =	vst.idx.msk $0xffff, v28  }
0x344: {  	v33 =	vor.u32 $0x3, v14;
	v28 =	vld [tilespmem:s8+$0x60];
	[tilespmem:v24+s28+$0x0] =	vst.idx.msk $0xffff, v21  }
0x345: {  	v24 =	vor.u32 $0x1, v9;
	v25 =	vld [tilespmem:s9+$0xB0];
	[tilespmem:v29+s28+$0x0] =	vst.idx.msk $0xffff, v19  }
0x346: {  	v19 =	vor.u32 $0x6, v5;
	v21 =	vld [tilespmem:s9+$0x180];
	[tilespmem:v31+s28+$0x0] =	vst.idx.msk $0xffff, v26  }
0x347: {  	v26 =	vor.u32 $0x1, v11;
	[tilespmem:v39+s28+$0x0] =	vst.idx.msk $0xffff, v27;
	v35 =	vld [tilespmem:s9+$0xA0]  }
0x348: {  	v31 =	vor.u32 $0x6, v10;
	[tilespmem:v15+s28+$0x0] =	vst.idx.msk $0xffff, v34;
	v29 =	vld [tilespmem:s8+$0x70]  }
0x349: {  	v34 =	vor.u32 $0x6, v12;
	[tilespmem:v33+s28+$0x0] =	vst.idx.msk $0xffff, v28;
	v28 =	vld [tilespmem:s10+$0x1C0]  }
0x34a: {  	v37 =	vor.u32 $0x1, v39;
	v27 =	vld [tilespmem:s16+$0x30];
	[tilespmem:v24+s28+$0x0] =	vst.idx.msk $0xffff, v23;
	v24 =	vor.u32 $0x5, v6  }
0x34b: {  	v38 =	vld [tilespmem:s16+$0x20];
	[tilespmem:v19+s28+$0x0] =	vst.idx.msk $0xffff, v30  }
0x34c: {  	v41 =	vor.u32 $0x6, v13;
	[tilespmem:v26+s28+$0x0] =	vst.idx.msk $0xffff, v32;
	v40 =	vld [tilespmem:s10+$0x1D0]  }
.Ltmp19:
0x34d: {  	v33 =	vor.u32 $0x3, v3;
	v23 =	vld [tilespmem:s8+$0x150];
	[tilespmem:v31+s28+$0x0] =	vst.idx.msk $0xffff, v36;
	(pc) =	sbr.rel @p1 .LBB2_36-.Ltmp19, $4  }
0x34e: {  	v32 =	vor.u32 $0x5, v4;
	v26 =	vld [tilespmem:s10+$0xF0];
	[tilespmem:v34+s28+$0x0] =	vst.idx.msk $0xffff, v28  }
0x34f: {  	v31 =	vor.u32 $0x1, v15;
	v28 =	vld [tilespmem:s8+$0x140];
	[tilespmem:v24+s28+$0x0] =	vst.idx.msk $0xffff, v35  }
0x350: {  	[tilespmem:v37+s28+$0x0] =	vst.idx.msk $0xffff, v38;
	v30 =	vld [tilespmem:s10+$0xE0]  }
0x351: {  	v19 =	vor.u32 $0x7, v5;
	v5 =	vmovc v6;
	v6 =	vmov v14;
	v14 =	vmov v39;
	v24 =	vld [tilespmem:s16+$0x110];
	[tilespmem:v41+s28+$0x0] =	vst.idx.msk $0xffff, v40  }
0x352: {  	_ =	sdelay $0x3  }
0x353: {  	[tilespmem:v33+s28+$0x0] =	vst.idx.msk $0xffff, v29  }
0x354: {  	[tilespmem:v32+s28+$0x0] =	vst.idx.msk $0xffff, v25  }
0x355: {  	v10 =	vor.u32 $0x7, v10;
	[tilespmem:v31+s28+$0x0] =	vst.idx.msk $0xffff, v27  }
0x356: {  	v38 =	vld [tilespmem:s10+$0x1E0];
	v12 =	vor.u32 $0x7, v12;
	[tilespmem:v17+s28+$0x0] =	vst.idx.msk $0xffff, v18  }
0x357: {  	v42 =	vor.u32 $0x2, v11;
	[tilespmem:v22+s28+$0x0] =	vst.idx.msk $0xffff, v28  }
0x358: {  	v39 =	vld [tilespmem:s10+$0x1F0];
	v43 =	vor.u32 $0x4, v7;
	[tilespmem:v19+s28+$0x0] =	vst.idx.msk $0xffff, v30  }
0x359: {  	v13 =	vor.u32 $0x7, v13;
	v44 =	vld [tilespmem:s9+$0x190];
	[tilespmem:v16+s28+$0x0] =	vst.idx.msk $0xffff, v24  }
0x35a: {  	v41 =	vor.u32 $0x4, v6;
	v40 =	vld [tilespmem:s8+$0x80];
	[tilespmem:v10+s28+$0x0] =	vst.idx.msk $0xffff, v26  }
0x35b: {  	v45 =	vor.u32 $0x4, v8;
	v46 =	vld [tilespmem:s8+$0x90];
	[tilespmem:v12+s28+$0x0] =	vst.idx.msk $0xffff, v38  }
0x35c: {  	v48 =	vor.u32 $0x2, v14;
	v47 =	vld [tilespmem:s7+$0x40];
	[tilespmem:v42+s28+$0x0] =	vst.idx.msk $0xffff, v23  }
0x35d: {  	v50 =	vor.u32 $0x2, v15;
	v49 =	vld [tilespmem:s7+$0x50];
	[tilespmem:v43+s28+$0x0] =	vst.idx.msk $0xffff, v21  }
0x35e: {  	v52 =	vor.u32 $0x4, v3;
	v51 =	vld [tilespmem:s9+$0xD0];
	[tilespmem:v13+s28+$0x0] =	vst.idx.msk $0xffff, v39  }
0x35f: {  	v29 =	vor.u32 $0x6, v5;
	v28 =	vld [tilespmem:s9+$0xC0];
	[tilespmem:v41+s28+$0x0] =	vst.idx.msk $0xffff, v40  }
0x360: {  	v33 =	vor.u32 $0x6, v4;
	v62 =	vld [tilespmem:s7+$0x120];
	[tilespmem:v45+s28+$0x0] =	vst.idx.msk $0xffff, v44  }
0x361: {  	v63 =	vor.u32 $0x1, v17;
	v30 =	vld [tilespmem:s7+$0x130];
	[tilespmem:v48+s28+$0x0] =	vst.idx.msk $0xffff, v47  }
0x362: {  	v54 =	vor.u32 $0x3, v9;
	v53 =	vld [tilespmem:s8+$0x160];
	[tilespmem:v50+s28+$0x0] =	vst.idx.msk $0xffff, v49  }
0x363: {  	v31 =	vor.u32 $0x1, v16;
	v55 =	vld [tilespmem:s8+$0x170];
	[tilespmem:v52+s28+$0x0] =	vst.idx.msk $0xffff, v46  }
0x364: {  	v56 =	vor.u32 $0x3, v11;
	v57 =	vld [tilespmem:s9+$0x1A0];
	[tilespmem:v29+s28+$0x0] =	vst.idx.msk $0xffff, v28  }
0x365: {  	v58 =	vor.u32 $0x5, v7;
	v26 =	vld [tilespmem:s9+$0x1B0];
	[tilespmem:v33+s28+$0x0] =	vst.idx.msk $0xffff, v51  }
0x366: {  	v59 =	vor.u32 $0x5, v8;
	v60 =	vld [tilespmem:s7+$0x60];
	[tilespmem:v63+s28+$0x0] =	vst.idx.msk $0xffff, v62  }
0x367: {  	v61 =	vor.u32 $0x3, v14;
	v32 =	vld [tilespmem:s7+$0x70];
	[tilespmem:v54+s28+$0x0] =	vst.idx.msk $0xffff, v53  }
0x368: {  	v37 =	vor.u32 $0x5, v6;
	v36 =	vld [tilespmem:s8+$0xA0];
	[tilespmem:v31+s28+$0x0] =	vst.idx.msk $0xffff, v30  }
0x369: {  	v41 =	vor.u32 $0x3, v15;
	v40 =	vld [tilespmem:s8+$0xB0];
	[tilespmem:v56+s28+$0x0] =	vst.idx.msk $0xffff, v55  }
0x36a: {  	v45 =	vor.u32 $0x5, v3;
	v46 =	vld [tilespmem:s9+$0xE0];
	[tilespmem:v58+s28+$0x0] =	vst.idx.msk $0xffff, v57  }
0x36b: {  	v47 =	vor.u32 $0x7, v5;
	v48 =	vld [tilespmem:s9+$0xF0];
	[tilespmem:v59+s28+$0x0] =	vst.idx.msk $0xffff, v26  }
0x36c: {  	v42 =	vld [tilespmem:s7+$0x140];
	[tilespmem:v61+s28+$0x0] =	vst.idx.msk $0xffff, v60  }
0x36d: {  	v43 =	vor.u32 $0x2, v16;
	v24 =	vld [tilespmem:s7+$0x150];
	[tilespmem:v37+s28+$0x0] =	vst.idx.msk $0xffff, v36  }
0x36e: {  	v49 =	vor.u32 $0x7, v4;
	v44 =	vld [tilespmem:s8+$0x180];
	[tilespmem:v41+s28+$0x0] =	vst.idx.msk $0xffff, v32  }
0x36f: {  	v51 =	vor.u32 $0x4, v9;
	v52 =	vld [tilespmem:s8+$0x190];
	[tilespmem:v45+s28+$0x0] =	vst.idx.msk $0xffff, v40  }
0x370: {  	v35 =	vor.u32 $0x6, v7;
	v34 =	vld [tilespmem:s9+$0x1C0];
	[tilespmem:v47+s28+$0x0] =	vst.idx.msk $0xffff, v46  }
0x371: {  	v53 =	vor.u32 $0x4, v11;
	v38 =	vld [tilespmem:s9+$0x1D0];
	[tilespmem:v20+s28+$0x0] =	vst.idx.msk $0xffff, v42  }
0x372: {  	v39 =	vor.u32 $0x6, v8;
	v59 =	vld [tilespmem:s7+$0x80];
	[tilespmem:v43+s28+$0x0] =	vst.idx.msk $0xffff, v24  }
0x373: {  	v54 =	vor.u32 $0x3, v17;
	[tilespmem:v49+s28+$0x0] =	vst.idx.msk $0xffff, v48;
	v12 =	vld [tilespmem:s7+$0x160]  }
0x374: {  	v56 =	vor.u32 $0x3, v16;
	[tilespmem:v51+s28+$0x0] =	vst.idx.msk $0xffff, v44;
	v55 =	vld [tilespmem:s7+$0x170]  }
0x375: {  	v60 =	vor.u32 $0x4, v14;
	v61 =	vld [tilespmem:s7+$0x90];
	[tilespmem:v35+s28+$0x0] =	vst.idx.msk $0xffff, v34  }
0x376: {  	v33 =	vor.u32 $0x6, v6;
	v32 =	vld [tilespmem:s8+$0xC0];
	[tilespmem:v53+s28+$0x0] =	vst.idx.msk $0xffff, v52  }
0x377: {  	v62 =	vor.u32 $0x4, v15;
	v31 =	vld [tilespmem:s8+$0xD0];
	[tilespmem:v39+s28+$0x0] =	vst.idx.msk $0xffff, v38  }
0x378: {  	v35 =	vor.u32 $0x6, v3;
	v19 =	vld [tilespmem:s8+$0x1A0];
	[tilespmem:v54+s28+$0x0] =	vst.idx.msk $0xffff, v12  }
0x379: {  	v63 =	vor.u32 $0x5, v9;
	v25 =	vld [tilespmem:s8+$0x1B0];
	[tilespmem:v56+s28+$0x0] =	vst.idx.msk $0xffff, v55  }
0x37a: {  	v27 =	vor.u32 $0x4, v17;
	[tilespmem:v60+s28+$0x0] =	vst.idx.msk $0xffff, v59;
	v5 =	vld [tilespmem:s7+$0x180]  }
0x37b: {  	v29 =	vor.u32 $0x4, v16;
	[tilespmem:v33+s28+$0x0] =	vst.idx.msk $0xffff, v32;
	v28 =	vld [tilespmem:s7+$0x190]  }
0x37c: {  	v58 =	vor.u32 $0x7, v7;
	v57 =	vld [tilespmem:s9+$0x1E0];
	[tilespmem:v62+s28+$0x0] =	vst.idx.msk $0xffff, v61  }
0x37d: {  	v26 =	vor.u32 $0x5, v11;
	v50 =	vld [tilespmem:s9+$0x1F0];
	[tilespmem:v35+s28+$0x0] =	vst.idx.msk $0xffff, v31  }
0x37e: {  	v30 =	vor.u32 $0x7, v8;
	v34 =	vld [tilespmem:s7+$0xB0];
	[tilespmem:v63+s28+$0x0] =	vst.idx.msk $0xffff, v19  }
0x37f: {  	v37 =	vor.u32 $0x5, v14;
	v36 =	vld [tilespmem:s7+$0xA0];
	[tilespmem:v27+s28+$0x0] =	vst.idx.msk $0xffff, v5  }
0x380: {  	v39 =	vor.u32 $0x5, v15;
	v21 =	vld [tilespmem:s8+$0xF0];
	[tilespmem:v29+s28+$0x0] =	vst.idx.msk $0xffff, v28  }
0x381: {  	v40 =	vor.u32 $0x5, v17;
	[tilespmem:v58+s28+$0x0] =	vst.idx.msk $0xffff, v57;
	v4 =	vld [tilespmem:s7+$0x1A0]  }
0x382: {  	v41 =	vor.u32 $0x5, v16;
	[tilespmem:v26+s28+$0x0] =	vst.idx.msk $0xffff, v25;
	v10 =	vld [tilespmem:s7+$0x1B0]  }
0x383: {  	v46 =	vor.u32 $0x7, v6;
	v45 =	vld [tilespmem:s8+$0xE0];
	[tilespmem:v30+s28+$0x0] =	vst.idx.msk $0xffff, v50  }
0x384: {  	v42 =	vor.u32 $0x6, v9;
	v38 =	vld [tilespmem:s8+$0x1C0];
	[tilespmem:v37+s28+$0x0] =	vst.idx.msk $0xffff, v36  }
0x385: {  	v44 =	vor.u32 $0x6, v11;
	v43 =	vld [tilespmem:s8+$0x1D0];
	[tilespmem:v39+s28+$0x0] =	vst.idx.msk $0xffff, v34  }
0x386: {  	v47 =	vor.u32 $0x6, v14;
	v7 =	vld [tilespmem:s7+$0xC0];
	[tilespmem:v40+s28+$0x0] =	vst.idx.msk $0xffff, v4  }
0x387: {  	v49 =	vor.u32 $0x6, v15;
	v48 =	vld [tilespmem:s7+$0xD0];
	[tilespmem:v41+s28+$0x0] =	vst.idx.msk $0xffff, v10  }
0x388: {  	v51 =	vor.u32 $0x6, v17;
	[tilespmem:v46+s28+$0x0] =	vst.idx.msk $0xffff, v45;
	v50 =	vld [tilespmem:s7+$0x1C0]  }
0x389: {  	v53 =	vor.u32 $0x6, v16;
	[tilespmem:v42+s28+$0x0] =	vst.idx.msk $0xffff, v38;
	v52 =	vld [tilespmem:s7+$0x1D0]  }
0x38a: {  	v3 =	vor.u32 $0x7, v3;
	[tilespmem:v44+s28+$0x0] =	vst.idx.msk $0xffff, v43  }
0x38b: {  	v55 =	vor.u32 $0x7, v9;
	v54 =	vld [tilespmem:s8+$0x1E0];
	[tilespmem:v47+s28+$0x0] =	vst.idx.msk $0xffff, v7  }
0x38c: {  	v57 =	vor.u32 $0x7, v11;
	v56 =	vld [tilespmem:s8+$0x1F0];
	[tilespmem:v49+s28+$0x0] =	vst.idx.msk $0xffff, v48  }
0x38d: {  	v59 =	vor.u32 $0x7, v14;
	v58 =	vld [tilespmem:s7+$0xE0];
	[tilespmem:v51+s28+$0x0] =	vst.idx.msk $0xffff, v50  }
0x38e: {  	v60 =	vor.u32 $0x7, v15;
	v10 =	vld [tilespmem:s7+$0xF0];
	[tilespmem:v53+s28+$0x0] =	vst.idx.msk $0xffff, v52  }
0x38f: {  	v61 =	vor.u32 $0x7, v17;
	[tilespmem:v3+s28+$0x0] =	vst.idx.msk $0xffff, v21;
	v3 =	vld [tilespmem:s7+$0x1E0]  }
0x390: {  	v63 =	vor.u32 $0x7, v16;
	[tilespmem:v55+s28+$0x0] =	vst.idx.msk $0xffff, v54;
	v62 =	vld [tilespmem:s7+$0x1F0]  }
0x391: {  	[tilespmem:v57+s28+$0x0] =	vst.idx.msk $0xffff, v56  }
0x392: {  	s22 =	sshll.u32 s15, $0x2;
	s23 =	sand.u32 $0x3E00, s15;
	[tilespmem:v59+s28+$0x0] =	vst.idx.msk $0xffff, v58  }
0x393: {  	s8 =	sadd.s32 s2, s23;
	[tilespmem:v60+s28+$0x0] =	vst.idx.msk $0xffff, v10;
	s7 =	sand.u32 $0xFFF0000, s22  }
0x394: {  	s10 =	simm.s32 $0x15090;
	s7 =	sadd.s32 s7, s8;
	[tilespmem:v61+s28+$0x0] =	vst.idx.msk $0xffff, v3  }
0x395: {  	s9 =	simm.s32 $0x10;
	s8 =	simm.s32 $0x15000;
	s15 =	sadd.s32 $0x0, s7;
	[tilespmem:v63+s28+$0x0] =	vst.idx.msk $0xffff, v62  }
.LBB2_38:
0x396: {  	[hbm4b:s15+s3] =	stream.linear.scatter [tilespmem:s8], [sflag:$0xA], $0x80, $0x38;
	[tilespmem:$0x19800] =	vst v63  }
0x397: {  	s15 =	smov.u32 s9;
	s8 =	smov.u32 s10;
	p1 =	sne.s32 s9, $0x1F0  }
.Ltmp20:
0x398: {  	s9 =	sadd.s32 $0x10, s9;
	(pc) =	sbr.rel @p1 .LBB2_38-.Ltmp20, $2  }
0x399: {  	_ =	sdelay $0x2  }
0x39a: {  	s10 =	sadd.s32 $0x90, s10;
	s15 =	sadd.s32 s15, s7  }
0x39b: {  	[hbm4b:s15+s3] =	stream.linear.scatter [tilespmem:s8], [sflag:$0xA], $0x80, $0x38;
	[tilespmem:$0x19800] =	vst v63  }
0x39c: {  	s8 =	sadd.s32 $0x4000, s7;
	s9 =	simm.s32 $0x16200  }
0x39d: {  	s10 =	simm.s32 $0x10;
	s15 =	simm.s32 $0x16290;
	s16 =	sadd.s32 $0x0, s8  }
.LBB2_40:
0x39e: {  	[hbm4b:s16+s3] =	stream.linear.scatter [tilespmem:s9], [sflag:$0xA], $0x80, $0x38;
	[tilespmem:$0x19800] =	vst v63  }
0x39f: {  	s16 =	smov.u32 s10;
	s9 =	smov.u32 s15;
	p1 =	sne.s32 s10, $0x1F0  }
.Ltmp21:
0x3a0: {  	s10 =	sadd.s32 $0x10, s10;
	(pc) =	sbr.rel @p1 .LBB2_40-.Ltmp21, $2  }
0x3a1: {  	_ =	sdelay $0x2  }
0x3a2: {  	s15 =	sadd.s32 $0x90, s15;
	s16 =	sadd.s32 s16, s8  }
0x3a3: {  	[hbm4b:s16+s3] =	stream.linear.scatter [tilespmem:s9], [sflag:$0xA], $0x80, $0x38;
	[tilespmem:$0x19800] =	vst v63  }
0x3a4: {  	s8 =	sadd.s32 $0x8000, s7;
	s9 =	simm.s32 $0x17400  }
0x3a5: {  	s10 =	simm.s32 $0x10;
	s15 =	simm.s32 $0x17490;
	s16 =	sadd.s32 $0x0, s8  }
.LBB2_42:
0x3a6: {  	[hbm4b:s16+s3] =	stream.linear.scatter [tilespmem:s9], [sflag:$0xA], $0x80, $0x38;
	[tilespmem:$0x19800] =	vst v63  }
0x3a7: {  	s16 =	smov.u32 s10;
	s9 =	smov.u32 s15;
	p1 =	sne.s32 s10, $0x1F0  }
.Ltmp22:
0x3a8: {  	s10 =	sadd.s32 $0x10, s10;
	(pc) =	sbr.rel @p1 .LBB2_42-.Ltmp22, $2  }
0x3a9: {  	_ =	sdelay $0x2  }
0x3aa: {  	s15 =	sadd.s32 $0x90, s15;
	s16 =	sadd.s32 s16, s8  }
0x3ab: {  	[hbm4b:s16+s3] =	stream.linear.scatter [tilespmem:s9], [sflag:$0xA], $0x80, $0x38;
	[tilespmem:$0x19800] =	vst v63  }
0x3ac: {  	s7 =	sadd.s32 $0xC000, s7;
	s8 =	simm.s32 $0x18600  }
0x3ad: {  	s9 =	simm.s32 $0x10;
	s10 =	simm.s32 $0x18690;
	s15 =	sadd.s32 $0x0, s7  }
.LBB2_44:
0x3ae: {  	[hbm4b:s15+s3] =	stream.linear.scatter [tilespmem:s8], [sflag:$0xA], $0x80, $0x38;
	[tilespmem:$0x19800] =	vst v63  }
0x3af: {  	s15 =	smov.u32 s9;
	s8 =	smov.u32 s10;
	p1 =	sne.s32 s9, $0x1F0  }
.Ltmp23:
0x3b0: {  	s9 =	sadd.s32 $0x10, s9;
	(pc) =	sbr.rel @p1 .LBB2_44-.Ltmp23, $2  }
0x3b1: {  	_ =	sdelay $0x2  }
0x3b2: {  	s10 =	sadd.s32 $0x90, s10;
	s15 =	sadd.s32 s15, s7  }
.Ltmp24:
0x3b3: {  	(pc) =	sbr.rel @p0 .LBB2_47-.Ltmp24, $2  }
0x3b4: {  	_ =	sdelay $0x2  }
0x3b5: {  	[hbm4b:s15+s3] =	stream.linear.scatter [tilespmem:s8], [sflag:$0xA], $0x80, $0x38;
	[tilespmem:$0x19800] =	vst v63  }
.Ltmp25:
0x3b6: {  	(pc) =	sbr.rel .LBB2_2-.Ltmp25, $4  }
0x3b7: {  	_ =	swait.ge [sflag:s0], $0x200  }
0x3b8: {  	s7 =	simm.s32 $0x200;
	s8 =	simm.s32 $0x600;
	[sflag:s0] =	ssyncset.done $0x0  }
0x3b9: {  	s9 =	simm.s32 $0xC800;
	s19 =	sadd.s32 $0x1, s19;
	[sflag:s0] =	ssyncadd.s32 $0xFFFFFE00  }
0x3ba: {  	[tilespmem:s9], [sflag:$0x8] =	stream.indirect.gather [hbm4b:s6+s7], $0x20, s8, s7, $0xb8;
	[tilespmem:$0x19800] =	vst v63  }
.LBB2_48:
0x3bb: {  	_ =	sfence.sel $0x180000  }
0x3bc: {  	[bflag:$0x0] =	sbarrier.arrive $0xFFFF  }
0x3bd: {  	_ =	strace $0x90000047  }
0x3be: {  	s0 =	stileid.u32;
	[bflag:$0x2] =	sbarrier.arrive $0xFFFF  }
0x3bf: {  	p0 =	sne.s32 s0, $0x0;
	s0 =	rddreg [dreg:$0x2]  }
0x3c0: {  	s0 =	sadd.s32 @!p0 $0x100000, s0  }
0x3c1: {  	[sflag:s0] =	ssyncadd.tile.s32 @!p0 $0x1;
	_ =	shalt  }
.Lfunc_end2:
_tile_overlayer_lowered:
.L_overlay_start_2:
0x3c2: {  	(tag) =	ssettag $0x2  }
0x3c3: {  	s0 =	rddreg [dreg:$0x0];
	s2 =	stileid.u32  }
0x3c4: {  	s1 =	rddreg [dreg:$0x1];
	p0 =	sne.s32 s2, $0x0  }
0x3c5: {  	s3 =	rddreg [dreg:$0x2];
	[bflag:$0x3] =	sbarrier.arrive $0xFFFF;
	s2 =	simm.s32 @!p0 $0x1C0B  }
0x3c6: {  	[timem:s3], [sflag:s2] =	dma.local @!p0 [hbm:s0], s1  }
0x3c7: {  	s0 =	simm.s32 @!p0 $0xB  }
0x3c8: {  	_ =	swait.ge @!p0 [sflag:s0], s1  }
0x3c9: {  	s1 =	ssub.s32 @!p0 $0x0, s1;
	[sflag:s0] =	ssyncset.done @!p0 $0x0  }
0x3ca: {  	[sflag:s0] =	ssyncadd.s32 @!p0 s1  }
0x3cb: {  	[bflag:$0x3] =	sbarrier.arrive $0xFFFF  }
0x3cc: {  	_ =	shalt  }

</sc_bundles>
